<compile_context>
chip_gen: v7x
topology: tpu7x:2x2x1
jax: 0.10.2.dev20260603
libtpu: 0.0.44.dev20260713+nightly
codegen_flags: <defaults>
</compile_context>

<pallas_src>
import functools

import jax
import jax.numpy as jnp
from jax import lax
from jax.experimental import pallas as pl
from jax.experimental.pallas import tpu as pltpu
from jax.experimental.pallas import tpu_sc as plsc

_N = 10000
_NP = 10240
_E = 320000
_B = 64
_ROWS = _E // 128
_NSC = 2
_NTILE = 16
_RA = 157
_RB = 79
_SSEG = _B * _NP // _NTILE
_DSEG = _NP // _NTILE
_NSELF = (_N + 127) // 128
_NBPAD = _NSELF * 128


def _sc_build(edge_flat, batch):
    mesh = plsc.VectorSubcoreMesh(core_axis_name="c", subcore_axis_name="s")

    @functools.partial(
        pl.kernel,
        mesh=mesh,
        compiler_params=pltpu.CompilerParams(needs_layout_passes=False),
        out_type=[
            jax.ShapeDtypeStruct((_NSC * _B * _NP,), jnp.float32),
            jax.ShapeDtypeStruct((_B,), jnp.float32),
        ],
        scratch_types=[
            pltpu.VMEM((_RA * 128,), jnp.int32),
            pltpu.VMEM((_RB * 128,), jnp.int32),
            pltpu.VMEM((_RB * 128,), jnp.int32),
            pltpu.VMEM((_NBPAD,), jnp.int32),
            pltpu.VMEM((_NP,), jnp.float32),
            pltpu.VMEM((_NP,), jnp.float32),
            pltpu.VMEM((4 * _DSEG,), jnp.float32),
            pltpu.VMEM((_B,), jnp.float32),
            pltpu.VMEM((_B,), jnp.int32),
        ] + [pltpu.VMEM((128,), jnp.int32) for _ in range(8)]
          + [pltpu.VMEM((128,), jnp.float32) for _ in range(8)]
          + [pltpu.SemaphoreType.DMA for _ in range(10)]
          + [
            pltpu.VMEM_SHARED((_NP,), jnp.float32),
            pltpu.VMEM_SHARED((_NTILE, _NP), jnp.float32),
            pltpu.VMEM_SHARED((_B,), jnp.float32),
            pltpu.VMEM_SHARED((_B * _NP,), jnp.float32),
        ],
    )
    def sc(edge_h, batch_h, s_out, cnt_out,
           dstA, srcB, dstB, batch_v, dis_v, histv, tmpred, cntv, idc,
           ib0, ib1, ib2, ib3, ib4, ib5, ib6, ib7,
           vb0, vb1, vb2, vb3, vb4, vb5, vb6, vb7,
           sm0, sm1, sm2, sm3, sm4, sm5, sm6, sm7, sm8, sm9,
           dis_sh, hist_sh, cnt_sh, s_sh):
        idx_bufs = (ib0, ib1, ib2, ib3, ib4, ib5, ib6, ib7)
        val_bufs = (vb0, vb1, vb2, vb3, vb4, vb5, vb6, vb7)
        sems = (sm0, sm1, sm2, sm3, sm6, sm7, sm8, sm9)
        c = lax.axis_index("c")
        s = lax.axis_index("s")
        w = s * _NSC + c

        base_a = (s * _ROWS) // _NTILE
        end_a = ((s + 1) * _ROWS) // _NTILE
        base_b = (w * _ROWS) // (_NSC * _NTILE)
        end_b = ((w + 1) * _ROWS) // (_NSC * _NTILE)

        pltpu.async_copy(
            edge_h.at[1, pl.ds(base_a * 128, _RA * 128)], dstA, sm4)
        pltpu.async_copy(batch_h, batch_v.at[pl.ds(0, _N)], sm4)
        pltpu.async_copy(
            edge_h.at[0, pl.ds(base_b * 128, _RB * 128)], srcB, sm5)
        pltpu.async_copy(
            edge_h.at[1, pl.ds(base_b * 128, _RB * 128)], dstB, sm5)

        iota16 = lax.iota(jnp.int32, 16)
        zf = jnp.zeros((16,), jnp.float32)
        zi = jnp.zeros((16,), jnp.int32)

        def _zero(i, carry):
            dis_v[pl.ds(i * 16, 16)] = zf
            histv[pl.ds(i * 16, 16)] = zf
            return carry
        lax.fori_loop(0, _NP // 16, _zero, 0)
        for t in range((_NBPAD - _N) // 16):
            batch_v[pl.ds(_N + t * 16, 16)] = zi
        for t in range(_B // 16):
            cntv[pl.ds(t * 16, 16)] = zf
            idc[pl.ds(t * 16, 16)] = iota16 + 16 * t

        for t in range(_SSEG // _NP):
            pltpu.async_copy(dis_v, s_sh.at[pl.ds(s * _SSEG + t * _NP, _NP)],
                             sems[t])

        @pl.when(s == 0)
        def _():
            pltpu.sync_copy(dis_v.at[pl.ds(0, _B)], cnt_sh)

        pltpu.make_async_copy(
            edge_h.at[1, pl.ds(base_a * 128, _RA * 128)], dstA, sm4).wait()
        pltpu.make_async_copy(batch_h, batch_v.at[pl.ds(0, _N)], sm4).wait()

        ones16 = jnp.ones((16,), jnp.float32)

        def _phase_a(i, carry):
            dd = dstA[pl.ds(i * 16, 16)]
            plsc.addupdate_scatter(histv, [dd], ones16)
            return carry
        lax.fori_loop(0, (end_a - base_a) * 8, _phase_a, 0)

        pltpu.sync_copy(histv, hist_sh.at[s])
        plsc.subcore_barrier()
        for p in range(_NTILE // 4):
            for r4 in range(4):
                r = p * 4 + r4
                pltpu.async_copy(
                    hist_sh.at[r, pl.ds(s * _DSEG, _DSEG)],
                    tmpred.at[pl.ds(r4 * _DSEG, _DSEG)], sm4)
            for r4 in range(4):
                r = p * 4 + r4
                pltpu.make_async_copy(
                    hist_sh.at[r, pl.ds(s * _DSEG, _DSEG)],
                    tmpred.at[pl.ds(r4 * _DSEG, _DSEG)], sm4).wait()

            def _reduce(i, carry, p=p):
                acc = tmpred[pl.ds(i * 16, 16)]
                for r4 in range(1, 4):
                    acc = acc + tmpred[pl.ds(r4 * _DSEG + i * 16, 16)]
                if p > 0:
                    acc = acc + histv[pl.ds(i * 16, 16)]
                histv[pl.ds(i * 16, 16)] = acc
                return carry
            lax.fori_loop(0, _DSEG // 16, _reduce, 0)

        def _mkdis(i, carry):
            d = histv[pl.ds(i * 16, 16)] + 1.0
            seed = plsc.bitcast(
                jnp.int32(0x5F3759DF) - lax.shift_right_logical(
                    plsc.bitcast(d, jnp.int32), 1),
                jnp.float32)
            hd = 0.5 * d
            y = seed
            for _ in range(3):
                y = y * (1.5 - hd * y * y)
            histv[pl.ds(i * 16, 16)] = y
            return carry
        lax.fori_loop(0, _DSEG // 16, _mkdis, 0)
        pltpu.sync_copy(histv.at[pl.ds(0, _DSEG)],
                        dis_sh.at[pl.ds(s * _DSEG, _DSEG)])

        for t in range(_SSEG // _NP):
            pltpu.make_async_copy(
                dis_v, s_sh.at[pl.ds(s * _SSEG + t * _NP, _NP)],
                sems[t]).wait()

        plsc.subcore_barrier()
        pltpu.sync_copy(dis_sh, dis_v)

        for j in range(3):
            cch = w + _NSC * _NTILE * j

            @pl.when(cch < _NSELF)
            def _(cch=cch):
                for k in range(8):
                    off = cch * 128 + k * 16
                    nn = off + iota16
                    bb = batch_v[pl.ds(off, 16)]
                    fs = dis_v[pl.ds(off, 16)]
                    idx_bufs[j][pl.ds(k * 16, 16)] = bb * _NP + nn
                    val_bufs[j][pl.ds(k * 16, 16)] = jnp.where(
                        nn < _N, fs * fs, 0.0)
                pltpu.async_copy(val_bufs[j], s_sh.at[idx_bufs[j]],
                                 sems[j], add=True)

        for j in range(3):
            cch = w + _NSC * _NTILE * j

            @pl.when(cch < _NSELF)
            def _(j=j, cch=cch):
                pltpu.make_async_copy(
                    val_bufs[j], s_sh.at[idx_bufs[j]], sems[j]).wait()

        for j in range(5):
            cch = s + _NTILE * j

            @pl.when(cch < _NSELF)
            def _(cch=cch):
                for k in range(8):
                    off = cch * 128 + k * 16
                    bb = batch_v[pl.ds(off, 16)]
                    ok = (off + iota16) < _N
                    plsc.addupdate_scatter(
                        cntv, [bb], jnp.where(ok, 1.0, 0.0))
        pltpu.sync_copy(cntv, cnt_sh.at[idc], add=True)

        pltpu.make_async_copy(
            edge_h.at[0, pl.ds(base_b * 128, _RB * 128)], srcB, sm5).wait()
        pltpu.make_async_copy(
            edge_h.at[1, pl.ds(base_b * 128, _RB * 128)], dstB, sm5).wait()

        n_b = end_b - base_b

        def _phase_b(g, carry):
            for b in range(8):
                j = g * 8 + b

                @pl.when(j < n_b)
                def _(j=j, b=b):
                    @pl.when(j >= 8)
                    def _():
                        pltpu.make_async_copy(
                            val_bufs[b], s_sh.at[idx_bufs[b]], sems[b]).wait()
                    for k in range(8):
                        o = j * 128 + k * 16
                        dd = dstB[pl.ds(o, 16)]
                        ss = srcB[pl.ds(o, 16)]
                        bb = plsc.load_gather(batch_v, [dd])
                        fd = plsc.load_gather(dis_v, [dd])
                        fs = plsc.load_gather(dis_v, [ss])
                        idx_bufs[b][pl.ds(k * 16, 16)] = bb * _NP + ss
                        val_bufs[b][pl.ds(k * 16, 16)] = fd * fs
                    pltpu.async_copy(val_bufs[b], s_sh.at[idx_bufs[b]],
                                     sems[b], add=True)
            return carry
        lax.fori_loop(0, (_RB + 7) // 8, _phase_b, 0)
        for b in range(8):
            pltpu.make_async_copy(
                val_bufs[b], s_sh.at[idx_bufs[b]], sems[b]).wait()

        plsc.subcore_barrier()

        for t in range(_SSEG // _NP):
            pltpu.async_copy(
                s_sh.at[pl.ds(s * _SSEG + t * _NP, _NP)],
                s_out.at[pl.ds(c * (_B * _NP) + s * _SSEG + t * _NP, _NP)],
                sems[t])
        for t in range(_SSEG // _NP):
            pltpu.make_async_copy(
                s_sh.at[pl.ds(s * _SSEG + t * _NP, _NP)],
                s_out.at[pl.ds(c * (_B * _NP) + s * _SSEG + t * _NP, _NP)],
                sems[t]).wait()

        @pl.when(jnp.logical_and(c == 0, s == 0))
        def _():
            pltpu.sync_copy(cnt_sh, cnt_out)

    return sc(edge_flat, batch)


_KBLK = 2048
_KSTEPS = _NP // _KBLK


def _tc_dense(s_slabs, x_p, cnt2, wc, bc, w1, b1, w2, b2, w3, b3):
    def body(s_ref, x_ref, cnt_ref, wc_ref, bc_ref, w1_ref, b1_ref,
             w2_ref, b2_ref, w3_ref, b3_ref, o_ref, acc):
        k = pl.program_id(0)

        @pl.when(k == 0)
        def _():
            acc[...] = jnp.zeros_like(acc)

        sv = s_ref[...]
        acc[...] += jnp.dot(sv[0] + sv[1], x_ref[...],
                            preferred_element_type=jnp.float32,
                            precision=lax.Precision.HIGHEST)

        @pl.when(k == _KSTEPS - 1)
        def _():
            dot = functools.partial(jnp.dot,
                                    preferred_element_type=jnp.float32,
                                    precision=lax.Precision.HIGHEST)
            pooled = dot(acc[...], wc_ref[...]) + cnt_ref[...] * bc_ref[...]
            h1 = jnp.maximum(dot(pooled, w1_ref[...]) + b1_ref[...], 0.0)
            h2 = jnp.maximum(dot(h1, w2_ref[...]) + b2_ref[...], 0.0)
            lg = dot(h2, w3_ref[...]) + b3_ref[...]
            mx = jnp.max(lg, axis=1, keepdims=True)
            ex = jnp.exp(lg - mx)
            o_ref[...] = ex / jnp.sum(ex, axis=1, keepdims=True)

    full = lambda a: pl.BlockSpec(a.shape, lambda k: (0,) * a.ndim)
    return pl.pallas_call(
        body,
        grid=(_KSTEPS,),
        in_specs=[
            pl.BlockSpec((2, _B, _KBLK), lambda k: (0, 0, k)),
            pl.BlockSpec((_KBLK, 128), lambda k: (k, 0)),
            full(cnt2),
            full(wc), full(bc), full(w1), full(b1),
            full(w2), full(b2), full(w3), full(b3),
        ],
        out_specs=pl.BlockSpec((_B, 2), lambda k: (0, 0)),
        out_shape=jax.ShapeDtypeStruct((_B, 2), jnp.float32),
        scratch_shapes=[
            pltpu.VMEM((_B, 128), jnp.float32),
        ],
    )(s_slabs, x_p, cnt2, wc, bc, w1, b1, w2, b2, w3, b3)


def kernel(x, edge_index, batch, W_conv, b_conv, W1, b1, W2, b2, W3, b3):
    edge_i = jnp.asarray(edge_index, jnp.int32)
    batch_i = jnp.asarray(batch, jnp.int32)
    s_flat, cnt = _sc_build(edge_i, batch_i)
    s_slabs = s_flat.reshape(_NSC, _B, _NP)
    x_p = jnp.pad(x, ((0, _NP - _N), (0, 0)))
    return _tc_dense(s_slabs, x_p, cnt.reshape(_B, 1),
                     W_conv, b_conv.reshape(1, -1), W1, b1.reshape(1, -1),
                     W2, b2.reshape(1, -1), W3, b3.reshape(1, -1))

# --- scband reference (transcript-rebuilt; emitter-appended) ---
"""Pipeline reference for scband-deep-wukong-22857815949595 (READ-ONLY COPY).

The authoritative reference and input builder live on the scoring server;
editing this copy changes nothing except your own understanding.
"""

import jax, jax.numpy as jnp
import numpy as np

N = 10000
E = 320000
B = 64
IN_DIM = 128
OUT_DIM = 200
HID = 2 * OUT_DIM


def setup_inputs(seed: int = 0) -> dict:
    key = jax.random.key(seed)
    ks = jax.random.split(key, 12)
    x = jax.random.normal(ks[0], (N, IN_DIM), dtype=jnp.float32)
    edge_index = jax.random.randint(ks[1], (2, E), 0, N)
    batch = jnp.sort(jax.random.randint(ks[2], (N,), 0, B))
    # GCNConv weights
    W_conv = jax.random.normal(ks[3], (IN_DIM, OUT_DIM), dtype=jnp.float32) * (1.0 / np.sqrt(IN_DIM))
    b_conv = jnp.zeros((OUT_DIM,), dtype=jnp.float32)
    # hidden MLP layers
    W1 = jax.random.normal(ks[4], (OUT_DIM, HID), dtype=jnp.float32) * (1.0 / np.sqrt(OUT_DIM))
    b1 = jnp.zeros((HID,), dtype=jnp.float32)
    W2 = jax.random.normal(ks[5], (HID, HID), dtype=jnp.float32) * (1.0 / np.sqrt(HID))
    b2 = jnp.zeros((HID,), dtype=jnp.float32)
    # classifier
    W3 = jax.random.normal(ks[6], (HID, 2), dtype=jnp.float32) * (1.0 / np.sqrt(HID))
    b3 = jnp.zeros((2,), dtype=jnp.float32)
    return {"x": x, "edge_index": edge_index, "batch": batch,
            "W_conv": W_conv, "b_conv": b_conv,
            "W1": W1, "b1": b1, "W2": W2, "b2": b2,
            "W3": W3, "b3": b3}


def reference(x, edge_index, batch, W_conv, b_conv, W1, b1, W2, b2, W3, b3):
    # --- GCNConv (PyG default: add self-loops + symmetric normalization) ---
    loop = jnp.arange(N, dtype=edge_index.dtype)
    src = jnp.concatenate([edge_index[0], loop])
    dst = jnp.concatenate([edge_index[1], loop])
    ones = jnp.ones_like(src, dtype=jnp.float32)
    deg = jax.ops.segment_sum(ones, dst, num_segments=N)
    deg_inv_sqrt = jnp.where(deg > 0, jax.lax.rsqrt(jnp.maximum(deg, 1e-12)), 0.0)
    norm = deg_inv_sqrt[src] * deg_inv_sqrt[dst]
    h = x @ W_conv
    msg = h[src] * norm[:, None]
    conv_out = jax.ops.segment_sum(msg, dst, num_segments=N) + b_conv
    # --- GlobalAddPool ---
    pooled = jax.ops.segment_sum(conv_out, batch, num_segments=B)
    # --- hidden layers (Dropout is identity in eval) ---
    h1 = jax.nn.relu(pooled @ W1 + b1)
    h2 = jax.nn.relu(h1 @ W2 + b2)
    # --- classifier + softmax ---
    logits = h2 @ W3 + b3
    return jax.nn.softmax(logits, axis=1)

if __name__ == "__main__":
    import jax
    _d = setup_inputs()
    print(jax.jit(kernel)(*tuple(_d.values())))

</pallas_src>

<mosaic_0001>
#map = affine_map<(d0, d1) -> (0, 0)>
#map1 = affine_map<(d0, d1) -> (0)>
module attributes {stable_mosaic.version = 14 : i64} {
  func.func @sc(%arg0: i32, %arg1: i32, %arg2: memref<2x320000xi32, #tpu.memory_space<hbm>>, %arg3: memref<10000xi32, #tpu.memory_space<hbm>>, %arg4: memref<1310720xf32, #tpu.memory_space<hbm>>, %arg5: memref<64xf32, #tpu.memory_space<hbm>>, %arg6: memref<20096xi32, #tpu.memory_space<vmem>>, %arg7: memref<10112xi32, #tpu.memory_space<vmem>>, %arg8: memref<10112xi32, #tpu.memory_space<vmem>>, %arg9: memref<10112xi32, #tpu.memory_space<vmem>>, %arg10: memref<10240xf32, #tpu.memory_space<vmem>>, %arg11: memref<10240xf32, #tpu.memory_space<vmem>>, %arg12: memref<2560xf32, #tpu.memory_space<vmem>>, %arg13: memref<64xf32, #tpu.memory_space<vmem>>, %arg14: memref<64xi32, #tpu.memory_space<vmem>>, %arg15: memref<128xi32, #tpu.memory_space<vmem>>, %arg16: memref<128xi32, #tpu.memory_space<vmem>>, %arg17: memref<128xi32, #tpu.memory_space<vmem>>, %arg18: memref<128xi32, #tpu.memory_space<vmem>>, %arg19: memref<128xi32, #tpu.memory_space<vmem>>, %arg20: memref<128xi32, #tpu.memory_space<vmem>>, %arg21: memref<128xi32, #tpu.memory_space<vmem>>, %arg22: memref<128xi32, #tpu.memory_space<vmem>>, %arg23: memref<128xf32, #tpu.memory_space<vmem>>, %arg24: memref<128xf32, #tpu.memory_space<vmem>>, %arg25: memref<128xf32, #tpu.memory_space<vmem>>, %arg26: memref<128xf32, #tpu.memory_space<vmem>>, %arg27: memref<128xf32, #tpu.memory_space<vmem>>, %arg28: memref<128xf32, #tpu.memory_space<vmem>>, %arg29: memref<128xf32, #tpu.memory_space<vmem>>, %arg30: memref<128xf32, #tpu.memory_space<vmem>>, %arg31: memref<!tpu.dma_semaphore, #tpu.memory_space<semaphore_mem>>, %arg32: memref<!tpu.dma_semaphore, #tpu.memory_space<semaphore_mem>>, %arg33: memref<!tpu.dma_semaphore, #tpu.memory_space<semaphore_mem>>, %arg34: memref<!tpu.dma_semaphore, #tpu.memory_space<semaphore_mem>>, %arg35: memref<!tpu.dma_semaphore, #tpu.memory_space<semaphore_mem>>, %arg36: memref<!tpu.dma_semaphore, #tpu.memory_space<semaphore_mem>>, %arg37: memref<!tpu.dma_semaphore, #tpu.memory_space<semaphore_mem>>, %arg38: memref<!tpu.dma_semaphore, #tpu.memory_space<semaphore_mem>>, %arg39: memref<!tpu.dma_semaphore, #tpu.memory_space<semaphore_mem>>, %arg40: memref<!tpu.dma_semaphore, #tpu.memory_space<semaphore_mem>>, %arg41: memref<10240xf32, #tpu.memory_space<vmem_shared>>, %arg42: memref<16x10240xf32, #tpu.memory_space<vmem_shared>>, %arg43: memref<64xf32, #tpu.memory_space<vmem_shared>>, %arg44: memref<655360xf32, #tpu.memory_space<vmem_shared>>) attributes {dimension_semantics = [#tpu.dimension_semantics<core_parallel>, #tpu.dimension_semantics<subcore_parallel>], iteration_bounds = array<i64: 2, 16>, scalar_prefetch = 0 : i64, scratch_operands = 39 : i64, tpu.core_type = #tpu.core_type<sc_vector_subcore>, window_params = [{transform_indices = #map}, {transform_indices = #map1}, {transform_indices = #map1}, {transform_indices = #map1}]} {
    %mul3A = arith.constant 2 : i32
    %mul3A_0 = arith.muli %arg1, %mul3A : i32
    %add3A = arith.addi %mul3A_0, %arg0 : i32
    %mul3A_1 = arith.constant 2500 : i32
    %mul3A_2 = arith.muli %arg1, %mul3A_1 : i32
    %jit3A = arith.constant 16 : i32
    %div3A = arith.divsi %mul3A_2, %jit3A : i32
    %sign3A = arith.constant 0 : i32
    %sign3A_3 = arith.cmpi sgt, %mul3A_2, %sign3A : i32
    %sign3A_4 = arith.extui %sign3A_3 : i1 to i32
    %sign3A_5 = arith.constant 0 : i32
    %sign3A_6 = arith.cmpi slt, %mul3A_2, %sign3A_5 : i32
    %sign3A_7 = arith.extui %sign3A_6 : i1 to i32
    %sign3A_8 = arith.subi %sign3A_4, %sign3A_7 : i32
    %sign3A_9 = arith.constant 0 : i32
    %sign3A_10 = arith.cmpi sgt, %jit3A, %sign3A_9 : i32
    %sign3A_11 = arith.extui %sign3A_10 : i1 to i32
    %sign3A_12 = arith.constant 0 : i32
    %sign3A_13 = arith.cmpi slt, %jit3A, %sign3A_12 : i32
    %sign3A_14 = arith.extui %sign3A_13 : i1 to i32
    %sign3A_15 = arith.subi %sign3A_11, %sign3A_14 : i32
    %ne3A = arith.cmpi ne, %sign3A_8, %sign3A_15 : i32
    %rem3A = arith.remsi %mul3A_2, %jit3A : i32
    %ne3A_16 = arith.constant 0 : i32
    %ne3A_17 = arith.cmpi ne, %rem3A, %ne3A_16 : i32
    %and3A = arith.andi %ne3A, %ne3A_17 : i1
    %sub3A = arith.constant 1 : i32
    %sub3A_18 = arith.subi %div3A, %sub3A : i32
    %select_n3A = arith.select %and3A, %sub3A_18, %div3A : i32
    %add3A_19 = arith.constant 1 : i32
    %add3A_20 = arith.addi %arg1, %add3A_19 : i32
    %mul3A_21 = arith.constant 2500 : i32
    %mul3A_22 = arith.muli %add3A_20, %mul3A_21 : i32
    %jit3A_23 = arith.constant 16 : i32
    %div3A_24 = arith.divsi %mul3A_22, %jit3A_23 : i32
    %sign3A_25 = arith.constant 0 : i32
    %sign3A_26 = arith.cmpi sgt, %mul3A_22, %sign3A_25 : i32
    %sign3A_27 = arith.extui %sign3A_26 : i1 to i32
    %sign3A_28 = arith.constant 0 : i32
    %sign3A_29 = arith.cmpi slt, %mul3A_22, %sign3A_28 : i32
    %sign3A_30 = arith.extui %sign3A_29 : i1 to i32
    %sign3A_31 = arith.subi %sign3A_27, %sign3A_30 : i32
    %sign3A_32 = arith.constant 0 : i32
    %sign3A_33 = arith.cmpi sgt, %jit3A_23, %sign3A_32 : i32
    %sign3A_34 = arith.extui %sign3A_33 : i1 to i32
    %sign3A_35 = arith.constant 0 : i32
    %sign3A_36 = arith.cmpi slt, %jit3A_23, %sign3A_35 : i32
    %sign3A_37 = arith.extui %sign3A_36 : i1 to i32
    %sign3A_38 = arith.subi %sign3A_34, %sign3A_37 : i32
    %ne3A_39 = arith.cmpi ne, %sign3A_31, %sign3A_38 : i32
    %rem3A_40 = arith.remsi %mul3A_22, %jit3A_23 : i32
    %ne3A_41 = arith.constant 0 : i32
    %ne3A_42 = arith.cmpi ne, %rem3A_40, %ne3A_41 : i32
    %and3A_43 = arith.andi %ne3A_39, %ne3A_42 : i1
    %sub3A_44 = arith.constant 1 : i32
    %sub3A_45 = arith.subi %div3A_24, %sub3A_44 : i32
    %select_n3A_46 = arith.select %and3A_43, %sub3A_45, %div3A_24 : i32
    %mul3A_47 = arith.constant 2500 : i32
    %mul3A_48 = arith.muli %add3A, %mul3A_47 : i32
    %jit3A_49 = arith.constant 32 : i32
    %div3A_50 = arith.divsi %mul3A_48, %jit3A_49 : i32
    %sign3A_51 = arith.constant 0 : i32
    %sign3A_52 = arith.cmpi sgt, %mul3A_48, %sign3A_51 : i32
    %sign3A_53 = arith.extui %sign3A_52 : i1 to i32
    %sign3A_54 = arith.constant 0 : i32
    %sign3A_55 = arith.cmpi slt, %mul3A_48, %sign3A_54 : i32
    %sign3A_56 = arith.extui %sign3A_55 : i1 to i32
    %sign3A_57 = arith.subi %sign3A_53, %sign3A_56 : i32
    %sign3A_58 = arith.constant 0 : i32
    %sign3A_59 = arith.cmpi sgt, %jit3A_49, %sign3A_58 : i32
    %sign3A_60 = arith.extui %sign3A_59 : i1 to i32
    %sign3A_61 = arith.constant 0 : i32
    %sign3A_62 = arith.cmpi slt, %jit3A_49, %sign3A_61 : i32
    %sign3A_63 = arith.extui %sign3A_62 : i1 to i32
    %sign3A_64 = arith.subi %sign3A_60, %sign3A_63 : i32
    %ne3A_65 = arith.cmpi ne, %sign3A_57, %sign3A_64 : i32
    %rem3A_66 = arith.remsi %mul3A_48, %jit3A_49 : i32
    %ne3A_67 = arith.constant 0 : i32
    %ne3A_68 = arith.cmpi ne, %rem3A_66, %ne3A_67 : i32
    %and3A_69 = arith.andi %ne3A_65, %ne3A_68 : i1
    %sub3A_70 = arith.constant 1 : i32
    %sub3A_71 = arith.subi %div3A_50, %sub3A_70 : i32
    %select_n3A_72 = arith.select %and3A_69, %sub3A_71, %div3A_50 : i32
    %add3A_73 = arith.constant 1 : i32
    %add3A_74 = arith.addi %add3A, %add3A_73 : i32
    %mul3A_75 = arith.constant 2500 : i32
    %mul3A_76 = arith.muli %add3A_74, %mul3A_75 : i32
    %jit3A_77 = arith.constant 32 : i32
    %div3A_78 = arith.divsi %mul3A_76, %jit3A_77 : i32
    %sign3A_79 = arith.constant 0 : i32
    %sign3A_80 = arith.cmpi sgt, %mul3A_76, %sign3A_79 : i32
    %sign3A_81 = arith.extui %sign3A_80 : i1 to i32
    %sign3A_82 = arith.constant 0 : i32
    %sign3A_83 = arith.cmpi slt, %mul3A_76, %sign3A_82 : i32
    %sign3A_84 = arith.extui %sign3A_83 : i1 to i32
    %sign3A_85 = arith.subi %sign3A_81, %sign3A_84 : i32
    %sign3A_86 = arith.constant 0 : i32
    %sign3A_87 = arith.cmpi sgt, %jit3A_77, %sign3A_86 : i32
    %sign3A_88 = arith.extui %sign3A_87 : i1 to i32
    %sign3A_89 = arith.constant 0 : i32
    %sign3A_90 = arith.cmpi slt, %jit3A_77, %sign3A_89 : i32
    %sign3A_91 = arith.extui %sign3A_90 : i1 to i32
    %sign3A_92 = arith.subi %sign3A_88, %sign3A_91 : i32
    %ne3A_93 = arith.cmpi ne, %sign3A_85, %sign3A_92 : i32
    %rem3A_94 = arith.remsi %mul3A_76, %jit3A_77 : i32
    %ne3A_95 = arith.constant 0 : i32
    %ne3A_96 = arith.cmpi ne, %rem3A_94, %ne3A_95 : i32
    %and3A_97 = arith.andi %ne3A_93, %ne3A_96 : i1
    %sub3A_98 = arith.constant 1 : i32
    %sub3A_99 = arith.subi %div3A_78, %sub3A_98 : i32
    %select_n3A_100 = arith.select %and3A_97, %sub3A_99, %div3A_78 : i32
    %mul3A_101 = arith.constant 128 : i32
    %mul3A_102 = arith.muli %select_n3A, %mul3A_101 : i32
    %dma_start3A = arith.constant 1 : i32
    %dma_start3A_103 = tpu.memref_slice %arg2[%dma_start3A, %mul3A_102] : memref<2x320000xi32, #tpu.memory_space<hbm>> -> memref<1x20096xi32, #tpu.memory_space<hbm>>
    %dma_start3A_104 = tpu.memref_squeeze %dma_start3A_103 : memref<1x20096xi32, #tpu.memory_space<hbm>> -> memref<20096xi32, #tpu.memory_space<hbm>>
    %dma_start3A_105 = tpu.memref_slice %arg2[%dma_start3A, %mul3A_102] : memref<2x320000xi32, #tpu.memory_space<hbm>> -> memref<1x20096xi32, #tpu.memory_space<hbm>>
    %dma_start3A_106 = tpu.memref_squeeze %dma_start3A_105 : memref<1x20096xi32, #tpu.memory_space<hbm>> -> memref<20096xi32, #tpu.memory_space<hbm>>
    tpu.enqueue_dma source(%dma_start3A_106 : memref<20096xi32, #tpu.memory_space<hbm>>) target(%arg6 : memref<20096xi32, #tpu.memory_space<vmem>>) target_semaphore(%arg35 : memref<!tpu.dma_semaphore, #tpu.memory_space<semaphore_mem>>)
    %dma_start3A_107 = arith.constant 0 : i32
    %dma_start3A_108 = tpu.memref_slice %arg9[%dma_start3A_107] : memref<10112xi32, #tpu.memory_space<vmem>> -> memref<10000xi32, #tpu.memory_space<vmem>>
    %dma_start3A_109 = arith.constant 0 : i32
    %dma_start3A_110 = tpu.memref_slice %arg9[%dma_start3A_109] : memref<10112xi32, #tpu.memory_space<vmem>> -> memref<10000xi32, #tpu.memory_space<vmem>>
    tpu.enqueue_dma source(%arg3 : memref<10000xi32, #tpu.memory_space<hbm>>) target(%dma_start3A_110 : memref<10000xi32, #tpu.memory_space<vmem>>) target_semaphore(%arg35 : memref<!tpu.dma_semaphore, #tpu.memory_space<semaphore_mem>>)
    %mul3A_111 = arith.constant 128 : i32
    %mul3A_112 = arith.muli %select_n3A_72, %mul3A_111 : i32
    %dma_start3A_113 = arith.constant 0 : i32
    %dma_start3A_114 = tpu.memref_slice %arg2[%dma_start3A_113, %mul3A_112] : memref<2x320000xi32, #tpu.memory_space<hbm>> -> memref<1x10112xi32, #tpu.memory_space<hbm>>
    %dma_start3A_115 = tpu.memref_squeeze %dma_start3A_114 : memref<1x10112xi32, #tpu.memory_space<hbm>> -> memref<10112xi32, #tpu.memory_space<hbm>>
    %dma_start3A_116 = tpu.memref_slice %arg2[%dma_start3A_113, %mul3A_112] : memref<2x320000xi32, #tpu.memory_space<hbm>> -> memref<1x10112xi32, #tpu.memory_space<hbm>>
    %dma_start3A_117 = tpu.memref_squeeze %dma_start3A_116 : memref<1x10112xi32, #tpu.memory_space<hbm>> -> memref<10112xi32, #tpu.memory_space<hbm>>
    tpu.enqueue_dma source(%dma_start3A_117 : memref<10112xi32, #tpu.memory_space<hbm>>) target(%arg7 : memref<10112xi32, #tpu.memory_space<vmem>>) target_semaphore(%arg36 : memref<!tpu.dma_semaphore, #tpu.memory_space<semaphore_mem>>)
    %mul3A_118 = arith.constant 128 : i32
    %mul3A_119 = arith.muli %select_n3A_72, %mul3A_118 : i32
    %dma_start3A_120 = arith.constant 1 : i32
    %dma_start3A_121 = tpu.memref_slice %arg2[%dma_start3A_120, %mul3A_119] : memref<2x320000xi32, #tpu.memory_space<hbm>> -> memref<1x10112xi32, #tpu.memory_space<hbm>>
    %dma_start3A_122 = tpu.memref_squeeze %dma_start3A_121 : memref<1x10112xi32, #tpu.memory_space<hbm>> -> memref<10112xi32, #tpu.memory_space<hbm>>
    %dma_start3A_123 = tpu.memref_slice %arg2[%dma_start3A_120, %mul3A_119] : memref<2x320000xi32, #tpu.memory_space<hbm>> -> memref<1x10112xi32, #tpu.memory_space<hbm>>
    %dma_start3A_124 = tpu.memref_squeeze %dma_start3A_123 : memref<1x10112xi32, #tpu.memory_space<hbm>> -> memref<10112xi32, #tpu.memory_space<hbm>>
    tpu.enqueue_dma source(%dma_start3A_124 : memref<10112xi32, #tpu.memory_space<hbm>>) target(%arg8 : memref<10112xi32, #tpu.memory_space<vmem>>) target_semaphore(%arg36 : memref<!tpu.dma_semaphore, #tpu.memory_space<semaphore_mem>>)
    %iota3A = tpu.iota {dimensions = array<i32: 0>} : vector<16xi32>
    %broadcast_in_dim3A = arith.constant 0.000000e+00 : f32
    %broadcast_in_dim3A_125 = vector.broadcast %broadcast_in_dim3A : f32 to vector<16xf32>
    %broadcast_in_dim3A_126 = arith.constant 0 : i32
    %broadcast_in_dim3A_127 = vector.broadcast %broadcast_in_dim3A_126 : i32 to vector<16xi32>
    %scan3A = arith.constant 0 : i32
    %scan3A_128 = arith.constant 0 : i32
    %scan3A_129 = arith.constant 640 : i32
    %scan3A_130 = arith.addi %scan3A_128, %scan3A_129 : i32
    %scan3A_131 = arith.constant 1 : i32
    scf.for %scan3A_859 = %scan3A_128 to %scan3A_130 step %scan3A_131  : i32 {
      %mul3A_860 = arith.constant 16 : i32
      %mul3A_861 = arith.muli %scan3A_859, %mul3A_860 : i32
      %swap3A_862 = arith.index_cast %mul3A_861 : i32 to index
      %swap3A_863 = tpu.vector_load %arg10[%swap3A_862] {strides = array<i32>} : memref<10240xf32, #tpu.memory_space<vmem>>, vector<16xf32>,
      tpu.vector_store %arg10[%swap3A_862], %broadcast_in_dim3A_125 {strides = array<i32>} : memref<10240xf32, #tpu.memory_space<vmem>>, vector<16xf32>,
      %mul3A_864 = arith.constant 16 : i32
      %mul3A_865 = arith.muli %scan3A_859, %mul3A_864 : i32
      %swap3A_866 = arith.index_cast %mul3A_865 : i32 to index
      %swap3A_867 = tpu.vector_load %arg11[%swap3A_866] {strides = array<i32>} : memref<10240xf32, #tpu.memory_space<vmem>>, vector<16xf32>,
      tpu.vector_store %arg11[%swap3A_866], %broadcast_in_dim3A_125 {strides = array<i32>} : memref<10240xf32, #tpu.memory_space<vmem>>, vector<16xf32>,
    }
    %scan3A_132 = arith.constant 640 : i32
    %swap3A = arith.constant 10000 : index
    %swap3A_133 = tpu.vector_load %arg9[%swap3A] {strides = array<i32>} : memref<10112xi32, #tpu.memory_space<vmem>>, vector<16xi32>,
    tpu.vector_store %arg9[%swap3A], %broadcast_in_dim3A_127 {strides = array<i32>} : memref<10112xi32, #tpu.memory_space<vmem>>, vector<16xi32>,
    %swap3A_134 = arith.constant 10016 : index
    %swap3A_135 = tpu.vector_load %arg9[%swap3A_134] {strides = array<i32>} : memref<10112xi32, #tpu.memory_space<vmem>>, vector<16xi32>,
    tpu.vector_store %arg9[%swap3A_134], %broadcast_in_dim3A_127 {strides = array<i32>} : memref<10112xi32, #tpu.memory_space<vmem>>, vector<16xi32>,
    %swap3A_136 = arith.constant 10032 : index
    %swap3A_137 = tpu.vector_load %arg9[%swap3A_136] {strides = array<i32>} : memref<10112xi32, #tpu.memory_space<vmem>>, vector<16xi32>,
    tpu.vector_store %arg9[%swap3A_136], %broadcast_in_dim3A_127 {strides = array<i32>} : memref<10112xi32, #tpu.memory_space<vmem>>, vector<16xi32>,
    %swap3A_138 = arith.constant 10048 : index
    %swap3A_139 = tpu.vector_load %arg9[%swap3A_138] {strides = array<i32>} : memref<10112xi32, #tpu.memory_space<vmem>>, vector<16xi32>,
    tpu.vector_store %arg9[%swap3A_138], %broadcast_in_dim3A_127 {strides = array<i32>} : memref<10112xi32, #tpu.memory_space<vmem>>, vector<16xi32>,
    %swap3A_140 = arith.constant 10064 : index
    %swap3A_141 = tpu.vector_load %arg9[%swap3A_140] {strides = array<i32>} : memref<10112xi32, #tpu.memory_space<vmem>>, vector<16xi32>,
    tpu.vector_store %arg9[%swap3A_140], %broadcast_in_dim3A_127 {strides = array<i32>} : memref<10112xi32, #tpu.memory_space<vmem>>, vector<16xi32>,
    %swap3A_142 = arith.constant 10080 : index
    %swap3A_143 = tpu.vector_load %arg9[%swap3A_142] {strides = array<i32>} : memref<10112xi32, #tpu.memory_space<vmem>>, vector<16xi32>,
    tpu.vector_store %arg9[%swap3A_142], %broadcast_in_dim3A_127 {strides = array<i32>} : memref<10112xi32, #tpu.memory_space<vmem>>, vector<16xi32>,
    %swap3A_144 = arith.constant 10096 : index
    %swap3A_145 = tpu.vector_load %arg9[%swap3A_144] {strides = array<i32>} : memref<10112xi32, #tpu.memory_space<vmem>>, vector<16xi32>,
    tpu.vector_store %arg9[%swap3A_144], %broadcast_in_dim3A_127 {strides = array<i32>} : memref<10112xi32, #tpu.memory_space<vmem>>, vector<16xi32>,
    %swap3A_146 = arith.constant 0 : index
    %swap3A_147 = tpu.vector_load %arg13[%swap3A_146] {strides = array<i32>} : memref<64xf32, #tpu.memory_space<vmem>>, vector<16xf32>,
    tpu.vector_store %arg13[%swap3A_146], %broadcast_in_dim3A_125 {strides = array<i32>} : memref<64xf32, #tpu.memory_space<vmem>>, vector<16xf32>,
    %add3A_148 = arith.constant 0 : i32
    %add3A_149 = vector.broadcast %add3A_148 : i32 to vector<16xi32>
    %add3A_150 = arith.addi %iota3A, %add3A_149 : vector<16xi32>
    %swap3A_151 = arith.constant 0 : index
    %swap3A_152 = tpu.vector_load %arg14[%swap3A_151] {strides = array<i32>} : memref<64xi32, #tpu.memory_space<vmem>>, vector<16xi32>,
    tpu.vector_store %arg14[%swap3A_151], %add3A_150 {strides = array<i32>} : memref<64xi32, #tpu.memory_space<vmem>>, vector<16xi32>,
    %swap3A_153 = arith.constant 16 : index
    %swap3A_154 = tpu.vector_load %arg13[%swap3A_153] {strides = array<i32>} : memref<64xf32, #tpu.memory_space<vmem>>, vector<16xf32>,
    tpu.vector_store %arg13[%swap3A_153], %broadcast_in_dim3A_125 {strides = array<i32>} : memref<64xf32, #tpu.memory_space<vmem>>, vector<16xf32>,
    %add3A_155 = arith.constant 16 : i32
    %add3A_156 = vector.broadcast %add3A_155 : i32 to vector<16xi32>
    %add3A_157 = arith.addi %iota3A, %add3A_156 : vector<16xi32>
    %swap3A_158 = arith.constant 16 : index
    %swap3A_159 = tpu.vector_load %arg14[%swap3A_158] {strides = array<i32>} : memref<64xi32, #tpu.memory_space<vmem>>, vector<16xi32>,
    tpu.vector_store %arg14[%swap3A_158], %add3A_157 {strides = array<i32>} : memref<64xi32, #tpu.memory_space<vmem>>, vector<16xi32>,
    %swap3A_160 = arith.constant 32 : index
    %swap3A_161 = tpu.vector_load %arg13[%swap3A_160] {strides = array<i32>} : memref<64xf32, #tpu.memory_space<vmem>>, vector<16xf32>,
    tpu.vector_store %arg13[%swap3A_160], %broadcast_in_dim3A_125 {strides = array<i32>} : memref<64xf32, #tpu.memory_space<vmem>>, vector<16xf32>,
    %add3A_162 = arith.constant 32 : i32
    %add3A_163 = vector.broadcast %add3A_162 : i32 to vector<16xi32>
    %add3A_164 = arith.addi %iota3A, %add3A_163 : vector<16xi32>
    %swap3A_165 = arith.constant 32 : index
    %swap3A_166 = tpu.vector_load %arg14[%swap3A_165] {strides = array<i32>} : memref<64xi32, #tpu.memory_space<vmem>>, vector<16xi32>,
    tpu.vector_store %arg14[%swap3A_165], %add3A_164 {strides = array<i32>} : memref<64xi32, #tpu.memory_space<vmem>>, vector<16xi32>,
    %swap3A_167 = arith.constant 48 : index
    %swap3A_168 = tpu.vector_load %arg13[%swap3A_167] {strides = array<i32>} : memref<64xf32, #tpu.memory_space<vmem>>, vector<16xf32>,
    tpu.vector_store %arg13[%swap3A_167], %broadcast_in_dim3A_125 {strides = array<i32>} : memref<64xf32, #tpu.memory_space<vmem>>, vector<16xf32>,
    %add3A_169 = arith.constant 48 : i32
    %add3A_170 = vector.broadcast %add3A_169 : i32 to vector<16xi32>
    %add3A_171 = arith.addi %iota3A, %add3A_170 : vector<16xi32>
    %swap3A_172 = arith.constant 48 : index
    %swap3A_173 = tpu.vector_load %arg14[%swap3A_172] {strides = array<i32>} : memref<64xi32, #tpu.memory_space<vmem>>, vector<16xi32>,
    tpu.vector_store %arg14[%swap3A_172], %add3A_171 {strides = array<i32>} : memref<64xi32, #tpu.memory_space<vmem>>, vector<16xi32>,
    %mul3A_174 = arith.constant 40960 : i32
    %mul3A_175 = arith.muli %arg1, %mul3A_174 : i32
    %add3A_176 = arith.constant 0 : i32
    %add3A_177 = arith.addi %mul3A_175, %add3A_176 : i32
    %dma_start3A_178 = tpu.memref_slice %arg44[%add3A_177] : memref<655360xf32, #tpu.memory_space<vmem_shared>> -> memref<10240xf32, #tpu.memory_space<vmem_shared>>
    %dma_start3A_179 = tpu.memref_slice %arg44[%add3A_177] : memref<655360xf32, #tpu.memory_space<vmem_shared>> -> memref<10240xf32, #tpu.memory_space<vmem_shared>>
    tpu.enqueue_dma source(%arg10 : memref<10240xf32, #tpu.memory_space<vmem>>) target(%dma_start3A_179 : memref<10240xf32, #tpu.memory_space<vmem_shared>>) target_semaphore(%arg31 : memref<!tpu.dma_semaphore, #tpu.memory_space<semaphore_mem>>)
    %mul3A_180 = arith.constant 40960 : i32
    %mul3A_181 = arith.muli %arg1, %mul3A_180 : i32
    %add3A_182 = arith.constant 10240 : i32
    %add3A_183 = arith.addi %mul3A_181, %add3A_182 : i32
    %dma_start3A_184 = tpu.memref_slice %arg44[%add3A_183] : memref<655360xf32, #tpu.memory_space<vmem_shared>> -> memref<10240xf32, #tpu.memory_space<vmem_shared>>
    %dma_start3A_185 = tpu.memref_slice %arg44[%add3A_183] : memref<655360xf32, #tpu.memory_space<vmem_shared>> -> memref<10240xf32, #tpu.memory_space<vmem_shared>>
    tpu.enqueue_dma source(%arg10 : memref<10240xf32, #tpu.memory_space<vmem>>) target(%dma_start3A_185 : memref<10240xf32, #tpu.memory_space<vmem_shared>>) target_semaphore(%arg32 : memref<!tpu.dma_semaphore, #tpu.memory_space<semaphore_mem>>)
    %mul3A_186 = arith.constant 40960 : i32
    %mul3A_187 = arith.muli %arg1, %mul3A_186 : i32
    %add3A_188 = arith.constant 20480 : i32
    %add3A_189 = arith.addi %mul3A_187, %add3A_188 : i32
    %dma_start3A_190 = tpu.memref_slice %arg44[%add3A_189] : memref<655360xf32, #tpu.memory_space<vmem_shared>> -> memref<10240xf32, #tpu.memory_space<vmem_shared>>
    %dma_start3A_191 = tpu.memref_slice %arg44[%add3A_189] : memref<655360xf32, #tpu.memory_space<vmem_shared>> -> memref<10240xf32, #tpu.memory_space<vmem_shared>>
    tpu.enqueue_dma source(%arg10 : memref<10240xf32, #tpu.memory_space<vmem>>) target(%dma_start3A_191 : memref<10240xf32, #tpu.memory_space<vmem_shared>>) target_semaphore(%arg33 : memref<!tpu.dma_semaphore, #tpu.memory_space<semaphore_mem>>)
    %mul3A_192 = arith.constant 40960 : i32
    %mul3A_193 = arith.muli %arg1, %mul3A_192 : i32
    %add3A_194 = arith.constant 30720 : i32
    %add3A_195 = arith.addi %mul3A_193, %add3A_194 : i32
    %dma_start3A_196 = tpu.memref_slice %arg44[%add3A_195] : memref<655360xf32, #tpu.memory_space<vmem_shared>> -> memref<10240xf32, #tpu.memory_space<vmem_shared>>
    %dma_start3A_197 = tpu.memref_slice %arg44[%add3A_195] : memref<655360xf32, #tpu.memory_space<vmem_shared>> -> memref<10240xf32, #tpu.memory_space<vmem_shared>>
    tpu.enqueue_dma source(%arg10 : memref<10240xf32, #tpu.memory_space<vmem>>) target(%dma_start3A_197 : memref<10240xf32, #tpu.memory_space<vmem_shared>>) target_semaphore(%arg34 : memref<!tpu.dma_semaphore, #tpu.memory_space<semaphore_mem>>)
    %eq3A = arith.constant 0 : i32
    %eq3A_198 = arith.cmpi eq, %arg1, %eq3A : i32
    %convert_element_type3A = arith.extui %eq3A_198 : i1 to i32
    %cond3A = arith.constant 0 : i32
    %cond3A_199 = arith.cmpi ne, %convert_element_type3A, %cond3A : i32
    scf.if %cond3A_199 {
      "tpu.region"() ({
        %run_scoped3A = tpu.sem_alloc : memref<!tpu.dma_semaphore, #tpu.memory_space<semaphore_mem>>
        %dma_start3A_859 = arith.constant 0 : i32
        %dma_start3A_860 = tpu.memref_slice %arg10[%dma_start3A_859] : memref<10240xf32, #tpu.memory_space<vmem>> -> memref<64xf32, #tpu.memory_space<vmem>>
        %dma_start3A_861 = arith.constant 0 : i32
        %dma_start3A_862 = tpu.memref_slice %arg10[%dma_start3A_861] : memref<10240xf32, #tpu.memory_space<vmem>> -> memref<64xf32, #tpu.memory_space<vmem>>
        tpu.enqueue_dma source(%dma_start3A_862 : memref<64xf32, #tpu.memory_space<vmem>>) target(%arg43 : memref<64xf32, #tpu.memory_space<vmem_shared>>) target_semaphore(%run_scoped3A : memref<!tpu.dma_semaphore, #tpu.memory_space<semaphore_mem>>)
        %dma_wait3A_863 = arith.constant 0 : i32
        %dma_wait3A_864 = tpu.memref_slice %arg10[%dma_wait3A_863] : memref<10240xf32, #tpu.memory_space<vmem>> -> memref<64xf32, #tpu.memory_space<vmem>>
        %dma_wait3A_865 = arith.constant 0 : i32
        %dma_wait3A_866 = tpu.memref_slice %arg10[%dma_wait3A_865] : memref<10240xf32, #tpu.memory_space<vmem>> -> memref<64xf32, #tpu.memory_space<vmem>>
        tpu.wait_dma2 semaphore(%run_scoped3A : memref<!tpu.dma_semaphore, #tpu.memory_space<semaphore_mem>>) src(%dma_wait3A_866 : memref<64xf32, #tpu.memory_space<vmem>>) dst(%arg43 : memref<64xf32, #tpu.memory_space<vmem_shared>>)
        tpu.yield
      }) : () -> ()
    } else {
    }
    %mul3A_200 = arith.constant 128 : i32
    %mul3A_201 = arith.muli %select_n3A, %mul3A_200 : i32
    %dma_wait3A = arith.constant 1 : i32
    %dma_wait3A_202 = tpu.memref_slice %arg2[%dma_wait3A, %mul3A_201] : memref<2x320000xi32, #tpu.memory_space<hbm>> -> memref<1x20096xi32, #tpu.memory_space<hbm>>
    %dma_wait3A_203 = tpu.memref_squeeze %dma_wait3A_202 : memref<1x20096xi32, #tpu.memory_space<hbm>> -> memref<20096xi32, #tpu.memory_space<hbm>>
    %dma_wait3A_204 = tpu.memref_slice %arg2[%dma_wait3A, %mul3A_201] : memref<2x320000xi32, #tpu.memory_space<hbm>> -> memref<1x20096xi32, #tpu.memory_space<hbm>>
    %dma_wait3A_205 = tpu.memref_squeeze %dma_wait3A_204 : memref<1x20096xi32, #tpu.memory_space<hbm>> -> memref<20096xi32, #tpu.memory_space<hbm>>
    tpu.wait_dma2 semaphore(%arg35 : memref<!tpu.dma_semaphore, #tpu.memory_space<semaphore_mem>>) src(%dma_wait3A_205 : memref<20096xi32, #tpu.memory_space<hbm>>) dst(%arg6 : memref<20096xi32, #tpu.memory_space<vmem>>)
    %dma_wait3A_206 = arith.constant 0 : i32
    %dma_wait3A_207 = tpu.memref_slice %arg9[%dma_wait3A_206] : memref<10112xi32, #tpu.memory_space<vmem>> -> memref<10000xi32, #tpu.memory_space<vmem>>
    %dma_wait3A_208 = arith.constant 0 : i32
    %dma_wait3A_209 = tpu.memref_slice %arg9[%dma_wait3A_208] : memref<10112xi32, #tpu.memory_space<vmem>> -> memref<10000xi32, #tpu.memory_space<vmem>>
    tpu.wait_dma2 semaphore(%arg35 : memref<!tpu.dma_semaphore, #tpu.memory_space<semaphore_mem>>) src(%arg3 : memref<10000xi32, #tpu.memory_space<hbm>>) dst(%dma_wait3A_209 : memref<10000xi32, #tpu.memory_space<vmem>>)
    %broadcast_in_dim3A_210 = arith.constant 1.000000e+00 : f32
    %broadcast_in_dim3A_211 = vector.broadcast %broadcast_in_dim3A_210 : f32 to vector<16xf32>
    %sub3A_212 = arith.subi %select_n3A_46, %select_n3A : i32
    %mul3A_213 = arith.constant 8 : i32
    %mul3A_214 = arith.muli %sub3A_212, %mul3A_213 : i32
    %while3A = arith.constant 0 : i32
    %while3A_215 = arith.constant 0 : i32
    %while3A_216 = arith.subi %mul3A_214, %while3A_215 : i32
    %while3A_217 = arith.addi %while3A_215, %while3A_216 : i32
    %while3A_218 = arith.constant 1 : i32
    %while3A_219 = arith.divsi %while3A_216, %while3A_218 : i32
    %while3A_220 = arith.muli %while3A_219, %while3A_218 : i32
    %while3A_221 = arith.addi %while3A_215, %while3A_220 : i32
    %while3A_222 = arith.constant 1 : i32
    scf.for %while3A_859 = %while3A_215 to %while3A_221 step %while3A_222  : i32 {
      %mul3A_860 = arith.constant 16 : i32
      %mul3A_861 = arith.muli %while3A_859, %mul3A_860 : i32
      %get3A = arith.index_cast %mul3A_861 : i32 to index
      %get3A_862 = tpu.vector_load %arg6[%get3A] {strides = array<i32>} : memref<20096xi32, #tpu.memory_space<vmem>>, vector<16xi32>,
      tpu.vector_store_idx %arg11[%get3A_862], %broadcast_in_dim3A_211 {add = true} : memref<10240xf32, #tpu.memory_space<vmem>>[vector<16xi32>], vector<16xf32>,
    }
    %while3A_223 = arith.constant 1 : i32
    scf.for %while3A_859 = %while3A_221 to %while3A_217 step %while3A_223  : i32 {
      %mul3A_860 = arith.constant 16 : i32
      %mul3A_861 = arith.muli %while3A_859, %mul3A_860 : i32
      %get3A = arith.index_cast %mul3A_861 : i32 to index
      %get3A_862 = tpu.vector_load %arg6[%get3A] {strides = array<i32>} : memref<20096xi32, #tpu.memory_space<vmem>>, vector<16xi32>,
      tpu.vector_store_idx %arg11[%get3A_862], %broadcast_in_dim3A_211 {add = true} : memref<10240xf32, #tpu.memory_space<vmem>>[vector<16xi32>], vector<16xf32>,
    }
    "tpu.region"() ({
      %run_scoped3A = tpu.sem_alloc : memref<!tpu.dma_semaphore, #tpu.memory_space<semaphore_mem>>
      %dma_start3A_859 = arith.constant 0 : i32
      %dma_start3A_860 = tpu.memref_slice %arg42[%arg1, %dma_start3A_859] : memref<16x10240xf32, #tpu.memory_space<vmem_shared>> -> memref<1x10240xf32, #tpu.memory_space<vmem_shared>>
      %dma_start3A_861 = tpu.memref_squeeze %dma_start3A_860 : memref<1x10240xf32, #tpu.memory_space<vmem_shared>> -> memref<10240xf32, #tpu.memory_space<vmem_shared>>
      %dma_start3A_862 = arith.constant 0 : i32
      %dma_start3A_863 = tpu.memref_slice %arg42[%arg1, %dma_start3A_862] : memref<16x10240xf32, #tpu.memory_space<vmem_shared>> -> memref<1x10240xf32, #tpu.memory_space<vmem_shared>>
      %dma_start3A_864 = tpu.memref_squeeze %dma_start3A_863 : memref<1x10240xf32, #tpu.memory_space<vmem_shared>> -> memref<10240xf32, #tpu.memory_space<vmem_shared>>
      tpu.enqueue_dma source(%arg11 : memref<10240xf32, #tpu.memory_space<vmem>>) target(%dma_start3A_864 : memref<10240xf32, #tpu.memory_space<vmem_shared>>) target_semaphore(%run_scoped3A : memref<!tpu.dma_semaphore, #tpu.memory_space<semaphore_mem>>)
      %dma_wait3A_865 = arith.constant 0 : i32
      %dma_wait3A_866 = tpu.memref_slice %arg42[%arg1, %dma_wait3A_865] : memref<16x10240xf32, #tpu.memory_space<vmem_shared>> -> memref<1x10240xf32, #tpu.memory_space<vmem_shared>>
      %dma_wait3A_867 = tpu.memref_squeeze %dma_wait3A_866 : memref<1x10240xf32, #tpu.memory_space<vmem_shared>> -> memref<10240xf32, #tpu.memory_space<vmem_shared>>
      %dma_wait3A_868 = arith.constant 0 : i32
      %dma_wait3A_869 = tpu.memref_slice %arg42[%arg1, %dma_wait3A_868] : memref<16x10240xf32, #tpu.memory_space<vmem_shared>> -> memref<1x10240xf32, #tpu.memory_space<vmem_shared>>
      %dma_wait3A_870 = tpu.memref_squeeze %dma_wait3A_869 : memref<1x10240xf32, #tpu.memory_space<vmem_shared>> -> memref<10240xf32, #tpu.memory_space<vmem_shared>>
      tpu.wait_dma2 semaphore(%run_scoped3A : memref<!tpu.dma_semaphore, #tpu.memory_space<semaphore_mem>>) src(%arg11 : memref<10240xf32, #tpu.memory_space<vmem>>) dst(%dma_wait3A_870 : memref<10240xf32, #tpu.memory_space<vmem_shared>>)
      tpu.yield
    }) : () -> ()
    %barrier3A = arith.constant 0 : index
    tpu.barrier barrier_id(%barrier3A)
    %mul3A_224 = arith.constant 640 : i32
    %mul3A_225 = arith.muli %arg1, %mul3A_224 : i32
    %dma_start3A_226 = arith.constant 0 : i32
    %dma_start3A_227 = arith.constant 0 : i32
    %dma_start3A_228 = tpu.memref_slice %arg12[%dma_start3A_227] : memref<2560xf32, #tpu.memory_space<vmem>> -> memref<640xf32, #tpu.memory_space<vmem>>
    %dma_start3A_229 = tpu.memref_slice %arg42[%dma_start3A_226, %mul3A_225] : memref<16x10240xf32, #tpu.memory_space<vmem_shared>> -> memref<1x640xf32, #tpu.memory_space<vmem_shared>>
    %dma_start3A_230 = tpu.memref_squeeze %dma_start3A_229 : memref<1x640xf32, #tpu.memory_space<vmem_shared>> -> memref<640xf32, #tpu.memory_space<vmem_shared>>
    %dma_start3A_231 = arith.constant 0 : i32
    %dma_start3A_232 = tpu.memref_slice %arg12[%dma_start3A_231] : memref<2560xf32, #tpu.memory_space<vmem>> -> memref<640xf32, #tpu.memory_space<vmem>>
    %dma_start3A_233 = tpu.memref_slice %arg42[%dma_start3A_226, %mul3A_225] : memref<16x10240xf32, #tpu.memory_space<vmem_shared>> -> memref<1x640xf32, #tpu.memory_space<vmem_shared>>
    %dma_start3A_234 = tpu.memref_squeeze %dma_start3A_233 : memref<1x640xf32, #tpu.memory_space<vmem_shared>> -> memref<640xf32, #tpu.memory_space<vmem_shared>>
    tpu.enqueue_dma source(%dma_start3A_234 : memref<640xf32, #tpu.memory_space<vmem_shared>>) target(%dma_start3A_232 : memref<640xf32, #tpu.memory_space<vmem>>) target_semaphore(%arg35 : memref<!tpu.dma_semaphore, #tpu.memory_space<semaphore_mem>>)
    %mul3A_235 = arith.constant 640 : i32
    %mul3A_236 = arith.muli %arg1, %mul3A_235 : i32
    %dma_start3A_237 = arith.constant 1 : i32
    %dma_start3A_238 = arith.constant 640 : i32
    %dma_start3A_239 = tpu.memref_slice %arg12[%dma_start3A_238] : memref<2560xf32, #tpu.memory_space<vmem>> -> memref<640xf32, #tpu.memory_space<vmem>>
    %dma_start3A_240 = tpu.memref_slice %arg42[%dma_start3A_237, %mul3A_236] : memref<16x10240xf32, #tpu.memory_space<vmem_shared>> -> memref<1x640xf32, #tpu.memory_space<vmem_shared>>
    %dma_start3A_241 = tpu.memref_squeeze %dma_start3A_240 : memref<1x640xf32, #tpu.memory_space<vmem_shared>> -> memref<640xf32, #tpu.memory_space<vmem_shared>>
    %dma_start3A_242 = arith.constant 640 : i32
    %dma_start3A_243 = tpu.memref_slice %arg12[%dma_start3A_242] : memref<2560xf32, #tpu.memory_space<vmem>> -> memref<640xf32, #tpu.memory_space<vmem>>
    %dma_start3A_244 = tpu.memref_slice %arg42[%dma_start3A_237, %mul3A_236] : memref<16x10240xf32, #tpu.memory_space<vmem_shared>> -> memref<1x640xf32, #tpu.memory_space<vmem_shared>>
    %dma_start3A_245 = tpu.memref_squeeze %dma_start3A_244 : memref<1x640xf32, #tpu.memory_space<vmem_shared>> -> memref<640xf32, #tpu.memory_space<vmem_shared>>
    tpu.enqueue_dma source(%dma_start3A_245 : memref<640xf32, #tpu.memory_space<vmem_shared>>) target(%dma_start3A_243 : memref<640xf32, #tpu.memory_space<vmem>>) target_semaphore(%arg35 : memref<!tpu.dma_semaphore, #tpu.memory_space<semaphore_mem>>)
    %mul3A_246 = arith.constant 640 : i32
    %mul3A_247 = arith.muli %arg1, %mul3A_246 : i32
    %dma_start3A_248 = arith.constant 2 : i32
    %dma_start3A_249 = arith.constant 1280 : i32
    %dma_start3A_250 = tpu.memref_slice %arg12[%dma_start3A_249] : memref<2560xf32, #tpu.memory_space<vmem>> -> memref<640xf32, #tpu.memory_space<vmem>>
    %dma_start3A_251 = tpu.memref_slice %arg42[%dma_start3A_248, %mul3A_247] : memref<16x10240xf32, #tpu.memory_space<vmem_shared>> -> memref<1x640xf32, #tpu.memory_space<vmem_shared>>
    %dma_start3A_252 = tpu.memref_squeeze %dma_start3A_251 : memref<1x640xf32, #tpu.memory_space<vmem_shared>> -> memref<640xf32, #tpu.memory_space<vmem_shared>>
    %dma_start3A_253 = arith.constant 1280 : i32
    %dma_start3A_254 = tpu.memref_slice %arg12[%dma_start3A_253] : memref<2560xf32, #tpu.memory_space<vmem>> -> memref<640xf32, #tpu.memory_space<vmem>>
    %dma_start3A_255 = tpu.memref_slice %arg42[%dma_start3A_248, %mul3A_247] : memref<16x10240xf32, #tpu.memory_space<vmem_shared>> -> memref<1x640xf32, #tpu.memory_space<vmem_shared>>
    %dma_start3A_256 = tpu.memref_squeeze %dma_start3A_255 : memref<1x640xf32, #tpu.memory_space<vmem_shared>> -> memref<640xf32, #tpu.memory_space<vmem_shared>>
    tpu.enqueue_dma source(%dma_start3A_256 : memref<640xf32, #tpu.memory_space<vmem_shared>>) target(%dma_start3A_254 : memref<640xf32, #tpu.memory_space<vmem>>) target_semaphore(%arg35 : memref<!tpu.dma_semaphore, #tpu.memory_space<semaphore_mem>>)
    %mul3A_257 = arith.constant 640 : i32
    %mul3A_258 = arith.muli %arg1, %mul3A_257 : i32
    %dma_start3A_259 = arith.constant 3 : i32
    %dma_start3A_260 = arith.constant 1920 : i32
    %dma_start3A_261 = tpu.memref_slice %arg12[%dma_start3A_260] : memref<2560xf32, #tpu.memory_space<vmem>> -> memref<640xf32, #tpu.memory_space<vmem>>
    %dma_start3A_262 = tpu.memref_slice %arg42[%dma_start3A_259, %mul3A_258] : memref<16x10240xf32, #tpu.memory_space<vmem_shared>> -> memref<1x640xf32, #tpu.memory_space<vmem_shared>>
    %dma_start3A_263 = tpu.memref_squeeze %dma_start3A_262 : memref<1x640xf32, #tpu.memory_space<vmem_shared>> -> memref<640xf32, #tpu.memory_space<vmem_shared>>
    %dma_start3A_264 = arith.constant 1920 : i32
    %dma_start3A_265 = tpu.memref_slice %arg12[%dma_start3A_264] : memref<2560xf32, #tpu.memory_space<vmem>> -> memref<640xf32, #tpu.memory_space<vmem>>
    %dma_start3A_266 = tpu.memref_slice %arg42[%dma_start3A_259, %mul3A_258] : memref<16x10240xf32, #tpu.memory_space<vmem_shared>> -> memref<1x640xf32, #tpu.memory_space<vmem_shared>>
    %dma_start3A_267 = tpu.memref_squeeze %dma_start3A_266 : memref<1x640xf32, #tpu.memory_space<vmem_shared>> -> memref<640xf32, #tpu.memory_space<vmem_shared>>
    tpu.enqueue_dma source(%dma_start3A_267 : memref<640xf32, #tpu.memory_space<vmem_shared>>) target(%dma_start3A_265 : memref<640xf32, #tpu.memory_space<vmem>>) target_semaphore(%arg35 : memref<!tpu.dma_semaphore, #tpu.memory_space<semaphore_mem>>)
    %mul3A_268 = arith.constant 640 : i32
    %mul3A_269 = arith.muli %arg1, %mul3A_268 : i32
    %dma_wait3A_270 = arith.constant 0 : i32
    %dma_wait3A_271 = arith.constant 0 : i32
    %dma_wait3A_272 = tpu.memref_slice %arg12[%dma_wait3A_271] : memref<2560xf32, #tpu.memory_space<vmem>> -> memref<640xf32, #tpu.memory_space<vmem>>
    %dma_wait3A_273 = tpu.memref_slice %arg42[%dma_wait3A_270, %mul3A_269] : memref<16x10240xf32, #tpu.memory_space<vmem_shared>> -> memref<1x640xf32, #tpu.memory_space<vmem_shared>>
    %dma_wait3A_274 = tpu.memref_squeeze %dma_wait3A_273 : memref<1x640xf32, #tpu.memory_space<vmem_shared>> -> memref<640xf32, #tpu.memory_space<vmem_shared>>
    %dma_wait3A_275 = arith.constant 0 : i32
    %dma_wait3A_276 = tpu.memref_slice %arg12[%dma_wait3A_275] : memref<2560xf32, #tpu.memory_space<vmem>> -> memref<640xf32, #tpu.memory_space<vmem>>
    %dma_wait3A_277 = tpu.memref_slice %arg42[%dma_wait3A_270, %mul3A_269] : memref<16x10240xf32, #tpu.memory_space<vmem_shared>> -> memref<1x640xf32, #tpu.memory_space<vmem_shared>>
    %dma_wait3A_278 = tpu.memref_squeeze %dma_wait3A_277 : memref<1x640xf32, #tpu.memory_space<vmem_shared>> -> memref<640xf32, #tpu.memory_space<vmem_shared>>
    tpu.wait_dma2 semaphore(%arg35 : memref<!tpu.dma_semaphore, #tpu.memory_space<semaphore_mem>>) src(%dma_wait3A_278 : memref<640xf32, #tpu.memory_space<vmem_shared>>) dst(%dma_wait3A_276 : memref<640xf32, #tpu.memory_space<vmem>>)
    %mul3A_279 = arith.constant 640 : i32
    %mul3A_280 = arith.muli %arg1, %mul3A_279 : i32
    %dma_wait3A_281 = arith.constant 1 : i32
    %dma_wait3A_282 = arith.constant 640 : i32
    %dma_wait3A_283 = tpu.memref_slice %arg12[%dma_wait3A_282] : memref<2560xf32, #tpu.memory_space<vmem>> -> memref<640xf32, #tpu.memory_space<vmem>>
    %dma_wait3A_284 = tpu.memref_slice %arg42[%dma_wait3A_281, %mul3A_280] : memref<16x10240xf32, #tpu.memory_space<vmem_shared>> -> memref<1x640xf32, #tpu.memory_space<vmem_shared>>
    %dma_wait3A_285 = tpu.memref_squeeze %dma_wait3A_284 : memref<1x640xf32, #tpu.memory_space<vmem_shared>> -> memref<640xf32, #tpu.memory_space<vmem_shared>>
    %dma_wait3A_286 = arith.constant 640 : i32
    %dma_wait3A_287 = tpu.memref_slice %arg12[%dma_wait3A_286] : memref<2560xf32, #tpu.memory_space<vmem>> -> memref<640xf32, #tpu.memory_space<vmem>>
    %dma_wait3A_288 = tpu.memref_slice %arg42[%dma_wait3A_281, %mul3A_280] : memref<16x10240xf32, #tpu.memory_space<vmem_shared>> -> memref<1x640xf32, #tpu.memory_space<vmem_shared>>
    %dma_wait3A_289 = tpu.memref_squeeze %dma_wait3A_288 : memref<1x640xf32, #tpu.memory_space<vmem_shared>> -> memref<640xf32, #tpu.memory_space<vmem_shared>>
    tpu.wait_dma2 semaphore(%arg35 : memref<!tpu.dma_semaphore, #tpu.memory_space<semaphore_mem>>) src(%dma_wait3A_289 : memref<640xf32, #tpu.memory_space<vmem_shared>>) dst(%dma_wait3A_287 : memref<640xf32, #tpu.memory_space<vmem>>)
    %mul3A_290 = arith.constant 640 : i32
    %mul3A_291 = arith.muli %arg1, %mul3A_290 : i32
    %dma_wait3A_292 = arith.constant 2 : i32
    %dma_wait3A_293 = arith.constant 1280 : i32
    %dma_wait3A_294 = tpu.memref_slice %arg12[%dma_wait3A_293] : memref<2560xf32, #tpu.memory_space<vmem>> -> memref<640xf32, #tpu.memory_space<vmem>>
    %dma_wait3A_295 = tpu.memref_slice %arg42[%dma_wait3A_292, %mul3A_291] : memref<16x10240xf32, #tpu.memory_space<vmem_shared>> -> memref<1x640xf32, #tpu.memory_space<vmem_shared>>
    %dma_wait3A_296 = tpu.memref_squeeze %dma_wait3A_295 : memref<1x640xf32, #tpu.memory_space<vmem_shared>> -> memref<640xf32, #tpu.memory_space<vmem_shared>>
    %dma_wait3A_297 = arith.constant 1280 : i32
    %dma_wait3A_298 = tpu.memref_slice %arg12[%dma_wait3A_297] : memref<2560xf32, #tpu.memory_space<vmem>> -> memref<640xf32, #tpu.memory_space<vmem>>
    %dma_wait3A_299 = tpu.memref_slice %arg42[%dma_wait3A_292, %mul3A_291] : memref<16x10240xf32, #tpu.memory_space<vmem_shared>> -> memref<1x640xf32, #tpu.memory_space<vmem_shared>>
    %dma_wait3A_300 = tpu.memref_squeeze %dma_wait3A_299 : memref<1x640xf32, #tpu.memory_space<vmem_shared>> -> memref<640xf32, #tpu.memory_space<vmem_shared>>
    tpu.wait_dma2 semaphore(%arg35 : memref<!tpu.dma_semaphore, #tpu.memory_space<semaphore_mem>>) src(%dma_wait3A_300 : memref<640xf32, #tpu.memory_space<vmem_shared>>) dst(%dma_wait3A_298 : memref<640xf32, #tpu.memory_space<vmem>>)
    %mul3A_301 = arith.constant 640 : i32
    %mul3A_302 = arith.muli %arg1, %mul3A_301 : i32
    %dma_wait3A_303 = arith.constant 3 : i32
    %dma_wait3A_304 = arith.constant 1920 : i32
    %dma_wait3A_305 = tpu.memref_slice %arg12[%dma_wait3A_304] : memref<2560xf32, #tpu.memory_space<vmem>> -> memref<640xf32, #tpu.memory_space<vmem>>
    %dma_wait3A_306 = tpu.memref_slice %arg42[%dma_wait3A_303, %mul3A_302] : memref<16x10240xf32, #tpu.memory_space<vmem_shared>> -> memref<1x640xf32, #tpu.memory_space<vmem_shared>>
    %dma_wait3A_307 = tpu.memref_squeeze %dma_wait3A_306 : memref<1x640xf32, #tpu.memory_space<vmem_shared>> -> memref<640xf32, #tpu.memory_space<vmem_shared>>
    %dma_wait3A_308 = arith.constant 1920 : i32
    %dma_wait3A_309 = tpu.memref_slice %arg12[%dma_wait3A_308] : memref<2560xf32, #tpu.memory_space<vmem>> -> memref<640xf32, #tpu.memory_space<vmem>>
    %dma_wait3A_310 = tpu.memref_slice %arg42[%dma_wait3A_303, %mul3A_302] : memref<16x10240xf32, #tpu.memory_space<vmem_shared>> -> memref<1x640xf32, #tpu.memory_space<vmem_shared>>
    %dma_wait3A_311 = tpu.memref_squeeze %dma_wait3A_310 : memref<1x640xf32, #tpu.memory_space<vmem_shared>> -> memref<640xf32, #tpu.memory_space<vmem_shared>>
    tpu.wait_dma2 semaphore(%arg35 : memref<!tpu.dma_semaphore, #tpu.memory_space<semaphore_mem>>) src(%dma_wait3A_311 : memref<640xf32, #tpu.memory_space<vmem_shared>>) dst(%dma_wait3A_309 : memref<640xf32, #tpu.memory_space<vmem>>)
    %scan3A_312 = arith.constant 0 : i32
    %scan3A_313 = arith.constant 0 : i32
    %scan3A_314 = arith.constant 40 : i32
    %scan3A_315 = arith.addi %scan3A_313, %scan3A_314 : i32
    %scan3A_316 = arith.constant 1 : i32
    scf.for %scan3A_859 = %scan3A_313 to %scan3A_315 step %scan3A_316  : i32 {
      %mul3A_860 = arith.constant 16 : i32
      %mul3A_861 = arith.muli %scan3A_859, %mul3A_860 : i32
      %get3A = arith.index_cast %mul3A_861 : i32 to index
      %get3A_862 = tpu.vector_load %arg12[%get3A] {strides = array<i32>} : memref<2560xf32, #tpu.memory_space<vmem>>, vector<16xf32>,
      %mul3A_863 = arith.constant 16 : i32
      %mul3A_864 = arith.muli %scan3A_859, %mul3A_863 : i32
      %add3A_865 = arith.constant 640 : i32
      %add3A_866 = arith.addi %add3A_865, %mul3A_864 : i32
      %get3A_867 = arith.index_cast %add3A_866 : i32 to index
      %get3A_868 = tpu.vector_load %arg12[%get3A_867] {strides = array<i32>} : memref<2560xf32, #tpu.memory_space<vmem>>, vector<16xf32>,
      %add3A_869 = arith.addf %get3A_862, %get3A_868 : vector<16xf32>
      %mul3A_870 = arith.constant 16 : i32
      %mul3A_871 = arith.muli %scan3A_859, %mul3A_870 : i32
      %add3A_872 = arith.constant 1280 : i32
      %add3A_873 = arith.addi %add3A_872, %mul3A_871 : i32
      %get3A_874 = arith.index_cast %add3A_873 : i32 to index
      %get3A_875 = tpu.vector_load %arg12[%get3A_874] {strides = array<i32>} : memref<2560xf32, #tpu.memory_space<vmem>>, vector<16xf32>,
      %add3A_876 = arith.addf %add3A_869, %get3A_875 : vector<16xf32>
      %mul3A_877 = arith.constant 16 : i32
      %mul3A_878 = arith.muli %scan3A_859, %mul3A_877 : i32
      %add3A_879 = arith.constant 1920 : i32
      %add3A_880 = arith.addi %add3A_879, %mul3A_878 : i32
      %get3A_881 = arith.index_cast %add3A_880 : i32 to index
      %get3A_882 = tpu.vector_load %arg12[%get3A_881] {strides = array<i32>} : memref<2560xf32, #tpu.memory_space<vmem>>, vector<16xf32>,
      %add3A_883 = arith.addf %add3A_876, %get3A_882 : vector<16xf32>
      %mul3A_884 = arith.constant 16 : i32
      %mul3A_885 = arith.muli %scan3A_859, %mul3A_884 : i32
      %swap3A_886 = arith.index_cast %mul3A_885 : i32 to index
      %swap3A_887 = tpu.vector_load %arg11[%swap3A_886] {strides = array<i32>} : memref<10240xf32, #tpu.memory_space<vmem>>, vector<16xf32>,
      tpu.vector_store %arg11[%swap3A_886], %add3A_883 {strides = array<i32>} : memref<10240xf32, #tpu.memory_space<vmem>>, vector<16xf32>,
    }
    %scan3A_317 = arith.constant 40 : i32
    %mul3A_318 = arith.constant 640 : i32
    %mul3A_319 = arith.muli %arg1, %mul3A_318 : i32
    %dma_start3A_320 = arith.constant 4 : i32
    %dma_start3A_321 = arith.constant 0 : i32
    %dma_start3A_322 = tpu.memref_slice %arg12[%dma_start3A_321] : memref<2560xf32, #tpu.memory_space<vmem>> -> memref<640xf32, #tpu.memory_space<vmem>>
    %dma_start3A_323 = tpu.memref_slice %arg42[%dma_start3A_320, %mul3A_319] : memref<16x10240xf32, #tpu.memory_space<vmem_shared>> -> memref<1x640xf32, #tpu.memory_space<vmem_shared>>
    %dma_start3A_324 = tpu.memref_squeeze %dma_start3A_323 : memref<1x640xf32, #tpu.memory_space<vmem_shared>> -> memref<640xf32, #tpu.memory_space<vmem_shared>>
    %dma_start3A_325 = arith.constant 0 : i32
    %dma_start3A_326 = tpu.memref_slice %arg12[%dma_start3A_325] : memref<2560xf32, #tpu.memory_space<vmem>> -> memref<640xf32, #tpu.memory_space<vmem>>
    %dma_start3A_327 = tpu.memref_slice %arg42[%dma_start3A_320, %mul3A_319] : memref<16x10240xf32, #tpu.memory_space<vmem_shared>> -> memref<1x640xf32, #tpu.memory_space<vmem_shared>>
    %dma_start3A_328 = tpu.memref_squeeze %dma_start3A_327 : memref<1x640xf32, #tpu.memory_space<vmem_shared>> -> memref<640xf32, #tpu.memory_space<vmem_shared>>
    tpu.enqueue_dma source(%dma_start3A_328 : memref<640xf32, #tpu.memory_space<vmem_shared>>) target(%dma_start3A_326 : memref<640xf32, #tpu.memory_space<vmem>>) target_semaphore(%arg35 : memref<!tpu.dma_semaphore, #tpu.memory_space<semaphore_mem>>)
    %mul3A_329 = arith.constant 640 : i32
    %mul3A_330 = arith.muli %arg1, %mul3A_329 : i32
    %dma_start3A_331 = arith.constant 5 : i32
    %dma_start3A_332 = arith.constant 640 : i32
    %dma_start3A_333 = tpu.memref_slice %arg12[%dma_start3A_332] : memref<2560xf32, #tpu.memory_space<vmem>> -> memref<640xf32, #tpu.memory_space<vmem>>
    %dma_start3A_334 = tpu.memref_slice %arg42[%dma_start3A_331, %mul3A_330] : memref<16x10240xf32, #tpu.memory_space<vmem_shared>> -> memref<1x640xf32, #tpu.memory_space<vmem_shared>>
    %dma_start3A_335 = tpu.memref_squeeze %dma_start3A_334 : memref<1x640xf32, #tpu.memory_space<vmem_shared>> -> memref<640xf32, #tpu.memory_space<vmem_shared>>
    %dma_start3A_336 = arith.constant 640 : i32
    %dma_start3A_337 = tpu.memref_slice %arg12[%dma_start3A_336] : memref<2560xf32, #tpu.memory_space<vmem>> -> memref<640xf32, #tpu.memory_space<vmem>>
    %dma_start3A_338 = tpu.memref_slice %arg42[%dma_start3A_331, %mul3A_330] : memref<16x10240xf32, #tpu.memory_space<vmem_shared>> -> memref<1x640xf32, #tpu.memory_space<vmem_shared>>
    %dma_start3A_339 = tpu.memref_squeeze %dma_start3A_338 : memref<1x640xf32, #tpu.memory_space<vmem_shared>> -> memref<640xf32, #tpu.memory_space<vmem_shared>>
    tpu.enqueue_dma source(%dma_start3A_339 : memref<640xf32, #tpu.memory_space<vmem_shared>>) target(%dma_start3A_337 : memref<640xf32, #tpu.memory_space<vmem>>) target_semaphore(%arg35 : memref<!tpu.dma_semaphore, #tpu.memory_space<semaphore_mem>>)
    %mul3A_340 = arith.constant 640 : i32
    %mul3A_341 = arith.muli %arg1, %mul3A_340 : i32
    %dma_start3A_342 = arith.constant 6 : i32
    %dma_start3A_343 = arith.constant 1280 : i32
    %dma_start3A_344 = tpu.memref_slice %arg12[%dma_start3A_343] : memref<2560xf32, #tpu.memory_space<vmem>> -> memref<640xf32, #tpu.memory_space<vmem>>
    %dma_start3A_345 = tpu.memref_slice %arg42[%dma_start3A_342, %mul3A_341] : memref<16x10240xf32, #tpu.memory_space<vmem_shared>> -> memref<1x640xf32, #tpu.memory_space<vmem_shared>>
    %dma_start3A_346 = tpu.memref_squeeze %dma_start3A_345 : memref<1x640xf32, #tpu.memory_space<vmem_shared>> -> memref<640xf32, #tpu.memory_space<vmem_shared>>
    %dma_start3A_347 = arith.constant 1280 : i32
    %dma_start3A_348 = tpu.memref_slice %arg12[%dma_start3A_347] : memref<2560xf32, #tpu.memory_space<vmem>> -> memref<640xf32, #tpu.memory_space<vmem>>
    %dma_start3A_349 = tpu.memref_slice %arg42[%dma_start3A_342, %mul3A_341] : memref<16x10240xf32, #tpu.memory_space<vmem_shared>> -> memref<1x640xf32, #tpu.memory_space<vmem_shared>>
    %dma_start3A_350 = tpu.memref_squeeze %dma_start3A_349 : memref<1x640xf32, #tpu.memory_space<vmem_shared>> -> memref<640xf32, #tpu.memory_space<vmem_shared>>
    tpu.enqueue_dma source(%dma_start3A_350 : memref<640xf32, #tpu.memory_space<vmem_shared>>) target(%dma_start3A_348 : memref<640xf32, #tpu.memory_space<vmem>>) target_semaphore(%arg35 : memref<!tpu.dma_semaphore, #tpu.memory_space<semaphore_mem>>)
    %mul3A_351 = arith.constant 640 : i32
    %mul3A_352 = arith.muli %arg1, %mul3A_351 : i32
    %dma_start3A_353 = arith.constant 7 : i32
    %dma_start3A_354 = arith.constant 1920 : i32
    %dma_start3A_355 = tpu.memref_slice %arg12[%dma_start3A_354] : memref<2560xf32, #tpu.memory_space<vmem>> -> memref<640xf32, #tpu.memory_space<vmem>>
    %dma_start3A_356 = tpu.memref_slice %arg42[%dma_start3A_353, %mul3A_352] : memref<16x10240xf32, #tpu.memory_space<vmem_shared>> -> memref<1x640xf32, #tpu.memory_space<vmem_shared>>
    %dma_start3A_357 = tpu.memref_squeeze %dma_start3A_356 : memref<1x640xf32, #tpu.memory_space<vmem_shared>> -> memref<640xf32, #tpu.memory_space<vmem_shared>>
    %dma_start3A_358 = arith.constant 1920 : i32
    %dma_start3A_359 = tpu.memref_slice %arg12[%dma_start3A_358] : memref<2560xf32, #tpu.memory_space<vmem>> -> memref<640xf32, #tpu.memory_space<vmem>>
    %dma_start3A_360 = tpu.memref_slice %arg42[%dma_start3A_353, %mul3A_352] : memref<16x10240xf32, #tpu.memory_space<vmem_shared>> -> memref<1x640xf32, #tpu.memory_space<vmem_shared>>
    %dma_start3A_361 = tpu.memref_squeeze %dma_start3A_360 : memref<1x640xf32, #tpu.memory_space<vmem_shared>> -> memref<640xf32, #tpu.memory_space<vmem_shared>>
    tpu.enqueue_dma source(%dma_start3A_361 : memref<640xf32, #tpu.memory_space<vmem_shared>>) target(%dma_start3A_359 : memref<640xf32, #tpu.memory_space<vmem>>) target_semaphore(%arg35 : memref<!tpu.dma_semaphore, #tpu.memory_space<semaphore_mem>>)
    %mul3A_362 = arith.constant 640 : i32
    %mul3A_363 = arith.muli %arg1, %mul3A_362 : i32
    %dma_wait3A_364 = arith.constant 4 : i32
    %dma_wait3A_365 = arith.constant 0 : i32
    %dma_wait3A_366 = tpu.memref_slice %arg12[%dma_wait3A_365] : memref<2560xf32, #tpu.memory_space<vmem>> -> memref<640xf32, #tpu.memory_space<vmem>>
    %dma_wait3A_367 = tpu.memref_slice %arg42[%dma_wait3A_364, %mul3A_363] : memref<16x10240xf32, #tpu.memory_space<vmem_shared>> -> memref<1x640xf32, #tpu.memory_space<vmem_shared>>
    %dma_wait3A_368 = tpu.memref_squeeze %dma_wait3A_367 : memref<1x640xf32, #tpu.memory_space<vmem_shared>> -> memref<640xf32, #tpu.memory_space<vmem_shared>>
    %dma_wait3A_369 = arith.constant 0 : i32
    %dma_wait3A_370 = tpu.memref_slice %arg12[%dma_wait3A_369] : memref<2560xf32, #tpu.memory_space<vmem>> -> memref<640xf32, #tpu.memory_space<vmem>>
    %dma_wait3A_371 = tpu.memref_slice %arg42[%dma_wait3A_364, %mul3A_363] : memref<16x10240xf32, #tpu.memory_space<vmem_shared>> -> memref<1x640xf32, #tpu.memory_space<vmem_shared>>
    %dma_wait3A_372 = tpu.memref_squeeze %dma_wait3A_371 : memref<1x640xf32, #tpu.memory_space<vmem_shared>> -> memref<640xf32, #tpu.memory_space<vmem_shared>>
    tpu.wait_dma2 semaphore(%arg35 : memref<!tpu.dma_semaphore, #tpu.memory_space<semaphore_mem>>) src(%dma_wait3A_372 : memref<640xf32, #tpu.memory_space<vmem_shared>>) dst(%dma_wait3A_370 : memref<640xf32, #tpu.memory_space<vmem>>)
    %mul3A_373 = arith.constant 640 : i32
    %mul3A_374 = arith.muli %arg1, %mul3A_373 : i32
    %dma_wait3A_375 = arith.constant 5 : i32
    %dma_wait3A_376 = arith.constant 640 : i32
    %dma_wait3A_377 = tpu.memref_slice %arg12[%dma_wait3A_376] : memref<2560xf32, #tpu.memory_space<vmem>> -> memref<640xf32, #tpu.memory_space<vmem>>
    %dma_wait3A_378 = tpu.memref_slice %arg42[%dma_wait3A_375, %mul3A_374] : memref<16x10240xf32, #tpu.memory_space<vmem_shared>> -> memref<1x640xf32, #tpu.memory_space<vmem_shared>>
    %dma_wait3A_379 = tpu.memref_squeeze %dma_wait3A_378 : memref<1x640xf32, #tpu.memory_space<vmem_shared>> -> memref<640xf32, #tpu.memory_space<vmem_shared>>
    %dma_wait3A_380 = arith.constant 640 : i32
    %dma_wait3A_381 = tpu.memref_slice %arg12[%dma_wait3A_380] : memref<2560xf32, #tpu.memory_space<vmem>> -> memref<640xf32, #tpu.memory_space<vmem>>
    %dma_wait3A_382 = tpu.memref_slice %arg42[%dma_wait3A_375, %mul3A_374] : memref<16x10240xf32, #tpu.memory_space<vmem_shared>> -> memref<1x640xf32, #tpu.memory_space<vmem_shared>>
    %dma_wait3A_383 = tpu.memref_squeeze %dma_wait3A_382 : memref<1x640xf32, #tpu.memory_space<vmem_shared>> -> memref<640xf32, #tpu.memory_space<vmem_shared>>
    tpu.wait_dma2 semaphore(%arg35 : memref<!tpu.dma_semaphore, #tpu.memory_space<semaphore_mem>>) src(%dma_wait3A_383 : memref<640xf32, #tpu.memory_space<vmem_shared>>) dst(%dma_wait3A_381 : memref<640xf32, #tpu.memory_space<vmem>>)
    %mul3A_384 = arith.constant 640 : i32
    %mul3A_385 = arith.muli %arg1, %mul3A_384 : i32
    %dma_wait3A_386 = arith.constant 6 : i32
    %dma_wait3A_387 = arith.constant 1280 : i32
    %dma_wait3A_388 = tpu.memref_slice %arg12[%dma_wait3A_387] : memref<2560xf32, #tpu.memory_space<vmem>> -> memref<640xf32, #tpu.memory_space<vmem>>
    %dma_wait3A_389 = tpu.memref_slice %arg42[%dma_wait3A_386, %mul3A_385] : memref<16x10240xf32, #tpu.memory_space<vmem_shared>> -> memref<1x640xf32, #tpu.memory_space<vmem_shared>>
    %dma_wait3A_390 = tpu.memref_squeeze %dma_wait3A_389 : memref<1x640xf32, #tpu.memory_space<vmem_shared>> -> memref<640xf32, #tpu.memory_space<vmem_shared>>
    %dma_wait3A_391 = arith.constant 1280 : i32
    %dma_wait3A_392 = tpu.memref_slice %arg12[%dma_wait3A_391] : memref<2560xf32, #tpu.memory_space<vmem>> -> memref<640xf32, #tpu.memory_space<vmem>>
    %dma_wait3A_393 = tpu.memref_slice %arg42[%dma_wait3A_386, %mul3A_385] : memref<16x10240xf32, #tpu.memory_space<vmem_shared>> -> memref<1x640xf32, #tpu.memory_space<vmem_shared>>
    %dma_wait3A_394 = tpu.memref_squeeze %dma_wait3A_393 : memref<1x640xf32, #tpu.memory_space<vmem_shared>> -> memref<640xf32, #tpu.memory_space<vmem_shared>>
    tpu.wait_dma2 semaphore(%arg35 : memref<!tpu.dma_semaphore, #tpu.memory_space<semaphore_mem>>) src(%dma_wait3A_394 : memref<640xf32, #tpu.memory_space<vmem_shared>>) dst(%dma_wait3A_392 : memref<640xf32, #tpu.memory_space<vmem>>)
    %mul3A_395 = arith.constant 640 : i32
    %mul3A_396 = arith.muli %arg1, %mul3A_395 : i32
    %dma_wait3A_397 = arith.constant 7 : i32
    %dma_wait3A_398 = arith.constant 1920 : i32
    %dma_wait3A_399 = tpu.memref_slice %arg12[%dma_wait3A_398] : memref<2560xf32, #tpu.memory_space<vmem>> -> memref<640xf32, #tpu.memory_space<vmem>>
    %dma_wait3A_400 = tpu.memref_slice %arg42[%dma_wait3A_397, %mul3A_396] : memref<16x10240xf32, #tpu.memory_space<vmem_shared>> -> memref<1x640xf32, #tpu.memory_space<vmem_shared>>
    %dma_wait3A_401 = tpu.memref_squeeze %dma_wait3A_400 : memref<1x640xf32, #tpu.memory_space<vmem_shared>> -> memref<640xf32, #tpu.memory_space<vmem_shared>>
    %dma_wait3A_402 = arith.constant 1920 : i32
    %dma_wait3A_403 = tpu.memref_slice %arg12[%dma_wait3A_402] : memref<2560xf32, #tpu.memory_space<vmem>> -> memref<640xf32, #tpu.memory_space<vmem>>
    %dma_wait3A_404 = tpu.memref_slice %arg42[%dma_wait3A_397, %mul3A_396] : memref<16x10240xf32, #tpu.memory_space<vmem_shared>> -> memref<1x640xf32, #tpu.memory_space<vmem_shared>>
    %dma_wait3A_405 = tpu.memref_squeeze %dma_wait3A_404 : memref<1x640xf32, #tpu.memory_space<vmem_shared>> -> memref<640xf32, #tpu.memory_space<vmem_shared>>
    tpu.wait_dma2 semaphore(%arg35 : memref<!tpu.dma_semaphore, #tpu.memory_space<semaphore_mem>>) src(%dma_wait3A_405 : memref<640xf32, #tpu.memory_space<vmem_shared>>) dst(%dma_wait3A_403 : memref<640xf32, #tpu.memory_space<vmem>>)
    %scan3A_406 = arith.constant 0 : i32
    %scan3A_407 = arith.constant 0 : i32
    %scan3A_408 = arith.constant 40 : i32
    %scan3A_409 = arith.addi %scan3A_407, %scan3A_408 : i32
    %scan3A_410 = arith.constant 1 : i32
    scf.for %scan3A_859 = %scan3A_407 to %scan3A_409 step %scan3A_410  : i32 {
      %mul3A_860 = arith.constant 16 : i32
      %mul3A_861 = arith.muli %scan3A_859, %mul3A_860 : i32
      %get3A = arith.index_cast %mul3A_861 : i32 to index
      %get3A_862 = tpu.vector_load %arg12[%get3A] {strides = array<i32>} : memref<2560xf32, #tpu.memory_space<vmem>>, vector<16xf32>,
      %mul3A_863 = arith.constant 16 : i32
      %mul3A_864 = arith.muli %scan3A_859, %mul3A_863 : i32
      %add3A_865 = arith.constant 640 : i32
      %add3A_866 = arith.addi %add3A_865, %mul3A_864 : i32
      %get3A_867 = arith.index_cast %add3A_866 : i32 to index
      %get3A_868 = tpu.vector_load %arg12[%get3A_867] {strides = array<i32>} : memref<2560xf32, #tpu.memory_space<vmem>>, vector<16xf32>,
      %add3A_869 = arith.addf %get3A_862, %get3A_868 : vector<16xf32>
      %mul3A_870 = arith.constant 16 : i32
      %mul3A_871 = arith.muli %scan3A_859, %mul3A_870 : i32
      %add3A_872 = arith.constant 1280 : i32
      %add3A_873 = arith.addi %add3A_872, %mul3A_871 : i32
      %get3A_874 = arith.index_cast %add3A_873 : i32 to index
      %get3A_875 = tpu.vector_load %arg12[%get3A_874] {strides = array<i32>} : memref<2560xf32, #tpu.memory_space<vmem>>, vector<16xf32>,
      %add3A_876 = arith.addf %add3A_869, %get3A_875 : vector<16xf32>
      %mul3A_877 = arith.constant 16 : i32
      %mul3A_878 = arith.muli %scan3A_859, %mul3A_877 : i32
      %add3A_879 = arith.constant 1920 : i32
      %add3A_880 = arith.addi %add3A_879, %mul3A_878 : i32
      %get3A_881 = arith.index_cast %add3A_880 : i32 to index
      %get3A_882 = tpu.vector_load %arg12[%get3A_881] {strides = array<i32>} : memref<2560xf32, #tpu.memory_space<vmem>>, vector<16xf32>,
      %add3A_883 = arith.addf %add3A_876, %get3A_882 : vector<16xf32>
      %mul3A_884 = arith.constant 16 : i32
      %mul3A_885 = arith.muli %scan3A_859, %mul3A_884 : i32
      %get3A_886 = arith.index_cast %mul3A_885 : i32 to index
      %get3A_887 = tpu.vector_load %arg11[%get3A_886] {strides = array<i32>} : memref<10240xf32, #tpu.memory_space<vmem>>, vector<16xf32>,
      %add3A_888 = arith.addf %add3A_883, %get3A_887 : vector<16xf32>
      %mul3A_889 = arith.constant 16 : i32
      %mul3A_890 = arith.muli %scan3A_859, %mul3A_889 : i32
      %swap3A_891 = arith.index_cast %mul3A_890 : i32 to index
      %swap3A_892 = tpu.vector_load %arg11[%swap3A_891] {strides = array<i32>} : memref<10240xf32, #tpu.memory_space<vmem>>, vector<16xf32>,
      tpu.vector_store %arg11[%swap3A_891], %add3A_888 {strides = array<i32>} : memref<10240xf32, #tpu.memory_space<vmem>>, vector<16xf32>,
    }
    %scan3A_411 = arith.constant 40 : i32
    %mul3A_412 = arith.constant 640 : i32
    %mul3A_413 = arith.muli %arg1, %mul3A_412 : i32
    %dma_start3A_414 = arith.constant 8 : i32
    %dma_start3A_415 = arith.constant 0 : i32
    %dma_start3A_416 = tpu.memref_slice %arg12[%dma_start3A_415] : memref<2560xf32, #tpu.memory_space<vmem>> -> memref<640xf32, #tpu.memory_space<vmem>>
    %dma_start3A_417 = tpu.memref_slice %arg42[%dma_start3A_414, %mul3A_413] : memref<16x10240xf32, #tpu.memory_space<vmem_shared>> -> memref<1x640xf32, #tpu.memory_space<vmem_shared>>
    %dma_start3A_418 = tpu.memref_squeeze %dma_start3A_417 : memref<1x640xf32, #tpu.memory_space<vmem_shared>> -> memref<640xf32, #tpu.memory_space<vmem_shared>>
    %dma_start3A_419 = arith.constant 0 : i32
    %dma_start3A_420 = tpu.memref_slice %arg12[%dma_start3A_419] : memref<2560xf32, #tpu.memory_space<vmem>> -> memref<640xf32, #tpu.memory_space<vmem>>
    %dma_start3A_421 = tpu.memref_slice %arg42[%dma_start3A_414, %mul3A_413] : memref<16x10240xf32, #tpu.memory_space<vmem_shared>> -> memref<1x640xf32, #tpu.memory_space<vmem_shared>>
    %dma_start3A_422 = tpu.memref_squeeze %dma_start3A_421 : memref<1x640xf32, #tpu.memory_space<vmem_shared>> -> memref<640xf32, #tpu.memory_space<vmem_shared>>
    tpu.enqueue_dma source(%dma_start3A_422 : memref<640xf32, #tpu.memory_space<vmem_shared>>) target(%dma_start3A_420 : memref<640xf32, #tpu.memory_space<vmem>>) target_semaphore(%arg35 : memref<!tpu.dma_semaphore, #tpu.memory_space<semaphore_mem>>)
    %mul3A_423 = arith.constant 640 : i32
    %mul3A_424 = arith.muli %arg1, %mul3A_423 : i32
    %dma_start3A_425 = arith.constant 9 : i32
    %dma_start3A_426 = arith.constant 640 : i32
    %dma_start3A_427 = tpu.memref_slice %arg12[%dma_start3A_426] : memref<2560xf32, #tpu.memory_space<vmem>> -> memref<640xf32, #tpu.memory_space<vmem>>
    %dma_start3A_428 = tpu.memref_slice %arg42[%dma_start3A_425, %mul3A_424] : memref<16x10240xf32, #tpu.memory_space<vmem_shared>> -> memref<1x640xf32, #tpu.memory_space<vmem_shared>>
    %dma_start3A_429 = tpu.memref_squeeze %dma_start3A_428 : memref<1x640xf32, #tpu.memory_space<vmem_shared>> -> memref<640xf32, #tpu.memory_space<vmem_shared>>
    %dma_start3A_430 = arith.constant 640 : i32
    %dma_start3A_431 = tpu.memref_slice %arg12[%dma_start3A_430] : memref<2560xf32, #tpu.memory_space<vmem>> -> memref<640xf32, #tpu.memory_space<vmem>>
    %dma_start3A_432 = tpu.memref_slice %arg42[%dma_start3A_425, %mul3A_424] : memref<16x10240xf32, #tpu.memory_space<vmem_shared>> -> memref<1x640xf32, #tpu.memory_space<vmem_shared>>
    %dma_start3A_433 = tpu.memref_squeeze %dma_start3A_432 : memref<1x640xf32, #tpu.memory_space<vmem_shared>> -> memref<640xf32, #tpu.memory_space<vmem_shared>>
    tpu.enqueue_dma source(%dma_start3A_433 : memref<640xf32, #tpu.memory_space<vmem_shared>>) target(%dma_start3A_431 : memref<640xf32, #tpu.memory_space<vmem>>) target_semaphore(%arg35 : memref<!tpu.dma_semaphore, #tpu.memory_space<semaphore_mem>>)
    %mul3A_434 = arith.constant 640 : i32
    %mul3A_435 = arith.muli %arg1, %mul3A_434 : i32
    %dma_start3A_436 = arith.constant 10 : i32
    %dma_start3A_437 = arith.constant 1280 : i32
    %dma_start3A_438 = tpu.memref_slice %arg12[%dma_start3A_437] : memref<2560xf32, #tpu.memory_space<vmem>> -> memref<640xf32, #tpu.memory_space<vmem>>
    %dma_start3A_439 = tpu.memref_slice %arg42[%dma_start3A_436, %mul3A_435] : memref<16x10240xf32, #tpu.memory_space<vmem_shared>> -> memref<1x640xf32, #tpu.memory_space<vmem_shared>>
    %dma_start3A_440 = tpu.memref_squeeze %dma_start3A_439 : memref<1x640xf32, #tpu.memory_space<vmem_shared>> -> memref<640xf32, #tpu.memory_space<vmem_shared>>
    %dma_start3A_441 = arith.constant 1280 : i32
    %dma_start3A_442 = tpu.memref_slice %arg12[%dma_start3A_441] : memref<2560xf32, #tpu.memory_space<vmem>> -> memref<640xf32, #tpu.memory_space<vmem>>
    %dma_start3A_443 = tpu.memref_slice %arg42[%dma_start3A_436, %mul3A_435] : memref<16x10240xf32, #tpu.memory_space<vmem_shared>> -> memref<1x640xf32, #tpu.memory_space<vmem_shared>>
    %dma_start3A_444 = tpu.memref_squeeze %dma_start3A_443 : memref<1x640xf32, #tpu.memory_space<vmem_shared>> -> memref<640xf32, #tpu.memory_space<vmem_shared>>
    tpu.enqueue_dma source(%dma_start3A_444 : memref<640xf32, #tpu.memory_space<vmem_shared>>) target(%dma_start3A_442 : memref<640xf32, #tpu.memory_space<vmem>>) target_semaphore(%arg35 : memref<!tpu.dma_semaphore, #tpu.memory_space<semaphore_mem>>)
    %mul3A_445 = arith.constant 640 : i32
    %mul3A_446 = arith.muli %arg1, %mul3A_445 : i32
    %dma_start3A_447 = arith.constant 11 : i32
    %dma_start3A_448 = arith.constant 1920 : i32
    %dma_start3A_449 = tpu.memref_slice %arg12[%dma_start3A_448] : memref<2560xf32, #tpu.memory_space<vmem>> -> memref<640xf32, #tpu.memory_space<vmem>>
    %dma_start3A_450 = tpu.memref_slice %arg42[%dma_start3A_447, %mul3A_446] : memref<16x10240xf32, #tpu.memory_space<vmem_shared>> -> memref<1x640xf32, #tpu.memory_space<vmem_shared>>
    %dma_start3A_451 = tpu.memref_squeeze %dma_start3A_450 : memref<1x640xf32, #tpu.memory_space<vmem_shared>> -> memref<640xf32, #tpu.memory_space<vmem_shared>>
    %dma_start3A_452 = arith.constant 1920 : i32
    %dma_start3A_453 = tpu.memref_slice %arg12[%dma_start3A_452] : memref<2560xf32, #tpu.memory_space<vmem>> -> memref<640xf32, #tpu.memory_space<vmem>>
    %dma_start3A_454 = tpu.memref_slice %arg42[%dma_start3A_447, %mul3A_446] : memref<16x10240xf32, #tpu.memory_space<vmem_shared>> -> memref<1x640xf32, #tpu.memory_space<vmem_shared>>
    %dma_start3A_455 = tpu.memref_squeeze %dma_start3A_454 : memref<1x640xf32, #tpu.memory_space<vmem_shared>> -> memref<640xf32, #tpu.memory_space<vmem_shared>>
    tpu.enqueue_dma source(%dma_start3A_455 : memref<640xf32, #tpu.memory_space<vmem_shared>>) target(%dma_start3A_453 : memref<640xf32, #tpu.memory_space<vmem>>) target_semaphore(%arg35 : memref<!tpu.dma_semaphore, #tpu.memory_space<semaphore_mem>>)
    %mul3A_456 = arith.constant 640 : i32
    %mul3A_457 = arith.muli %arg1, %mul3A_456 : i32
    %dma_wait3A_458 = arith.constant 8 : i32
    %dma_wait3A_459 = arith.constant 0 : i32
    %dma_wait3A_460 = tpu.memref_slice %arg12[%dma_wait3A_459] : memref<2560xf32, #tpu.memory_space<vmem>> -> memref<640xf32, #tpu.memory_space<vmem>>
    %dma_wait3A_461 = tpu.memref_slice %arg42[%dma_wait3A_458, %mul3A_457] : memref<16x10240xf32, #tpu.memory_space<vmem_shared>> -> memref<1x640xf32, #tpu.memory_space<vmem_shared>>
    %dma_wait3A_462 = tpu.memref_squeeze %dma_wait3A_461 : memref<1x640xf32, #tpu.memory_space<vmem_shared>> -> memref<640xf32, #tpu.memory_space<vmem_shared>>
    %dma_wait3A_463 = arith.constant 0 : i32
    %dma_wait3A_464 = tpu.memref_slice %arg12[%dma_wait3A_463] : memref<2560xf32, #tpu.memory_space<vmem>> -> memref<640xf32, #tpu.memory_space<vmem>>
    %dma_wait3A_465 = tpu.memref_slice %arg42[%dma_wait3A_458, %mul3A_457] : memref<16x10240xf32, #tpu.memory_space<vmem_shared>> -> memref<1x640xf32, #tpu.memory_space<vmem_shared>>
    %dma_wait3A_466 = tpu.memref_squeeze %dma_wait3A_465 : memref<1x640xf32, #tpu.memory_space<vmem_shared>> -> memref<640xf32, #tpu.memory_space<vmem_shared>>
    tpu.wait_dma2 semaphore(%arg35 : memref<!tpu.dma_semaphore, #tpu.memory_space<semaphore_mem>>) src(%dma_wait3A_466 : memref<640xf32, #tpu.memory_space<vmem_shared>>) dst(%dma_wait3A_464 : memref<640xf32, #tpu.memory_space<vmem>>)
    %mul3A_467 = arith.constant 640 : i32
    %mul3A_468 = arith.muli %arg1, %mul3A_467 : i32
    %dma_wait3A_469 = arith.constant 9 : i32
    %dma_wait3A_470 = arith.constant 640 : i32
    %dma_wait3A_471 = tpu.memref_slice %arg12[%dma_wait3A_470] : memref<2560xf32, #tpu.memory_space<vmem>> -> memref<640xf32, #tpu.memory_space<vmem>>
    %dma_wait3A_472 = tpu.memref_slice %arg42[%dma_wait3A_469, %mul3A_468] : memref<16x10240xf32, #tpu.memory_space<vmem_shared>> -> memref<1x640xf32, #tpu.memory_space<vmem_shared>>
    %dma_wait3A_473 = tpu.memref_squeeze %dma_wait3A_472 : memref<1x640xf32, #tpu.memory_space<vmem_shared>> -> memref<640xf32, #tpu.memory_space<vmem_shared>>
    %dma_wait3A_474 = arith.constant 640 : i32
    %dma_wait3A_475 = tpu.memref_slice %arg12[%dma_wait3A_474] : memref<2560xf32, #tpu.memory_space<vmem>> -> memref<640xf32, #tpu.memory_space<vmem>>
    %dma_wait3A_476 = tpu.memref_slice %arg42[%dma_wait3A_469, %mul3A_468] : memref<16x10240xf32, #tpu.memory_space<vmem_shared>> -> memref<1x640xf32, #tpu.memory_space<vmem_shared>>
    %dma_wait3A_477 = tpu.memref_squeeze %dma_wait3A_476 : memref<1x640xf32, #tpu.memory_space<vmem_shared>> -> memref<640xf32, #tpu.memory_space<vmem_shared>>
    tpu.wait_dma2 semaphore(%arg35 : memref<!tpu.dma_semaphore, #tpu.memory_space<semaphore_mem>>) src(%dma_wait3A_477 : memref<640xf32, #tpu.memory_space<vmem_shared>>) dst(%dma_wait3A_475 : memref<640xf32, #tpu.memory_space<vmem>>)
    %mul3A_478 = arith.constant 640 : i32
    %mul3A_479 = arith.muli %arg1, %mul3A_478 : i32
    %dma_wait3A_480 = arith.constant 10 : i32
    %dma_wait3A_481 = arith.constant 1280 : i32
    %dma_wait3A_482 = tpu.memref_slice %arg12[%dma_wait3A_481] : memref<2560xf32, #tpu.memory_space<vmem>> -> memref<640xf32, #tpu.memory_space<vmem>>
    %dma_wait3A_483 = tpu.memref_slice %arg42[%dma_wait3A_480, %mul3A_479] : memref<16x10240xf32, #tpu.memory_space<vmem_shared>> -> memref<1x640xf32, #tpu.memory_space<vmem_shared>>
    %dma_wait3A_484 = tpu.memref_squeeze %dma_wait3A_483 : memref<1x640xf32, #tpu.memory_space<vmem_shared>> -> memref<640xf32, #tpu.memory_space<vmem_shared>>
    %dma_wait3A_485 = arith.constant 1280 : i32
    %dma_wait3A_486 = tpu.memref_slice %arg12[%dma_wait3A_485] : memref<2560xf32, #tpu.memory_space<vmem>> -> memref<640xf32, #tpu.memory_space<vmem>>
    %dma_wait3A_487 = tpu.memref_slice %arg42[%dma_wait3A_480, %mul3A_479] : memref<16x10240xf32, #tpu.memory_space<vmem_shared>> -> memref<1x640xf32, #tpu.memory_space<vmem_shared>>
    %dma_wait3A_488 = tpu.memref_squeeze %dma_wait3A_487 : memref<1x640xf32, #tpu.memory_space<vmem_shared>> -> memref<640xf32, #tpu.memory_space<vmem_shared>>
    tpu.wait_dma2 semaphore(%arg35 : memref<!tpu.dma_semaphore, #tpu.memory_space<semaphore_mem>>) src(%dma_wait3A_488 : memref<640xf32, #tpu.memory_space<vmem_shared>>) dst(%dma_wait3A_486 : memref<640xf32, #tpu.memory_space<vmem>>)
    %mul3A_489 = arith.constant 640 : i32
    %mul3A_490 = arith.muli %arg1, %mul3A_489 : i32
    %dma_wait3A_491 = arith.constant 11 : i32
    %dma_wait3A_492 = arith.constant 1920 : i32
    %dma_wait3A_493 = tpu.memref_slice %arg12[%dma_wait3A_492] : memref<2560xf32, #tpu.memory_space<vmem>> -> memref<640xf32, #tpu.memory_space<vmem>>
    %dma_wait3A_494 = tpu.memref_slice %arg42[%dma_wait3A_491, %mul3A_490] : memref<16x10240xf32, #tpu.memory_space<vmem_shared>> -> memref<1x640xf32, #tpu.memory_space<vmem_shared>>
    %dma_wait3A_495 = tpu.memref_squeeze %dma_wait3A_494 : memref<1x640xf32, #tpu.memory_space<vmem_shared>> -> memref<640xf32, #tpu.memory_space<vmem_shared>>
    %dma_wait3A_496 = arith.constant 1920 : i32
    %dma_wait3A_497 = tpu.memref_slice %arg12[%dma_wait3A_496] : memref<2560xf32, #tpu.memory_space<vmem>> -> memref<640xf32, #tpu.memory_space<vmem>>
    %dma_wait3A_498 = tpu.memref_slice %arg42[%dma_wait3A_491, %mul3A_490] : memref<16x10240xf32, #tpu.memory_space<vmem_shared>> -> memref<1x640xf32, #tpu.memory_space<vmem_shared>>
    %dma_wait3A_499 = tpu.memref_squeeze %dma_wait3A_498 : memref<1x640xf32, #tpu.memory_space<vmem_shared>> -> memref<640xf32, #tpu.memory_space<vmem_shared>>
    tpu.wait_dma2 semaphore(%arg35 : memref<!tpu.dma_semaphore, #tpu.memory_space<semaphore_mem>>) src(%dma_wait3A_499 : memref<640xf32, #tpu.memory_space<vmem_shared>>) dst(%dma_wait3A_497 : memref<640xf32, #tpu.memory_space<vmem>>)
    %scan3A_500 = arith.constant 0 : i32
    %scan3A_501 = arith.constant 0 : i32
    %scan3A_502 = arith.constant 40 : i32
    %scan3A_503 = arith.addi %scan3A_501, %scan3A_502 : i32
    %scan3A_504 = arith.constant 1 : i32
    scf.for %scan3A_859 = %scan3A_501 to %scan3A_503 step %scan3A_504  : i32 {
      %mul3A_860 = arith.constant 16 : i32
      %mul3A_861 = arith.muli %scan3A_859, %mul3A_860 : i32
      %get3A = arith.index_cast %mul3A_861 : i32 to index
      %get3A_862 = tpu.vector_load %arg12[%get3A] {strides = array<i32>} : memref<2560xf32, #tpu.memory_space<vmem>>, vector<16xf32>,
      %mul3A_863 = arith.constant 16 : i32
      %mul3A_864 = arith.muli %scan3A_859, %mul3A_863 : i32
      %add3A_865 = arith.constant 640 : i32
      %add3A_866 = arith.addi %add3A_865, %mul3A_864 : i32
      %get3A_867 = arith.index_cast %add3A_866 : i32 to index
      %get3A_868 = tpu.vector_load %arg12[%get3A_867] {strides = array<i32>} : memref<2560xf32, #tpu.memory_space<vmem>>, vector<16xf32>,
      %add3A_869 = arith.addf %get3A_862, %get3A_868 : vector<16xf32>
      %mul3A_870 = arith.constant 16 : i32
      %mul3A_871 = arith.muli %scan3A_859, %mul3A_870 : i32
      %add3A_872 = arith.constant 1280 : i32
      %add3A_873 = arith.addi %add3A_872, %mul3A_871 : i32
      %get3A_874 = arith.index_cast %add3A_873 : i32 to index
      %get3A_875 = tpu.vector_load %arg12[%get3A_874] {strides = array<i32>} : memref<2560xf32, #tpu.memory_space<vmem>>, vector<16xf32>,
      %add3A_876 = arith.addf %add3A_869, %get3A_875 : vector<16xf32>
      %mul3A_877 = arith.constant 16 : i32
      %mul3A_878 = arith.muli %scan3A_859, %mul3A_877 : i32
      %add3A_879 = arith.constant 1920 : i32
      %add3A_880 = arith.addi %add3A_879, %mul3A_878 : i32
      %get3A_881 = arith.index_cast %add3A_880 : i32 to index
      %get3A_882 = tpu.vector_load %arg12[%get3A_881] {strides = array<i32>} : memref<2560xf32, #tpu.memory_space<vmem>>, vector<16xf32>,
      %add3A_883 = arith.addf %add3A_876, %get3A_882 : vector<16xf32>
      %mul3A_884 = arith.constant 16 : i32
      %mul3A_885 = arith.muli %scan3A_859, %mul3A_884 : i32
      %get3A_886 = arith.index_cast %mul3A_885 : i32 to index
      %get3A_887 = tpu.vector_load %arg11[%get3A_886] {strides = array<i32>} : memref<10240xf32, #tpu.memory_space<vmem>>, vector<16xf32>,
      %add3A_888 = arith.addf %add3A_883, %get3A_887 : vector<16xf32>
      %mul3A_889 = arith.constant 16 : i32
      %mul3A_890 = arith.muli %scan3A_859, %mul3A_889 : i32
      %swap3A_891 = arith.index_cast %mul3A_890 : i32 to index
      %swap3A_892 = tpu.vector_load %arg11[%swap3A_891] {strides = array<i32>} : memref<10240xf32, #tpu.memory_space<vmem>>, vector<16xf32>,
      tpu.vector_store %arg11[%swap3A_891], %add3A_888 {strides = array<i32>} : memref<10240xf32, #tpu.memory_space<vmem>>, vector<16xf32>,
    }
    %scan3A_505 = arith.constant 40 : i32
    %mul3A_506 = arith.constant 640 : i32
    %mul3A_507 = arith.muli %arg1, %mul3A_506 : i32
    %dma_start3A_508 = arith.constant 12 : i32
    %dma_start3A_509 = arith.constant 0 : i32
    %dma_start3A_510 = tpu.memref_slice %arg12[%dma_start3A_509] : memref<2560xf32, #tpu.memory_space<vmem>> -> memref<640xf32, #tpu.memory_space<vmem>>
    %dma_start3A_511 = tpu.memref_slice %arg42[%dma_start3A_508, %mul3A_507] : memref<16x10240xf32, #tpu.memory_space<vmem_shared>> -> memref<1x640xf32, #tpu.memory_space<vmem_shared>>
    %dma_start3A_512 = tpu.memref_squeeze %dma_start3A_511 : memref<1x640xf32, #tpu.memory_space<vmem_shared>> -> memref<640xf32, #tpu.memory_space<vmem_shared>>
    %dma_start3A_513 = arith.constant 0 : i32
    %dma_start3A_514 = tpu.memref_slice %arg12[%dma_start3A_513] : memref<2560xf32, #tpu.memory_space<vmem>> -> memref<640xf32, #tpu.memory_space<vmem>>
    %dma_start3A_515 = tpu.memref_slice %arg42[%dma_start3A_508, %mul3A_507] : memref<16x10240xf32, #tpu.memory_space<vmem_shared>> -> memref<1x640xf32, #tpu.memory_space<vmem_shared>>
    %dma_start3A_516 = tpu.memref_squeeze %dma_start3A_515 : memref<1x640xf32, #tpu.memory_space<vmem_shared>> -> memref<640xf32, #tpu.memory_space<vmem_shared>>
    tpu.enqueue_dma source(%dma_start3A_516 : memref<640xf32, #tpu.memory_space<vmem_shared>>) target(%dma_start3A_514 : memref<640xf32, #tpu.memory_space<vmem>>) target_semaphore(%arg35 : memref<!tpu.dma_semaphore, #tpu.memory_space<semaphore_mem>>)
    %mul3A_517 = arith.constant 640 : i32
    %mul3A_518 = arith.muli %arg1, %mul3A_517 : i32
    %dma_start3A_519 = arith.constant 13 : i32
    %dma_start3A_520 = arith.constant 640 : i32
    %dma_start3A_521 = tpu.memref_slice %arg12[%dma_start3A_520] : memref<2560xf32, #tpu.memory_space<vmem>> -> memref<640xf32, #tpu.memory_space<vmem>>
    %dma_start3A_522 = tpu.memref_slice %arg42[%dma_start3A_519, %mul3A_518] : memref<16x10240xf32, #tpu.memory_space<vmem_shared>> -> memref<1x640xf32, #tpu.memory_space<vmem_shared>>
    %dma_start3A_523 = tpu.memref_squeeze %dma_start3A_522 : memref<1x640xf32, #tpu.memory_space<vmem_shared>> -> memref<640xf32, #tpu.memory_space<vmem_shared>>
    %dma_start3A_524 = arith.constant 640 : i32
    %dma_start3A_525 = tpu.memref_slice %arg12[%dma_start3A_524] : memref<2560xf32, #tpu.memory_space<vmem>> -> memref<640xf32, #tpu.memory_space<vmem>>
    %dma_start3A_526 = tpu.memref_slice %arg42[%dma_start3A_519, %mul3A_518] : memref<16x10240xf32, #tpu.memory_space<vmem_shared>> -> memref<1x640xf32, #tpu.memory_space<vmem_shared>>
    %dma_start3A_527 = tpu.memref_squeeze %dma_start3A_526 : memref<1x640xf32, #tpu.memory_space<vmem_shared>> -> memref<640xf32, #tpu.memory_space<vmem_shared>>
    tpu.enqueue_dma source(%dma_start3A_527 : memref<640xf32, #tpu.memory_space<vmem_shared>>) target(%dma_start3A_525 : memref<640xf32, #tpu.memory_space<vmem>>) target_semaphore(%arg35 : memref<!tpu.dma_semaphore, #tpu.memory_space<semaphore_mem>>)
    %mul3A_528 = arith.constant 640 : i32
    %mul3A_529 = arith.muli %arg1, %mul3A_528 : i32
    %dma_start3A_530 = arith.constant 14 : i32
    %dma_start3A_531 = arith.constant 1280 : i32
    %dma_start3A_532 = tpu.memref_slice %arg12[%dma_start3A_531] : memref<2560xf32, #tpu.memory_space<vmem>> -> memref<640xf32, #tpu.memory_space<vmem>>
    %dma_start3A_533 = tpu.memref_slice %arg42[%dma_start3A_530, %mul3A_529] : memref<16x10240xf32, #tpu.memory_space<vmem_shared>> -> memref<1x640xf32, #tpu.memory_space<vmem_shared>>
    %dma_start3A_534 = tpu.memref_squeeze %dma_start3A_533 : memref<1x640xf32, #tpu.memory_space<vmem_shared>> -> memref<640xf32, #tpu.memory_space<vmem_shared>>
    %dma_start3A_535 = arith.constant 1280 : i32
    %dma_start3A_536 = tpu.memref_slice %arg12[%dma_start3A_535] : memref<2560xf32, #tpu.memory_space<vmem>> -> memref<640xf32, #tpu.memory_space<vmem>>
    %dma_start3A_537 = tpu.memref_slice %arg42[%dma_start3A_530, %mul3A_529] : memref<16x10240xf32, #tpu.memory_space<vmem_shared>> -> memref<1x640xf32, #tpu.memory_space<vmem_shared>>
    %dma_start3A_538 = tpu.memref_squeeze %dma_start3A_537 : memref<1x640xf32, #tpu.memory_space<vmem_shared>> -> memref<640xf32, #tpu.memory_space<vmem_shared>>
    tpu.enqueue_dma source(%dma_start3A_538 : memref<640xf32, #tpu.memory_space<vmem_shared>>) target(%dma_start3A_536 : memref<640xf32, #tpu.memory_space<vmem>>) target_semaphore(%arg35 : memref<!tpu.dma_semaphore, #tpu.memory_space<semaphore_mem>>)
    %mul3A_539 = arith.constant 640 : i32
    %mul3A_540 = arith.muli %arg1, %mul3A_539 : i32
    %dma_start3A_541 = arith.constant 15 : i32
    %dma_start3A_542 = arith.constant 1920 : i32
    %dma_start3A_543 = tpu.memref_slice %arg12[%dma_start3A_542] : memref<2560xf32, #tpu.memory_space<vmem>> -> memref<640xf32, #tpu.memory_space<vmem>>
    %dma_start3A_544 = tpu.memref_slice %arg42[%dma_start3A_541, %mul3A_540] : memref<16x10240xf32, #tpu.memory_space<vmem_shared>> -> memref<1x640xf32, #tpu.memory_space<vmem_shared>>
    %dma_start3A_545 = tpu.memref_squeeze %dma_start3A_544 : memref<1x640xf32, #tpu.memory_space<vmem_shared>> -> memref<640xf32, #tpu.memory_space<vmem_shared>>
    %dma_start3A_546 = arith.constant 1920 : i32
    %dma_start3A_547 = tpu.memref_slice %arg12[%dma_start3A_546] : memref<2560xf32, #tpu.memory_space<vmem>> -> memref<640xf32, #tpu.memory_space<vmem>>
    %dma_start3A_548 = tpu.memref_slice %arg42[%dma_start3A_541, %mul3A_540] : memref<16x10240xf32, #tpu.memory_space<vmem_shared>> -> memref<1x640xf32, #tpu.memory_space<vmem_shared>>
    %dma_start3A_549 = tpu.memref_squeeze %dma_start3A_548 : memref<1x640xf32, #tpu.memory_space<vmem_shared>> -> memref<640xf32, #tpu.memory_space<vmem_shared>>
    tpu.enqueue_dma source(%dma_start3A_549 : memref<640xf32, #tpu.memory_space<vmem_shared>>) target(%dma_start3A_547 : memref<640xf32, #tpu.memory_space<vmem>>) target_semaphore(%arg35 : memref<!tpu.dma_semaphore, #tpu.memory_space<semaphore_mem>>)
    %mul3A_550 = arith.constant 640 : i32
    %mul3A_551 = arith.muli %arg1, %mul3A_550 : i32
    %dma_wait3A_552 = arith.constant 12 : i32
    %dma_wait3A_553 = arith.constant 0 : i32
    %dma_wait3A_554 = tpu.memref_slice %arg12[%dma_wait3A_553] : memref<2560xf32, #tpu.memory_space<vmem>> -> memref<640xf32, #tpu.memory_space<vmem>>
    %dma_wait3A_555 = tpu.memref_slice %arg42[%dma_wait3A_552, %mul3A_551] : memref<16x10240xf32, #tpu.memory_space<vmem_shared>> -> memref<1x640xf32, #tpu.memory_space<vmem_shared>>
    %dma_wait3A_556 = tpu.memref_squeeze %dma_wait3A_555 : memref<1x640xf32, #tpu.memory_space<vmem_shared>> -> memref<640xf32, #tpu.memory_space<vmem_shared>>
    %dma_wait3A_557 = arith.constant 0 : i32
    %dma_wait3A_558 = tpu.memref_slice %arg12[%dma_wait3A_557] : memref<2560xf32, #tpu.memory_space<vmem>> -> memref<640xf32, #tpu.memory_space<vmem>>
    %dma_wait3A_559 = tpu.memref_slice %arg42[%dma_wait3A_552, %mul3A_551] : memref<16x10240xf32, #tpu.memory_space<vmem_shared>> -> memref<1x640xf32, #tpu.memory_space<vmem_shared>>
    %dma_wait3A_560 = tpu.memref_squeeze %dma_wait3A_559 : memref<1x640xf32, #tpu.memory_space<vmem_shared>> -> memref<640xf32, #tpu.memory_space<vmem_shared>>
    tpu.wait_dma2 semaphore(%arg35 : memref<!tpu.dma_semaphore, #tpu.memory_space<semaphore_mem>>) src(%dma_wait3A_560 : memref<640xf32, #tpu.memory_space<vmem_shared>>) dst(%dma_wait3A_558 : memref<640xf32, #tpu.memory_space<vmem>>)
    %mul3A_561 = arith.constant 640 : i32
    %mul3A_562 = arith.muli %arg1, %mul3A_561 : i32
    %dma_wait3A_563 = arith.constant 13 : i32
    %dma_wait3A_564 = arith.constant 640 : i32
    %dma_wait3A_565 = tpu.memref_slice %arg12[%dma_wait3A_564] : memref<2560xf32, #tpu.memory_space<vmem>> -> memref<640xf32, #tpu.memory_space<vmem>>
    %dma_wait3A_566 = tpu.memref_slice %arg42[%dma_wait3A_563, %mul3A_562] : memref<16x10240xf32, #tpu.memory_space<vmem_shared>> -> memref<1x640xf32, #tpu.memory_space<vmem_shared>>
    %dma_wait3A_567 = tpu.memref_squeeze %dma_wait3A_566 : memref<1x640xf32, #tpu.memory_space<vmem_shared>> -> memref<640xf32, #tpu.memory_space<vmem_shared>>
    %dma_wait3A_568 = arith.constant 640 : i32
    %dma_wait3A_569 = tpu.memref_slice %arg12[%dma_wait3A_568] : memref<2560xf32, #tpu.memory_space<vmem>> -> memref<640xf32, #tpu.memory_space<vmem>>
    %dma_wait3A_570 = tpu.memref_slice %arg42[%dma_wait3A_563, %mul3A_562] : memref<16x10240xf32, #tpu.memory_space<vmem_shared>> -> memref<1x640xf32, #tpu.memory_space<vmem_shared>>
    %dma_wait3A_571 = tpu.memref_squeeze %dma_wait3A_570 : memref<1x640xf32, #tpu.memory_space<vmem_shared>> -> memref<640xf32, #tpu.memory_space<vmem_shared>>
    tpu.wait_dma2 semaphore(%arg35 : memref<!tpu.dma_semaphore, #tpu.memory_space<semaphore_mem>>) src(%dma_wait3A_571 : memref<640xf32, #tpu.memory_space<vmem_shared>>) dst(%dma_wait3A_569 : memref<640xf32, #tpu.memory_space<vmem>>)
    %mul3A_572 = arith.constant 640 : i32
    %mul3A_573 = arith.muli %arg1, %mul3A_572 : i32
    %dma_wait3A_574 = arith.constant 14 : i32
    %dma_wait3A_575 = arith.constant 1280 : i32
    %dma_wait3A_576 = tpu.memref_slice %arg12[%dma_wait3A_575] : memref<2560xf32, #tpu.memory_space<vmem>> -> memref<640xf32, #tpu.memory_space<vmem>>
    %dma_wait3A_577 = tpu.memref_slice %arg42[%dma_wait3A_574, %mul3A_573] : memref<16x10240xf32, #tpu.memory_space<vmem_shared>> -> memref<1x640xf32, #tpu.memory_space<vmem_shared>>
    %dma_wait3A_578 = tpu.memref_squeeze %dma_wait3A_577 : memref<1x640xf32, #tpu.memory_space<vmem_shared>> -> memref<640xf32, #tpu.memory_space<vmem_shared>>
    %dma_wait3A_579 = arith.constant 1280 : i32
    %dma_wait3A_580 = tpu.memref_slice %arg12[%dma_wait3A_579] : memref<2560xf32, #tpu.memory_space<vmem>> -> memref<640xf32, #tpu.memory_space<vmem>>
    %dma_wait3A_581 = tpu.memref_slice %arg42[%dma_wait3A_574, %mul3A_573] : memref<16x10240xf32, #tpu.memory_space<vmem_shared>> -> memref<1x640xf32, #tpu.memory_space<vmem_shared>>
    %dma_wait3A_582 = tpu.memref_squeeze %dma_wait3A_581 : memref<1x640xf32, #tpu.memory_space<vmem_shared>> -> memref<640xf32, #tpu.memory_space<vmem_shared>>
    tpu.wait_dma2 semaphore(%arg35 : memref<!tpu.dma_semaphore, #tpu.memory_space<semaphore_mem>>) src(%dma_wait3A_582 : memref<640xf32, #tpu.memory_space<vmem_shared>>) dst(%dma_wait3A_580 : memref<640xf32, #tpu.memory_space<vmem>>)
    %mul3A_583 = arith.constant 640 : i32
    %mul3A_584 = arith.muli %arg1, %mul3A_583 : i32
    %dma_wait3A_585 = arith.constant 15 : i32
    %dma_wait3A_586 = arith.constant 1920 : i32
    %dma_wait3A_587 = tpu.memref_slice %arg12[%dma_wait3A_586] : memref<2560xf32, #tpu.memory_space<vmem>> -> memref<640xf32, #tpu.memory_space<vmem>>
    %dma_wait3A_588 = tpu.memref_slice %arg42[%dma_wait3A_585, %mul3A_584] : memref<16x10240xf32, #tpu.memory_space<vmem_shared>> -> memref<1x640xf32, #tpu.memory_space<vmem_shared>>
    %dma_wait3A_589 = tpu.memref_squeeze %dma_wait3A_588 : memref<1x640xf32, #tpu.memory_space<vmem_shared>> -> memref<640xf32, #tpu.memory_space<vmem_shared>>
    %dma_wait3A_590 = arith.constant 1920 : i32
    %dma_wait3A_591 = tpu.memref_slice %arg12[%dma_wait3A_590] : memref<2560xf32, #tpu.memory_space<vmem>> -> memref<640xf32, #tpu.memory_space<vmem>>
    %dma_wait3A_592 = tpu.memref_slice %arg42[%dma_wait3A_585, %mul3A_584] : memref<16x10240xf32, #tpu.memory_space<vmem_shared>> -> memref<1x640xf32, #tpu.memory_space<vmem_shared>>
    %dma_wait3A_593 = tpu.memref_squeeze %dma_wait3A_592 : memref<1x640xf32, #tpu.memory_space<vmem_shared>> -> memref<640xf32, #tpu.memory_space<vmem_shared>>
    tpu.wait_dma2 semaphore(%arg35 : memref<!tpu.dma_semaphore, #tpu.memory_space<semaphore_mem>>) src(%dma_wait3A_593 : memref<640xf32, #tpu.memory_space<vmem_shared>>) dst(%dma_wait3A_591 : memref<640xf32, #tpu.memory_space<vmem>>)
    %scan3A_594 = arith.constant 0 : i32
    %scan3A_595 = arith.constant 0 : i32
    %scan3A_596 = arith.constant 40 : i32
    %scan3A_597 = arith.addi %scan3A_595, %scan3A_596 : i32
    %scan3A_598 = arith.constant 1 : i32
    scf.for %scan3A_859 = %scan3A_595 to %scan3A_597 step %scan3A_598  : i32 {
      %mul3A_860 = arith.constant 16 : i32
      %mul3A_861 = arith.muli %scan3A_859, %mul3A_860 : i32
      %get3A = arith.index_cast %mul3A_861 : i32 to index
      %get3A_862 = tpu.vector_load %arg12[%get3A] {strides = array<i32>} : memref<2560xf32, #tpu.memory_space<vmem>>, vector<16xf32>,
      %mul3A_863 = arith.constant 16 : i32
      %mul3A_864 = arith.muli %scan3A_859, %mul3A_863 : i32
      %add3A_865 = arith.constant 640 : i32
      %add3A_866 = arith.addi %add3A_865, %mul3A_864 : i32
      %get3A_867 = arith.index_cast %add3A_866 : i32 to index
      %get3A_868 = tpu.vector_load %arg12[%get3A_867] {strides = array<i32>} : memref<2560xf32, #tpu.memory_space<vmem>>, vector<16xf32>,
      %add3A_869 = arith.addf %get3A_862, %get3A_868 : vector<16xf32>
      %mul3A_870 = arith.constant 16 : i32
      %mul3A_871 = arith.muli %scan3A_859, %mul3A_870 : i32
      %add3A_872 = arith.constant 1280 : i32
      %add3A_873 = arith.addi %add3A_872, %mul3A_871 : i32
      %get3A_874 = arith.index_cast %add3A_873 : i32 to index
      %get3A_875 = tpu.vector_load %arg12[%get3A_874] {strides = array<i32>} : memref<2560xf32, #tpu.memory_space<vmem>>, vector<16xf32>,
      %add3A_876 = arith.addf %add3A_869, %get3A_875 : vector<16xf32>
      %mul3A_877 = arith.constant 16 : i32
      %mul3A_878 = arith.muli %scan3A_859, %mul3A_877 : i32
      %add3A_879 = arith.constant 1920 : i32
      %add3A_880 = arith.addi %add3A_879, %mul3A_878 : i32
      %get3A_881 = arith.index_cast %add3A_880 : i32 to index
      %get3A_882 = tpu.vector_load %arg12[%get3A_881] {strides = array<i32>} : memref<2560xf32, #tpu.memory_space<vmem>>, vector<16xf32>,
      %add3A_883 = arith.addf %add3A_876, %get3A_882 : vector<16xf32>
      %mul3A_884 = arith.constant 16 : i32
      %mul3A_885 = arith.muli %scan3A_859, %mul3A_884 : i32
      %get3A_886 = arith.index_cast %mul3A_885 : i32 to index
      %get3A_887 = tpu.vector_load %arg11[%get3A_886] {strides = array<i32>} : memref<10240xf32, #tpu.memory_space<vmem>>, vector<16xf32>,
      %add3A_888 = arith.addf %add3A_883, %get3A_887 : vector<16xf32>
      %mul3A_889 = arith.constant 16 : i32
      %mul3A_890 = arith.muli %scan3A_859, %mul3A_889 : i32
      %swap3A_891 = arith.index_cast %mul3A_890 : i32 to index
      %swap3A_892 = tpu.vector_load %arg11[%swap3A_891] {strides = array<i32>} : memref<10240xf32, #tpu.memory_space<vmem>>, vector<16xf32>,
      tpu.vector_store %arg11[%swap3A_891], %add3A_888 {strides = array<i32>} : memref<10240xf32, #tpu.memory_space<vmem>>, vector<16xf32>,
    }
    %scan3A_599 = arith.constant 40 : i32
    %scan3A_600 = arith.constant 0 : i32
    %scan3A_601 = arith.constant 0 : i32
    %scan3A_602 = arith.constant 40 : i32
    %scan3A_603 = arith.addi %scan3A_601, %scan3A_602 : i32
    %scan3A_604 = arith.constant 1 : i32
    scf.for %scan3A_859 = %scan3A_601 to %scan3A_603 step %scan3A_604  : i32 {
      %mul3A_860 = arith.constant 16 : i32
      %mul3A_861 = arith.muli %scan3A_859, %mul3A_860 : i32
      %get3A = arith.index_cast %mul3A_861 : i32 to index
      %get3A_862 = tpu.vector_load %arg11[%get3A] {strides = array<i32>} : memref<10240xf32, #tpu.memory_space<vmem>>, vector<16xf32>,
      %add3A_863 = arith.constant 1.000000e+00 : f32
      %add3A_864 = vector.broadcast %add3A_863 : f32 to vector<16xf32>
      %add3A_865 = arith.addf %get3A_862, %add3A_864 : vector<16xf32>
      %bitcast3A = vector.bitcast %add3A_865 : vector<16xf32> to vector<16xi32>
      %shift_right_logical3A = arith.constant 1 : i32
      %shift_right_logical3A_866 = vector.broadcast %shift_right_logical3A : i32 to vector<16xi32>
      %shift_right_logical3A_867 = arith.shrui %bitcast3A, %shift_right_logical3A_866 : vector<16xi32>
      %sub3A_868 = arith.constant 1597463007 : i32
      %sub3A_869 = vector.broadcast %sub3A_868 : i32 to vector<16xi32>
      %sub3A_870 = arith.subi %sub3A_869, %shift_right_logical3A_867 : vector<16xi32>
      %bitcast3A_871 = vector.bitcast %sub3A_870 : vector<16xi32> to vector<16xf32>
      %mul3A_872 = arith.constant 5.000000e-01 : f32
      %mul3A_873 = vector.broadcast %mul3A_872 : f32 to vector<16xf32>
      %mul3A_874 = arith.mulf %mul3A_873, %add3A_865 : vector<16xf32>
      %mul3A_875 = arith.mulf %mul3A_874, %bitcast3A_871 : vector<16xf32>
      %mul3A_876 = arith.mulf %mul3A_875, %bitcast3A_871 : vector<16xf32>
      %sub3A_877 = arith.constant 1.500000e+00 : f32
      %sub3A_878 = vector.broadcast %sub3A_877 : f32 to vector<16xf32>
      %sub3A_879 = arith.subf %sub3A_878, %mul3A_876 : vector<16xf32>
      %mul3A_880 = arith.mulf %bitcast3A_871, %sub3A_879 : vector<16xf32>
      %mul3A_881 = arith.mulf %mul3A_874, %mul3A_880 : vector<16xf32>
      %mul3A_882 = arith.mulf %mul3A_881, %mul3A_880 : vector<16xf32>
      %sub3A_883 = arith.constant 1.500000e+00 : f32
      %sub3A_884 = vector.broadcast %sub3A_883 : f32 to vector<16xf32>
      %sub3A_885 = arith.subf %sub3A_884, %mul3A_882 : vector<16xf32>
      %mul3A_886 = arith.mulf %mul3A_880, %sub3A_885 : vector<16xf32>
      %mul3A_887 = arith.mulf %mul3A_874, %mul3A_886 : vector<16xf32>
      %mul3A_888 = arith.mulf %mul3A_887, %mul3A_886 : vector<16xf32>
      %sub3A_889 = arith.constant 1.500000e+00 : f32
      %sub3A_890 = vector.broadcast %sub3A_889 : f32 to vector<16xf32>
      %sub3A_891 = arith.subf %sub3A_890, %mul3A_888 : vector<16xf32>
      %mul3A_892 = arith.mulf %mul3A_886, %sub3A_891 : vector<16xf32>
      %mul3A_893 = arith.constant 16 : i32
      %mul3A_894 = arith.muli %scan3A_859, %mul3A_893 : i32
      %swap3A_895 = arith.index_cast %mul3A_894 : i32 to index
      %swap3A_896 = tpu.vector_load %arg11[%swap3A_895] {strides = array<i32>} : memref<10240xf32, #tpu.memory_space<vmem>>, vector<16xf32>,
      tpu.vector_store %arg11[%swap3A_895], %mul3A_892 {strides = array<i32>} : memref<10240xf32, #tpu.memory_space<vmem>>, vector<16xf32>,
    }
    %scan3A_605 = arith.constant 40 : i32
    %mul3A_606 = arith.constant 640 : i32
    %mul3A_607 = arith.muli %arg1, %mul3A_606 : i32
    "tpu.region"() ({
      %run_scoped3A = tpu.sem_alloc : memref<!tpu.dma_semaphore, #tpu.memory_space<semaphore_mem>>
      %dma_start3A_859 = arith.constant 0 : i32
      %dma_start3A_860 = tpu.memref_slice %arg11[%dma_start3A_859] : memref<10240xf32, #tpu.memory_space<vmem>> -> memref<640xf32, #tpu.memory_space<vmem>>
      %dma_start3A_861 = tpu.memref_slice %arg41[%mul3A_607] : memref<10240xf32, #tpu.memory_space<vmem_shared>> -> memref<640xf32, #tpu.memory_space<vmem_shared>>
      %dma_start3A_862 = tpu.memref_slice %arg41[%mul3A_607] : memref<10240xf32, #tpu.memory_space<vmem_shared>> -> memref<640xf32, #tpu.memory_space<vmem_shared>>
      %dma_start3A_863 = arith.constant 0 : i32
      %dma_start3A_864 = tpu.memref_slice %arg11[%dma_start3A_863] : memref<10240xf32, #tpu.memory_space<vmem>> -> memref<640xf32, #tpu.memory_space<vmem>>
      tpu.enqueue_dma source(%dma_start3A_864 : memref<640xf32, #tpu.memory_space<vmem>>) target(%dma_start3A_862 : memref<640xf32, #tpu.memory_space<vmem_shared>>) target_semaphore(%run_scoped3A : memref<!tpu.dma_semaphore, #tpu.memory_space<semaphore_mem>>)
      %dma_wait3A_865 = arith.constant 0 : i32
      %dma_wait3A_866 = tpu.memref_slice %arg11[%dma_wait3A_865] : memref<10240xf32, #tpu.memory_space<vmem>> -> memref<640xf32, #tpu.memory_space<vmem>>
      %dma_wait3A_867 = tpu.memref_slice %arg41[%mul3A_607] : memref<10240xf32, #tpu.memory_space<vmem_shared>> -> memref<640xf32, #tpu.memory_space<vmem_shared>>
      %dma_wait3A_868 = tpu.memref_slice %arg41[%mul3A_607] : memref<10240xf32, #tpu.memory_space<vmem_shared>> -> memref<640xf32, #tpu.memory_space<vmem_shared>>
      %dma_wait3A_869 = arith.constant 0 : i32
      %dma_wait3A_870 = tpu.memref_slice %arg11[%dma_wait3A_869] : memref<10240xf32, #tpu.memory_space<vmem>> -> memref<640xf32, #tpu.memory_space<vmem>>
      tpu.wait_dma2 semaphore(%run_scoped3A : memref<!tpu.dma_semaphore, #tpu.memory_space<semaphore_mem>>) src(%dma_wait3A_870 : memref<640xf32, #tpu.memory_space<vmem>>) dst(%dma_wait3A_868 : memref<640xf32, #tpu.memory_space<vmem_shared>>)
      tpu.yield
    }) : () -> ()
    %mul3A_608 = arith.constant 40960 : i32
    %mul3A_609 = arith.muli %arg1, %mul3A_608 : i32
    %add3A_610 = arith.constant 0 : i32
    %add3A_611 = arith.addi %mul3A_609, %add3A_610 : i32
    %dma_wait3A_612 = tpu.memref_slice %arg44[%add3A_611] : memref<655360xf32, #tpu.memory_space<vmem_shared>> -> memref<10240xf32, #tpu.memory_space<vmem_shared>>
    %dma_wait3A_613 = tpu.memref_slice %arg44[%add3A_611] : memref<655360xf32, #tpu.memory_space<vmem_shared>> -> memref<10240xf32, #tpu.memory_space<vmem_shared>>
    tpu.wait_dma2 semaphore(%arg31 : memref<!tpu.dma_semaphore, #tpu.memory_space<semaphore_mem>>) src(%arg10 : memref<10240xf32, #tpu.memory_space<vmem>>) dst(%dma_wait3A_613 : memref<10240xf32, #tpu.memory_space<vmem_shared>>)
    %mul3A_614 = arith.constant 40960 : i32
    %mul3A_615 = arith.muli %arg1, %mul3A_614 : i32
    %add3A_616 = arith.constant 10240 : i32
    %add3A_617 = arith.addi %mul3A_615, %add3A_616 : i32
    %dma_wait3A_618 = tpu.memref_slice %arg44[%add3A_617] : memref<655360xf32, #tpu.memory_space<vmem_shared>> -> memref<10240xf32, #tpu.memory_space<vmem_shared>>
    %dma_wait3A_619 = tpu.memref_slice %arg44[%add3A_617] : memref<655360xf32, #tpu.memory_space<vmem_shared>> -> memref<10240xf32, #tpu.memory_space<vmem_shared>>
    tpu.wait_dma2 semaphore(%arg32 : memref<!tpu.dma_semaphore, #tpu.memory_space<semaphore_mem>>) src(%arg10 : memref<10240xf32, #tpu.memory_space<vmem>>) dst(%dma_wait3A_619 : memref<10240xf32, #tpu.memory_space<vmem_shared>>)
    %mul3A_620 = arith.constant 40960 : i32
    %mul3A_621 = arith.muli %arg1, %mul3A_620 : i32
    %add3A_622 = arith.constant 20480 : i32
    %add3A_623 = arith.addi %mul3A_621, %add3A_622 : i32
    %dma_wait3A_624 = tpu.memref_slice %arg44[%add3A_623] : memref<655360xf32, #tpu.memory_space<vmem_shared>> -> memref<10240xf32, #tpu.memory_space<vmem_shared>>
    %dma_wait3A_625 = tpu.memref_slice %arg44[%add3A_623] : memref<655360xf32, #tpu.memory_space<vmem_shared>> -> memref<10240xf32, #tpu.memory_space<vmem_shared>>
    tpu.wait_dma2 semaphore(%arg33 : memref<!tpu.dma_semaphore, #tpu.memory_space<semaphore_mem>>) src(%arg10 : memref<10240xf32, #tpu.memory_space<vmem>>) dst(%dma_wait3A_625 : memref<10240xf32, #tpu.memory_space<vmem_shared>>)
    %mul3A_626 = arith.constant 40960 : i32
    %mul3A_627 = arith.muli %arg1, %mul3A_626 : i32
    %add3A_628 = arith.constant 30720 : i32
    %add3A_629 = arith.addi %mul3A_627, %add3A_628 : i32
    %dma_wait3A_630 = tpu.memref_slice %arg44[%add3A_629] : memref<655360xf32, #tpu.memory_space<vmem_shared>> -> memref<10240xf32, #tpu.memory_space<vmem_shared>>
    %dma_wait3A_631 = tpu.memref_slice %arg44[%add3A_629] : memref<655360xf32, #tpu.memory_space<vmem_shared>> -> memref<10240xf32, #tpu.memory_space<vmem_shared>>
    tpu.wait_dma2 semaphore(%arg34 : memref<!tpu.dma_semaphore, #tpu.memory_space<semaphore_mem>>) src(%arg10 : memref<10240xf32, #tpu.memory_space<vmem>>) dst(%dma_wait3A_631 : memref<10240xf32, #tpu.memory_space<vmem_shared>>)
    %barrier3A_632 = arith.constant 0 : index
    tpu.barrier barrier_id(%barrier3A_632)
    "tpu.region"() ({
      %run_scoped3A = tpu.sem_alloc : memref<!tpu.dma_semaphore, #tpu.memory_space<semaphore_mem>>
      tpu.enqueue_dma source(%arg41 : memref<10240xf32, #tpu.memory_space<vmem_shared>>) target(%arg10 : memref<10240xf32, #tpu.memory_space<vmem>>) target_semaphore(%run_scoped3A : memref<!tpu.dma_semaphore, #tpu.memory_space<semaphore_mem>>)
      tpu.wait_dma2 semaphore(%run_scoped3A : memref<!tpu.dma_semaphore, #tpu.memory_space<semaphore_mem>>) src(%arg41 : memref<10240xf32, #tpu.memory_space<vmem_shared>>) dst(%arg10 : memref<10240xf32, #tpu.memory_space<vmem>>)
      tpu.yield
    }) : () -> ()
    %add3A_633 = arith.constant 0 : i32
    %add3A_634 = arith.addi %add3A, %add3A_633 : i32
    %lt3A = arith.constant 79 : i32
    %lt3A_635 = arith.cmpi slt, %add3A_634, %lt3A : i32
    %convert_element_type3A_636 = arith.extui %lt3A_635 : i1 to i32
    %cond3A_637 = arith.constant 0 : i32
    %cond3A_638 = arith.cmpi ne, %convert_element_type3A_636, %cond3A_637 : i32
    scf.if %cond3A_638 {
      %mul3A_859 = arith.constant 128 : i32
      %mul3A_860 = arith.muli %add3A_634, %mul3A_859 : i32
      %add3A_861 = arith.constant 0 : i32
      %add3A_862 = arith.addi %mul3A_860, %add3A_861 : i32
      %add3A_863 = vector.broadcast %add3A_862 : i32 to vector<16xi32>
      %add3A_864 = arith.addi %add3A_863, %iota3A : vector<16xi32>
      %get3A = arith.index_cast %add3A_862 : i32 to index
      %get3A_865 = tpu.vector_load %arg9[%get3A] {strides = array<i32>} : memref<10112xi32, #tpu.memory_space<vmem>>, vector<16xi32>,
      %get3A_866 = arith.index_cast %add3A_862 : i32 to index
      %get3A_867 = tpu.vector_load %arg10[%get3A_866] {strides = array<i32>} : memref<10240xf32, #tpu.memory_space<vmem>>, vector<16xf32>,
      %mul3A_868 = arith.constant 10240 : i32
      %mul3A_869 = vector.broadcast %mul3A_868 : i32 to vector<16xi32>
      %mul3A_870 = arith.muli %get3A_865, %mul3A_869 : vector<16xi32>
      %add3A_871 = arith.addi %mul3A_870, %add3A_864 : vector<16xi32>
      %swap3A_872 = arith.constant 0 : index
      %swap3A_873 = tpu.vector_load %arg15[%swap3A_872] {strides = array<i32>} : memref<128xi32, #tpu.memory_space<vmem>>, vector<16xi32>,
      tpu.vector_store %arg15[%swap3A_872], %add3A_871 {strides = array<i32>} : memref<128xi32, #tpu.memory_space<vmem>>, vector<16xi32>,
      %lt3A_874 = arith.constant 10000 : i32
      %lt3A_875 = vector.broadcast %lt3A_874 : i32 to vector<16xi32>
      %lt3A_876 = arith.cmpi slt, %add3A_864, %lt3A_875 : vector<16xi32>
      %mul3A_877 = arith.mulf %get3A_867, %get3A_867 : vector<16xf32>
      %jit3A_878 = arith.constant 0.000000e+00 : f32
      %broadcast_in_dim3A_879 = vector.broadcast %jit3A_878 : f32 to vector<16xf32>
      %select_n3A_880 = arith.select %lt3A_876, %mul3A_877, %broadcast_in_dim3A_879 : vector<16xi1>, vector<16xf32>
      %swap3A_881 = arith.constant 0 : index
      %swap3A_882 = tpu.vector_load %arg23[%swap3A_881] {strides = array<i32>} : memref<128xf32, #tpu.memory_space<vmem>>, vector<16xf32>,
      tpu.vector_store %arg23[%swap3A_881], %select_n3A_880 {strides = array<i32>} : memref<128xf32, #tpu.memory_space<vmem>>, vector<16xf32>,
      %mul3A_883 = arith.constant 128 : i32
      %mul3A_884 = arith.muli %add3A_634, %mul3A_883 : i32
      %add3A_885 = arith.constant 16 : i32
      %add3A_886 = arith.addi %mul3A_884, %add3A_885 : i32
      %add3A_887 = vector.broadcast %add3A_886 : i32 to vector<16xi32>
      %add3A_888 = arith.addi %add3A_887, %iota3A : vector<16xi32>
      %get3A_889 = arith.index_cast %add3A_886 : i32 to index
      %get3A_890 = tpu.vector_load %arg9[%get3A_889] {strides = array<i32>} : memref<10112xi32, #tpu.memory_space<vmem>>, vector<16xi32>,
      %get3A_891 = arith.index_cast %add3A_886 : i32 to index
      %get3A_892 = tpu.vector_load %arg10[%get3A_891] {strides = array<i32>} : memref<10240xf32, #tpu.memory_space<vmem>>, vector<16xf32>,
      %mul3A_893 = arith.constant 10240 : i32
      %mul3A_894 = vector.broadcast %mul3A_893 : i32 to vector<16xi32>
      %mul3A_895 = arith.muli %get3A_890, %mul3A_894 : vector<16xi32>
      %add3A_896 = arith.addi %mul3A_895, %add3A_888 : vector<16xi32>
      %swap3A_897 = arith.constant 16 : index
      %swap3A_898 = tpu.vector_load %arg15[%swap3A_897] {strides = array<i32>} : memref<128xi32, #tpu.memory_space<vmem>>, vector<16xi32>,
      tpu.vector_store %arg15[%swap3A_897], %add3A_896 {strides = array<i32>} : memref<128xi32, #tpu.memory_space<vmem>>, vector<16xi32>,
      %lt3A_899 = arith.constant 10000 : i32
      %lt3A_900 = vector.broadcast %lt3A_899 : i32 to vector<16xi32>
      %lt3A_901 = arith.cmpi slt, %add3A_888, %lt3A_900 : vector<16xi32>
      %mul3A_902 = arith.mulf %get3A_892, %get3A_892 : vector<16xf32>
      %jit3A_903 = arith.constant 0.000000e+00 : f32
      %broadcast_in_dim3A_904 = vector.broadcast %jit3A_903 : f32 to vector<16xf32>
      %select_n3A_905 = arith.select %lt3A_901, %mul3A_902, %broadcast_in_dim3A_904 : vector<16xi1>, vector<16xf32>
      %swap3A_906 = arith.constant 16 : index
      %swap3A_907 = tpu.vector_load %arg23[%swap3A_906] {strides = array<i32>} : memref<128xf32, #tpu.memory_space<vmem>>, vector<16xf32>,
      tpu.vector_store %arg23[%swap3A_906], %select_n3A_905 {strides = array<i32>} : memref<128xf32, #tpu.memory_space<vmem>>, vector<16xf32>,
      %mul3A_908 = arith.constant 128 : i32
      %mul3A_909 = arith.muli %add3A_634, %mul3A_908 : i32
      %add3A_910 = arith.constant 32 : i32
      %add3A_911 = arith.addi %mul3A_909, %add3A_910 : i32
      %add3A_912 = vector.broadcast %add3A_911 : i32 to vector<16xi32>
      %add3A_913 = arith.addi %add3A_912, %iota3A : vector<16xi32>
      %get3A_914 = arith.index_cast %add3A_911 : i32 to index
      %get3A_915 = tpu.vector_load %arg9[%get3A_914] {strides = array<i32>} : memref<10112xi32, #tpu.memory_space<vmem>>, vector<16xi32>,
      %get3A_916 = arith.index_cast %add3A_911 : i32 to index
      %get3A_917 = tpu.vector_load %arg10[%get3A_916] {strides = array<i32>} : memref<10240xf32, #tpu.memory_space<vmem>>, vector<16xf32>,
      %mul3A_918 = arith.constant 10240 : i32
      %mul3A_919 = vector.broadcast %mul3A_918 : i32 to vector<16xi32>
      %mul3A_920 = arith.muli %get3A_915, %mul3A_919 : vector<16xi32>
      %add3A_921 = arith.addi %mul3A_920, %add3A_913 : vector<16xi32>
      %swap3A_922 = arith.constant 32 : index
      %swap3A_923 = tpu.vector_load %arg15[%swap3A_922] {strides = array<i32>} : memref<128xi32, #tpu.memory_space<vmem>>, vector<16xi32>,
      tpu.vector_store %arg15[%swap3A_922], %add3A_921 {strides = array<i32>} : memref<128xi32, #tpu.memory_space<vmem>>, vector<16xi32>,
      %lt3A_924 = arith.constant 10000 : i32
      %lt3A_925 = vector.broadcast %lt3A_924 : i32 to vector<16xi32>
      %lt3A_926 = arith.cmpi slt, %add3A_913, %lt3A_925 : vector<16xi32>
      %mul3A_927 = arith.mulf %get3A_917, %get3A_917 : vector<16xf32>
      %jit3A_928 = arith.constant 0.000000e+00 : f32
      %broadcast_in_dim3A_929 = vector.broadcast %jit3A_928 : f32 to vector<16xf32>
      %select_n3A_930 = arith.select %lt3A_926, %mul3A_927, %broadcast_in_dim3A_929 : vector<16xi1>, vector<16xf32>
      %swap3A_931 = arith.constant 32 : index
      %swap3A_932 = tpu.vector_load %arg23[%swap3A_931] {strides = array<i32>} : memref<128xf32, #tpu.memory_space<vmem>>, vector<16xf32>,
      tpu.vector_store %arg23[%swap3A_931], %select_n3A_930 {strides = array<i32>} : memref<128xf32, #tpu.memory_space<vmem>>, vector<16xf32>,
      %mul3A_933 = arith.constant 128 : i32
      %mul3A_934 = arith.muli %add3A_634, %mul3A_933 : i32
      %add3A_935 = arith.constant 48 : i32
      %add3A_936 = arith.addi %mul3A_934, %add3A_935 : i32
      %add3A_937 = vector.broadcast %add3A_936 : i32 to vector<16xi32>
      %add3A_938 = arith.addi %add3A_937, %iota3A : vector<16xi32>
      %get3A_939 = arith.index_cast %add3A_936 : i32 to index
      %get3A_940 = tpu.vector_load %arg9[%get3A_939] {strides = array<i32>} : memref<10112xi32, #tpu.memory_space<vmem>>, vector<16xi32>,
      %get3A_941 = arith.index_cast %add3A_936 : i32 to index
      %get3A_942 = tpu.vector_load %arg10[%get3A_941] {strides = array<i32>} : memref<10240xf32, #tpu.memory_space<vmem>>, vector<16xf32>,
      %mul3A_943 = arith.constant 10240 : i32
      %mul3A_944 = vector.broadcast %mul3A_943 : i32 to vector<16xi32>
      %mul3A_945 = arith.muli %get3A_940, %mul3A_944 : vector<16xi32>
      %add3A_946 = arith.addi %mul3A_945, %add3A_938 : vector<16xi32>
      %swap3A_947 = arith.constant 48 : index
      %swap3A_948 = tpu.vector_load %arg15[%swap3A_947] {strides = array<i32>} : memref<128xi32, #tpu.memory_space<vmem>>, vector<16xi32>,
      tpu.vector_store %arg15[%swap3A_947], %add3A_946 {strides = array<i32>} : memref<128xi32, #tpu.memory_space<vmem>>, vector<16xi32>,
      %lt3A_949 = arith.constant 10000 : i32
      %lt3A_950 = vector.broadcast %lt3A_949 : i32 to vector<16xi32>
      %lt3A_951 = arith.cmpi slt, %add3A_938, %lt3A_950 : vector<16xi32>
      %mul3A_952 = arith.mulf %get3A_942, %get3A_942 : vector<16xf32>
      %jit3A_953 = arith.constant 0.000000e+00 : f32
      %broadcast_in_dim3A_954 = vector.broadcast %jit3A_953 : f32 to vector<16xf32>
      %select_n3A_955 = arith.select %lt3A_951, %mul3A_952, %broadcast_in_dim3A_954 : vector<16xi1>, vector<16xf32>
      %swap3A_956 = arith.constant 48 : index
      %swap3A_957 = tpu.vector_load %arg23[%swap3A_956] {strides = array<i32>} : memref<128xf32, #tpu.memory_space<vmem>>, vector<16xf32>,
      tpu.vector_store %arg23[%swap3A_956], %select_n3A_955 {strides = array<i32>} : memref<128xf32, #tpu.memory_space<vmem>>, vector<16xf32>,
      %mul3A_958 = arith.constant 128 : i32
      %mul3A_959 = arith.muli %add3A_634, %mul3A_958 : i32
      %add3A_960 = arith.constant 64 : i32
      %add3A_961 = arith.addi %mul3A_959, %add3A_960 : i32
      %add3A_962 = vector.broadcast %add3A_961 : i32 to vector<16xi32>
      %add3A_963 = arith.addi %add3A_962, %iota3A : vector<16xi32>
      %get3A_964 = arith.index_cast %add3A_961 : i32 to index
      %get3A_965 = tpu.vector_load %arg9[%get3A_964] {strides = array<i32>} : memref<10112xi32, #tpu.memory_space<vmem>>, vector<16xi32>,
      %get3A_966 = arith.index_cast %add3A_961 : i32 to index
      %get3A_967 = tpu.vector_load %arg10[%get3A_966] {strides = array<i32>} : memref<10240xf32, #tpu.memory_space<vmem>>, vector<16xf32>,
      %mul3A_968 = arith.constant 10240 : i32
      %mul3A_969 = vector.broadcast %mul3A_968 : i32 to vector<16xi32>
      %mul3A_970 = arith.muli %get3A_965, %mul3A_969 : vector<16xi32>
      %add3A_971 = arith.addi %mul3A_970, %add3A_963 : vector<16xi32>
      %swap3A_972 = arith.constant 64 : index
      %swap3A_973 = tpu.vector_load %arg15[%swap3A_972] {strides = array<i32>} : memref<128xi32, #tpu.memory_space<vmem>>, vector<16xi32>,
      tpu.vector_store %arg15[%swap3A_972], %add3A_971 {strides = array<i32>} : memref<128xi32, #tpu.memory_space<vmem>>, vector<16xi32>,
      %lt3A_974 = arith.constant 10000 : i32
      %lt3A_975 = vector.broadcast %lt3A_974 : i32 to vector<16xi32>
      %lt3A_976 = arith.cmpi slt, %add3A_963, %lt3A_975 : vector<16xi32>
      %mul3A_977 = arith.mulf %get3A_967, %get3A_967 : vector<16xf32>
      %jit3A_978 = arith.constant 0.000000e+00 : f32
      %broadcast_in_dim3A_979 = vector.broadcast %jit3A_978 : f32 to vector<16xf32>
      %select_n3A_980 = arith.select %lt3A_976, %mul3A_977, %broadcast_in_dim3A_979 : vector<16xi1>, vector<16xf32>
      %swap3A_981 = arith.constant 64 : index
      %swap3A_982 = tpu.vector_load %arg23[%swap3A_981] {strides = array<i32>} : memref<128xf32, #tpu.memory_space<vmem>>, vector<16xf32>,
      tpu.vector_store %arg23[%swap3A_981], %select_n3A_980 {strides = array<i32>} : memref<128xf32, #tpu.memory_space<vmem>>, vector<16xf32>,
      %mul3A_983 = arith.constant 128 : i32
      %mul3A_984 = arith.muli %add3A_634, %mul3A_983 : i32
      %add3A_985 = arith.constant 80 : i32
      %add3A_986 = arith.addi %mul3A_984, %add3A_985 : i32
      %add3A_987 = vector.broadcast %add3A_986 : i32 to vector<16xi32>
      %add3A_988 = arith.addi %add3A_987, %iota3A : vector<16xi32>
      %get3A_989 = arith.index_cast %add3A_986 : i32 to index
      %get3A_990 = tpu.vector_load %arg9[%get3A_989] {strides = array<i32>} : memref<10112xi32, #tpu.memory_space<vmem>>, vector<16xi32>,
      %get3A_991 = arith.index_cast %add3A_986 : i32 to index
      %get3A_992 = tpu.vector_load %arg10[%get3A_991] {strides = array<i32>} : memref<10240xf32, #tpu.memory_space<vmem>>, vector<16xf32>,
      %mul3A_993 = arith.constant 10240 : i32
      %mul3A_994 = vector.broadcast %mul3A_993 : i32 to vector<16xi32>
      %mul3A_995 = arith.muli %get3A_990, %mul3A_994 : vector<16xi32>
      %add3A_996 = arith.addi %mul3A_995, %add3A_988 : vector<16xi32>
      %swap3A_997 = arith.constant 80 : index
      %swap3A_998 = tpu.vector_load %arg15[%swap3A_997] {strides = array<i32>} : memref<128xi32, #tpu.memory_space<vmem>>, vector<16xi32>,
      tpu.vector_store %arg15[%swap3A_997], %add3A_996 {strides = array<i32>} : memref<128xi32, #tpu.memory_space<vmem>>, vector<16xi32>,
      %lt3A_999 = arith.constant 10000 : i32
      %lt3A_1000 = vector.broadcast %lt3A_999 : i32 to vector<16xi32>
      %lt3A_1001 = arith.cmpi slt, %add3A_988, %lt3A_1000 : vector<16xi32>
      %mul3A_1002 = arith.mulf %get3A_992, %get3A_992 : vector<16xf32>
      %jit3A_1003 = arith.constant 0.000000e+00 : f32
      %broadcast_in_dim3A_1004 = vector.broadcast %jit3A_1003 : f32 to vector<16xf32>
      %select_n3A_1005 = arith.select %lt3A_1001, %mul3A_1002, %broadcast_in_dim3A_1004 : vector<16xi1>, vector<16xf32>
      %swap3A_1006 = arith.constant 80 : index
      %swap3A_1007 = tpu.vector_load %arg23[%swap3A_1006] {strides = array<i32>} : memref<128xf32, #tpu.memory_space<vmem>>, vector<16xf32>,
      tpu.vector_store %arg23[%swap3A_1006], %select_n3A_1005 {strides = array<i32>} : memref<128xf32, #tpu.memory_space<vmem>>, vector<16xf32>,
      %mul3A_1008 = arith.constant 128 : i32
      %mul3A_1009 = arith.muli %add3A_634, %mul3A_1008 : i32
      %add3A_1010 = arith.constant 96 : i32
      %add3A_1011 = arith.addi %mul3A_1009, %add3A_1010 : i32
      %add3A_1012 = vector.broadcast %add3A_1011 : i32 to vector<16xi32>
      %add3A_1013 = arith.addi %add3A_1012, %iota3A : vector<16xi32>
      %get3A_1014 = arith.index_cast %add3A_1011 : i32 to index
      %get3A_1015 = tpu.vector_load %arg9[%get3A_1014] {strides = array<i32>} : memref<10112xi32, #tpu.memory_space<vmem>>, vector<16xi32>,
      %get3A_1016 = arith.index_cast %add3A_1011 : i32 to index
      %get3A_1017 = tpu.vector_load %arg10[%get3A_1016] {strides = array<i32>} : memref<10240xf32, #tpu.memory_space<vmem>>, vector<16xf32>,
      %mul3A_1018 = arith.constant 10240 : i32
      %mul3A_1019 = vector.broadcast %mul3A_1018 : i32 to vector<16xi32>
      %mul3A_1020 = arith.muli %get3A_1015, %mul3A_1019 : vector<16xi32>
      %add3A_1021 = arith.addi %mul3A_1020, %add3A_1013 : vector<16xi32>
      %swap3A_1022 = arith.constant 96 : index
      %swap3A_1023 = tpu.vector_load %arg15[%swap3A_1022] {strides = array<i32>} : memref<128xi32, #tpu.memory_space<vmem>>, vector<16xi32>,
      tpu.vector_store %arg15[%swap3A_1022], %add3A_1021 {strides = array<i32>} : memref<128xi32, #tpu.memory_space<vmem>>, vector<16xi32>,
      %lt3A_1024 = arith.constant 10000 : i32
      %lt3A_1025 = vector.broadcast %lt3A_1024 : i32 to vector<16xi32>
      %lt3A_1026 = arith.cmpi slt, %add3A_1013, %lt3A_1025 : vector<16xi32>
      %mul3A_1027 = arith.mulf %get3A_1017, %get3A_1017 : vector<16xf32>
      %jit3A_1028 = arith.constant 0.000000e+00 : f32
      %broadcast_in_dim3A_1029 = vector.broadcast %jit3A_1028 : f32 to vector<16xf32>
      %select_n3A_1030 = arith.select %lt3A_1026, %mul3A_1027, %broadcast_in_dim3A_1029 : vector<16xi1>, vector<16xf32>
      %swap3A_1031 = arith.constant 96 : index
      %swap3A_1032 = tpu.vector_load %arg23[%swap3A_1031] {strides = array<i32>} : memref<128xf32, #tpu.memory_space<vmem>>, vector<16xf32>,
      tpu.vector_store %arg23[%swap3A_1031], %select_n3A_1030 {strides = array<i32>} : memref<128xf32, #tpu.memory_space<vmem>>, vector<16xf32>,
      %mul3A_1033 = arith.constant 128 : i32
      %mul3A_1034 = arith.muli %add3A_634, %mul3A_1033 : i32
      %add3A_1035 = arith.constant 112 : i32
      %add3A_1036 = arith.addi %mul3A_1034, %add3A_1035 : i32
      %add3A_1037 = vector.broadcast %add3A_1036 : i32 to vector<16xi32>
      %add3A_1038 = arith.addi %add3A_1037, %iota3A : vector<16xi32>
      %get3A_1039 = arith.index_cast %add3A_1036 : i32 to index
      %get3A_1040 = tpu.vector_load %arg9[%get3A_1039] {strides = array<i32>} : memref<10112xi32, #tpu.memory_space<vmem>>, vector<16xi32>,
      %get3A_1041 = arith.index_cast %add3A_1036 : i32 to index
      %get3A_1042 = tpu.vector_load %arg10[%get3A_1041] {strides = array<i32>} : memref<10240xf32, #tpu.memory_space<vmem>>, vector<16xf32>,
      %mul3A_1043 = arith.constant 10240 : i32
      %mul3A_1044 = vector.broadcast %mul3A_1043 : i32 to vector<16xi32>
      %mul3A_1045 = arith.muli %get3A_1040, %mul3A_1044 : vector<16xi32>
      %add3A_1046 = arith.addi %mul3A_1045, %add3A_1038 : vector<16xi32>
      %swap3A_1047 = arith.constant 112 : index
      %swap3A_1048 = tpu.vector_load %arg15[%swap3A_1047] {strides = array<i32>} : memref<128xi32, #tpu.memory_space<vmem>>, vector<16xi32>,
      tpu.vector_store %arg15[%swap3A_1047], %add3A_1046 {strides = array<i32>} : memref<128xi32, #tpu.memory_space<vmem>>, vector<16xi32>,
      %lt3A_1049 = arith.constant 10000 : i32
      %lt3A_1050 = vector.broadcast %lt3A_1049 : i32 to vector<16xi32>
      %lt3A_1051 = arith.cmpi slt, %add3A_1038, %lt3A_1050 : vector<16xi32>
      %mul3A_1052 = arith.mulf %get3A_1042, %get3A_1042 : vector<16xf32>
      %jit3A_1053 = arith.constant 0.000000e+00 : f32
      %broadcast_in_dim3A_1054 = vector.broadcast %jit3A_1053 : f32 to vector<16xf32>
      %select_n3A_1055 = arith.select %lt3A_1051, %mul3A_1052, %broadcast_in_dim3A_1054 : vector<16xi1>, vector<16xf32>
      %swap3A_1056 = arith.constant 112 : index
      %swap3A_1057 = tpu.vector_load %arg23[%swap3A_1056] {strides = array<i32>} : memref<128xf32, #tpu.memory_space<vmem>>, vector<16xf32>,
      tpu.vector_store %arg23[%swap3A_1056], %select_n3A_1055 {strides = array<i32>} : memref<128xf32, #tpu.memory_space<vmem>>, vector<16xf32>,
      %dma_start3A_1058 = arith.constant 0 : i32
      %dma_start3A_1059 = tpu.memref_slice %arg44[%dma_start3A_1058] : memref<655360xf32, #tpu.memory_space<vmem_shared>> -> memref<655360xf32, #tpu.memory_space<vmem_shared>>
      tpu.enqueue_indirect_dma source(%arg23 : memref<128xf32, #tpu.memory_space<vmem>>) target(%dma_start3A_1059 : memref<655360xf32, #tpu.memory_space<vmem_shared>>) offsets(%arg15 : memref<128xi32, #tpu.memory_space<vmem>>) semaphore(%arg31 : memref<!tpu.dma_semaphore, #tpu.memory_space<semaphore_mem>>) {add = true}
    } else {
    }
    %add3A_639 = arith.constant 32 : i32
    %add3A_640 = arith.addi %add3A, %add3A_639 : i32
    %lt3A_641 = arith.constant 79 : i32
    %lt3A_642 = arith.cmpi slt, %add3A_640, %lt3A_641 : i32
    %convert_element_type3A_643 = arith.extui %lt3A_642 : i1 to i32
    %cond3A_644 = arith.constant 0 : i32
    %cond3A_645 = arith.cmpi ne, %convert_element_type3A_643, %cond3A_644 : i32
    scf.if %cond3A_645 {
      %mul3A_859 = arith.constant 128 : i32
      %mul3A_860 = arith.muli %add3A_640, %mul3A_859 : i32
      %add3A_861 = arith.constant 0 : i32
      %add3A_862 = arith.addi %mul3A_860, %add3A_861 : i32
      %add3A_863 = vector.broadcast %add3A_862 : i32 to vector<16xi32>
      %add3A_864 = arith.addi %add3A_863, %iota3A : vector<16xi32>
      %get3A = arith.index_cast %add3A_862 : i32 to index
      %get3A_865 = tpu.vector_load %arg9[%get3A] {strides = array<i32>} : memref<10112xi32, #tpu.memory_space<vmem>>, vector<16xi32>,
      %get3A_866 = arith.index_cast %add3A_862 : i32 to index
      %get3A_867 = tpu.vector_load %arg10[%get3A_866] {strides = array<i32>} : memref<10240xf32, #tpu.memory_space<vmem>>, vector<16xf32>,
      %mul3A_868 = arith.constant 10240 : i32
      %mul3A_869 = vector.broadcast %mul3A_868 : i32 to vector<16xi32>
      %mul3A_870 = arith.muli %get3A_865, %mul3A_869 : vector<16xi32>
      %add3A_871 = arith.addi %mul3A_870, %add3A_864 : vector<16xi32>
      %swap3A_872 = arith.constant 0 : index
      %swap3A_873 = tpu.vector_load %arg16[%swap3A_872] {strides = array<i32>} : memref<128xi32, #tpu.memory_space<vmem>>, vector<16xi32>,
      tpu.vector_store %arg16[%swap3A_872], %add3A_871 {strides = array<i32>} : memref<128xi32, #tpu.memory_space<vmem>>, vector<16xi32>,
      %lt3A_874 = arith.constant 10000 : i32
      %lt3A_875 = vector.broadcast %lt3A_874 : i32 to vector<16xi32>
      %lt3A_876 = arith.cmpi slt, %add3A_864, %lt3A_875 : vector<16xi32>
      %mul3A_877 = arith.mulf %get3A_867, %get3A_867 : vector<16xf32>
      %jit3A_878 = arith.constant 0.000000e+00 : f32
      %broadcast_in_dim3A_879 = vector.broadcast %jit3A_878 : f32 to vector<16xf32>
      %select_n3A_880 = arith.select %lt3A_876, %mul3A_877, %broadcast_in_dim3A_879 : vector<16xi1>, vector<16xf32>
      %swap3A_881 = arith.constant 0 : index
      %swap3A_882 = tpu.vector_load %arg24[%swap3A_881] {strides = array<i32>} : memref<128xf32, #tpu.memory_space<vmem>>, vector<16xf32>,
      tpu.vector_store %arg24[%swap3A_881], %select_n3A_880 {strides = array<i32>} : memref<128xf32, #tpu.memory_space<vmem>>, vector<16xf32>,
      %mul3A_883 = arith.constant 128 : i32
      %mul3A_884 = arith.muli %add3A_640, %mul3A_883 : i32
      %add3A_885 = arith.constant 16 : i32
      %add3A_886 = arith.addi %mul3A_884, %add3A_885 : i32
      %add3A_887 = vector.broadcast %add3A_886 : i32 to vector<16xi32>
      %add3A_888 = arith.addi %add3A_887, %iota3A : vector<16xi32>
      %get3A_889 = arith.index_cast %add3A_886 : i32 to index
      %get3A_890 = tpu.vector_load %arg9[%get3A_889] {strides = array<i32>} : memref<10112xi32, #tpu.memory_space<vmem>>, vector<16xi32>,
      %get3A_891 = arith.index_cast %add3A_886 : i32 to index
      %get3A_892 = tpu.vector_load %arg10[%get3A_891] {strides = array<i32>} : memref<10240xf32, #tpu.memory_space<vmem>>, vector<16xf32>,
      %mul3A_893 = arith.constant 10240 : i32
      %mul3A_894 = vector.broadcast %mul3A_893 : i32 to vector<16xi32>
      %mul3A_895 = arith.muli %get3A_890, %mul3A_894 : vector<16xi32>
      %add3A_896 = arith.addi %mul3A_895, %add3A_888 : vector<16xi32>
      %swap3A_897 = arith.constant 16 : index
      %swap3A_898 = tpu.vector_load %arg16[%swap3A_897] {strides = array<i32>} : memref<128xi32, #tpu.memory_space<vmem>>, vector<16xi32>,
      tpu.vector_store %arg16[%swap3A_897], %add3A_896 {strides = array<i32>} : memref<128xi32, #tpu.memory_space<vmem>>, vector<16xi32>,
      %lt3A_899 = arith.constant 10000 : i32
      %lt3A_900 = vector.broadcast %lt3A_899 : i32 to vector<16xi32>
      %lt3A_901 = arith.cmpi slt, %add3A_888, %lt3A_900 : vector<16xi32>
      %mul3A_902 = arith.mulf %get3A_892, %get3A_892 : vector<16xf32>
      %jit3A_903 = arith.constant 0.000000e+00 : f32
      %broadcast_in_dim3A_904 = vector.broadcast %jit3A_903 : f32 to vector<16xf32>
      %select_n3A_905 = arith.select %lt3A_901, %mul3A_902, %broadcast_in_dim3A_904 : vector<16xi1>, vector<16xf32>
      %swap3A_906 = arith.constant 16 : index
      %swap3A_907 = tpu.vector_load %arg24[%swap3A_906] {strides = array<i32>} : memref<128xf32, #tpu.memory_space<vmem>>, vector<16xf32>,
      tpu.vector_store %arg24[%swap3A_906], %select_n3A_905 {strides = array<i32>} : memref<128xf32, #tpu.memory_space<vmem>>, vector<16xf32>,
      %mul3A_908 = arith.constant 128 : i32
      %mul3A_909 = arith.muli %add3A_640, %mul3A_908 : i32
      %add3A_910 = arith.constant 32 : i32
      %add3A_911 = arith.addi %mul3A_909, %add3A_910 : i32
      %add3A_912 = vector.broadcast %add3A_911 : i32 to vector<16xi32>
      %add3A_913 = arith.addi %add3A_912, %iota3A : vector<16xi32>
      %get3A_914 = arith.index_cast %add3A_911 : i32 to index
      %get3A_915 = tpu.vector_load %arg9[%get3A_914] {strides = array<i32>} : memref<10112xi32, #tpu.memory_space<vmem>>, vector<16xi32>,
      %get3A_916 = arith.index_cast %add3A_911 : i32 to index
      %get3A_917 = tpu.vector_load %arg10[%get3A_916] {strides = array<i32>} : memref<10240xf32, #tpu.memory_space<vmem>>, vector<16xf32>,
      %mul3A_918 = arith.constant 10240 : i32
      %mul3A_919 = vector.broadcast %mul3A_918 : i32 to vector<16xi32>
      %mul3A_920 = arith.muli %get3A_915, %mul3A_919 : vector<16xi32>
      %add3A_921 = arith.addi %mul3A_920, %add3A_913 : vector<16xi32>
      %swap3A_922 = arith.constant 32 : index
      %swap3A_923 = tpu.vector_load %arg16[%swap3A_922] {strides = array<i32>} : memref<128xi32, #tpu.memory_space<vmem>>, vector<16xi32>,
      tpu.vector_store %arg16[%swap3A_922], %add3A_921 {strides = array<i32>} : memref<128xi32, #tpu.memory_space<vmem>>, vector<16xi32>,
      %lt3A_924 = arith.constant 10000 : i32
      %lt3A_925 = vector.broadcast %lt3A_924 : i32 to vector<16xi32>
      %lt3A_926 = arith.cmpi slt, %add3A_913, %lt3A_925 : vector<16xi32>
      %mul3A_927 = arith.mulf %get3A_917, %get3A_917 : vector<16xf32>
      %jit3A_928 = arith.constant 0.000000e+00 : f32
      %broadcast_in_dim3A_929 = vector.broadcast %jit3A_928 : f32 to vector<16xf32>
      %select_n3A_930 = arith.select %lt3A_926, %mul3A_927, %broadcast_in_dim3A_929 : vector<16xi1>, vector<16xf32>
      %swap3A_931 = arith.constant 32 : index
      %swap3A_932 = tpu.vector_load %arg24[%swap3A_931] {strides = array<i32>} : memref<128xf32, #tpu.memory_space<vmem>>, vector<16xf32>,
      tpu.vector_store %arg24[%swap3A_931], %select_n3A_930 {strides = array<i32>} : memref<128xf32, #tpu.memory_space<vmem>>, vector<16xf32>,
      %mul3A_933 = arith.constant 128 : i32
      %mul3A_934 = arith.muli %add3A_640, %mul3A_933 : i32
      %add3A_935 = arith.constant 48 : i32
      %add3A_936 = arith.addi %mul3A_934, %add3A_935 : i32
      %add3A_937 = vector.broadcast %add3A_936 : i32 to vector<16xi32>
      %add3A_938 = arith.addi %add3A_937, %iota3A : vector<16xi32>
      %get3A_939 = arith.index_cast %add3A_936 : i32 to index
      %get3A_940 = tpu.vector_load %arg9[%get3A_939] {strides = array<i32>} : memref<10112xi32, #tpu.memory_space<vmem>>, vector<16xi32>,
      %get3A_941 = arith.index_cast %add3A_936 : i32 to index
      %get3A_942 = tpu.vector_load %arg10[%get3A_941] {strides = array<i32>} : memref<10240xf32, #tpu.memory_space<vmem>>, vector<16xf32>,
      %mul3A_943 = arith.constant 10240 : i32
      %mul3A_944 = vector.broadcast %mul3A_943 : i32 to vector<16xi32>
      %mul3A_945 = arith.muli %get3A_940, %mul3A_944 : vector<16xi32>
      %add3A_946 = arith.addi %mul3A_945, %add3A_938 : vector<16xi32>
      %swap3A_947 = arith.constant 48 : index
      %swap3A_948 = tpu.vector_load %arg16[%swap3A_947] {strides = array<i32>} : memref<128xi32, #tpu.memory_space<vmem>>, vector<16xi32>,
      tpu.vector_store %arg16[%swap3A_947], %add3A_946 {strides = array<i32>} : memref<128xi32, #tpu.memory_space<vmem>>, vector<16xi32>,
      %lt3A_949 = arith.constant 10000 : i32
      %lt3A_950 = vector.broadcast %lt3A_949 : i32 to vector<16xi32>
      %lt3A_951 = arith.cmpi slt, %add3A_938, %lt3A_950 : vector<16xi32>
      %mul3A_952 = arith.mulf %get3A_942, %get3A_942 : vector<16xf32>
      %jit3A_953 = arith.constant 0.000000e+00 : f32
      %broadcast_in_dim3A_954 = vector.broadcast %jit3A_953 : f32 to vector<16xf32>
      %select_n3A_955 = arith.select %lt3A_951, %mul3A_952, %broadcast_in_dim3A_954 : vector<16xi1>, vector<16xf32>
      %swap3A_956 = arith.constant 48 : index
      %swap3A_957 = tpu.vector_load %arg24[%swap3A_956] {strides = array<i32>} : memref<128xf32, #tpu.memory_space<vmem>>, vector<16xf32>,
      tpu.vector_store %arg24[%swap3A_956], %select_n3A_955 {strides = array<i32>} : memref<128xf32, #tpu.memory_space<vmem>>, vector<16xf32>,
      %mul3A_958 = arith.constant 128 : i32
      %mul3A_959 = arith.muli %add3A_640, %mul3A_958 : i32
      %add3A_960 = arith.constant 64 : i32
      %add3A_961 = arith.addi %mul3A_959, %add3A_960 : i32
      %add3A_962 = vector.broadcast %add3A_961 : i32 to vector<16xi32>
      %add3A_963 = arith.addi %add3A_962, %iota3A : vector<16xi32>
      %get3A_964 = arith.index_cast %add3A_961 : i32 to index
      %get3A_965 = tpu.vector_load %arg9[%get3A_964] {strides = array<i32>} : memref<10112xi32, #tpu.memory_space<vmem>>, vector<16xi32>,
      %get3A_966 = arith.index_cast %add3A_961 : i32 to index
      %get3A_967 = tpu.vector_load %arg10[%get3A_966] {strides = array<i32>} : memref<10240xf32, #tpu.memory_space<vmem>>, vector<16xf32>,
      %mul3A_968 = arith.constant 10240 : i32
      %mul3A_969 = vector.broadcast %mul3A_968 : i32 to vector<16xi32>
      %mul3A_970 = arith.muli %get3A_965, %mul3A_969 : vector<16xi32>
      %add3A_971 = arith.addi %mul3A_970, %add3A_963 : vector<16xi32>
      %swap3A_972 = arith.constant 64 : index
      %swap3A_973 = tpu.vector_load %arg16[%swap3A_972] {strides = array<i32>} : memref<128xi32, #tpu.memory_space<vmem>>, vector<16xi32>,
      tpu.vector_store %arg16[%swap3A_972], %add3A_971 {strides = array<i32>} : memref<128xi32, #tpu.memory_space<vmem>>, vector<16xi32>,
      %lt3A_974 = arith.constant 10000 : i32
      %lt3A_975 = vector.broadcast %lt3A_974 : i32 to vector<16xi32>
      %lt3A_976 = arith.cmpi slt, %add3A_963, %lt3A_975 : vector<16xi32>
      %mul3A_977 = arith.mulf %get3A_967, %get3A_967 : vector<16xf32>
      %jit3A_978 = arith.constant 0.000000e+00 : f32
      %broadcast_in_dim3A_979 = vector.broadcast %jit3A_978 : f32 to vector<16xf32>
      %select_n3A_980 = arith.select %lt3A_976, %mul3A_977, %broadcast_in_dim3A_979 : vector<16xi1>, vector<16xf32>
      %swap3A_981 = arith.constant 64 : index
      %swap3A_982 = tpu.vector_load %arg24[%swap3A_981] {strides = array<i32>} : memref<128xf32, #tpu.memory_space<vmem>>, vector<16xf32>,
      tpu.vector_store %arg24[%swap3A_981], %select_n3A_980 {strides = array<i32>} : memref<128xf32, #tpu.memory_space<vmem>>, vector<16xf32>,
      %mul3A_983 = arith.constant 128 : i32
      %mul3A_984 = arith.muli %add3A_640, %mul3A_983 : i32
      %add3A_985 = arith.constant 80 : i32
      %add3A_986 = arith.addi %mul3A_984, %add3A_985 : i32
      %add3A_987 = vector.broadcast %add3A_986 : i32 to vector<16xi32>
      %add3A_988 = arith.addi %add3A_987, %iota3A : vector<16xi32>
      %get3A_989 = arith.index_cast %add3A_986 : i32 to index
      %get3A_990 = tpu.vector_load %arg9[%get3A_989] {strides = array<i32>} : memref<10112xi32, #tpu.memory_space<vmem>>, vector<16xi32>,
      %get3A_991 = arith.index_cast %add3A_986 : i32 to index
      %get3A_992 = tpu.vector_load %arg10[%get3A_991] {strides = array<i32>} : memref<10240xf32, #tpu.memory_space<vmem>>, vector<16xf32>,
      %mul3A_993 = arith.constant 10240 : i32
      %mul3A_994 = vector.broadcast %mul3A_993 : i32 to vector<16xi32>
      %mul3A_995 = arith.muli %get3A_990, %mul3A_994 : vector<16xi32>
      %add3A_996 = arith.addi %mul3A_995, %add3A_988 : vector<16xi32>
      %swap3A_997 = arith.constant 80 : index
      %swap3A_998 = tpu.vector_load %arg16[%swap3A_997] {strides = array<i32>} : memref<128xi32, #tpu.memory_space<vmem>>, vector<16xi32>,
      tpu.vector_store %arg16[%swap3A_997], %add3A_996 {strides = array<i32>} : memref<128xi32, #tpu.memory_space<vmem>>, vector<16xi32>,
      %lt3A_999 = arith.constant 10000 : i32
      %lt3A_1000 = vector.broadcast %lt3A_999 : i32 to vector<16xi32>
      %lt3A_1001 = arith.cmpi slt, %add3A_988, %lt3A_1000 : vector<16xi32>
      %mul3A_1002 = arith.mulf %get3A_992, %get3A_992 : vector<16xf32>
      %jit3A_1003 = arith.constant 0.000000e+00 : f32
      %broadcast_in_dim3A_1004 = vector.broadcast %jit3A_1003 : f32 to vector<16xf32>
      %select_n3A_1005 = arith.select %lt3A_1001, %mul3A_1002, %broadcast_in_dim3A_1004 : vector<16xi1>, vector<16xf32>
      %swap3A_1006 = arith.constant 80 : index
      %swap3A_1007 = tpu.vector_load %arg24[%swap3A_1006] {strides = array<i32>} : memref<128xf32, #tpu.memory_space<vmem>>, vector<16xf32>,
      tpu.vector_store %arg24[%swap3A_1006], %select_n3A_1005 {strides = array<i32>} : memref<128xf32, #tpu.memory_space<vmem>>, vector<16xf32>,
      %mul3A_1008 = arith.constant 128 : i32
      %mul3A_1009 = arith.muli %add3A_640, %mul3A_1008 : i32
      %add3A_1010 = arith.constant 96 : i32
      %add3A_1011 = arith.addi %mul3A_1009, %add3A_1010 : i32
      %add3A_1012 = vector.broadcast %add3A_1011 : i32 to vector<16xi32>
      %add3A_1013 = arith.addi %add3A_1012, %iota3A : vector<16xi32>
      %get3A_1014 = arith.index_cast %add3A_1011 : i32 to index
      %get3A_1015 = tpu.vector_load %arg9[%get3A_1014] {strides = array<i32>} : memref<10112xi32, #tpu.memory_space<vmem>>, vector<16xi32>,
      %get3A_1016 = arith.index_cast %add3A_1011 : i32 to index
      %get3A_1017 = tpu.vector_load %arg10[%get3A_1016] {strides = array<i32>} : memref<10240xf32, #tpu.memory_space<vmem>>, vector<16xf32>,
      %mul3A_1018 = arith.constant 10240 : i32
      %mul3A_1019 = vector.broadcast %mul3A_1018 : i32 to vector<16xi32>
      %mul3A_1020 = arith.muli %get3A_1015, %mul3A_1019 : vector<16xi32>
      %add3A_1021 = arith.addi %mul3A_1020, %add3A_1013 : vector<16xi32>
      %swap3A_1022 = arith.constant 96 : index
      %swap3A_1023 = tpu.vector_load %arg16[%swap3A_1022] {strides = array<i32>} : memref<128xi32, #tpu.memory_space<vmem>>, vector<16xi32>,
      tpu.vector_store %arg16[%swap3A_1022], %add3A_1021 {strides = array<i32>} : memref<128xi32, #tpu.memory_space<vmem>>, vector<16xi32>,
      %lt3A_1024 = arith.constant 10000 : i32
      %lt3A_1025 = vector.broadcast %lt3A_1024 : i32 to vector<16xi32>
      %lt3A_1026 = arith.cmpi slt, %add3A_1013, %lt3A_1025 : vector<16xi32>
      %mul3A_1027 = arith.mulf %get3A_1017, %get3A_1017 : vector<16xf32>
      %jit3A_1028 = arith.constant 0.000000e+00 : f32
      %broadcast_in_dim3A_1029 = vector.broadcast %jit3A_1028 : f32 to vector<16xf32>
      %select_n3A_1030 = arith.select %lt3A_1026, %mul3A_1027, %broadcast_in_dim3A_1029 : vector<16xi1>, vector<16xf32>
      %swap3A_1031 = arith.constant 96 : index
      %swap3A_1032 = tpu.vector_load %arg24[%swap3A_1031] {strides = array<i32>} : memref<128xf32, #tpu.memory_space<vmem>>, vector<16xf32>,
      tpu.vector_store %arg24[%swap3A_1031], %select_n3A_1030 {strides = array<i32>} : memref<128xf32, #tpu.memory_space<vmem>>, vector<16xf32>,
      %mul3A_1033 = arith.constant 128 : i32
      %mul3A_1034 = arith.muli %add3A_640, %mul3A_1033 : i32
      %add3A_1035 = arith.constant 112 : i32
      %add3A_1036 = arith.addi %mul3A_1034, %add3A_1035 : i32
      %add3A_1037 = vector.broadcast %add3A_1036 : i32 to vector<16xi32>
      %add3A_1038 = arith.addi %add3A_1037, %iota3A : vector<16xi32>
      %get3A_1039 = arith.index_cast %add3A_1036 : i32 to index
      %get3A_1040 = tpu.vector_load %arg9[%get3A_1039] {strides = array<i32>} : memref<10112xi32, #tpu.memory_space<vmem>>, vector<16xi32>,
      %get3A_1041 = arith.index_cast %add3A_1036 : i32 to index
      %get3A_1042 = tpu.vector_load %arg10[%get3A_1041] {strides = array<i32>} : memref<10240xf32, #tpu.memory_space<vmem>>, vector<16xf32>,
      %mul3A_1043 = arith.constant 10240 : i32
      %mul3A_1044 = vector.broadcast %mul3A_1043 : i32 to vector<16xi32>
      %mul3A_1045 = arith.muli %get3A_1040, %mul3A_1044 : vector<16xi32>
      %add3A_1046 = arith.addi %mul3A_1045, %add3A_1038 : vector<16xi32>
      %swap3A_1047 = arith.constant 112 : index
      %swap3A_1048 = tpu.vector_load %arg16[%swap3A_1047] {strides = array<i32>} : memref<128xi32, #tpu.memory_space<vmem>>, vector<16xi32>,
      tpu.vector_store %arg16[%swap3A_1047], %add3A_1046 {strides = array<i32>} : memref<128xi32, #tpu.memory_space<vmem>>, vector<16xi32>,
      %lt3A_1049 = arith.constant 10000 : i32
      %lt3A_1050 = vector.broadcast %lt3A_1049 : i32 to vector<16xi32>
      %lt3A_1051 = arith.cmpi slt, %add3A_1038, %lt3A_1050 : vector<16xi32>
      %mul3A_1052 = arith.mulf %get3A_1042, %get3A_1042 : vector<16xf32>
      %jit3A_1053 = arith.constant 0.000000e+00 : f32
      %broadcast_in_dim3A_1054 = vector.broadcast %jit3A_1053 : f32 to vector<16xf32>
      %select_n3A_1055 = arith.select %lt3A_1051, %mul3A_1052, %broadcast_in_dim3A_1054 : vector<16xi1>, vector<16xf32>
      %swap3A_1056 = arith.constant 112 : index
      %swap3A_1057 = tpu.vector_load %arg24[%swap3A_1056] {strides = array<i32>} : memref<128xf32, #tpu.memory_space<vmem>>, vector<16xf32>,
      tpu.vector_store %arg24[%swap3A_1056], %select_n3A_1055 {strides = array<i32>} : memref<128xf32, #tpu.memory_space<vmem>>, vector<16xf32>,
      %dma_start3A_1058 = arith.constant 0 : i32
      %dma_start3A_1059 = tpu.memref_slice %arg44[%dma_start3A_1058] : memref<655360xf32, #tpu.memory_space<vmem_shared>> -> memref<655360xf32, #tpu.memory_space<vmem_shared>>
      tpu.enqueue_indirect_dma source(%arg24 : memref<128xf32, #tpu.memory_space<vmem>>) target(%dma_start3A_1059 : memref<655360xf32, #tpu.memory_space<vmem_shared>>) offsets(%arg16 : memref<128xi32, #tpu.memory_space<vmem>>) semaphore(%arg32 : memref<!tpu.dma_semaphore, #tpu.memory_space<semaphore_mem>>) {add = true}
    } else {
    }
    %add3A_646 = arith.constant 64 : i32
    %add3A_647 = arith.addi %add3A, %add3A_646 : i32
    %lt3A_648 = arith.constant 79 : i32
    %lt3A_649 = arith.cmpi slt, %add3A_647, %lt3A_648 : i32
    %convert_element_type3A_650 = arith.extui %lt3A_649 : i1 to i32
    %cond3A_651 = arith.constant 0 : i32
    %cond3A_652 = arith.cmpi ne, %convert_element_type3A_650, %cond3A_651 : i32
    scf.if %cond3A_652 {
      %mul3A_859 = arith.constant 128 : i32
      %mul3A_860 = arith.muli %add3A_647, %mul3A_859 : i32
      %add3A_861 = arith.constant 0 : i32
      %add3A_862 = arith.addi %mul3A_860, %add3A_861 : i32
      %add3A_863 = vector.broadcast %add3A_862 : i32 to vector<16xi32>
      %add3A_864 = arith.addi %add3A_863, %iota3A : vector<16xi32>
      %get3A = arith.index_cast %add3A_862 : i32 to index
      %get3A_865 = tpu.vector_load %arg9[%get3A] {strides = array<i32>} : memref<10112xi32, #tpu.memory_space<vmem>>, vector<16xi32>,
      %get3A_866 = arith.index_cast %add3A_862 : i32 to index
      %get3A_867 = tpu.vector_load %arg10[%get3A_866] {strides = array<i32>} : memref<10240xf32, #tpu.memory_space<vmem>>, vector<16xf32>,
      %mul3A_868 = arith.constant 10240 : i32
      %mul3A_869 = vector.broadcast %mul3A_868 : i32 to vector<16xi32>
      %mul3A_870 = arith.muli %get3A_865, %mul3A_869 : vector<16xi32>
      %add3A_871 = arith.addi %mul3A_870, %add3A_864 : vector<16xi32>
      %swap3A_872 = arith.constant 0 : index
      %swap3A_873 = tpu.vector_load %arg17[%swap3A_872] {strides = array<i32>} : memref<128xi32, #tpu.memory_space<vmem>>, vector<16xi32>,
      tpu.vector_store %arg17[%swap3A_872], %add3A_871 {strides = array<i32>} : memref<128xi32, #tpu.memory_space<vmem>>, vector<16xi32>,
      %lt3A_874 = arith.constant 10000 : i32
      %lt3A_875 = vector.broadcast %lt3A_874 : i32 to vector<16xi32>
      %lt3A_876 = arith.cmpi slt, %add3A_864, %lt3A_875 : vector<16xi32>
      %mul3A_877 = arith.mulf %get3A_867, %get3A_867 : vector<16xf32>
      %jit3A_878 = arith.constant 0.000000e+00 : f32
      %broadcast_in_dim3A_879 = vector.broadcast %jit3A_878 : f32 to vector<16xf32>
      %select_n3A_880 = arith.select %lt3A_876, %mul3A_877, %broadcast_in_dim3A_879 : vector<16xi1>, vector<16xf32>
      %swap3A_881 = arith.constant 0 : index
      %swap3A_882 = tpu.vector_load %arg25[%swap3A_881] {strides = array<i32>} : memref<128xf32, #tpu.memory_space<vmem>>, vector<16xf32>,
      tpu.vector_store %arg25[%swap3A_881], %select_n3A_880 {strides = array<i32>} : memref<128xf32, #tpu.memory_space<vmem>>, vector<16xf32>,
      %mul3A_883 = arith.constant 128 : i32
      %mul3A_884 = arith.muli %add3A_647, %mul3A_883 : i32
      %add3A_885 = arith.constant 16 : i32
      %add3A_886 = arith.addi %mul3A_884, %add3A_885 : i32
      %add3A_887 = vector.broadcast %add3A_886 : i32 to vector<16xi32>
      %add3A_888 = arith.addi %add3A_887, %iota3A : vector<16xi32>
      %get3A_889 = arith.index_cast %add3A_886 : i32 to index
      %get3A_890 = tpu.vector_load %arg9[%get3A_889] {strides = array<i32>} : memref<10112xi32, #tpu.memory_space<vmem>>, vector<16xi32>,
      %get3A_891 = arith.index_cast %add3A_886 : i32 to index
      %get3A_892 = tpu.vector_load %arg10[%get3A_891] {strides = array<i32>} : memref<10240xf32, #tpu.memory_space<vmem>>, vector<16xf32>,
      %mul3A_893 = arith.constant 10240 : i32
      %mul3A_894 = vector.broadcast %mul3A_893 : i32 to vector<16xi32>
      %mul3A_895 = arith.muli %get3A_890, %mul3A_894 : vector<16xi32>
      %add3A_896 = arith.addi %mul3A_895, %add3A_888 : vector<16xi32>
      %swap3A_897 = arith.constant 16 : index
      %swap3A_898 = tpu.vector_load %arg17[%swap3A_897] {strides = array<i32>} : memref<128xi32, #tpu.memory_space<vmem>>, vector<16xi32>,
      tpu.vector_store %arg17[%swap3A_897], %add3A_896 {strides = array<i32>} : memref<128xi32, #tpu.memory_space<vmem>>, vector<16xi32>,
      %lt3A_899 = arith.constant 10000 : i32
      %lt3A_900 = vector.broadcast %lt3A_899 : i32 to vector<16xi32>
      %lt3A_901 = arith.cmpi slt, %add3A_888, %lt3A_900 : vector<16xi32>
      %mul3A_902 = arith.mulf %get3A_892, %get3A_892 : vector<16xf32>
      %jit3A_903 = arith.constant 0.000000e+00 : f32
      %broadcast_in_dim3A_904 = vector.broadcast %jit3A_903 : f32 to vector<16xf32>
      %select_n3A_905 = arith.select %lt3A_901, %mul3A_902, %broadcast_in_dim3A_904 : vector<16xi1>, vector<16xf32>
      %swap3A_906 = arith.constant 16 : index
      %swap3A_907 = tpu.vector_load %arg25[%swap3A_906] {strides = array<i32>} : memref<128xf32, #tpu.memory_space<vmem>>, vector<16xf32>,
      tpu.vector_store %arg25[%swap3A_906], %select_n3A_905 {strides = array<i32>} : memref<128xf32, #tpu.memory_space<vmem>>, vector<16xf32>,
      %mul3A_908 = arith.constant 128 : i32
      %mul3A_909 = arith.muli %add3A_647, %mul3A_908 : i32
      %add3A_910 = arith.constant 32 : i32
      %add3A_911 = arith.addi %mul3A_909, %add3A_910 : i32
      %add3A_912 = vector.broadcast %add3A_911 : i32 to vector<16xi32>
      %add3A_913 = arith.addi %add3A_912, %iota3A : vector<16xi32>
      %get3A_914 = arith.index_cast %add3A_911 : i32 to index
      %get3A_915 = tpu.vector_load %arg9[%get3A_914] {strides = array<i32>} : memref<10112xi32, #tpu.memory_space<vmem>>, vector<16xi32>,
      %get3A_916 = arith.index_cast %add3A_911 : i32 to index
      %get3A_917 = tpu.vector_load %arg10[%get3A_916] {strides = array<i32>} : memref<10240xf32, #tpu.memory_space<vmem>>, vector<16xf32>,
      %mul3A_918 = arith.constant 10240 : i32
      %mul3A_919 = vector.broadcast %mul3A_918 : i32 to vector<16xi32>
      %mul3A_920 = arith.muli %get3A_915, %mul3A_919 : vector<16xi32>
      %add3A_921 = arith.addi %mul3A_920, %add3A_913 : vector<16xi32>
      %swap3A_922 = arith.constant 32 : index
      %swap3A_923 = tpu.vector_load %arg17[%swap3A_922] {strides = array<i32>} : memref<128xi32, #tpu.memory_space<vmem>>, vector<16xi32>,
      tpu.vector_store %arg17[%swap3A_922], %add3A_921 {strides = array<i32>} : memref<128xi32, #tpu.memory_space<vmem>>, vector<16xi32>,
      %lt3A_924 = arith.constant 10000 : i32
      %lt3A_925 = vector.broadcast %lt3A_924 : i32 to vector<16xi32>
      %lt3A_926 = arith.cmpi slt, %add3A_913, %lt3A_925 : vector<16xi32>
      %mul3A_927 = arith.mulf %get3A_917, %get3A_917 : vector<16xf32>
      %jit3A_928 = arith.constant 0.000000e+00 : f32
      %broadcast_in_dim3A_929 = vector.broadcast %jit3A_928 : f32 to vector<16xf32>
      %select_n3A_930 = arith.select %lt3A_926, %mul3A_927, %broadcast_in_dim3A_929 : vector<16xi1>, vector<16xf32>
      %swap3A_931 = arith.constant 32 : index
      %swap3A_932 = tpu.vector_load %arg25[%swap3A_931] {strides = array<i32>} : memref<128xf32, #tpu.memory_space<vmem>>, vector<16xf32>,
      tpu.vector_store %arg25[%swap3A_931], %select_n3A_930 {strides = array<i32>} : memref<128xf32, #tpu.memory_space<vmem>>, vector<16xf32>,
      %mul3A_933 = arith.constant 128 : i32
      %mul3A_934 = arith.muli %add3A_647, %mul3A_933 : i32
      %add3A_935 = arith.constant 48 : i32
      %add3A_936 = arith.addi %mul3A_934, %add3A_935 : i32
      %add3A_937 = vector.broadcast %add3A_936 : i32 to vector<16xi32>
      %add3A_938 = arith.addi %add3A_937, %iota3A : vector<16xi32>
      %get3A_939 = arith.index_cast %add3A_936 : i32 to index
      %get3A_940 = tpu.vector_load %arg9[%get3A_939] {strides = array<i32>} : memref<10112xi32, #tpu.memory_space<vmem>>, vector<16xi32>,
      %get3A_941 = arith.index_cast %add3A_936 : i32 to index
      %get3A_942 = tpu.vector_load %arg10[%get3A_941] {strides = array<i32>} : memref<10240xf32, #tpu.memory_space<vmem>>, vector<16xf32>,
      %mul3A_943 = arith.constant 10240 : i32
      %mul3A_944 = vector.broadcast %mul3A_943 : i32 to vector<16xi32>
      %mul3A_945 = arith.muli %get3A_940, %mul3A_944 : vector<16xi32>
      %add3A_946 = arith.addi %mul3A_945, %add3A_938 : vector<16xi32>
      %swap3A_947 = arith.constant 48 : index
      %swap3A_948 = tpu.vector_load %arg17[%swap3A_947] {strides = array<i32>} : memref<128xi32, #tpu.memory_space<vmem>>, vector<16xi32>,
      tpu.vector_store %arg17[%swap3A_947], %add3A_946 {strides = array<i32>} : memref<128xi32, #tpu.memory_space<vmem>>, vector<16xi32>,
      %lt3A_949 = arith.constant 10000 : i32
      %lt3A_950 = vector.broadcast %lt3A_949 : i32 to vector<16xi32>
      %lt3A_951 = arith.cmpi slt, %add3A_938, %lt3A_950 : vector<16xi32>
      %mul3A_952 = arith.mulf %get3A_942, %get3A_942 : vector<16xf32>
      %jit3A_953 = arith.constant 0.000000e+00 : f32
      %broadcast_in_dim3A_954 = vector.broadcast %jit3A_953 : f32 to vector<16xf32>
      %select_n3A_955 = arith.select %lt3A_951, %mul3A_952, %broadcast_in_dim3A_954 : vector<16xi1>, vector<16xf32>
      %swap3A_956 = arith.constant 48 : index
      %swap3A_957 = tpu.vector_load %arg25[%swap3A_956] {strides = array<i32>} : memref<128xf32, #tpu.memory_space<vmem>>, vector<16xf32>,
      tpu.vector_store %arg25[%swap3A_956], %select_n3A_955 {strides = array<i32>} : memref<128xf32, #tpu.memory_space<vmem>>, vector<16xf32>,
      %mul3A_958 = arith.constant 128 : i32
      %mul3A_959 = arith.muli %add3A_647, %mul3A_958 : i32
      %add3A_960 = arith.constant 64 : i32
      %add3A_961 = arith.addi %mul3A_959, %add3A_960 : i32
      %add3A_962 = vector.broadcast %add3A_961 : i32 to vector<16xi32>
      %add3A_963 = arith.addi %add3A_962, %iota3A : vector<16xi32>
      %get3A_964 = arith.index_cast %add3A_961 : i32 to index
      %get3A_965 = tpu.vector_load %arg9[%get3A_964] {strides = array<i32>} : memref<10112xi32, #tpu.memory_space<vmem>>, vector<16xi32>,
      %get3A_966 = arith.index_cast %add3A_961 : i32 to index
      %get3A_967 = tpu.vector_load %arg10[%get3A_966] {strides = array<i32>} : memref<10240xf32, #tpu.memory_space<vmem>>, vector<16xf32>,
      %mul3A_968 = arith.constant 10240 : i32
      %mul3A_969 = vector.broadcast %mul3A_968 : i32 to vector<16xi32>
      %mul3A_970 = arith.muli %get3A_965, %mul3A_969 : vector<16xi32>
      %add3A_971 = arith.addi %mul3A_970, %add3A_963 : vector<16xi32>
      %swap3A_972 = arith.constant 64 : index
      %swap3A_973 = tpu.vector_load %arg17[%swap3A_972] {strides = array<i32>} : memref<128xi32, #tpu.memory_space<vmem>>, vector<16xi32>,
      tpu.vector_store %arg17[%swap3A_972], %add3A_971 {strides = array<i32>} : memref<128xi32, #tpu.memory_space<vmem>>, vector<16xi32>,
      %lt3A_974 = arith.constant 10000 : i32
      %lt3A_975 = vector.broadcast %lt3A_974 : i32 to vector<16xi32>
      %lt3A_976 = arith.cmpi slt, %add3A_963, %lt3A_975 : vector<16xi32>
      %mul3A_977 = arith.mulf %get3A_967, %get3A_967 : vector<16xf32>
      %jit3A_978 = arith.constant 0.000000e+00 : f32
      %broadcast_in_dim3A_979 = vector.broadcast %jit3A_978 : f32 to vector<16xf32>
      %select_n3A_980 = arith.select %lt3A_976, %mul3A_977, %broadcast_in_dim3A_979 : vector<16xi1>, vector<16xf32>
      %swap3A_981 = arith.constant 64 : index
      %swap3A_982 = tpu.vector_load %arg25[%swap3A_981] {strides = array<i32>} : memref<128xf32, #tpu.memory_space<vmem>>, vector<16xf32>,
      tpu.vector_store %arg25[%swap3A_981], %select_n3A_980 {strides = array<i32>} : memref<128xf32, #tpu.memory_space<vmem>>, vector<16xf32>,
      %mul3A_983 = arith.constant 128 : i32
      %mul3A_984 = arith.muli %add3A_647, %mul3A_983 : i32
      %add3A_985 = arith.constant 80 : i32
      %add3A_986 = arith.addi %mul3A_984, %add3A_985 : i32
      %add3A_987 = vector.broadcast %add3A_986 : i32 to vector<16xi32>
      %add3A_988 = arith.addi %add3A_987, %iota3A : vector<16xi32>
      %get3A_989 = arith.index_cast %add3A_986 : i32 to index
      %get3A_990 = tpu.vector_load %arg9[%get3A_989] {strides = array<i32>} : memref<10112xi32, #tpu.memory_space<vmem>>, vector<16xi32>,
      %get3A_991 = arith.index_cast %add3A_986 : i32 to index
      %get3A_992 = tpu.vector_load %arg10[%get3A_991] {strides = array<i32>} : memref<10240xf32, #tpu.memory_space<vmem>>, vector<16xf32>,
      %mul3A_993 = arith.constant 10240 : i32
      %mul3A_994 = vector.broadcast %mul3A_993 : i32 to vector<16xi32>
      %mul3A_995 = arith.muli %get3A_990, %mul3A_994 : vector<16xi32>
      %add3A_996 = arith.addi %mul3A_995, %add3A_988 : vector<16xi32>
      %swap3A_997 = arith.constant 80 : index
      %swap3A_998 = tpu.vector_load %arg17[%swap3A_997] {strides = array<i32>} : memref<128xi32, #tpu.memory_space<vmem>>, vector<16xi32>,
      tpu.vector_store %arg17[%swap3A_997], %add3A_996 {strides = array<i32>} : memref<128xi32, #tpu.memory_space<vmem>>, vector<16xi32>,
      %lt3A_999 = arith.constant 10000 : i32
      %lt3A_1000 = vector.broadcast %lt3A_999 : i32 to vector<16xi32>
      %lt3A_1001 = arith.cmpi slt, %add3A_988, %lt3A_1000 : vector<16xi32>
      %mul3A_1002 = arith.mulf %get3A_992, %get3A_992 : vector<16xf32>
      %jit3A_1003 = arith.constant 0.000000e+00 : f32
      %broadcast_in_dim3A_1004 = vector.broadcast %jit3A_1003 : f32 to vector<16xf32>
      %select_n3A_1005 = arith.select %lt3A_1001, %mul3A_1002, %broadcast_in_dim3A_1004 : vector<16xi1>, vector<16xf32>
      %swap3A_1006 = arith.constant 80 : index
      %swap3A_1007 = tpu.vector_load %arg25[%swap3A_1006] {strides = array<i32>} : memref<128xf32, #tpu.memory_space<vmem>>, vector<16xf32>,
      tpu.vector_store %arg25[%swap3A_1006], %select_n3A_1005 {strides = array<i32>} : memref<128xf32, #tpu.memory_space<vmem>>, vector<16xf32>,
      %mul3A_1008 = arith.constant 128 : i32
      %mul3A_1009 = arith.muli %add3A_647, %mul3A_1008 : i32
      %add3A_1010 = arith.constant 96 : i32
      %add3A_1011 = arith.addi %mul3A_1009, %add3A_1010 : i32
      %add3A_1012 = vector.broadcast %add3A_1011 : i32 to vector<16xi32>
      %add3A_1013 = arith.addi %add3A_1012, %iota3A : vector<16xi32>
      %get3A_1014 = arith.index_cast %add3A_1011 : i32 to index
      %get3A_1015 = tpu.vector_load %arg9[%get3A_1014] {strides = array<i32>} : memref<10112xi32, #tpu.memory_space<vmem>>, vector<16xi32>,
      %get3A_1016 = arith.index_cast %add3A_1011 : i32 to index
      %get3A_1017 = tpu.vector_load %arg10[%get3A_1016] {strides = array<i32>} : memref<10240xf32, #tpu.memory_space<vmem>>, vector<16xf32>,
      %mul3A_1018 = arith.constant 10240 : i32
      %mul3A_1019 = vector.broadcast %mul3A_1018 : i32 to vector<16xi32>
      %mul3A_1020 = arith.muli %get3A_1015, %mul3A_1019 : vector<16xi32>
      %add3A_1021 = arith.addi %mul3A_1020, %add3A_1013 : vector<16xi32>
      %swap3A_1022 = arith.constant 96 : index
      %swap3A_1023 = tpu.vector_load %arg17[%swap3A_1022] {strides = array<i32>} : memref<128xi32, #tpu.memory_space<vmem>>, vector<16xi32>,
      tpu.vector_store %arg17[%swap3A_1022], %add3A_1021 {strides = array<i32>} : memref<128xi32, #tpu.memory_space<vmem>>, vector<16xi32>,
      %lt3A_1024 = arith.constant 10000 : i32
      %lt3A_1025 = vector.broadcast %lt3A_1024 : i32 to vector<16xi32>
      %lt3A_1026 = arith.cmpi slt, %add3A_1013, %lt3A_1025 : vector<16xi32>
      %mul3A_1027 = arith.mulf %get3A_1017, %get3A_1017 : vector<16xf32>
      %jit3A_1028 = arith.constant 0.000000e+00 : f32
      %broadcast_in_dim3A_1029 = vector.broadcast %jit3A_1028 : f32 to vector<16xf32>
      %select_n3A_1030 = arith.select %lt3A_1026, %mul3A_1027, %broadcast_in_dim3A_1029 : vector<16xi1>, vector<16xf32>
      %swap3A_1031 = arith.constant 96 : index
      %swap3A_1032 = tpu.vector_load %arg25[%swap3A_1031] {strides = array<i32>} : memref<128xf32, #tpu.memory_space<vmem>>, vector<16xf32>,
      tpu.vector_store %arg25[%swap3A_1031], %select_n3A_1030 {strides = array<i32>} : memref<128xf32, #tpu.memory_space<vmem>>, vector<16xf32>,
      %mul3A_1033 = arith.constant 128 : i32
      %mul3A_1034 = arith.muli %add3A_647, %mul3A_1033 : i32
      %add3A_1035 = arith.constant 112 : i32
      %add3A_1036 = arith.addi %mul3A_1034, %add3A_1035 : i32
      %add3A_1037 = vector.broadcast %add3A_1036 : i32 to vector<16xi32>
      %add3A_1038 = arith.addi %add3A_1037, %iota3A : vector<16xi32>
      %get3A_1039 = arith.index_cast %add3A_1036 : i32 to index
      %get3A_1040 = tpu.vector_load %arg9[%get3A_1039] {strides = array<i32>} : memref<10112xi32, #tpu.memory_space<vmem>>, vector<16xi32>,
      %get3A_1041 = arith.index_cast %add3A_1036 : i32 to index
      %get3A_1042 = tpu.vector_load %arg10[%get3A_1041] {strides = array<i32>} : memref<10240xf32, #tpu.memory_space<vmem>>, vector<16xf32>,
      %mul3A_1043 = arith.constant 10240 : i32
      %mul3A_1044 = vector.broadcast %mul3A_1043 : i32 to vector<16xi32>
      %mul3A_1045 = arith.muli %get3A_1040, %mul3A_1044 : vector<16xi32>
      %add3A_1046 = arith.addi %mul3A_1045, %add3A_1038 : vector<16xi32>
      %swap3A_1047 = arith.constant 112 : index
      %swap3A_1048 = tpu.vector_load %arg17[%swap3A_1047] {strides = array<i32>} : memref<128xi32, #tpu.memory_space<vmem>>, vector<16xi32>,
      tpu.vector_store %arg17[%swap3A_1047], %add3A_1046 {strides = array<i32>} : memref<128xi32, #tpu.memory_space<vmem>>, vector<16xi32>,
      %lt3A_1049 = arith.constant 10000 : i32
      %lt3A_1050 = vector.broadcast %lt3A_1049 : i32 to vector<16xi32>
      %lt3A_1051 = arith.cmpi slt, %add3A_1038, %lt3A_1050 : vector<16xi32>
      %mul3A_1052 = arith.mulf %get3A_1042, %get3A_1042 : vector<16xf32>
      %jit3A_1053 = arith.constant 0.000000e+00 : f32
      %broadcast_in_dim3A_1054 = vector.broadcast %jit3A_1053 : f32 to vector<16xf32>
      %select_n3A_1055 = arith.select %lt3A_1051, %mul3A_1052, %broadcast_in_dim3A_1054 : vector<16xi1>, vector<16xf32>
      %swap3A_1056 = arith.constant 112 : index
      %swap3A_1057 = tpu.vector_load %arg25[%swap3A_1056] {strides = array<i32>} : memref<128xf32, #tpu.memory_space<vmem>>, vector<16xf32>,
      tpu.vector_store %arg25[%swap3A_1056], %select_n3A_1055 {strides = array<i32>} : memref<128xf32, #tpu.memory_space<vmem>>, vector<16xf32>,
      %dma_start3A_1058 = arith.constant 0 : i32
      %dma_start3A_1059 = tpu.memref_slice %arg44[%dma_start3A_1058] : memref<655360xf32, #tpu.memory_space<vmem_shared>> -> memref<655360xf32, #tpu.memory_space<vmem_shared>>
      tpu.enqueue_indirect_dma source(%arg25 : memref<128xf32, #tpu.memory_space<vmem>>) target(%dma_start3A_1059 : memref<655360xf32, #tpu.memory_space<vmem_shared>>) offsets(%arg17 : memref<128xi32, #tpu.memory_space<vmem>>) semaphore(%arg33 : memref<!tpu.dma_semaphore, #tpu.memory_space<semaphore_mem>>) {add = true}
    } else {
    }
    %add3A_653 = arith.constant 0 : i32
    %add3A_654 = arith.addi %add3A, %add3A_653 : i32
    %lt3A_655 = arith.constant 79 : i32
    %lt3A_656 = arith.cmpi slt, %add3A_654, %lt3A_655 : i32
    %convert_element_type3A_657 = arith.extui %lt3A_656 : i1 to i32
    %cond3A_658 = arith.constant 0 : i32
    %cond3A_659 = arith.cmpi ne, %convert_element_type3A_657, %cond3A_658 : i32
    scf.if %cond3A_659 {
      %dma_wait3A_859 = arith.constant 0 : i32
      %dma_wait3A_860 = tpu.memref_slice %arg44[%dma_wait3A_859] : memref<655360xf32, #tpu.memory_space<vmem_shared>> -> memref<655360xf32, #tpu.memory_space<vmem_shared>>
      tpu.wait_indirect_dma semaphore(%arg31 : memref<!tpu.dma_semaphore, #tpu.memory_space<semaphore_mem>>) src(%arg23 : memref<128xf32, #tpu.memory_space<vmem>>) dst(%dma_wait3A_860 : memref<655360xf32, #tpu.memory_space<vmem_shared>>)
    } else {
    }
    %add3A_660 = arith.constant 32 : i32
    %add3A_661 = arith.addi %add3A, %add3A_660 : i32
    %lt3A_662 = arith.constant 79 : i32
    %lt3A_663 = arith.cmpi slt, %add3A_661, %lt3A_662 : i32
    %convert_element_type3A_664 = arith.extui %lt3A_663 : i1 to i32
    %cond3A_665 = arith.constant 0 : i32
    %cond3A_666 = arith.cmpi ne, %convert_element_type3A_664, %cond3A_665 : i32
    scf.if %cond3A_666 {
      %dma_wait3A_859 = arith.constant 0 : i32
      %dma_wait3A_860 = tpu.memref_slice %arg44[%dma_wait3A_859] : memref<655360xf32, #tpu.memory_space<vmem_shared>> -> memref<655360xf32, #tpu.memory_space<vmem_shared>>
      tpu.wait_indirect_dma semaphore(%arg32 : memref<!tpu.dma_semaphore, #tpu.memory_space<semaphore_mem>>) src(%arg24 : memref<128xf32, #tpu.memory_space<vmem>>) dst(%dma_wait3A_860 : memref<655360xf32, #tpu.memory_space<vmem_shared>>)
    } else {
    }
    %add3A_667 = arith.constant 64 : i32
    %add3A_668 = arith.addi %add3A, %add3A_667 : i32
    %lt3A_669 = arith.constant 79 : i32
    %lt3A_670 = arith.cmpi slt, %add3A_668, %lt3A_669 : i32
    %convert_element_type3A_671 = arith.extui %lt3A_670 : i1 to i32
    %cond3A_672 = arith.constant 0 : i32
    %cond3A_673 = arith.cmpi ne, %convert_element_type3A_671, %cond3A_672 : i32
    scf.if %cond3A_673 {
      %dma_wait3A_859 = arith.constant 0 : i32
      %dma_wait3A_860 = tpu.memref_slice %arg44[%dma_wait3A_859] : memref<655360xf32, #tpu.memory_space<vmem_shared>> -> memref<655360xf32, #tpu.memory_space<vmem_shared>>
      tpu.wait_indirect_dma semaphore(%arg33 : memref<!tpu.dma_semaphore, #tpu.memory_space<semaphore_mem>>) src(%arg25 : memref<128xf32, #tpu.memory_space<vmem>>) dst(%dma_wait3A_860 : memref<655360xf32, #tpu.memory_space<vmem_shared>>)
    } else {
    }
    %add3A_674 = arith.constant 0 : i32
    %add3A_675 = arith.addi %arg1, %add3A_674 : i32
    %lt3A_676 = arith.constant 79 : i32
    %lt3A_677 = arith.cmpi slt, %add3A_675, %lt3A_676 : i32
    %convert_element_type3A_678 = arith.extui %lt3A_677 : i1 to i32
    %cond3A_679 = arith.constant 0 : i32
    %cond3A_680 = arith.cmpi ne, %convert_element_type3A_678, %cond3A_679 : i32
    scf.if %cond3A_680 {
      %mul3A_859 = arith.constant 128 : i32
      %mul3A_860 = arith.muli %add3A_675, %mul3A_859 : i32
      %add3A_861 = arith.constant 0 : i32
      %add3A_862 = arith.addi %mul3A_860, %add3A_861 : i32
      %get3A = arith.index_cast %add3A_862 : i32 to index
      %get3A_863 = tpu.vector_load %arg9[%get3A] {strides = array<i32>} : memref<10112xi32, #tpu.memory_space<vmem>>, vector<16xi32>,
      %add3A_864 = vector.broadcast %add3A_862 : i32 to vector<16xi32>
      %add3A_865 = arith.addi %add3A_864, %iota3A : vector<16xi32>
      %lt3A_866 = arith.constant 10000 : i32
      %lt3A_867 = vector.broadcast %lt3A_866 : i32 to vector<16xi32>
      %lt3A_868 = arith.cmpi slt, %add3A_865, %lt3A_867 : vector<16xi32>
      %jit3A_869 = arith.constant 1.000000e+00 : f32
      %jit3A_870 = arith.constant 0.000000e+00 : f32
      %broadcast_in_dim3A_871 = vector.broadcast %jit3A_869 : f32 to vector<16xf32>
      %broadcast_in_dim3A_872 = vector.broadcast %jit3A_870 : f32 to vector<16xf32>
      %select_n3A_873 = arith.select %lt3A_868, %broadcast_in_dim3A_871, %broadcast_in_dim3A_872 : vector<16xi1>, vector<16xf32>
      tpu.vector_store_idx %arg13[%get3A_863], %select_n3A_873 {add = true} : memref<64xf32, #tpu.memory_space<vmem>>[vector<16xi32>], vector<16xf32>,
      %mul3A_874 = arith.constant 128 : i32
      %mul3A_875 = arith.muli %add3A_675, %mul3A_874 : i32
      %add3A_876 = arith.constant 16 : i32
      %add3A_877 = arith.addi %mul3A_875, %add3A_876 : i32
      %get3A_878 = arith.index_cast %add3A_877 : i32 to index
      %get3A_879 = tpu.vector_load %arg9[%get3A_878] {strides = array<i32>} : memref<10112xi32, #tpu.memory_space<vmem>>, vector<16xi32>,
      %add3A_880 = vector.broadcast %add3A_877 : i32 to vector<16xi32>
      %add3A_881 = arith.addi %add3A_880, %iota3A : vector<16xi32>
      %lt3A_882 = arith.constant 10000 : i32
      %lt3A_883 = vector.broadcast %lt3A_882 : i32 to vector<16xi32>
      %lt3A_884 = arith.cmpi slt, %add3A_881, %lt3A_883 : vector<16xi32>
      %jit3A_885 = arith.constant 1.000000e+00 : f32
      %jit3A_886 = arith.constant 0.000000e+00 : f32
      %broadcast_in_dim3A_887 = vector.broadcast %jit3A_885 : f32 to vector<16xf32>
      %broadcast_in_dim3A_888 = vector.broadcast %jit3A_886 : f32 to vector<16xf32>
      %select_n3A_889 = arith.select %lt3A_884, %broadcast_in_dim3A_887, %broadcast_in_dim3A_888 : vector<16xi1>, vector<16xf32>
      tpu.vector_store_idx %arg13[%get3A_879], %select_n3A_889 {add = true} : memref<64xf32, #tpu.memory_space<vmem>>[vector<16xi32>], vector<16xf32>,
      %mul3A_890 = arith.constant 128 : i32
      %mul3A_891 = arith.muli %add3A_675, %mul3A_890 : i32
      %add3A_892 = arith.constant 32 : i32
      %add3A_893 = arith.addi %mul3A_891, %add3A_892 : i32
      %get3A_894 = arith.index_cast %add3A_893 : i32 to index
      %get3A_895 = tpu.vector_load %arg9[%get3A_894] {strides = array<i32>} : memref<10112xi32, #tpu.memory_space<vmem>>, vector<16xi32>,
      %add3A_896 = vector.broadcast %add3A_893 : i32 to vector<16xi32>
      %add3A_897 = arith.addi %add3A_896, %iota3A : vector<16xi32>
      %lt3A_898 = arith.constant 10000 : i32
      %lt3A_899 = vector.broadcast %lt3A_898 : i32 to vector<16xi32>
      %lt3A_900 = arith.cmpi slt, %add3A_897, %lt3A_899 : vector<16xi32>
      %jit3A_901 = arith.constant 1.000000e+00 : f32
      %jit3A_902 = arith.constant 0.000000e+00 : f32
      %broadcast_in_dim3A_903 = vector.broadcast %jit3A_901 : f32 to vector<16xf32>
      %broadcast_in_dim3A_904 = vector.broadcast %jit3A_902 : f32 to vector<16xf32>
      %select_n3A_905 = arith.select %lt3A_900, %broadcast_in_dim3A_903, %broadcast_in_dim3A_904 : vector<16xi1>, vector<16xf32>
      tpu.vector_store_idx %arg13[%get3A_895], %select_n3A_905 {add = true} : memref<64xf32, #tpu.memory_space<vmem>>[vector<16xi32>], vector<16xf32>,
      %mul3A_906 = arith.constant 128 : i32
      %mul3A_907 = arith.muli %add3A_675, %mul3A_906 : i32
      %add3A_908 = arith.constant 48 : i32
      %add3A_909 = arith.addi %mul3A_907, %add3A_908 : i32
      %get3A_910 = arith.index_cast %add3A_909 : i32 to index
      %get3A_911 = tpu.vector_load %arg9[%get3A_910] {strides = array<i32>} : memref<10112xi32, #tpu.memory_space<vmem>>, vector<16xi32>,
      %add3A_912 = vector.broadcast %add3A_909 : i32 to vector<16xi32>
      %add3A_913 = arith.addi %add3A_912, %iota3A : vector<16xi32>
      %lt3A_914 = arith.constant 10000 : i32
      %lt3A_915 = vector.broadcast %lt3A_914 : i32 to vector<16xi32>
      %lt3A_916 = arith.cmpi slt, %add3A_913, %lt3A_915 : vector<16xi32>
      %jit3A_917 = arith.constant 1.000000e+00 : f32
      %jit3A_918 = arith.constant 0.000000e+00 : f32
      %broadcast_in_dim3A_919 = vector.broadcast %jit3A_917 : f32 to vector<16xf32>
      %broadcast_in_dim3A_920 = vector.broadcast %jit3A_918 : f32 to vector<16xf32>
      %select_n3A_921 = arith.select %lt3A_916, %broadcast_in_dim3A_919, %broadcast_in_dim3A_920 : vector<16xi1>, vector<16xf32>
      tpu.vector_store_idx %arg13[%get3A_911], %select_n3A_921 {add = true} : memref<64xf32, #tpu.memory_space<vmem>>[vector<16xi32>], vector<16xf32>,
      %mul3A_922 = arith.constant 128 : i32
      %mul3A_923 = arith.muli %add3A_675, %mul3A_922 : i32
      %add3A_924 = arith.constant 64 : i32
      %add3A_925 = arith.addi %mul3A_923, %add3A_924 : i32
      %get3A_926 = arith.index_cast %add3A_925 : i32 to index
      %get3A_927 = tpu.vector_load %arg9[%get3A_926] {strides = array<i32>} : memref<10112xi32, #tpu.memory_space<vmem>>, vector<16xi32>,
      %add3A_928 = vector.broadcast %add3A_925 : i32 to vector<16xi32>
      %add3A_929 = arith.addi %add3A_928, %iota3A : vector<16xi32>
      %lt3A_930 = arith.constant 10000 : i32
      %lt3A_931 = vector.broadcast %lt3A_930 : i32 to vector<16xi32>
      %lt3A_932 = arith.cmpi slt, %add3A_929, %lt3A_931 : vector<16xi32>
      %jit3A_933 = arith.constant 1.000000e+00 : f32
      %jit3A_934 = arith.constant 0.000000e+00 : f32
      %broadcast_in_dim3A_935 = vector.broadcast %jit3A_933 : f32 to vector<16xf32>
      %broadcast_in_dim3A_936 = vector.broadcast %jit3A_934 : f32 to vector<16xf32>
      %select_n3A_937 = arith.select %lt3A_932, %broadcast_in_dim3A_935, %broadcast_in_dim3A_936 : vector<16xi1>, vector<16xf32>
      tpu.vector_store_idx %arg13[%get3A_927], %select_n3A_937 {add = true} : memref<64xf32, #tpu.memory_space<vmem>>[vector<16xi32>], vector<16xf32>,
      %mul3A_938 = arith.constant 128 : i32
      %mul3A_939 = arith.muli %add3A_675, %mul3A_938 : i32
      %add3A_940 = arith.constant 80 : i32
      %add3A_941 = arith.addi %mul3A_939, %add3A_940 : i32
      %get3A_942 = arith.index_cast %add3A_941 : i32 to index
      %get3A_943 = tpu.vector_load %arg9[%get3A_942] {strides = array<i32>} : memref<10112xi32, #tpu.memory_space<vmem>>, vector<16xi32>,
      %add3A_944 = vector.broadcast %add3A_941 : i32 to vector<16xi32>
      %add3A_945 = arith.addi %add3A_944, %iota3A : vector<16xi32>
      %lt3A_946 = arith.constant 10000 : i32
      %lt3A_947 = vector.broadcast %lt3A_946 : i32 to vector<16xi32>
      %lt3A_948 = arith.cmpi slt, %add3A_945, %lt3A_947 : vector<16xi32>
      %jit3A_949 = arith.constant 1.000000e+00 : f32
      %jit3A_950 = arith.constant 0.000000e+00 : f32
      %broadcast_in_dim3A_951 = vector.broadcast %jit3A_949 : f32 to vector<16xf32>
      %broadcast_in_dim3A_952 = vector.broadcast %jit3A_950 : f32 to vector<16xf32>
      %select_n3A_953 = arith.select %lt3A_948, %broadcast_in_dim3A_951, %broadcast_in_dim3A_952 : vector<16xi1>, vector<16xf32>
      tpu.vector_store_idx %arg13[%get3A_943], %select_n3A_953 {add = true} : memref<64xf32, #tpu.memory_space<vmem>>[vector<16xi32>], vector<16xf32>,
      %mul3A_954 = arith.constant 128 : i32
      %mul3A_955 = arith.muli %add3A_675, %mul3A_954 : i32
      %add3A_956 = arith.constant 96 : i32
      %add3A_957 = arith.addi %mul3A_955, %add3A_956 : i32
      %get3A_958 = arith.index_cast %add3A_957 : i32 to index
      %get3A_959 = tpu.vector_load %arg9[%get3A_958] {strides = array<i32>} : memref<10112xi32, #tpu.memory_space<vmem>>, vector<16xi32>,
      %add3A_960 = vector.broadcast %add3A_957 : i32 to vector<16xi32>
      %add3A_961 = arith.addi %add3A_960, %iota3A : vector<16xi32>
      %lt3A_962 = arith.constant 10000 : i32
      %lt3A_963 = vector.broadcast %lt3A_962 : i32 to vector<16xi32>
      %lt3A_964 = arith.cmpi slt, %add3A_961, %lt3A_963 : vector<16xi32>
      %jit3A_965 = arith.constant 1.000000e+00 : f32
      %jit3A_966 = arith.constant 0.000000e+00 : f32
      %broadcast_in_dim3A_967 = vector.broadcast %jit3A_965 : f32 to vector<16xf32>
      %broadcast_in_dim3A_968 = vector.broadcast %jit3A_966 : f32 to vector<16xf32>
      %select_n3A_969 = arith.select %lt3A_964, %broadcast_in_dim3A_967, %broadcast_in_dim3A_968 : vector<16xi1>, vector<16xf32>
      tpu.vector_store_idx %arg13[%get3A_959], %select_n3A_969 {add = true} : memref<64xf32, #tpu.memory_space<vmem>>[vector<16xi32>], vector<16xf32>,
      %mul3A_970 = arith.constant 128 : i32
      %mul3A_971 = arith.muli %add3A_675, %mul3A_970 : i32
      %add3A_972 = arith.constant 112 : i32
      %add3A_973 = arith.addi %mul3A_971, %add3A_972 : i32
      %get3A_974 = arith.index_cast %add3A_973 : i32 to index
      %get3A_975 = tpu.vector_load %arg9[%get3A_974] {strides = array<i32>} : memref<10112xi32, #tpu.memory_space<vmem>>, vector<16xi32>,
      %add3A_976 = vector.broadcast %add3A_973 : i32 to vector<16xi32>
      %add3A_977 = arith.addi %add3A_976, %iota3A : vector<16xi32>
      %lt3A_978 = arith.constant 10000 : i32
      %lt3A_979 = vector.broadcast %lt3A_978 : i32 to vector<16xi32>
      %lt3A_980 = arith.cmpi slt, %add3A_977, %lt3A_979 : vector<16xi32>
      %jit3A_981 = arith.constant 1.000000e+00 : f32
      %jit3A_982 = arith.constant 0.000000e+00 : f32
      %broadcast_in_dim3A_983 = vector.broadcast %jit3A_981 : f32 to vector<16xf32>
      %broadcast_in_dim3A_984 = vector.broadcast %jit3A_982 : f32 to vector<16xf32>
      %select_n3A_985 = arith.select %lt3A_980, %broadcast_in_dim3A_983, %broadcast_in_dim3A_984 : vector<16xi1>, vector<16xf32>
      tpu.vector_store_idx %arg13[%get3A_975], %select_n3A_985 {add = true} : memref<64xf32, #tpu.memory_space<vmem>>[vector<16xi32>], vector<16xf32>,
    } else {
    }
    %add3A_681 = arith.constant 16 : i32
    %add3A_682 = arith.addi %arg1, %add3A_681 : i32
    %lt3A_683 = arith.constant 79 : i32
    %lt3A_684 = arith.cmpi slt, %add3A_682, %lt3A_683 : i32
    %convert_element_type3A_685 = arith.extui %lt3A_684 : i1 to i32
    %cond3A_686 = arith.constant 0 : i32
    %cond3A_687 = arith.cmpi ne, %convert_element_type3A_685, %cond3A_686 : i32
    scf.if %cond3A_687 {
      %mul3A_859 = arith.constant 128 : i32
      %mul3A_860 = arith.muli %add3A_682, %mul3A_859 : i32
      %add3A_861 = arith.constant 0 : i32
      %add3A_862 = arith.addi %mul3A_860, %add3A_861 : i32
      %get3A = arith.index_cast %add3A_862 : i32 to index
      %get3A_863 = tpu.vector_load %arg9[%get3A] {strides = array<i32>} : memref<10112xi32, #tpu.memory_space<vmem>>, vector<16xi32>,
      %add3A_864 = vector.broadcast %add3A_862 : i32 to vector<16xi32>
      %add3A_865 = arith.addi %add3A_864, %iota3A : vector<16xi32>
      %lt3A_866 = arith.constant 10000 : i32
      %lt3A_867 = vector.broadcast %lt3A_866 : i32 to vector<16xi32>
      %lt3A_868 = arith.cmpi slt, %add3A_865, %lt3A_867 : vector<16xi32>
      %jit3A_869 = arith.constant 1.000000e+00 : f32
      %jit3A_870 = arith.constant 0.000000e+00 : f32
      %broadcast_in_dim3A_871 = vector.broadcast %jit3A_869 : f32 to vector<16xf32>
      %broadcast_in_dim3A_872 = vector.broadcast %jit3A_870 : f32 to vector<16xf32>
      %select_n3A_873 = arith.select %lt3A_868, %broadcast_in_dim3A_871, %broadcast_in_dim3A_872 : vector<16xi1>, vector<16xf32>
      tpu.vector_store_idx %arg13[%get3A_863], %select_n3A_873 {add = true} : memref<64xf32, #tpu.memory_space<vmem>>[vector<16xi32>], vector<16xf32>,
      %mul3A_874 = arith.constant 128 : i32
      %mul3A_875 = arith.muli %add3A_682, %mul3A_874 : i32
      %add3A_876 = arith.constant 16 : i32
      %add3A_877 = arith.addi %mul3A_875, %add3A_876 : i32
      %get3A_878 = arith.index_cast %add3A_877 : i32 to index
      %get3A_879 = tpu.vector_load %arg9[%get3A_878] {strides = array<i32>} : memref<10112xi32, #tpu.memory_space<vmem>>, vector<16xi32>,
      %add3A_880 = vector.broadcast %add3A_877 : i32 to vector<16xi32>
      %add3A_881 = arith.addi %add3A_880, %iota3A : vector<16xi32>
      %lt3A_882 = arith.constant 10000 : i32
      %lt3A_883 = vector.broadcast %lt3A_882 : i32 to vector<16xi32>
      %lt3A_884 = arith.cmpi slt, %add3A_881, %lt3A_883 : vector<16xi32>
      %jit3A_885 = arith.constant 1.000000e+00 : f32
      %jit3A_886 = arith.constant 0.000000e+00 : f32
      %broadcast_in_dim3A_887 = vector.broadcast %jit3A_885 : f32 to vector<16xf32>
      %broadcast_in_dim3A_888 = vector.broadcast %jit3A_886 : f32 to vector<16xf32>
      %select_n3A_889 = arith.select %lt3A_884, %broadcast_in_dim3A_887, %broadcast_in_dim3A_888 : vector<16xi1>, vector<16xf32>
      tpu.vector_store_idx %arg13[%get3A_879], %select_n3A_889 {add = true} : memref<64xf32, #tpu.memory_space<vmem>>[vector<16xi32>], vector<16xf32>,
      %mul3A_890 = arith.constant 128 : i32
      %mul3A_891 = arith.muli %add3A_682, %mul3A_890 : i32
      %add3A_892 = arith.constant 32 : i32
      %add3A_893 = arith.addi %mul3A_891, %add3A_892 : i32
      %get3A_894 = arith.index_cast %add3A_893 : i32 to index
      %get3A_895 = tpu.vector_load %arg9[%get3A_894] {strides = array<i32>} : memref<10112xi32, #tpu.memory_space<vmem>>, vector<16xi32>,
      %add3A_896 = vector.broadcast %add3A_893 : i32 to vector<16xi32>
      %add3A_897 = arith.addi %add3A_896, %iota3A : vector<16xi32>
      %lt3A_898 = arith.constant 10000 : i32
      %lt3A_899 = vector.broadcast %lt3A_898 : i32 to vector<16xi32>
      %lt3A_900 = arith.cmpi slt, %add3A_897, %lt3A_899 : vector<16xi32>
      %jit3A_901 = arith.constant 1.000000e+00 : f32
      %jit3A_902 = arith.constant 0.000000e+00 : f32
      %broadcast_in_dim3A_903 = vector.broadcast %jit3A_901 : f32 to vector<16xf32>
      %broadcast_in_dim3A_904 = vector.broadcast %jit3A_902 : f32 to vector<16xf32>
      %select_n3A_905 = arith.select %lt3A_900, %broadcast_in_dim3A_903, %broadcast_in_dim3A_904 : vector<16xi1>, vector<16xf32>
      tpu.vector_store_idx %arg13[%get3A_895], %select_n3A_905 {add = true} : memref<64xf32, #tpu.memory_space<vmem>>[vector<16xi32>], vector<16xf32>,
      %mul3A_906 = arith.constant 128 : i32
      %mul3A_907 = arith.muli %add3A_682, %mul3A_906 : i32
      %add3A_908 = arith.constant 48 : i32
      %add3A_909 = arith.addi %mul3A_907, %add3A_908 : i32
      %get3A_910 = arith.index_cast %add3A_909 : i32 to index
      %get3A_911 = tpu.vector_load %arg9[%get3A_910] {strides = array<i32>} : memref<10112xi32, #tpu.memory_space<vmem>>, vector<16xi32>,
      %add3A_912 = vector.broadcast %add3A_909 : i32 to vector<16xi32>
      %add3A_913 = arith.addi %add3A_912, %iota3A : vector<16xi32>
      %lt3A_914 = arith.constant 10000 : i32
      %lt3A_915 = vector.broadcast %lt3A_914 : i32 to vector<16xi32>
      %lt3A_916 = arith.cmpi slt, %add3A_913, %lt3A_915 : vector<16xi32>
      %jit3A_917 = arith.constant 1.000000e+00 : f32
      %jit3A_918 = arith.constant 0.000000e+00 : f32
      %broadcast_in_dim3A_919 = vector.broadcast %jit3A_917 : f32 to vector<16xf32>
      %broadcast_in_dim3A_920 = vector.broadcast %jit3A_918 : f32 to vector<16xf32>
      %select_n3A_921 = arith.select %lt3A_916, %broadcast_in_dim3A_919, %broadcast_in_dim3A_920 : vector<16xi1>, vector<16xf32>
      tpu.vector_store_idx %arg13[%get3A_911], %select_n3A_921 {add = true} : memref<64xf32, #tpu.memory_space<vmem>>[vector<16xi32>], vector<16xf32>,
      %mul3A_922 = arith.constant 128 : i32
      %mul3A_923 = arith.muli %add3A_682, %mul3A_922 : i32
      %add3A_924 = arith.constant 64 : i32
      %add3A_925 = arith.addi %mul3A_923, %add3A_924 : i32
      %get3A_926 = arith.index_cast %add3A_925 : i32 to index
      %get3A_927 = tpu.vector_load %arg9[%get3A_926] {strides = array<i32>} : memref<10112xi32, #tpu.memory_space<vmem>>, vector<16xi32>,
      %add3A_928 = vector.broadcast %add3A_925 : i32 to vector<16xi32>
      %add3A_929 = arith.addi %add3A_928, %iota3A : vector<16xi32>
      %lt3A_930 = arith.constant 10000 : i32
      %lt3A_931 = vector.broadcast %lt3A_930 : i32 to vector<16xi32>
      %lt3A_932 = arith.cmpi slt, %add3A_929, %lt3A_931 : vector<16xi32>
      %jit3A_933 = arith.constant 1.000000e+00 : f32
      %jit3A_934 = arith.constant 0.000000e+00 : f32
      %broadcast_in_dim3A_935 = vector.broadcast %jit3A_933 : f32 to vector<16xf32>
      %broadcast_in_dim3A_936 = vector.broadcast %jit3A_934 : f32 to vector<16xf32>
      %select_n3A_937 = arith.select %lt3A_932, %broadcast_in_dim3A_935, %broadcast_in_dim3A_936 : vector<16xi1>, vector<16xf32>
      tpu.vector_store_idx %arg13[%get3A_927], %select_n3A_937 {add = true} : memref<64xf32, #tpu.memory_space<vmem>>[vector<16xi32>], vector<16xf32>,
      %mul3A_938 = arith.constant 128 : i32
      %mul3A_939 = arith.muli %add3A_682, %mul3A_938 : i32
      %add3A_940 = arith.constant 80 : i32
      %add3A_941 = arith.addi %mul3A_939, %add3A_940 : i32
      %get3A_942 = arith.index_cast %add3A_941 : i32 to index
      %get3A_943 = tpu.vector_load %arg9[%get3A_942] {strides = array<i32>} : memref<10112xi32, #tpu.memory_space<vmem>>, vector<16xi32>,
      %add3A_944 = vector.broadcast %add3A_941 : i32 to vector<16xi32>
      %add3A_945 = arith.addi %add3A_944, %iota3A : vector<16xi32>
      %lt3A_946 = arith.constant 10000 : i32
      %lt3A_947 = vector.broadcast %lt3A_946 : i32 to vector<16xi32>
      %lt3A_948 = arith.cmpi slt, %add3A_945, %lt3A_947 : vector<16xi32>
      %jit3A_949 = arith.constant 1.000000e+00 : f32
      %jit3A_950 = arith.constant 0.000000e+00 : f32
      %broadcast_in_dim3A_951 = vector.broadcast %jit3A_949 : f32 to vector<16xf32>
      %broadcast_in_dim3A_952 = vector.broadcast %jit3A_950 : f32 to vector<16xf32>
      %select_n3A_953 = arith.select %lt3A_948, %broadcast_in_dim3A_951, %broadcast_in_dim3A_952 : vector<16xi1>, vector<16xf32>
      tpu.vector_store_idx %arg13[%get3A_943], %select_n3A_953 {add = true} : memref<64xf32, #tpu.memory_space<vmem>>[vector<16xi32>], vector<16xf32>,
      %mul3A_954 = arith.constant 128 : i32
      %mul3A_955 = arith.muli %add3A_682, %mul3A_954 : i32
      %add3A_956 = arith.constant 96 : i32
      %add3A_957 = arith.addi %mul3A_955, %add3A_956 : i32
      %get3A_958 = arith.index_cast %add3A_957 : i32 to index
      %get3A_959 = tpu.vector_load %arg9[%get3A_958] {strides = array<i32>} : memref<10112xi32, #tpu.memory_space<vmem>>, vector<16xi32>,
      %add3A_960 = vector.broadcast %add3A_957 : i32 to vector<16xi32>
      %add3A_961 = arith.addi %add3A_960, %iota3A : vector<16xi32>
      %lt3A_962 = arith.constant 10000 : i32
      %lt3A_963 = vector.broadcast %lt3A_962 : i32 to vector<16xi32>
      %lt3A_964 = arith.cmpi slt, %add3A_961, %lt3A_963 : vector<16xi32>
      %jit3A_965 = arith.constant 1.000000e+00 : f32
      %jit3A_966 = arith.constant 0.000000e+00 : f32
      %broadcast_in_dim3A_967 = vector.broadcast %jit3A_965 : f32 to vector<16xf32>
      %broadcast_in_dim3A_968 = vector.broadcast %jit3A_966 : f32 to vector<16xf32>
      %select_n3A_969 = arith.select %lt3A_964, %broadcast_in_dim3A_967, %broadcast_in_dim3A_968 : vector<16xi1>, vector<16xf32>
      tpu.vector_store_idx %arg13[%get3A_959], %select_n3A_969 {add = true} : memref<64xf32, #tpu.memory_space<vmem>>[vector<16xi32>], vector<16xf32>,
      %mul3A_970 = arith.constant 128 : i32
      %mul3A_971 = arith.muli %add3A_682, %mul3A_970 : i32
      %add3A_972 = arith.constant 112 : i32
      %add3A_973 = arith.addi %mul3A_971, %add3A_972 : i32
      %get3A_974 = arith.index_cast %add3A_973 : i32 to index
      %get3A_975 = tpu.vector_load %arg9[%get3A_974] {strides = array<i32>} : memref<10112xi32, #tpu.memory_space<vmem>>, vector<16xi32>,
      %add3A_976 = vector.broadcast %add3A_973 : i32 to vector<16xi32>
      %add3A_977 = arith.addi %add3A_976, %iota3A : vector<16xi32>
      %lt3A_978 = arith.constant 10000 : i32
      %lt3A_979 = vector.broadcast %lt3A_978 : i32 to vector<16xi32>
      %lt3A_980 = arith.cmpi slt, %add3A_977, %lt3A_979 : vector<16xi32>
      %jit3A_981 = arith.constant 1.000000e+00 : f32
      %jit3A_982 = arith.constant 0.000000e+00 : f32
      %broadcast_in_dim3A_983 = vector.broadcast %jit3A_981 : f32 to vector<16xf32>
      %broadcast_in_dim3A_984 = vector.broadcast %jit3A_982 : f32 to vector<16xf32>
      %select_n3A_985 = arith.select %lt3A_980, %broadcast_in_dim3A_983, %broadcast_in_dim3A_984 : vector<16xi1>, vector<16xf32>
      tpu.vector_store_idx %arg13[%get3A_975], %select_n3A_985 {add = true} : memref<64xf32, #tpu.memory_space<vmem>>[vector<16xi32>], vector<16xf32>,
    } else {
    }
    %add3A_688 = arith.constant 32 : i32
    %add3A_689 = arith.addi %arg1, %add3A_688 : i32
    %lt3A_690 = arith.constant 79 : i32
    %lt3A_691 = arith.cmpi slt, %add3A_689, %lt3A_690 : i32
    %convert_element_type3A_692 = arith.extui %lt3A_691 : i1 to i32
    %cond3A_693 = arith.constant 0 : i32
    %cond3A_694 = arith.cmpi ne, %convert_element_type3A_692, %cond3A_693 : i32
    scf.if %cond3A_694 {
      %mul3A_859 = arith.constant 128 : i32
      %mul3A_860 = arith.muli %add3A_689, %mul3A_859 : i32
      %add3A_861 = arith.constant 0 : i32
      %add3A_862 = arith.addi %mul3A_860, %add3A_861 : i32
      %get3A = arith.index_cast %add3A_862 : i32 to index
      %get3A_863 = tpu.vector_load %arg9[%get3A] {strides = array<i32>} : memref<10112xi32, #tpu.memory_space<vmem>>, vector<16xi32>,
      %add3A_864 = vector.broadcast %add3A_862 : i32 to vector<16xi32>
      %add3A_865 = arith.addi %add3A_864, %iota3A : vector<16xi32>
      %lt3A_866 = arith.constant 10000 : i32
      %lt3A_867 = vector.broadcast %lt3A_866 : i32 to vector<16xi32>
      %lt3A_868 = arith.cmpi slt, %add3A_865, %lt3A_867 : vector<16xi32>
      %jit3A_869 = arith.constant 1.000000e+00 : f32
      %jit3A_870 = arith.constant 0.000000e+00 : f32
      %broadcast_in_dim3A_871 = vector.broadcast %jit3A_869 : f32 to vector<16xf32>
      %broadcast_in_dim3A_872 = vector.broadcast %jit3A_870 : f32 to vector<16xf32>
      %select_n3A_873 = arith.select %lt3A_868, %broadcast_in_dim3A_871, %broadcast_in_dim3A_872 : vector<16xi1>, vector<16xf32>
      tpu.vector_store_idx %arg13[%get3A_863], %select_n3A_873 {add = true} : memref<64xf32, #tpu.memory_space<vmem>>[vector<16xi32>], vector<16xf32>,
      %mul3A_874 = arith.constant 128 : i32
      %mul3A_875 = arith.muli %add3A_689, %mul3A_874 : i32
      %add3A_876 = arith.constant 16 : i32
      %add3A_877 = arith.addi %mul3A_875, %add3A_876 : i32
      %get3A_878 = arith.index_cast %add3A_877 : i32 to index
      %get3A_879 = tpu.vector_load %arg9[%get3A_878] {strides = array<i32>} : memref<10112xi32, #tpu.memory_space<vmem>>, vector<16xi32>,
      %add3A_880 = vector.broadcast %add3A_877 : i32 to vector<16xi32>
      %add3A_881 = arith.addi %add3A_880, %iota3A : vector<16xi32>
      %lt3A_882 = arith.constant 10000 : i32
      %lt3A_883 = vector.broadcast %lt3A_882 : i32 to vector<16xi32>
      %lt3A_884 = arith.cmpi slt, %add3A_881, %lt3A_883 : vector<16xi32>
      %jit3A_885 = arith.constant 1.000000e+00 : f32
      %jit3A_886 = arith.constant 0.000000e+00 : f32
      %broadcast_in_dim3A_887 = vector.broadcast %jit3A_885 : f32 to vector<16xf32>
      %broadcast_in_dim3A_888 = vector.broadcast %jit3A_886 : f32 to vector<16xf32>
      %select_n3A_889 = arith.select %lt3A_884, %broadcast_in_dim3A_887, %broadcast_in_dim3A_888 : vector<16xi1>, vector<16xf32>
      tpu.vector_store_idx %arg13[%get3A_879], %select_n3A_889 {add = true} : memref<64xf32, #tpu.memory_space<vmem>>[vector<16xi32>], vector<16xf32>,
      %mul3A_890 = arith.constant 128 : i32
      %mul3A_891 = arith.muli %add3A_689, %mul3A_890 : i32
      %add3A_892 = arith.constant 32 : i32
      %add3A_893 = arith.addi %mul3A_891, %add3A_892 : i32
      %get3A_894 = arith.index_cast %add3A_893 : i32 to index
      %get3A_895 = tpu.vector_load %arg9[%get3A_894] {strides = array<i32>} : memref<10112xi32, #tpu.memory_space<vmem>>, vector<16xi32>,
      %add3A_896 = vector.broadcast %add3A_893 : i32 to vector<16xi32>
      %add3A_897 = arith.addi %add3A_896, %iota3A : vector<16xi32>
      %lt3A_898 = arith.constant 10000 : i32
      %lt3A_899 = vector.broadcast %lt3A_898 : i32 to vector<16xi32>
      %lt3A_900 = arith.cmpi slt, %add3A_897, %lt3A_899 : vector<16xi32>
      %jit3A_901 = arith.constant 1.000000e+00 : f32
      %jit3A_902 = arith.constant 0.000000e+00 : f32
      %broadcast_in_dim3A_903 = vector.broadcast %jit3A_901 : f32 to vector<16xf32>
      %broadcast_in_dim3A_904 = vector.broadcast %jit3A_902 : f32 to vector<16xf32>
      %select_n3A_905 = arith.select %lt3A_900, %broadcast_in_dim3A_903, %broadcast_in_dim3A_904 : vector<16xi1>, vector<16xf32>
      tpu.vector_store_idx %arg13[%get3A_895], %select_n3A_905 {add = true} : memref<64xf32, #tpu.memory_space<vmem>>[vector<16xi32>], vector<16xf32>,
      %mul3A_906 = arith.constant 128 : i32
      %mul3A_907 = arith.muli %add3A_689, %mul3A_906 : i32
      %add3A_908 = arith.constant 48 : i32
      %add3A_909 = arith.addi %mul3A_907, %add3A_908 : i32
      %get3A_910 = arith.index_cast %add3A_909 : i32 to index
      %get3A_911 = tpu.vector_load %arg9[%get3A_910] {strides = array<i32>} : memref<10112xi32, #tpu.memory_space<vmem>>, vector<16xi32>,
      %add3A_912 = vector.broadcast %add3A_909 : i32 to vector<16xi32>
      %add3A_913 = arith.addi %add3A_912, %iota3A : vector<16xi32>
      %lt3A_914 = arith.constant 10000 : i32
      %lt3A_915 = vector.broadcast %lt3A_914 : i32 to vector<16xi32>
      %lt3A_916 = arith.cmpi slt, %add3A_913, %lt3A_915 : vector<16xi32>
      %jit3A_917 = arith.constant 1.000000e+00 : f32
      %jit3A_918 = arith.constant 0.000000e+00 : f32
      %broadcast_in_dim3A_919 = vector.broadcast %jit3A_917 : f32 to vector<16xf32>
      %broadcast_in_dim3A_920 = vector.broadcast %jit3A_918 : f32 to vector<16xf32>
      %select_n3A_921 = arith.select %lt3A_916, %broadcast_in_dim3A_919, %broadcast_in_dim3A_920 : vector<16xi1>, vector<16xf32>
      tpu.vector_store_idx %arg13[%get3A_911], %select_n3A_921 {add = true} : memref<64xf32, #tpu.memory_space<vmem>>[vector<16xi32>], vector<16xf32>,
      %mul3A_922 = arith.constant 128 : i32
      %mul3A_923 = arith.muli %add3A_689, %mul3A_922 : i32
      %add3A_924 = arith.constant 64 : i32
      %add3A_925 = arith.addi %mul3A_923, %add3A_924 : i32
      %get3A_926 = arith.index_cast %add3A_925 : i32 to index
      %get3A_927 = tpu.vector_load %arg9[%get3A_926] {strides = array<i32>} : memref<10112xi32, #tpu.memory_space<vmem>>, vector<16xi32>,
      %add3A_928 = vector.broadcast %add3A_925 : i32 to vector<16xi32>
      %add3A_929 = arith.addi %add3A_928, %iota3A : vector<16xi32>
      %lt3A_930 = arith.constant 10000 : i32
      %lt3A_931 = vector.broadcast %lt3A_930 : i32 to vector<16xi32>
      %lt3A_932 = arith.cmpi slt, %add3A_929, %lt3A_931 : vector<16xi32>
      %jit3A_933 = arith.constant 1.000000e+00 : f32
      %jit3A_934 = arith.constant 0.000000e+00 : f32
      %broadcast_in_dim3A_935 = vector.broadcast %jit3A_933 : f32 to vector<16xf32>
      %broadcast_in_dim3A_936 = vector.broadcast %jit3A_934 : f32 to vector<16xf32>
      %select_n3A_937 = arith.select %lt3A_932, %broadcast_in_dim3A_935, %broadcast_in_dim3A_936 : vector<16xi1>, vector<16xf32>
      tpu.vector_store_idx %arg13[%get3A_927], %select_n3A_937 {add = true} : memref<64xf32, #tpu.memory_space<vmem>>[vector<16xi32>], vector<16xf32>,
      %mul3A_938 = arith.constant 128 : i32
      %mul3A_939 = arith.muli %add3A_689, %mul3A_938 : i32
      %add3A_940 = arith.constant 80 : i32
      %add3A_941 = arith.addi %mul3A_939, %add3A_940 : i32
      %get3A_942 = arith.index_cast %add3A_941 : i32 to index
      %get3A_943 = tpu.vector_load %arg9[%get3A_942] {strides = array<i32>} : memref<10112xi32, #tpu.memory_space<vmem>>, vector<16xi32>,
      %add3A_944 = vector.broadcast %add3A_941 : i32 to vector<16xi32>
      %add3A_945 = arith.addi %add3A_944, %iota3A : vector<16xi32>
      %lt3A_946 = arith.constant 10000 : i32
      %lt3A_947 = vector.broadcast %lt3A_946 : i32 to vector<16xi32>
      %lt3A_948 = arith.cmpi slt, %add3A_945, %lt3A_947 : vector<16xi32>
      %jit3A_949 = arith.constant 1.000000e+00 : f32
      %jit3A_950 = arith.constant 0.000000e+00 : f32
      %broadcast_in_dim3A_951 = vector.broadcast %jit3A_949 : f32 to vector<16xf32>
      %broadcast_in_dim3A_952 = vector.broadcast %jit3A_950 : f32 to vector<16xf32>
      %select_n3A_953 = arith.select %lt3A_948, %broadcast_in_dim3A_951, %broadcast_in_dim3A_952 : vector<16xi1>, vector<16xf32>
      tpu.vector_store_idx %arg13[%get3A_943], %select_n3A_953 {add = true} : memref<64xf32, #tpu.memory_space<vmem>>[vector<16xi32>], vector<16xf32>,
      %mul3A_954 = arith.constant 128 : i32
      %mul3A_955 = arith.muli %add3A_689, %mul3A_954 : i32
      %add3A_956 = arith.constant 96 : i32
      %add3A_957 = arith.addi %mul3A_955, %add3A_956 : i32
      %get3A_958 = arith.index_cast %add3A_957 : i32 to index
      %get3A_959 = tpu.vector_load %arg9[%get3A_958] {strides = array<i32>} : memref<10112xi32, #tpu.memory_space<vmem>>, vector<16xi32>,
      %add3A_960 = vector.broadcast %add3A_957 : i32 to vector<16xi32>
      %add3A_961 = arith.addi %add3A_960, %iota3A : vector<16xi32>
      %lt3A_962 = arith.constant 10000 : i32
      %lt3A_963 = vector.broadcast %lt3A_962 : i32 to vector<16xi32>
      %lt3A_964 = arith.cmpi slt, %add3A_961, %lt3A_963 : vector<16xi32>
      %jit3A_965 = arith.constant 1.000000e+00 : f32
      %jit3A_966 = arith.constant 0.000000e+00 : f32
      %broadcast_in_dim3A_967 = vector.broadcast %jit3A_965 : f32 to vector<16xf32>
      %broadcast_in_dim3A_968 = vector.broadcast %jit3A_966 : f32 to vector<16xf32>
      %select_n3A_969 = arith.select %lt3A_964, %broadcast_in_dim3A_967, %broadcast_in_dim3A_968 : vector<16xi1>, vector<16xf32>
      tpu.vector_store_idx %arg13[%get3A_959], %select_n3A_969 {add = true} : memref<64xf32, #tpu.memory_space<vmem>>[vector<16xi32>], vector<16xf32>,
      %mul3A_970 = arith.constant 128 : i32
      %mul3A_971 = arith.muli %add3A_689, %mul3A_970 : i32
      %add3A_972 = arith.constant 112 : i32
      %add3A_973 = arith.addi %mul3A_971, %add3A_972 : i32
      %get3A_974 = arith.index_cast %add3A_973 : i32 to index
      %get3A_975 = tpu.vector_load %arg9[%get3A_974] {strides = array<i32>} : memref<10112xi32, #tpu.memory_space<vmem>>, vector<16xi32>,
      %add3A_976 = vector.broadcast %add3A_973 : i32 to vector<16xi32>
      %add3A_977 = arith.addi %add3A_976, %iota3A : vector<16xi32>
      %lt3A_978 = arith.constant 10000 : i32
      %lt3A_979 = vector.broadcast %lt3A_978 : i32 to vector<16xi32>
      %lt3A_980 = arith.cmpi slt, %add3A_977, %lt3A_979 : vector<16xi32>
      %jit3A_981 = arith.constant 1.000000e+00 : f32
      %jit3A_982 = arith.constant 0.000000e+00 : f32
      %broadcast_in_dim3A_983 = vector.broadcast %jit3A_981 : f32 to vector<16xf32>
      %broadcast_in_dim3A_984 = vector.broadcast %jit3A_982 : f32 to vector<16xf32>
      %select_n3A_985 = arith.select %lt3A_980, %broadcast_in_dim3A_983, %broadcast_in_dim3A_984 : vector<16xi1>, vector<16xf32>
      tpu.vector_store_idx %arg13[%get3A_975], %select_n3A_985 {add = true} : memref<64xf32, #tpu.memory_space<vmem>>[vector<16xi32>], vector<16xf32>,
    } else {
    }
    %add3A_695 = arith.constant 48 : i32
    %add3A_696 = arith.addi %arg1, %add3A_695 : i32
    %lt3A_697 = arith.constant 79 : i32
    %lt3A_698 = arith.cmpi slt, %add3A_696, %lt3A_697 : i32
    %convert_element_type3A_699 = arith.extui %lt3A_698 : i1 to i32
    %cond3A_700 = arith.constant 0 : i32
    %cond3A_701 = arith.cmpi ne, %convert_element_type3A_699, %cond3A_700 : i32
    scf.if %cond3A_701 {
      %mul3A_859 = arith.constant 128 : i32
      %mul3A_860 = arith.muli %add3A_696, %mul3A_859 : i32
      %add3A_861 = arith.constant 0 : i32
      %add3A_862 = arith.addi %mul3A_860, %add3A_861 : i32
      %get3A = arith.index_cast %add3A_862 : i32 to index
      %get3A_863 = tpu.vector_load %arg9[%get3A] {strides = array<i32>} : memref<10112xi32, #tpu.memory_space<vmem>>, vector<16xi32>,
      %add3A_864 = vector.broadcast %add3A_862 : i32 to vector<16xi32>
      %add3A_865 = arith.addi %add3A_864, %iota3A : vector<16xi32>
      %lt3A_866 = arith.constant 10000 : i32
      %lt3A_867 = vector.broadcast %lt3A_866 : i32 to vector<16xi32>
      %lt3A_868 = arith.cmpi slt, %add3A_865, %lt3A_867 : vector<16xi32>
      %jit3A_869 = arith.constant 1.000000e+00 : f32
      %jit3A_870 = arith.constant 0.000000e+00 : f32
      %broadcast_in_dim3A_871 = vector.broadcast %jit3A_869 : f32 to vector<16xf32>
      %broadcast_in_dim3A_872 = vector.broadcast %jit3A_870 : f32 to vector<16xf32>
      %select_n3A_873 = arith.select %lt3A_868, %broadcast_in_dim3A_871, %broadcast_in_dim3A_872 : vector<16xi1>, vector<16xf32>
      tpu.vector_store_idx %arg13[%get3A_863], %select_n3A_873 {add = true} : memref<64xf32, #tpu.memory_space<vmem>>[vector<16xi32>], vector<16xf32>,
      %mul3A_874 = arith.constant 128 : i32
      %mul3A_875 = arith.muli %add3A_696, %mul3A_874 : i32
      %add3A_876 = arith.constant 16 : i32
      %add3A_877 = arith.addi %mul3A_875, %add3A_876 : i32
      %get3A_878 = arith.index_cast %add3A_877 : i32 to index
      %get3A_879 = tpu.vector_load %arg9[%get3A_878] {strides = array<i32>} : memref<10112xi32, #tpu.memory_space<vmem>>, vector<16xi32>,
      %add3A_880 = vector.broadcast %add3A_877 : i32 to vector<16xi32>
      %add3A_881 = arith.addi %add3A_880, %iota3A : vector<16xi32>
      %lt3A_882 = arith.constant 10000 : i32
      %lt3A_883 = vector.broadcast %lt3A_882 : i32 to vector<16xi32>
      %lt3A_884 = arith.cmpi slt, %add3A_881, %lt3A_883 : vector<16xi32>
      %jit3A_885 = arith.constant 1.000000e+00 : f32
      %jit3A_886 = arith.constant 0.000000e+00 : f32
      %broadcast_in_dim3A_887 = vector.broadcast %jit3A_885 : f32 to vector<16xf32>
      %broadcast_in_dim3A_888 = vector.broadcast %jit3A_886 : f32 to vector<16xf32>
      %select_n3A_889 = arith.select %lt3A_884, %broadcast_in_dim3A_887, %broadcast_in_dim3A_888 : vector<16xi1>, vector<16xf32>
      tpu.vector_store_idx %arg13[%get3A_879], %select_n3A_889 {add = true} : memref<64xf32, #tpu.memory_space<vmem>>[vector<16xi32>], vector<16xf32>,
      %mul3A_890 = arith.constant 128 : i32
      %mul3A_891 = arith.muli %add3A_696, %mul3A_890 : i32
      %add3A_892 = arith.constant 32 : i32
      %add3A_893 = arith.addi %mul3A_891, %add3A_892 : i32
      %get3A_894 = arith.index_cast %add3A_893 : i32 to index
      %get3A_895 = tpu.vector_load %arg9[%get3A_894] {strides = array<i32>} : memref<10112xi32, #tpu.memory_space<vmem>>, vector<16xi32>,
      %add3A_896 = vector.broadcast %add3A_893 : i32 to vector<16xi32>
      %add3A_897 = arith.addi %add3A_896, %iota3A : vector<16xi32>
      %lt3A_898 = arith.constant 10000 : i32
      %lt3A_899 = vector.broadcast %lt3A_898 : i32 to vector<16xi32>
      %lt3A_900 = arith.cmpi slt, %add3A_897, %lt3A_899 : vector<16xi32>
      %jit3A_901 = arith.constant 1.000000e+00 : f32
      %jit3A_902 = arith.constant 0.000000e+00 : f32
      %broadcast_in_dim3A_903 = vector.broadcast %jit3A_901 : f32 to vector<16xf32>
      %broadcast_in_dim3A_904 = vector.broadcast %jit3A_902 : f32 to vector<16xf32>
      %select_n3A_905 = arith.select %lt3A_900, %broadcast_in_dim3A_903, %broadcast_in_dim3A_904 : vector<16xi1>, vector<16xf32>
      tpu.vector_store_idx %arg13[%get3A_895], %select_n3A_905 {add = true} : memref<64xf32, #tpu.memory_space<vmem>>[vector<16xi32>], vector<16xf32>,
      %mul3A_906 = arith.constant 128 : i32
      %mul3A_907 = arith.muli %add3A_696, %mul3A_906 : i32
      %add3A_908 = arith.constant 48 : i32
      %add3A_909 = arith.addi %mul3A_907, %add3A_908 : i32
      %get3A_910 = arith.index_cast %add3A_909 : i32 to index
      %get3A_911 = tpu.vector_load %arg9[%get3A_910] {strides = array<i32>} : memref<10112xi32, #tpu.memory_space<vmem>>, vector<16xi32>,
      %add3A_912 = vector.broadcast %add3A_909 : i32 to vector<16xi32>
      %add3A_913 = arith.addi %add3A_912, %iota3A : vector<16xi32>
      %lt3A_914 = arith.constant 10000 : i32
      %lt3A_915 = vector.broadcast %lt3A_914 : i32 to vector<16xi32>
      %lt3A_916 = arith.cmpi slt, %add3A_913, %lt3A_915 : vector<16xi32>
      %jit3A_917 = arith.constant 1.000000e+00 : f32
      %jit3A_918 = arith.constant 0.000000e+00 : f32
      %broadcast_in_dim3A_919 = vector.broadcast %jit3A_917 : f32 to vector<16xf32>
      %broadcast_in_dim3A_920 = vector.broadcast %jit3A_918 : f32 to vector<16xf32>
      %select_n3A_921 = arith.select %lt3A_916, %broadcast_in_dim3A_919, %broadcast_in_dim3A_920 : vector<16xi1>, vector<16xf32>
      tpu.vector_store_idx %arg13[%get3A_911], %select_n3A_921 {add = true} : memref<64xf32, #tpu.memory_space<vmem>>[vector<16xi32>], vector<16xf32>,
      %mul3A_922 = arith.constant 128 : i32
      %mul3A_923 = arith.muli %add3A_696, %mul3A_922 : i32
      %add3A_924 = arith.constant 64 : i32
      %add3A_925 = arith.addi %mul3A_923, %add3A_924 : i32
      %get3A_926 = arith.index_cast %add3A_925 : i32 to index
      %get3A_927 = tpu.vector_load %arg9[%get3A_926] {strides = array<i32>} : memref<10112xi32, #tpu.memory_space<vmem>>, vector<16xi32>,
      %add3A_928 = vector.broadcast %add3A_925 : i32 to vector<16xi32>
      %add3A_929 = arith.addi %add3A_928, %iota3A : vector<16xi32>
      %lt3A_930 = arith.constant 10000 : i32
      %lt3A_931 = vector.broadcast %lt3A_930 : i32 to vector<16xi32>
      %lt3A_932 = arith.cmpi slt, %add3A_929, %lt3A_931 : vector<16xi32>
      %jit3A_933 = arith.constant 1.000000e+00 : f32
      %jit3A_934 = arith.constant 0.000000e+00 : f32
      %broadcast_in_dim3A_935 = vector.broadcast %jit3A_933 : f32 to vector<16xf32>
      %broadcast_in_dim3A_936 = vector.broadcast %jit3A_934 : f32 to vector<16xf32>
      %select_n3A_937 = arith.select %lt3A_932, %broadcast_in_dim3A_935, %broadcast_in_dim3A_936 : vector<16xi1>, vector<16xf32>
      tpu.vector_store_idx %arg13[%get3A_927], %select_n3A_937 {add = true} : memref<64xf32, #tpu.memory_space<vmem>>[vector<16xi32>], vector<16xf32>,
      %mul3A_938 = arith.constant 128 : i32
      %mul3A_939 = arith.muli %add3A_696, %mul3A_938 : i32
      %add3A_940 = arith.constant 80 : i32
      %add3A_941 = arith.addi %mul3A_939, %add3A_940 : i32
      %get3A_942 = arith.index_cast %add3A_941 : i32 to index
      %get3A_943 = tpu.vector_load %arg9[%get3A_942] {strides = array<i32>} : memref<10112xi32, #tpu.memory_space<vmem>>, vector<16xi32>,
      %add3A_944 = vector.broadcast %add3A_941 : i32 to vector<16xi32>
      %add3A_945 = arith.addi %add3A_944, %iota3A : vector<16xi32>
      %lt3A_946 = arith.constant 10000 : i32
      %lt3A_947 = vector.broadcast %lt3A_946 : i32 to vector<16xi32>
      %lt3A_948 = arith.cmpi slt, %add3A_945, %lt3A_947 : vector<16xi32>
      %jit3A_949 = arith.constant 1.000000e+00 : f32
      %jit3A_950 = arith.constant 0.000000e+00 : f32
      %broadcast_in_dim3A_951 = vector.broadcast %jit3A_949 : f32 to vector<16xf32>
      %broadcast_in_dim3A_952 = vector.broadcast %jit3A_950 : f32 to vector<16xf32>
      %select_n3A_953 = arith.select %lt3A_948, %broadcast_in_dim3A_951, %broadcast_in_dim3A_952 : vector<16xi1>, vector<16xf32>
      tpu.vector_store_idx %arg13[%get3A_943], %select_n3A_953 {add = true} : memref<64xf32, #tpu.memory_space<vmem>>[vector<16xi32>], vector<16xf32>,
      %mul3A_954 = arith.constant 128 : i32
      %mul3A_955 = arith.muli %add3A_696, %mul3A_954 : i32
      %add3A_956 = arith.constant 96 : i32
      %add3A_957 = arith.addi %mul3A_955, %add3A_956 : i32
      %get3A_958 = arith.index_cast %add3A_957 : i32 to index
      %get3A_959 = tpu.vector_load %arg9[%get3A_958] {strides = array<i32>} : memref<10112xi32, #tpu.memory_space<vmem>>, vector<16xi32>,
      %add3A_960 = vector.broadcast %add3A_957 : i32 to vector<16xi32>
      %add3A_961 = arith.addi %add3A_960, %iota3A : vector<16xi32>
      %lt3A_962 = arith.constant 10000 : i32
      %lt3A_963 = vector.broadcast %lt3A_962 : i32 to vector<16xi32>
      %lt3A_964 = arith.cmpi slt, %add3A_961, %lt3A_963 : vector<16xi32>
      %jit3A_965 = arith.constant 1.000000e+00 : f32
      %jit3A_966 = arith.constant 0.000000e+00 : f32
      %broadcast_in_dim3A_967 = vector.broadcast %jit3A_965 : f32 to vector<16xf32>
      %broadcast_in_dim3A_968 = vector.broadcast %jit3A_966 : f32 to vector<16xf32>
      %select_n3A_969 = arith.select %lt3A_964, %broadcast_in_dim3A_967, %broadcast_in_dim3A_968 : vector<16xi1>, vector<16xf32>
      tpu.vector_store_idx %arg13[%get3A_959], %select_n3A_969 {add = true} : memref<64xf32, #tpu.memory_space<vmem>>[vector<16xi32>], vector<16xf32>,
      %mul3A_970 = arith.constant 128 : i32
      %mul3A_971 = arith.muli %add3A_696, %mul3A_970 : i32
      %add3A_972 = arith.constant 112 : i32
      %add3A_973 = arith.addi %mul3A_971, %add3A_972 : i32
      %get3A_974 = arith.index_cast %add3A_973 : i32 to index
      %get3A_975 = tpu.vector_load %arg9[%get3A_974] {strides = array<i32>} : memref<10112xi32, #tpu.memory_space<vmem>>, vector<16xi32>,
      %add3A_976 = vector.broadcast %add3A_973 : i32 to vector<16xi32>
      %add3A_977 = arith.addi %add3A_976, %iota3A : vector<16xi32>
      %lt3A_978 = arith.constant 10000 : i32
      %lt3A_979 = vector.broadcast %lt3A_978 : i32 to vector<16xi32>
      %lt3A_980 = arith.cmpi slt, %add3A_977, %lt3A_979 : vector<16xi32>
      %jit3A_981 = arith.constant 1.000000e+00 : f32
      %jit3A_982 = arith.constant 0.000000e+00 : f32
      %broadcast_in_dim3A_983 = vector.broadcast %jit3A_981 : f32 to vector<16xf32>
      %broadcast_in_dim3A_984 = vector.broadcast %jit3A_982 : f32 to vector<16xf32>
      %select_n3A_985 = arith.select %lt3A_980, %broadcast_in_dim3A_983, %broadcast_in_dim3A_984 : vector<16xi1>, vector<16xf32>
      tpu.vector_store_idx %arg13[%get3A_975], %select_n3A_985 {add = true} : memref<64xf32, #tpu.memory_space<vmem>>[vector<16xi32>], vector<16xf32>,
    } else {
    }
    %add3A_702 = arith.constant 64 : i32
    %add3A_703 = arith.addi %arg1, %add3A_702 : i32
    %lt3A_704 = arith.constant 79 : i32
    %lt3A_705 = arith.cmpi slt, %add3A_703, %lt3A_704 : i32
    %convert_element_type3A_706 = arith.extui %lt3A_705 : i1 to i32
    %cond3A_707 = arith.constant 0 : i32
    %cond3A_708 = arith.cmpi ne, %convert_element_type3A_706, %cond3A_707 : i32
    scf.if %cond3A_708 {
      %mul3A_859 = arith.constant 128 : i32
      %mul3A_860 = arith.muli %add3A_703, %mul3A_859 : i32
      %add3A_861 = arith.constant 0 : i32
      %add3A_862 = arith.addi %mul3A_860, %add3A_861 : i32
      %get3A = arith.index_cast %add3A_862 : i32 to index
      %get3A_863 = tpu.vector_load %arg9[%get3A] {strides = array<i32>} : memref<10112xi32, #tpu.memory_space<vmem>>, vector<16xi32>,
      %add3A_864 = vector.broadcast %add3A_862 : i32 to vector<16xi32>
      %add3A_865 = arith.addi %add3A_864, %iota3A : vector<16xi32>
      %lt3A_866 = arith.constant 10000 : i32
      %lt3A_867 = vector.broadcast %lt3A_866 : i32 to vector<16xi32>
      %lt3A_868 = arith.cmpi slt, %add3A_865, %lt3A_867 : vector<16xi32>
      %jit3A_869 = arith.constant 1.000000e+00 : f32
      %jit3A_870 = arith.constant 0.000000e+00 : f32
      %broadcast_in_dim3A_871 = vector.broadcast %jit3A_869 : f32 to vector<16xf32>
      %broadcast_in_dim3A_872 = vector.broadcast %jit3A_870 : f32 to vector<16xf32>
      %select_n3A_873 = arith.select %lt3A_868, %broadcast_in_dim3A_871, %broadcast_in_dim3A_872 : vector<16xi1>, vector<16xf32>
      tpu.vector_store_idx %arg13[%get3A_863], %select_n3A_873 {add = true} : memref<64xf32, #tpu.memory_space<vmem>>[vector<16xi32>], vector<16xf32>,
      %mul3A_874 = arith.constant 128 : i32
      %mul3A_875 = arith.muli %add3A_703, %mul3A_874 : i32
      %add3A_876 = arith.constant 16 : i32
      %add3A_877 = arith.addi %mul3A_875, %add3A_876 : i32
      %get3A_878 = arith.index_cast %add3A_877 : i32 to index
      %get3A_879 = tpu.vector_load %arg9[%get3A_878] {strides = array<i32>} : memref<10112xi32, #tpu.memory_space<vmem>>, vector<16xi32>,
      %add3A_880 = vector.broadcast %add3A_877 : i32 to vector<16xi32>
      %add3A_881 = arith.addi %add3A_880, %iota3A : vector<16xi32>
      %lt3A_882 = arith.constant 10000 : i32
      %lt3A_883 = vector.broadcast %lt3A_882 : i32 to vector<16xi32>
      %lt3A_884 = arith.cmpi slt, %add3A_881, %lt3A_883 : vector<16xi32>
      %jit3A_885 = arith.constant 1.000000e+00 : f32
      %jit3A_886 = arith.constant 0.000000e+00 : f32
      %broadcast_in_dim3A_887 = vector.broadcast %jit3A_885 : f32 to vector<16xf32>
      %broadcast_in_dim3A_888 = vector.broadcast %jit3A_886 : f32 to vector<16xf32>
      %select_n3A_889 = arith.select %lt3A_884, %broadcast_in_dim3A_887, %broadcast_in_dim3A_888 : vector<16xi1>, vector<16xf32>
      tpu.vector_store_idx %arg13[%get3A_879], %select_n3A_889 {add = true} : memref<64xf32, #tpu.memory_space<vmem>>[vector<16xi32>], vector<16xf32>,
      %mul3A_890 = arith.constant 128 : i32
      %mul3A_891 = arith.muli %add3A_703, %mul3A_890 : i32
      %add3A_892 = arith.constant 32 : i32
      %add3A_893 = arith.addi %mul3A_891, %add3A_892 : i32
      %get3A_894 = arith.index_cast %add3A_893 : i32 to index
      %get3A_895 = tpu.vector_load %arg9[%get3A_894] {strides = array<i32>} : memref<10112xi32, #tpu.memory_space<vmem>>, vector<16xi32>,
      %add3A_896 = vector.broadcast %add3A_893 : i32 to vector<16xi32>
      %add3A_897 = arith.addi %add3A_896, %iota3A : vector<16xi32>
      %lt3A_898 = arith.constant 10000 : i32
      %lt3A_899 = vector.broadcast %lt3A_898 : i32 to vector<16xi32>
      %lt3A_900 = arith.cmpi slt, %add3A_897, %lt3A_899 : vector<16xi32>
      %jit3A_901 = arith.constant 1.000000e+00 : f32
      %jit3A_902 = arith.constant 0.000000e+00 : f32
      %broadcast_in_dim3A_903 = vector.broadcast %jit3A_901 : f32 to vector<16xf32>
      %broadcast_in_dim3A_904 = vector.broadcast %jit3A_902 : f32 to vector<16xf32>
      %select_n3A_905 = arith.select %lt3A_900, %broadcast_in_dim3A_903, %broadcast_in_dim3A_904 : vector<16xi1>, vector<16xf32>
      tpu.vector_store_idx %arg13[%get3A_895], %select_n3A_905 {add = true} : memref<64xf32, #tpu.memory_space<vmem>>[vector<16xi32>], vector<16xf32>,
      %mul3A_906 = arith.constant 128 : i32
      %mul3A_907 = arith.muli %add3A_703, %mul3A_906 : i32
      %add3A_908 = arith.constant 48 : i32
      %add3A_909 = arith.addi %mul3A_907, %add3A_908 : i32
      %get3A_910 = arith.index_cast %add3A_909 : i32 to index
      %get3A_911 = tpu.vector_load %arg9[%get3A_910] {strides = array<i32>} : memref<10112xi32, #tpu.memory_space<vmem>>, vector<16xi32>,
      %add3A_912 = vector.broadcast %add3A_909 : i32 to vector<16xi32>
      %add3A_913 = arith.addi %add3A_912, %iota3A : vector<16xi32>
      %lt3A_914 = arith.constant 10000 : i32
      %lt3A_915 = vector.broadcast %lt3A_914 : i32 to vector<16xi32>
      %lt3A_916 = arith.cmpi slt, %add3A_913, %lt3A_915 : vector<16xi32>
      %jit3A_917 = arith.constant 1.000000e+00 : f32
      %jit3A_918 = arith.constant 0.000000e+00 : f32
      %broadcast_in_dim3A_919 = vector.broadcast %jit3A_917 : f32 to vector<16xf32>
      %broadcast_in_dim3A_920 = vector.broadcast %jit3A_918 : f32 to vector<16xf32>
      %select_n3A_921 = arith.select %lt3A_916, %broadcast_in_dim3A_919, %broadcast_in_dim3A_920 : vector<16xi1>, vector<16xf32>
      tpu.vector_store_idx %arg13[%get3A_911], %select_n3A_921 {add = true} : memref<64xf32, #tpu.memory_space<vmem>>[vector<16xi32>], vector<16xf32>,
      %mul3A_922 = arith.constant 128 : i32
      %mul3A_923 = arith.muli %add3A_703, %mul3A_922 : i32
      %add3A_924 = arith.constant 64 : i32
      %add3A_925 = arith.addi %mul3A_923, %add3A_924 : i32
      %get3A_926 = arith.index_cast %add3A_925 : i32 to index
      %get3A_927 = tpu.vector_load %arg9[%get3A_926] {strides = array<i32>} : memref<10112xi32, #tpu.memory_space<vmem>>, vector<16xi32>,
      %add3A_928 = vector.broadcast %add3A_925 : i32 to vector<16xi32>
      %add3A_929 = arith.addi %add3A_928, %iota3A : vector<16xi32>
      %lt3A_930 = arith.constant 10000 : i32
      %lt3A_931 = vector.broadcast %lt3A_930 : i32 to vector<16xi32>
      %lt3A_932 = arith.cmpi slt, %add3A_929, %lt3A_931 : vector<16xi32>
      %jit3A_933 = arith.constant 1.000000e+00 : f32
      %jit3A_934 = arith.constant 0.000000e+00 : f32
      %broadcast_in_dim3A_935 = vector.broadcast %jit3A_933 : f32 to vector<16xf32>
      %broadcast_in_dim3A_936 = vector.broadcast %jit3A_934 : f32 to vector<16xf32>
      %select_n3A_937 = arith.select %lt3A_932, %broadcast_in_dim3A_935, %broadcast_in_dim3A_936 : vector<16xi1>, vector<16xf32>
      tpu.vector_store_idx %arg13[%get3A_927], %select_n3A_937 {add = true} : memref<64xf32, #tpu.memory_space<vmem>>[vector<16xi32>], vector<16xf32>,
      %mul3A_938 = arith.constant 128 : i32
      %mul3A_939 = arith.muli %add3A_703, %mul3A_938 : i32
      %add3A_940 = arith.constant 80 : i32
      %add3A_941 = arith.addi %mul3A_939, %add3A_940 : i32
      %get3A_942 = arith.index_cast %add3A_941 : i32 to index
      %get3A_943 = tpu.vector_load %arg9[%get3A_942] {strides = array<i32>} : memref<10112xi32, #tpu.memory_space<vmem>>, vector<16xi32>,
      %add3A_944 = vector.broadcast %add3A_941 : i32 to vector<16xi32>
      %add3A_945 = arith.addi %add3A_944, %iota3A : vector<16xi32>
      %lt3A_946 = arith.constant 10000 : i32
      %lt3A_947 = vector.broadcast %lt3A_946 : i32 to vector<16xi32>
      %lt3A_948 = arith.cmpi slt, %add3A_945, %lt3A_947 : vector<16xi32>
      %jit3A_949 = arith.constant 1.000000e+00 : f32
      %jit3A_950 = arith.constant 0.000000e+00 : f32
      %broadcast_in_dim3A_951 = vector.broadcast %jit3A_949 : f32 to vector<16xf32>
      %broadcast_in_dim3A_952 = vector.broadcast %jit3A_950 : f32 to vector<16xf32>
      %select_n3A_953 = arith.select %lt3A_948, %broadcast_in_dim3A_951, %broadcast_in_dim3A_952 : vector<16xi1>, vector<16xf32>
      tpu.vector_store_idx %arg13[%get3A_943], %select_n3A_953 {add = true} : memref<64xf32, #tpu.memory_space<vmem>>[vector<16xi32>], vector<16xf32>,
      %mul3A_954 = arith.constant 128 : i32
      %mul3A_955 = arith.muli %add3A_703, %mul3A_954 : i32
      %add3A_956 = arith.constant 96 : i32
      %add3A_957 = arith.addi %mul3A_955, %add3A_956 : i32
      %get3A_958 = arith.index_cast %add3A_957 : i32 to index
      %get3A_959 = tpu.vector_load %arg9[%get3A_958] {strides = array<i32>} : memref<10112xi32, #tpu.memory_space<vmem>>, vector<16xi32>,
      %add3A_960 = vector.broadcast %add3A_957 : i32 to vector<16xi32>
      %add3A_961 = arith.addi %add3A_960, %iota3A : vector<16xi32>
      %lt3A_962 = arith.constant 10000 : i32
      %lt3A_963 = vector.broadcast %lt3A_962 : i32 to vector<16xi32>
      %lt3A_964 = arith.cmpi slt, %add3A_961, %lt3A_963 : vector<16xi32>
      %jit3A_965 = arith.constant 1.000000e+00 : f32
      %jit3A_966 = arith.constant 0.000000e+00 : f32
      %broadcast_in_dim3A_967 = vector.broadcast %jit3A_965 : f32 to vector<16xf32>
      %broadcast_in_dim3A_968 = vector.broadcast %jit3A_966 : f32 to vector<16xf32>
      %select_n3A_969 = arith.select %lt3A_964, %broadcast_in_dim3A_967, %broadcast_in_dim3A_968 : vector<16xi1>, vector<16xf32>
      tpu.vector_store_idx %arg13[%get3A_959], %select_n3A_969 {add = true} : memref<64xf32, #tpu.memory_space<vmem>>[vector<16xi32>], vector<16xf32>,
      %mul3A_970 = arith.constant 128 : i32
      %mul3A_971 = arith.muli %add3A_703, %mul3A_970 : i32
      %add3A_972 = arith.constant 112 : i32
      %add3A_973 = arith.addi %mul3A_971, %add3A_972 : i32
      %get3A_974 = arith.index_cast %add3A_973 : i32 to index
      %get3A_975 = tpu.vector_load %arg9[%get3A_974] {strides = array<i32>} : memref<10112xi32, #tpu.memory_space<vmem>>, vector<16xi32>,
      %add3A_976 = vector.broadcast %add3A_973 : i32 to vector<16xi32>
      %add3A_977 = arith.addi %add3A_976, %iota3A : vector<16xi32>
      %lt3A_978 = arith.constant 10000 : i32
      %lt3A_979 = vector.broadcast %lt3A_978 : i32 to vector<16xi32>
      %lt3A_980 = arith.cmpi slt, %add3A_977, %lt3A_979 : vector<16xi32>
      %jit3A_981 = arith.constant 1.000000e+00 : f32
      %jit3A_982 = arith.constant 0.000000e+00 : f32
      %broadcast_in_dim3A_983 = vector.broadcast %jit3A_981 : f32 to vector<16xf32>
      %broadcast_in_dim3A_984 = vector.broadcast %jit3A_982 : f32 to vector<16xf32>
      %select_n3A_985 = arith.select %lt3A_980, %broadcast_in_dim3A_983, %broadcast_in_dim3A_984 : vector<16xi1>, vector<16xf32>
      tpu.vector_store_idx %arg13[%get3A_975], %select_n3A_985 {add = true} : memref<64xf32, #tpu.memory_space<vmem>>[vector<16xi32>], vector<16xf32>,
    } else {
    }
    "tpu.region"() ({
      %run_scoped3A = tpu.sem_alloc : memref<!tpu.dma_semaphore, #tpu.memory_space<semaphore_mem>>
      %dma_start3A_859 = arith.constant 0 : i32
      %dma_start3A_860 = tpu.memref_slice %arg43[%dma_start3A_859] : memref<64xf32, #tpu.memory_space<vmem_shared>> -> memref<64xf32, #tpu.memory_space<vmem_shared>>
      tpu.enqueue_indirect_dma source(%arg13 : memref<64xf32, #tpu.memory_space<vmem>>) target(%dma_start3A_860 : memref<64xf32, #tpu.memory_space<vmem_shared>>) offsets(%arg14 : memref<64xi32, #tpu.memory_space<vmem>>) semaphore(%run_scoped3A : memref<!tpu.dma_semaphore, #tpu.memory_space<semaphore_mem>>) {add = true}
      %dma_wait3A_861 = arith.constant 0 : i32
      %dma_wait3A_862 = tpu.memref_slice %arg43[%dma_wait3A_861] : memref<64xf32, #tpu.memory_space<vmem_shared>> -> memref<64xf32, #tpu.memory_space<vmem_shared>>
      tpu.wait_indirect_dma semaphore(%run_scoped3A : memref<!tpu.dma_semaphore, #tpu.memory_space<semaphore_mem>>) src(%arg13 : memref<64xf32, #tpu.memory_space<vmem>>) dst(%dma_wait3A_862 : memref<64xf32, #tpu.memory_space<vmem_shared>>)
      tpu.yield
    }) : () -> ()
    %mul3A_709 = arith.constant 128 : i32
    %mul3A_710 = arith.muli %select_n3A_72, %mul3A_709 : i32
    %dma_wait3A_711 = arith.constant 0 : i32
    %dma_wait3A_712 = tpu.memref_slice %arg2[%dma_wait3A_711, %mul3A_710] : memref<2x320000xi32, #tpu.memory_space<hbm>> -> memref<1x10112xi32, #tpu.memory_space<hbm>>
    %dma_wait3A_713 = tpu.memref_squeeze %dma_wait3A_712 : memref<1x10112xi32, #tpu.memory_space<hbm>> -> memref<10112xi32, #tpu.memory_space<hbm>>
    %dma_wait3A_714 = tpu.memref_slice %arg2[%dma_wait3A_711, %mul3A_710] : memref<2x320000xi32, #tpu.memory_space<hbm>> -> memref<1x10112xi32, #tpu.memory_space<hbm>>
    %dma_wait3A_715 = tpu.memref_squeeze %dma_wait3A_714 : memref<1x10112xi32, #tpu.memory_space<hbm>> -> memref<10112xi32, #tpu.memory_space<hbm>>
    tpu.wait_dma2 semaphore(%arg36 : memref<!tpu.dma_semaphore, #tpu.memory_space<semaphore_mem>>) src(%dma_wait3A_715 : memref<10112xi32, #tpu.memory_space<hbm>>) dst(%arg7 : memref<10112xi32, #tpu.memory_space<vmem>>)
    %mul3A_716 = arith.constant 128 : i32
    %mul3A_717 = arith.muli %select_n3A_72, %mul3A_716 : i32
    %dma_wait3A_718 = arith.constant 1 : i32
    %dma_wait3A_719 = tpu.memref_slice %arg2[%dma_wait3A_718, %mul3A_717] : memref<2x320000xi32, #tpu.memory_space<hbm>> -> memref<1x10112xi32, #tpu.memory_space<hbm>>
    %dma_wait3A_720 = tpu.memref_squeeze %dma_wait3A_719 : memref<1x10112xi32, #tpu.memory_space<hbm>> -> memref<10112xi32, #tpu.memory_space<hbm>>
    %dma_wait3A_721 = tpu.memref_slice %arg2[%dma_wait3A_718, %mul3A_717] : memref<2x320000xi32, #tpu.memory_space<hbm>> -> memref<1x10112xi32, #tpu.memory_space<hbm>>
    %dma_wait3A_722 = tpu.memref_squeeze %dma_wait3A_721 : memref<1x10112xi32, #tpu.memory_space<hbm>> -> memref<10112xi32, #tpu.memory_space<hbm>>
    tpu.wait_dma2 semaphore(%arg36 : memref<!tpu.dma_semaphore, #tpu.memory_space<semaphore_mem>>) src(%dma_wait3A_722 : memref<10112xi32, #tpu.memory_space<hbm>>) dst(%arg8 : memref<10112xi32, #tpu.memory_space<vmem>>)
    %sub3A_723 = arith.subi %select_n3A_100, %select_n3A_72 : i32
    %scan3A_724 = arith.constant 0 : i32
    %scan3A_725 = arith.constant 0 : i32
    %scan3A_726 = arith.constant 10 : i32
    %scan3A_727 = arith.addi %scan3A_725, %scan3A_726 : i32
    %scan3A_728 = arith.constant 1 : i32
    scf.for %scan3A_859 = %scan3A_725 to %scan3A_727 step %scan3A_728  : i32 {
      %mul3A_860 = arith.constant 8 : i32
      %mul3A_861 = arith.muli %scan3A_859, %mul3A_860 : i32
      %add3A_862 = arith.constant 0 : i32
      %add3A_863 = arith.addi %mul3A_861, %add3A_862 : i32
      %lt3A_864 = arith.cmpi slt, %add3A_863, %sub3A_723 : i32
      %convert_element_type3A_865 = arith.extui %lt3A_864 : i1 to i32
      %cond3A_866 = arith.constant 0 : i32
      %cond3A_867 = arith.cmpi ne, %convert_element_type3A_865, %cond3A_866 : i32
      scf.if %cond3A_867 {
        %ge3A = arith.constant 8 : i32
        %ge3A_924 = arith.cmpi sge, %add3A_863, %ge3A : i32
        %convert_element_type3A_925 = arith.extui %ge3A_924 : i1 to i32
        %cond3A_926 = arith.constant 0 : i32
        %cond3A_927 = arith.cmpi ne, %convert_element_type3A_925, %cond3A_926 : i32
        scf.if %cond3A_927 {
          %dma_wait3A_1088 = arith.constant 0 : i32
          %dma_wait3A_1089 = tpu.memref_slice %arg44[%dma_wait3A_1088] : memref<655360xf32, #tpu.memory_space<vmem_shared>> -> memref<655360xf32, #tpu.memory_space<vmem_shared>>
          tpu.wait_indirect_dma semaphore(%arg31 : memref<!tpu.dma_semaphore, #tpu.memory_space<semaphore_mem>>) src(%arg23 : memref<128xf32, #tpu.memory_space<vmem>>) dst(%dma_wait3A_1089 : memref<655360xf32, #tpu.memory_space<vmem_shared>>)
        } else {
        }
        %mul3A_928 = arith.constant 128 : i32
        %mul3A_929 = arith.muli %add3A_863, %mul3A_928 : i32
        %add3A_930 = arith.constant 0 : i32
        %add3A_931 = arith.addi %mul3A_929, %add3A_930 : i32
        %get3A = arith.index_cast %add3A_931 : i32 to index
        %get3A_932 = tpu.vector_load %arg8[%get3A] {strides = array<i32>} : memref<10112xi32, #tpu.memory_space<vmem>>, vector<16xi32>,
        %get3A_933 = arith.index_cast %add3A_931 : i32 to index
        %get3A_934 = tpu.vector_load %arg7[%get3A_933] {strides = array<i32>} : memref<10112xi32, #tpu.memory_space<vmem>>, vector<16xi32>,
        %gather3A = tpu.vector_load_idx %arg9[%get3A_932] : memref<10112xi32, #tpu.memory_space<vmem>>[vector<16xi32>], vector<16xi32>,
        %gather3A_935 = tpu.vector_load_idx %arg10[%get3A_932] : memref<10240xf32, #tpu.memory_space<vmem>>[vector<16xi32>], vector<16xf32>,
        %gather3A_936 = tpu.vector_load_idx %arg10[%get3A_934] : memref<10240xf32, #tpu.memory_space<vmem>>[vector<16xi32>], vector<16xf32>,
        %mul3A_937 = arith.constant 10240 : i32
        %mul3A_938 = vector.broadcast %mul3A_937 : i32 to vector<16xi32>
        %mul3A_939 = arith.muli %gather3A, %mul3A_938 : vector<16xi32>
        %add3A_940 = arith.addi %mul3A_939, %get3A_934 : vector<16xi32>
        %swap3A_941 = arith.constant 0 : index
        %swap3A_942 = tpu.vector_load %arg15[%swap3A_941] {strides = array<i32>} : memref<128xi32, #tpu.memory_space<vmem>>, vector<16xi32>,
        tpu.vector_store %arg15[%swap3A_941], %add3A_940 {strides = array<i32>} : memref<128xi32, #tpu.memory_space<vmem>>, vector<16xi32>,
        %mul3A_943 = arith.mulf %gather3A_935, %gather3A_936 : vector<16xf32>
        %swap3A_944 = arith.constant 0 : index
        %swap3A_945 = tpu.vector_load %arg23[%swap3A_944] {strides = array<i32>} : memref<128xf32, #tpu.memory_space<vmem>>, vector<16xf32>,
        tpu.vector_store %arg23[%swap3A_944], %mul3A_943 {strides = array<i32>} : memref<128xf32, #tpu.memory_space<vmem>>, vector<16xf32>,
        %mul3A_946 = arith.constant 128 : i32
        %mul3A_947 = arith.muli %add3A_863, %mul3A_946 : i32
        %add3A_948 = arith.constant 16 : i32
        %add3A_949 = arith.addi %mul3A_947, %add3A_948 : i32
        %get3A_950 = arith.index_cast %add3A_949 : i32 to index
        %get3A_951 = tpu.vector_load %arg8[%get3A_950] {strides = array<i32>} : memref<10112xi32, #tpu.memory_space<vmem>>, vector<16xi32>,
        %get3A_952 = arith.index_cast %add3A_949 : i32 to index
        %get3A_953 = tpu.vector_load %arg7[%get3A_952] {strides = array<i32>} : memref<10112xi32, #tpu.memory_space<vmem>>, vector<16xi32>,
        %gather3A_954 = tpu.vector_load_idx %arg9[%get3A_951] : memref<10112xi32, #tpu.memory_space<vmem>>[vector<16xi32>], vector<16xi32>,
        %gather3A_955 = tpu.vector_load_idx %arg10[%get3A_951] : memref<10240xf32, #tpu.memory_space<vmem>>[vector<16xi32>], vector<16xf32>,
        %gather3A_956 = tpu.vector_load_idx %arg10[%get3A_953] : memref<10240xf32, #tpu.memory_space<vmem>>[vector<16xi32>], vector<16xf32>,
        %mul3A_957 = arith.constant 10240 : i32
        %mul3A_958 = vector.broadcast %mul3A_957 : i32 to vector<16xi32>
        %mul3A_959 = arith.muli %gather3A_954, %mul3A_958 : vector<16xi32>
        %add3A_960 = arith.addi %mul3A_959, %get3A_953 : vector<16xi32>
        %swap3A_961 = arith.constant 16 : index
        %swap3A_962 = tpu.vector_load %arg15[%swap3A_961] {strides = array<i32>} : memref<128xi32, #tpu.memory_space<vmem>>, vector<16xi32>,
        tpu.vector_store %arg15[%swap3A_961], %add3A_960 {strides = array<i32>} : memref<128xi32, #tpu.memory_space<vmem>>, vector<16xi32>,
        %mul3A_963 = arith.mulf %gather3A_955, %gather3A_956 : vector<16xf32>
        %swap3A_964 = arith.constant 16 : index
        %swap3A_965 = tpu.vector_load %arg23[%swap3A_964] {strides = array<i32>} : memref<128xf32, #tpu.memory_space<vmem>>, vector<16xf32>,
        tpu.vector_store %arg23[%swap3A_964], %mul3A_963 {strides = array<i32>} : memref<128xf32, #tpu.memory_space<vmem>>, vector<16xf32>,
        %mul3A_966 = arith.constant 128 : i32
        %mul3A_967 = arith.muli %add3A_863, %mul3A_966 : i32
        %add3A_968 = arith.constant 32 : i32
        %add3A_969 = arith.addi %mul3A_967, %add3A_968 : i32
        %get3A_970 = arith.index_cast %add3A_969 : i32 to index
        %get3A_971 = tpu.vector_load %arg8[%get3A_970] {strides = array<i32>} : memref<10112xi32, #tpu.memory_space<vmem>>, vector<16xi32>,
        %get3A_972 = arith.index_cast %add3A_969 : i32 to index
        %get3A_973 = tpu.vector_load %arg7[%get3A_972] {strides = array<i32>} : memref<10112xi32, #tpu.memory_space<vmem>>, vector<16xi32>,
        %gather3A_974 = tpu.vector_load_idx %arg9[%get3A_971] : memref<10112xi32, #tpu.memory_space<vmem>>[vector<16xi32>], vector<16xi32>,
        %gather3A_975 = tpu.vector_load_idx %arg10[%get3A_971] : memref<10240xf32, #tpu.memory_space<vmem>>[vector<16xi32>], vector<16xf32>,
        %gather3A_976 = tpu.vector_load_idx %arg10[%get3A_973] : memref<10240xf32, #tpu.memory_space<vmem>>[vector<16xi32>], vector<16xf32>,
        %mul3A_977 = arith.constant 10240 : i32
        %mul3A_978 = vector.broadcast %mul3A_977 : i32 to vector<16xi32>
        %mul3A_979 = arith.muli %gather3A_974, %mul3A_978 : vector<16xi32>
        %add3A_980 = arith.addi %mul3A_979, %get3A_973 : vector<16xi32>
        %swap3A_981 = arith.constant 32 : index
        %swap3A_982 = tpu.vector_load %arg15[%swap3A_981] {strides = array<i32>} : memref<128xi32, #tpu.memory_space<vmem>>, vector<16xi32>,
        tpu.vector_store %arg15[%swap3A_981], %add3A_980 {strides = array<i32>} : memref<128xi32, #tpu.memory_space<vmem>>, vector<16xi32>,
        %mul3A_983 = arith.mulf %gather3A_975, %gather3A_976 : vector<16xf32>
        %swap3A_984 = arith.constant 32 : index
        %swap3A_985 = tpu.vector_load %arg23[%swap3A_984] {strides = array<i32>} : memref<128xf32, #tpu.memory_space<vmem>>, vector<16xf32>,
        tpu.vector_store %arg23[%swap3A_984], %mul3A_983 {strides = array<i32>} : memref<128xf32, #tpu.memory_space<vmem>>, vector<16xf32>,
        %mul3A_986 = arith.constant 128 : i32
        %mul3A_987 = arith.muli %add3A_863, %mul3A_986 : i32
        %add3A_988 = arith.constant 48 : i32
        %add3A_989 = arith.addi %mul3A_987, %add3A_988 : i32
        %get3A_990 = arith.index_cast %add3A_989 : i32 to index
        %get3A_991 = tpu.vector_load %arg8[%get3A_990] {strides = array<i32>} : memref<10112xi32, #tpu.memory_space<vmem>>, vector<16xi32>,
        %get3A_992 = arith.index_cast %add3A_989 : i32 to index
        %get3A_993 = tpu.vector_load %arg7[%get3A_992] {strides = array<i32>} : memref<10112xi32, #tpu.memory_space<vmem>>, vector<16xi32>,
        %gather3A_994 = tpu.vector_load_idx %arg9[%get3A_991] : memref<10112xi32, #tpu.memory_space<vmem>>[vector<16xi32>], vector<16xi32>,
        %gather3A_995 = tpu.vector_load_idx %arg10[%get3A_991] : memref<10240xf32, #tpu.memory_space<vmem>>[vector<16xi32>], vector<16xf32>,
        %gather3A_996 = tpu.vector_load_idx %arg10[%get3A_993] : memref<10240xf32, #tpu.memory_space<vmem>>[vector<16xi32>], vector<16xf32>,
        %mul3A_997 = arith.constant 10240 : i32
        %mul3A_998 = vector.broadcast %mul3A_997 : i32 to vector<16xi32>
        %mul3A_999 = arith.muli %gather3A_994, %mul3A_998 : vector<16xi32>
        %add3A_1000 = arith.addi %mul3A_999, %get3A_993 : vector<16xi32>
        %swap3A_1001 = arith.constant 48 : index
        %swap3A_1002 = tpu.vector_load %arg15[%swap3A_1001] {strides = array<i32>} : memref<128xi32, #tpu.memory_space<vmem>>, vector<16xi32>,
        tpu.vector_store %arg15[%swap3A_1001], %add3A_1000 {strides = array<i32>} : memref<128xi32, #tpu.memory_space<vmem>>, vector<16xi32>,
        %mul3A_1003 = arith.mulf %gather3A_995, %gather3A_996 : vector<16xf32>
        %swap3A_1004 = arith.constant 48 : index
        %swap3A_1005 = tpu.vector_load %arg23[%swap3A_1004] {strides = array<i32>} : memref<128xf32, #tpu.memory_space<vmem>>, vector<16xf32>,
        tpu.vector_store %arg23[%swap3A_1004], %mul3A_1003 {strides = array<i32>} : memref<128xf32, #tpu.memory_space<vmem>>, vector<16xf32>,
        %mul3A_1006 = arith.constant 128 : i32
        %mul3A_1007 = arith.muli %add3A_863, %mul3A_1006 : i32
        %add3A_1008 = arith.constant 64 : i32
        %add3A_1009 = arith.addi %mul3A_1007, %add3A_1008 : i32
        %get3A_1010 = arith.index_cast %add3A_1009 : i32 to index
        %get3A_1011 = tpu.vector_load %arg8[%get3A_1010] {strides = array<i32>} : memref<10112xi32, #tpu.memory_space<vmem>>, vector<16xi32>,
        %get3A_1012 = arith.index_cast %add3A_1009 : i32 to index
        %get3A_1013 = tpu.vector_load %arg7[%get3A_1012] {strides = array<i32>} : memref<10112xi32, #tpu.memory_space<vmem>>, vector<16xi32>,
        %gather3A_1014 = tpu.vector_load_idx %arg9[%get3A_1011] : memref<10112xi32, #tpu.memory_space<vmem>>[vector<16xi32>], vector<16xi32>,
        %gather3A_1015 = tpu.vector_load_idx %arg10[%get3A_1011] : memref<10240xf32, #tpu.memory_space<vmem>>[vector<16xi32>], vector<16xf32>,
        %gather3A_1016 = tpu.vector_load_idx %arg10[%get3A_1013] : memref<10240xf32, #tpu.memory_space<vmem>>[vector<16xi32>], vector<16xf32>,
        %mul3A_1017 = arith.constant 10240 : i32
        %mul3A_1018 = vector.broadcast %mul3A_1017 : i32 to vector<16xi32>
        %mul3A_1019 = arith.muli %gather3A_1014, %mul3A_1018 : vector<16xi32>
        %add3A_1020 = arith.addi %mul3A_1019, %get3A_1013 : vector<16xi32>
        %swap3A_1021 = arith.constant 64 : index
        %swap3A_1022 = tpu.vector_load %arg15[%swap3A_1021] {strides = array<i32>} : memref<128xi32, #tpu.memory_space<vmem>>, vector<16xi32>,
        tpu.vector_store %arg15[%swap3A_1021], %add3A_1020 {strides = array<i32>} : memref<128xi32, #tpu.memory_space<vmem>>, vector<16xi32>,
        %mul3A_1023 = arith.mulf %gather3A_1015, %gather3A_1016 : vector<16xf32>
        %swap3A_1024 = arith.constant 64 : index
        %swap3A_1025 = tpu.vector_load %arg23[%swap3A_1024] {strides = array<i32>} : memref<128xf32, #tpu.memory_space<vmem>>, vector<16xf32>,
        tpu.vector_store %arg23[%swap3A_1024], %mul3A_1023 {strides = array<i32>} : memref<128xf32, #tpu.memory_space<vmem>>, vector<16xf32>,
        %mul3A_1026 = arith.constant 128 : i32
        %mul3A_1027 = arith.muli %add3A_863, %mul3A_1026 : i32
        %add3A_1028 = arith.constant 80 : i32
        %add3A_1029 = arith.addi %mul3A_1027, %add3A_1028 : i32
        %get3A_1030 = arith.index_cast %add3A_1029 : i32 to index
        %get3A_1031 = tpu.vector_load %arg8[%get3A_1030] {strides = array<i32>} : memref<10112xi32, #tpu.memory_space<vmem>>, vector<16xi32>,
        %get3A_1032 = arith.index_cast %add3A_1029 : i32 to index
        %get3A_1033 = tpu.vector_load %arg7[%get3A_1032] {strides = array<i32>} : memref<10112xi32, #tpu.memory_space<vmem>>, vector<16xi32>,
        %gather3A_1034 = tpu.vector_load_idx %arg9[%get3A_1031] : memref<10112xi32, #tpu.memory_space<vmem>>[vector<16xi32>], vector<16xi32>,
        %gather3A_1035 = tpu.vector_load_idx %arg10[%get3A_1031] : memref<10240xf32, #tpu.memory_space<vmem>>[vector<16xi32>], vector<16xf32>,
        %gather3A_1036 = tpu.vector_load_idx %arg10[%get3A_1033] : memref<10240xf32, #tpu.memory_space<vmem>>[vector<16xi32>], vector<16xf32>,
        %mul3A_1037 = arith.constant 10240 : i32
        %mul3A_1038 = vector.broadcast %mul3A_1037 : i32 to vector<16xi32>
        %mul3A_1039 = arith.muli %gather3A_1034, %mul3A_1038 : vector<16xi32>
        %add3A_1040 = arith.addi %mul3A_1039, %get3A_1033 : vector<16xi32>
        %swap3A_1041 = arith.constant 80 : index
        %swap3A_1042 = tpu.vector_load %arg15[%swap3A_1041] {strides = array<i32>} : memref<128xi32, #tpu.memory_space<vmem>>, vector<16xi32>,
        tpu.vector_store %arg15[%swap3A_1041], %add3A_1040 {strides = array<i32>} : memref<128xi32, #tpu.memory_space<vmem>>, vector<16xi32>,
        %mul3A_1043 = arith.mulf %gather3A_1035, %gather3A_1036 : vector<16xf32>
        %swap3A_1044 = arith.constant 80 : index
        %swap3A_1045 = tpu.vector_load %arg23[%swap3A_1044] {strides = array<i32>} : memref<128xf32, #tpu.memory_space<vmem>>, vector<16xf32>,
        tpu.vector_store %arg23[%swap3A_1044], %mul3A_1043 {strides = array<i32>} : memref<128xf32, #tpu.memory_space<vmem>>, vector<16xf32>,
        %mul3A_1046 = arith.constant 128 : i32
        %mul3A_1047 = arith.muli %add3A_863, %mul3A_1046 : i32
        %add3A_1048 = arith.constant 96 : i32
        %add3A_1049 = arith.addi %mul3A_1047, %add3A_1048 : i32
        %get3A_1050 = arith.index_cast %add3A_1049 : i32 to index
        %get3A_1051 = tpu.vector_load %arg8[%get3A_1050] {strides = array<i32>} : memref<10112xi32, #tpu.memory_space<vmem>>, vector<16xi32>,
        %get3A_1052 = arith.index_cast %add3A_1049 : i32 to index
        %get3A_1053 = tpu.vector_load %arg7[%get3A_1052] {strides = array<i32>} : memref<10112xi32, #tpu.memory_space<vmem>>, vector<16xi32>,
        %gather3A_1054 = tpu.vector_load_idx %arg9[%get3A_1051] : memref<10112xi32, #tpu.memory_space<vmem>>[vector<16xi32>], vector<16xi32>,
        %gather3A_1055 = tpu.vector_load_idx %arg10[%get3A_1051] : memref<10240xf32, #tpu.memory_space<vmem>>[vector<16xi32>], vector<16xf32>,
        %gather3A_1056 = tpu.vector_load_idx %arg10[%get3A_1053] : memref<10240xf32, #tpu.memory_space<vmem>>[vector<16xi32>], vector<16xf32>,
        %mul3A_1057 = arith.constant 10240 : i32
        %mul3A_1058 = vector.broadcast %mul3A_1057 : i32 to vector<16xi32>
        %mul3A_1059 = arith.muli %gather3A_1054, %mul3A_1058 : vector<16xi32>
        %add3A_1060 = arith.addi %mul3A_1059, %get3A_1053 : vector<16xi32>
        %swap3A_1061 = arith.constant 96 : index
        %swap3A_1062 = tpu.vector_load %arg15[%swap3A_1061] {strides = array<i32>} : memref<128xi32, #tpu.memory_space<vmem>>, vector<16xi32>,
        tpu.vector_store %arg15[%swap3A_1061], %add3A_1060 {strides = array<i32>} : memref<128xi32, #tpu.memory_space<vmem>>, vector<16xi32>,
        %mul3A_1063 = arith.mulf %gather3A_1055, %gather3A_1056 : vector<16xf32>
        %swap3A_1064 = arith.constant 96 : index
        %swap3A_1065 = tpu.vector_load %arg23[%swap3A_1064] {strides = array<i32>} : memref<128xf32, #tpu.memory_space<vmem>>, vector<16xf32>,
        tpu.vector_store %arg23[%swap3A_1064], %mul3A_1063 {strides = array<i32>} : memref<128xf32, #tpu.memory_space<vmem>>, vector<16xf32>,
        %mul3A_1066 = arith.constant 128 : i32
        %mul3A_1067 = arith.muli %add3A_863, %mul3A_1066 : i32
        %add3A_1068 = arith.constant 112 : i32
        %add3A_1069 = arith.addi %mul3A_1067, %add3A_1068 : i32
        %get3A_1070 = arith.index_cast %add3A_1069 : i32 to index
        %get3A_1071 = tpu.vector_load %arg8[%get3A_1070] {strides = array<i32>} : memref<10112xi32, #tpu.memory_space<vmem>>, vector<16xi32>,
        %get3A_1072 = arith.index_cast %add3A_1069 : i32 to index
        %get3A_1073 = tpu.vector_load %arg7[%get3A_1072] {strides = array<i32>} : memref<10112xi32, #tpu.memory_space<vmem>>, vector<16xi32>,
        %gather3A_1074 = tpu.vector_load_idx %arg9[%get3A_1071] : memref<10112xi32, #tpu.memory_space<vmem>>[vector<16xi32>], vector<16xi32>,
        %gather3A_1075 = tpu.vector_load_idx %arg10[%get3A_1071] : memref<10240xf32, #tpu.memory_space<vmem>>[vector<16xi32>], vector<16xf32>,
        %gather3A_1076 = tpu.vector_load_idx %arg10[%get3A_1073] : memref<10240xf32, #tpu.memory_space<vmem>>[vector<16xi32>], vector<16xf32>,
        %mul3A_1077 = arith.constant 10240 : i32
        %mul3A_1078 = vector.broadcast %mul3A_1077 : i32 to vector<16xi32>
        %mul3A_1079 = arith.muli %gather3A_1074, %mul3A_1078 : vector<16xi32>
        %add3A_1080 = arith.addi %mul3A_1079, %get3A_1073 : vector<16xi32>
        %swap3A_1081 = arith.constant 112 : index
        %swap3A_1082 = tpu.vector_load %arg15[%swap3A_1081] {strides = array<i32>} : memref<128xi32, #tpu.memory_space<vmem>>, vector<16xi32>,
        tpu.vector_store %arg15[%swap3A_1081], %add3A_1080 {strides = array<i32>} : memref<128xi32, #tpu.memory_space<vmem>>, vector<16xi32>,
        %mul3A_1083 = arith.mulf %gather3A_1075, %gather3A_1076 : vector<16xf32>
        %swap3A_1084 = arith.constant 112 : index
        %swap3A_1085 = tpu.vector_load %arg23[%swap3A_1084] {strides = array<i32>} : memref<128xf32, #tpu.memory_space<vmem>>, vector<16xf32>,
        tpu.vector_store %arg23[%swap3A_1084], %mul3A_1083 {strides = array<i32>} : memref<128xf32, #tpu.memory_space<vmem>>, vector<16xf32>,
        %dma_start3A_1086 = arith.constant 0 : i32
        %dma_start3A_1087 = tpu.memref_slice %arg44[%dma_start3A_1086] : memref<655360xf32, #tpu.memory_space<vmem_shared>> -> memref<655360xf32, #tpu.memory_space<vmem_shared>>
        tpu.enqueue_indirect_dma source(%arg23 : memref<128xf32, #tpu.memory_space<vmem>>) target(%dma_start3A_1087 : memref<655360xf32, #tpu.memory_space<vmem_shared>>) offsets(%arg15 : memref<128xi32, #tpu.memory_space<vmem>>) semaphore(%arg31 : memref<!tpu.dma_semaphore, #tpu.memory_space<semaphore_mem>>) {add = true}
      } else {
      }
      %mul3A_868 = arith.constant 8 : i32
      %mul3A_869 = arith.muli %scan3A_859, %mul3A_868 : i32
      %add3A_870 = arith.constant 1 : i32
      %add3A_871 = arith.addi %mul3A_869, %add3A_870 : i32
      %lt3A_872 = arith.cmpi slt, %add3A_871, %sub3A_723 : i32
      %convert_element_type3A_873 = arith.extui %lt3A_872 : i1 to i32
      %cond3A_874 = arith.constant 0 : i32
      %cond3A_875 = arith.cmpi ne, %convert_element_type3A_873, %cond3A_874 : i32
      scf.if %cond3A_875 {
        %ge3A = arith.constant 8 : i32
        %ge3A_924 = arith.cmpi sge, %add3A_871, %ge3A : i32
        %convert_element_type3A_925 = arith.extui %ge3A_924 : i1 to i32
        %cond3A_926 = arith.constant 0 : i32
        %cond3A_927 = arith.cmpi ne, %convert_element_type3A_925, %cond3A_926 : i32
        scf.if %cond3A_927 {
          %dma_wait3A_1088 = arith.constant 0 : i32
          %dma_wait3A_1089 = tpu.memref_slice %arg44[%dma_wait3A_1088] : memref<655360xf32, #tpu.memory_space<vmem_shared>> -> memref<655360xf32, #tpu.memory_space<vmem_shared>>
          tpu.wait_indirect_dma semaphore(%arg32 : memref<!tpu.dma_semaphore, #tpu.memory_space<semaphore_mem>>) src(%arg24 : memref<128xf32, #tpu.memory_space<vmem>>) dst(%dma_wait3A_1089 : memref<655360xf32, #tpu.memory_space<vmem_shared>>)
        } else {
        }
        %mul3A_928 = arith.constant 128 : i32
        %mul3A_929 = arith.muli %add3A_871, %mul3A_928 : i32
        %add3A_930 = arith.constant 0 : i32
        %add3A_931 = arith.addi %mul3A_929, %add3A_930 : i32
        %get3A = arith.index_cast %add3A_931 : i32 to index
        %get3A_932 = tpu.vector_load %arg8[%get3A] {strides = array<i32>} : memref<10112xi32, #tpu.memory_space<vmem>>, vector<16xi32>,
        %get3A_933 = arith.index_cast %add3A_931 : i32 to index
        %get3A_934 = tpu.vector_load %arg7[%get3A_933] {strides = array<i32>} : memref<10112xi32, #tpu.memory_space<vmem>>, vector<16xi32>,
        %gather3A = tpu.vector_load_idx %arg9[%get3A_932] : memref<10112xi32, #tpu.memory_space<vmem>>[vector<16xi32>], vector<16xi32>,
        %gather3A_935 = tpu.vector_load_idx %arg10[%get3A_932] : memref<10240xf32, #tpu.memory_space<vmem>>[vector<16xi32>], vector<16xf32>,
        %gather3A_936 = tpu.vector_load_idx %arg10[%get3A_934] : memref<10240xf32, #tpu.memory_space<vmem>>[vector<16xi32>], vector<16xf32>,
        %mul3A_937 = arith.constant 10240 : i32
        %mul3A_938 = vector.broadcast %mul3A_937 : i32 to vector<16xi32>
        %mul3A_939 = arith.muli %gather3A, %mul3A_938 : vector<16xi32>
        %add3A_940 = arith.addi %mul3A_939, %get3A_934 : vector<16xi32>
        %swap3A_941 = arith.constant 0 : index
        %swap3A_942 = tpu.vector_load %arg16[%swap3A_941] {strides = array<i32>} : memref<128xi32, #tpu.memory_space<vmem>>, vector<16xi32>,
        tpu.vector_store %arg16[%swap3A_941], %add3A_940 {strides = array<i32>} : memref<128xi32, #tpu.memory_space<vmem>>, vector<16xi32>,
        %mul3A_943 = arith.mulf %gather3A_935, %gather3A_936 : vector<16xf32>
        %swap3A_944 = arith.constant 0 : index
        %swap3A_945 = tpu.vector_load %arg24[%swap3A_944] {strides = array<i32>} : memref<128xf32, #tpu.memory_space<vmem>>, vector<16xf32>,
        tpu.vector_store %arg24[%swap3A_944], %mul3A_943 {strides = array<i32>} : memref<128xf32, #tpu.memory_space<vmem>>, vector<16xf32>,
        %mul3A_946 = arith.constant 128 : i32
        %mul3A_947 = arith.muli %add3A_871, %mul3A_946 : i32
        %add3A_948 = arith.constant 16 : i32
        %add3A_949 = arith.addi %mul3A_947, %add3A_948 : i32
        %get3A_950 = arith.index_cast %add3A_949 : i32 to index
        %get3A_951 = tpu.vector_load %arg8[%get3A_950] {strides = array<i32>} : memref<10112xi32, #tpu.memory_space<vmem>>, vector<16xi32>,
        %get3A_952 = arith.index_cast %add3A_949 : i32 to index
        %get3A_953 = tpu.vector_load %arg7[%get3A_952] {strides = array<i32>} : memref<10112xi32, #tpu.memory_space<vmem>>, vector<16xi32>,
        %gather3A_954 = tpu.vector_load_idx %arg9[%get3A_951] : memref<10112xi32, #tpu.memory_space<vmem>>[vector<16xi32>], vector<16xi32>,
        %gather3A_955 = tpu.vector_load_idx %arg10[%get3A_951] : memref<10240xf32, #tpu.memory_space<vmem>>[vector<16xi32>], vector<16xf32>,
        %gather3A_956 = tpu.vector_load_idx %arg10[%get3A_953] : memref<10240xf32, #tpu.memory_space<vmem>>[vector<16xi32>], vector<16xf32>,
        %mul3A_957 = arith.constant 10240 : i32
        %mul3A_958 = vector.broadcast %mul3A_957 : i32 to vector<16xi32>
        %mul3A_959 = arith.muli %gather3A_954, %mul3A_958 : vector<16xi32>
        %add3A_960 = arith.addi %mul3A_959, %get3A_953 : vector<16xi32>
        %swap3A_961 = arith.constant 16 : index
        %swap3A_962 = tpu.vector_load %arg16[%swap3A_961] {strides = array<i32>} : memref<128xi32, #tpu.memory_space<vmem>>, vector<16xi32>,
        tpu.vector_store %arg16[%swap3A_961], %add3A_960 {strides = array<i32>} : memref<128xi32, #tpu.memory_space<vmem>>, vector<16xi32>,
        %mul3A_963 = arith.mulf %gather3A_955, %gather3A_956 : vector<16xf32>
        %swap3A_964 = arith.constant 16 : index
        %swap3A_965 = tpu.vector_load %arg24[%swap3A_964] {strides = array<i32>} : memref<128xf32, #tpu.memory_space<vmem>>, vector<16xf32>,
        tpu.vector_store %arg24[%swap3A_964], %mul3A_963 {strides = array<i32>} : memref<128xf32, #tpu.memory_space<vmem>>, vector<16xf32>,
        %mul3A_966 = arith.constant 128 : i32
        %mul3A_967 = arith.muli %add3A_871, %mul3A_966 : i32
        %add3A_968 = arith.constant 32 : i32
        %add3A_969 = arith.addi %mul3A_967, %add3A_968 : i32
        %get3A_970 = arith.index_cast %add3A_969 : i32 to index
        %get3A_971 = tpu.vector_load %arg8[%get3A_970] {strides = array<i32>} : memref<10112xi32, #tpu.memory_space<vmem>>, vector<16xi32>,
        %get3A_972 = arith.index_cast %add3A_969 : i32 to index
        %get3A_973 = tpu.vector_load %arg7[%get3A_972] {strides = array<i32>} : memref<10112xi32, #tpu.memory_space<vmem>>, vector<16xi32>,
        %gather3A_974 = tpu.vector_load_idx %arg9[%get3A_971] : memref<10112xi32, #tpu.memory_space<vmem>>[vector<16xi32>], vector<16xi32>,
        %gather3A_975 = tpu.vector_load_idx %arg10[%get3A_971] : memref<10240xf32, #tpu.memory_space<vmem>>[vector<16xi32>], vector<16xf32>,
        %gather3A_976 = tpu.vector_load_idx %arg10[%get3A_973] : memref<10240xf32, #tpu.memory_space<vmem>>[vector<16xi32>], vector<16xf32>,
        %mul3A_977 = arith.constant 10240 : i32
        %mul3A_978 = vector.broadcast %mul3A_977 : i32 to vector<16xi32>
        %mul3A_979 = arith.muli %gather3A_974, %mul3A_978 : vector<16xi32>
        %add3A_980 = arith.addi %mul3A_979, %get3A_973 : vector<16xi32>
        %swap3A_981 = arith.constant 32 : index
        %swap3A_982 = tpu.vector_load %arg16[%swap3A_981] {strides = array<i32>} : memref<128xi32, #tpu.memory_space<vmem>>, vector<16xi32>,
        tpu.vector_store %arg16[%swap3A_981], %add3A_980 {strides = array<i32>} : memref<128xi32, #tpu.memory_space<vmem>>, vector<16xi32>,
        %mul3A_983 = arith.mulf %gather3A_975, %gather3A_976 : vector<16xf32>
        %swap3A_984 = arith.constant 32 : index
        %swap3A_985 = tpu.vector_load %arg24[%swap3A_984] {strides = array<i32>} : memref<128xf32, #tpu.memory_space<vmem>>, vector<16xf32>,
        tpu.vector_store %arg24[%swap3A_984], %mul3A_983 {strides = array<i32>} : memref<128xf32, #tpu.memory_space<vmem>>, vector<16xf32>,
        %mul3A_986 = arith.constant 128 : i32
        %mul3A_987 = arith.muli %add3A_871, %mul3A_986 : i32
        %add3A_988 = arith.constant 48 : i32
        %add3A_989 = arith.addi %mul3A_987, %add3A_988 : i32
        %get3A_990 = arith.index_cast %add3A_989 : i32 to index
        %get3A_991 = tpu.vector_load %arg8[%get3A_990] {strides = array<i32>} : memref<10112xi32, #tpu.memory_space<vmem>>, vector<16xi32>,
        %get3A_992 = arith.index_cast %add3A_989 : i32 to index
        %get3A_993 = tpu.vector_load %arg7[%get3A_992] {strides = array<i32>} : memref<10112xi32, #tpu.memory_space<vmem>>, vector<16xi32>,
        %gather3A_994 = tpu.vector_load_idx %arg9[%get3A_991] : memref<10112xi32, #tpu.memory_space<vmem>>[vector<16xi32>], vector<16xi32>,
        %gather3A_995 = tpu.vector_load_idx %arg10[%get3A_991] : memref<10240xf32, #tpu.memory_space<vmem>>[vector<16xi32>], vector<16xf32>,
        %gather3A_996 = tpu.vector_load_idx %arg10[%get3A_993] : memref<10240xf32, #tpu.memory_space<vmem>>[vector<16xi32>], vector<16xf32>,
        %mul3A_997 = arith.constant 10240 : i32
        %mul3A_998 = vector.broadcast %mul3A_997 : i32 to vector<16xi32>
        %mul3A_999 = arith.muli %gather3A_994, %mul3A_998 : vector<16xi32>
        %add3A_1000 = arith.addi %mul3A_999, %get3A_993 : vector<16xi32>
        %swap3A_1001 = arith.constant 48 : index
        %swap3A_1002 = tpu.vector_load %arg16[%swap3A_1001] {strides = array<i32>} : memref<128xi32, #tpu.memory_space<vmem>>, vector<16xi32>,
        tpu.vector_store %arg16[%swap3A_1001], %add3A_1000 {strides = array<i32>} : memref<128xi32, #tpu.memory_space<vmem>>, vector<16xi32>,
        %mul3A_1003 = arith.mulf %gather3A_995, %gather3A_996 : vector<16xf32>
        %swap3A_1004 = arith.constant 48 : index
        %swap3A_1005 = tpu.vector_load %arg24[%swap3A_1004] {strides = array<i32>} : memref<128xf32, #tpu.memory_space<vmem>>, vector<16xf32>,
        tpu.vector_store %arg24[%swap3A_1004], %mul3A_1003 {strides = array<i32>} : memref<128xf32, #tpu.memory_space<vmem>>, vector<16xf32>,
        %mul3A_1006 = arith.constant 128 : i32
        %mul3A_1007 = arith.muli %add3A_871, %mul3A_1006 : i32
        %add3A_1008 = arith.constant 64 : i32
        %add3A_1009 = arith.addi %mul3A_1007, %add3A_1008 : i32
        %get3A_1010 = arith.index_cast %add3A_1009 : i32 to index
        %get3A_1011 = tpu.vector_load %arg8[%get3A_1010] {strides = array<i32>} : memref<10112xi32, #tpu.memory_space<vmem>>, vector<16xi32>,
        %get3A_1012 = arith.index_cast %add3A_1009 : i32 to index
        %get3A_1013 = tpu.vector_load %arg7[%get3A_1012] {strides = array<i32>} : memref<10112xi32, #tpu.memory_space<vmem>>, vector<16xi32>,
        %gather3A_1014 = tpu.vector_load_idx %arg9[%get3A_1011] : memref<10112xi32, #tpu.memory_space<vmem>>[vector<16xi32>], vector<16xi32>,
        %gather3A_1015 = tpu.vector_load_idx %arg10[%get3A_1011] : memref<10240xf32, #tpu.memory_space<vmem>>[vector<16xi32>], vector<16xf32>,
        %gather3A_1016 = tpu.vector_load_idx %arg10[%get3A_1013] : memref<10240xf32, #tpu.memory_space<vmem>>[vector<16xi32>], vector<16xf32>,
        %mul3A_1017 = arith.constant 10240 : i32
        %mul3A_1018 = vector.broadcast %mul3A_1017 : i32 to vector<16xi32>
        %mul3A_1019 = arith.muli %gather3A_1014, %mul3A_1018 : vector<16xi32>
        %add3A_1020 = arith.addi %mul3A_1019, %get3A_1013 : vector<16xi32>
        %swap3A_1021 = arith.constant 64 : index
        %swap3A_1022 = tpu.vector_load %arg16[%swap3A_1021] {strides = array<i32>} : memref<128xi32, #tpu.memory_space<vmem>>, vector<16xi32>,
        tpu.vector_store %arg16[%swap3A_1021], %add3A_1020 {strides = array<i32>} : memref<128xi32, #tpu.memory_space<vmem>>, vector<16xi32>,
        %mul3A_1023 = arith.mulf %gather3A_1015, %gather3A_1016 : vector<16xf32>
        %swap3A_1024 = arith.constant 64 : index
        %swap3A_1025 = tpu.vector_load %arg24[%swap3A_1024] {strides = array<i32>} : memref<128xf32, #tpu.memory_space<vmem>>, vector<16xf32>,
        tpu.vector_store %arg24[%swap3A_1024], %mul3A_1023 {strides = array<i32>} : memref<128xf32, #tpu.memory_space<vmem>>, vector<16xf32>,
        %mul3A_1026 = arith.constant 128 : i32
        %mul3A_1027 = arith.muli %add3A_871, %mul3A_1026 : i32
        %add3A_1028 = arith.constant 80 : i32
        %add3A_1029 = arith.addi %mul3A_1027, %add3A_1028 : i32
        %get3A_1030 = arith.index_cast %add3A_1029 : i32 to index
        %get3A_1031 = tpu.vector_load %arg8[%get3A_1030] {strides = array<i32>} : memref<10112xi32, #tpu.memory_space<vmem>>, vector<16xi32>,
        %get3A_1032 = arith.index_cast %add3A_1029 : i32 to index
        %get3A_1033 = tpu.vector_load %arg7[%get3A_1032] {strides = array<i32>} : memref<10112xi32, #tpu.memory_space<vmem>>, vector<16xi32>,
        %gather3A_1034 = tpu.vector_load_idx %arg9[%get3A_1031] : memref<10112xi32, #tpu.memory_space<vmem>>[vector<16xi32>], vector<16xi32>,
        %gather3A_1035 = tpu.vector_load_idx %arg10[%get3A_1031] : memref<10240xf32, #tpu.memory_space<vmem>>[vector<16xi32>], vector<16xf32>,
        %gather3A_1036 = tpu.vector_load_idx %arg10[%get3A_1033] : memref<10240xf32, #tpu.memory_space<vmem>>[vector<16xi32>], vector<16xf32>,
        %mul3A_1037 = arith.constant 10240 : i32
        %mul3A_1038 = vector.broadcast %mul3A_1037 : i32 to vector<16xi32>
        %mul3A_1039 = arith.muli %gather3A_1034, %mul3A_1038 : vector<16xi32>
        %add3A_1040 = arith.addi %mul3A_1039, %get3A_1033 : vector<16xi32>
        %swap3A_1041 = arith.constant 80 : index
        %swap3A_1042 = tpu.vector_load %arg16[%swap3A_1041] {strides = array<i32>} : memref<128xi32, #tpu.memory_space<vmem>>, vector<16xi32>,
        tpu.vector_store %arg16[%swap3A_1041], %add3A_1040 {strides = array<i32>} : memref<128xi32, #tpu.memory_space<vmem>>, vector<16xi32>,
        %mul3A_1043 = arith.mulf %gather3A_1035, %gather3A_1036 : vector<16xf32>
        %swap3A_1044 = arith.constant 80 : index
        %swap3A_1045 = tpu.vector_load %arg24[%swap3A_1044] {strides = array<i32>} : memref<128xf32, #tpu.memory_space<vmem>>, vector<16xf32>,
        tpu.vector_store %arg24[%swap3A_1044], %mul3A_1043 {strides = array<i32>} : memref<128xf32, #tpu.memory_space<vmem>>, vector<16xf32>,
        %mul3A_1046 = arith.constant 128 : i32
        %mul3A_1047 = arith.muli %add3A_871, %mul3A_1046 : i32
        %add3A_1048 = arith.constant 96 : i32
        %add3A_1049 = arith.addi %mul3A_1047, %add3A_1048 : i32
        %get3A_1050 = arith.index_cast %add3A_1049 : i32 to index
        %get3A_1051 = tpu.vector_load %arg8[%get3A_1050] {strides = array<i32>} : memref<10112xi32, #tpu.memory_space<vmem>>, vector<16xi32>,
        %get3A_1052 = arith.index_cast %add3A_1049 : i32 to index
        %get3A_1053 = tpu.vector_load %arg7[%get3A_1052] {strides = array<i32>} : memref<10112xi32, #tpu.memory_space<vmem>>, vector<16xi32>,
        %gather3A_1054 = tpu.vector_load_idx %arg9[%get3A_1051] : memref<10112xi32, #tpu.memory_space<vmem>>[vector<16xi32>], vector<16xi32>,
        %gather3A_1055 = tpu.vector_load_idx %arg10[%get3A_1051] : memref<10240xf32, #tpu.memory_space<vmem>>[vector<16xi32>], vector<16xf32>,
        %gather3A_1056 = tpu.vector_load_idx %arg10[%get3A_1053] : memref<10240xf32, #tpu.memory_space<vmem>>[vector<16xi32>], vector<16xf32>,
        %mul3A_1057 = arith.constant 10240 : i32
        %mul3A_1058 = vector.broadcast %mul3A_1057 : i32 to vector<16xi32>
        %mul3A_1059 = arith.muli %gather3A_1054, %mul3A_1058 : vector<16xi32>
        %add3A_1060 = arith.addi %mul3A_1059, %get3A_1053 : vector<16xi32>
        %swap3A_1061 = arith.constant 96 : index
        %swap3A_1062 = tpu.vector_load %arg16[%swap3A_1061] {strides = array<i32>} : memref<128xi32, #tpu.memory_space<vmem>>, vector<16xi32>,
        tpu.vector_store %arg16[%swap3A_1061], %add3A_1060 {strides = array<i32>} : memref<128xi32, #tpu.memory_space<vmem>>, vector<16xi32>,
        %mul3A_1063 = arith.mulf %gather3A_1055, %gather3A_1056 : vector<16xf32>
        %swap3A_1064 = arith.constant 96 : index
        %swap3A_1065 = tpu.vector_load %arg24[%swap3A_1064] {strides = array<i32>} : memref<128xf32, #tpu.memory_space<vmem>>, vector<16xf32>,
        tpu.vector_store %arg24[%swap3A_1064], %mul3A_1063 {strides = array<i32>} : memref<128xf32, #tpu.memory_space<vmem>>, vector<16xf32>,
        %mul3A_1066 = arith.constant 128 : i32
        %mul3A_1067 = arith.muli %add3A_871, %mul3A_1066 : i32
        %add3A_1068 = arith.constant 112 : i32
        %add3A_1069 = arith.addi %mul3A_1067, %add3A_1068 : i32
        %get3A_1070 = arith.index_cast %add3A_1069 : i32 to index
        %get3A_1071 = tpu.vector_load %arg8[%get3A_1070] {strides = array<i32>} : memref<10112xi32, #tpu.memory_space<vmem>>, vector<16xi32>,
        %get3A_1072 = arith.index_cast %add3A_1069 : i32 to index
        %get3A_1073 = tpu.vector_load %arg7[%get3A_1072] {strides = array<i32>} : memref<10112xi32, #tpu.memory_space<vmem>>, vector<16xi32>,
        %gather3A_1074 = tpu.vector_load_idx %arg9[%get3A_1071] : memref<10112xi32, #tpu.memory_space<vmem>>[vector<16xi32>], vector<16xi32>,
        %gather3A_1075 = tpu.vector_load_idx %arg10[%get3A_1071] : memref<10240xf32, #tpu.memory_space<vmem>>[vector<16xi32>], vector<16xf32>,
        %gather3A_1076 = tpu.vector_load_idx %arg10[%get3A_1073] : memref<10240xf32, #tpu.memory_space<vmem>>[vector<16xi32>], vector<16xf32>,
        %mul3A_1077 = arith.constant 10240 : i32
        %mul3A_1078 = vector.broadcast %mul3A_1077 : i32 to vector<16xi32>
        %mul3A_1079 = arith.muli %gather3A_1074, %mul3A_1078 : vector<16xi32>
        %add3A_1080 = arith.addi %mul3A_1079, %get3A_1073 : vector<16xi32>
        %swap3A_1081 = arith.constant 112 : index
        %swap3A_1082 = tpu.vector_load %arg16[%swap3A_1081] {strides = array<i32>} : memref<128xi32, #tpu.memory_space<vmem>>, vector<16xi32>,
        tpu.vector_store %arg16[%swap3A_1081], %add3A_1080 {strides = array<i32>} : memref<128xi32, #tpu.memory_space<vmem>>, vector<16xi32>,
        %mul3A_1083 = arith.mulf %gather3A_1075, %gather3A_1076 : vector<16xf32>
        %swap3A_1084 = arith.constant 112 : index
        %swap3A_1085 = tpu.vector_load %arg24[%swap3A_1084] {strides = array<i32>} : memref<128xf32, #tpu.memory_space<vmem>>, vector<16xf32>,
        tpu.vector_store %arg24[%swap3A_1084], %mul3A_1083 {strides = array<i32>} : memref<128xf32, #tpu.memory_space<vmem>>, vector<16xf32>,
        %dma_start3A_1086 = arith.constant 0 : i32
        %dma_start3A_1087 = tpu.memref_slice %arg44[%dma_start3A_1086] : memref<655360xf32, #tpu.memory_space<vmem_shared>> -> memref<655360xf32, #tpu.memory_space<vmem_shared>>
        tpu.enqueue_indirect_dma source(%arg24 : memref<128xf32, #tpu.memory_space<vmem>>) target(%dma_start3A_1087 : memref<655360xf32, #tpu.memory_space<vmem_shared>>) offsets(%arg16 : memref<128xi32, #tpu.memory_space<vmem>>) semaphore(%arg32 : memref<!tpu.dma_semaphore, #tpu.memory_space<semaphore_mem>>) {add = true}
      } else {
      }
      %mul3A_876 = arith.constant 8 : i32
      %mul3A_877 = arith.muli %scan3A_859, %mul3A_876 : i32
      %add3A_878 = arith.constant 2 : i32
      %add3A_879 = arith.addi %mul3A_877, %add3A_878 : i32
      %lt3A_880 = arith.cmpi slt, %add3A_879, %sub3A_723 : i32
      %convert_element_type3A_881 = arith.extui %lt3A_880 : i1 to i32
      %cond3A_882 = arith.constant 0 : i32
      %cond3A_883 = arith.cmpi ne, %convert_element_type3A_881, %cond3A_882 : i32
      scf.if %cond3A_883 {
        %ge3A = arith.constant 8 : i32
        %ge3A_924 = arith.cmpi sge, %add3A_879, %ge3A : i32
        %convert_element_type3A_925 = arith.extui %ge3A_924 : i1 to i32
        %cond3A_926 = arith.constant 0 : i32
        %cond3A_927 = arith.cmpi ne, %convert_element_type3A_925, %cond3A_926 : i32
        scf.if %cond3A_927 {
          %dma_wait3A_1088 = arith.constant 0 : i32
          %dma_wait3A_1089 = tpu.memref_slice %arg44[%dma_wait3A_1088] : memref<655360xf32, #tpu.memory_space<vmem_shared>> -> memref<655360xf32, #tpu.memory_space<vmem_shared>>
          tpu.wait_indirect_dma semaphore(%arg33 : memref<!tpu.dma_semaphore, #tpu.memory_space<semaphore_mem>>) src(%arg25 : memref<128xf32, #tpu.memory_space<vmem>>) dst(%dma_wait3A_1089 : memref<655360xf32, #tpu.memory_space<vmem_shared>>)
        } else {
        }
        %mul3A_928 = arith.constant 128 : i32
        %mul3A_929 = arith.muli %add3A_879, %mul3A_928 : i32
        %add3A_930 = arith.constant 0 : i32
        %add3A_931 = arith.addi %mul3A_929, %add3A_930 : i32
        %get3A = arith.index_cast %add3A_931 : i32 to index
        %get3A_932 = tpu.vector_load %arg8[%get3A] {strides = array<i32>} : memref<10112xi32, #tpu.memory_space<vmem>>, vector<16xi32>,
        %get3A_933 = arith.index_cast %add3A_931 : i32 to index
        %get3A_934 = tpu.vector_load %arg7[%get3A_933] {strides = array<i32>} : memref<10112xi32, #tpu.memory_space<vmem>>, vector<16xi32>,
        %gather3A = tpu.vector_load_idx %arg9[%get3A_932] : memref<10112xi32, #tpu.memory_space<vmem>>[vector<16xi32>], vector<16xi32>,
        %gather3A_935 = tpu.vector_load_idx %arg10[%get3A_932] : memref<10240xf32, #tpu.memory_space<vmem>>[vector<16xi32>], vector<16xf32>,
        %gather3A_936 = tpu.vector_load_idx %arg10[%get3A_934] : memref<10240xf32, #tpu.memory_space<vmem>>[vector<16xi32>], vector<16xf32>,
        %mul3A_937 = arith.constant 10240 : i32
        %mul3A_938 = vector.broadcast %mul3A_937 : i32 to vector<16xi32>
        %mul3A_939 = arith.muli %gather3A, %mul3A_938 : vector<16xi32>
        %add3A_940 = arith.addi %mul3A_939, %get3A_934 : vector<16xi32>
        %swap3A_941 = arith.constant 0 : index
        %swap3A_942 = tpu.vector_load %arg17[%swap3A_941] {strides = array<i32>} : memref<128xi32, #tpu.memory_space<vmem>>, vector<16xi32>,
        tpu.vector_store %arg17[%swap3A_941], %add3A_940 {strides = array<i32>} : memref<128xi32, #tpu.memory_space<vmem>>, vector<16xi32>,
        %mul3A_943 = arith.mulf %gather3A_935, %gather3A_936 : vector<16xf32>
        %swap3A_944 = arith.constant 0 : index
        %swap3A_945 = tpu.vector_load %arg25[%swap3A_944] {strides = array<i32>} : memref<128xf32, #tpu.memory_space<vmem>>, vector<16xf32>,
        tpu.vector_store %arg25[%swap3A_944], %mul3A_943 {strides = array<i32>} : memref<128xf32, #tpu.memory_space<vmem>>, vector<16xf32>,
        %mul3A_946 = arith.constant 128 : i32
        %mul3A_947 = arith.muli %add3A_879, %mul3A_946 : i32
        %add3A_948 = arith.constant 16 : i32
        %add3A_949 = arith.addi %mul3A_947, %add3A_948 : i32
        %get3A_950 = arith.index_cast %add3A_949 : i32 to index
        %get3A_951 = tpu.vector_load %arg8[%get3A_950] {strides = array<i32>} : memref<10112xi32, #tpu.memory_space<vmem>>, vector<16xi32>,
        %get3A_952 = arith.index_cast %add3A_949 : i32 to index
        %get3A_953 = tpu.vector_load %arg7[%get3A_952] {strides = array<i32>} : memref<10112xi32, #tpu.memory_space<vmem>>, vector<16xi32>,
        %gather3A_954 = tpu.vector_load_idx %arg9[%get3A_951] : memref<10112xi32, #tpu.memory_space<vmem>>[vector<16xi32>], vector<16xi32>,
        %gather3A_955 = tpu.vector_load_idx %arg10[%get3A_951] : memref<10240xf32, #tpu.memory_space<vmem>>[vector<16xi32>], vector<16xf32>,
        %gather3A_956 = tpu.vector_load_idx %arg10[%get3A_953] : memref<10240xf32, #tpu.memory_space<vmem>>[vector<16xi32>], vector<16xf32>,
        %mul3A_957 = arith.constant 10240 : i32
        %mul3A_958 = vector.broadcast %mul3A_957 : i32 to vector<16xi32>
        %mul3A_959 = arith.muli %gather3A_954, %mul3A_958 : vector<16xi32>
        %add3A_960 = arith.addi %mul3A_959, %get3A_953 : vector<16xi32>
        %swap3A_961 = arith.constant 16 : index
        %swap3A_962 = tpu.vector_load %arg17[%swap3A_961] {strides = array<i32>} : memref<128xi32, #tpu.memory_space<vmem>>, vector<16xi32>,
        tpu.vector_store %arg17[%swap3A_961], %add3A_960 {strides = array<i32>} : memref<128xi32, #tpu.memory_space<vmem>>, vector<16xi32>,
        %mul3A_963 = arith.mulf %gather3A_955, %gather3A_956 : vector<16xf32>
        %swap3A_964 = arith.constant 16 : index
        %swap3A_965 = tpu.vector_load %arg25[%swap3A_964] {strides = array<i32>} : memref<128xf32, #tpu.memory_space<vmem>>, vector<16xf32>,
        tpu.vector_store %arg25[%swap3A_964], %mul3A_963 {strides = array<i32>} : memref<128xf32, #tpu.memory_space<vmem>>, vector<16xf32>,
        %mul3A_966 = arith.constant 128 : i32
        %mul3A_967 = arith.muli %add3A_879, %mul3A_966 : i32
        %add3A_968 = arith.constant 32 : i32
        %add3A_969 = arith.addi %mul3A_967, %add3A_968 : i32
        %get3A_970 = arith.index_cast %add3A_969 : i32 to index
        %get3A_971 = tpu.vector_load %arg8[%get3A_970] {strides = array<i32>} : memref<10112xi32, #tpu.memory_space<vmem>>, vector<16xi32>,
        %get3A_972 = arith.index_cast %add3A_969 : i32 to index
        %get3A_973 = tpu.vector_load %arg7[%get3A_972] {strides = array<i32>} : memref<10112xi32, #tpu.memory_space<vmem>>, vector<16xi32>,
        %gather3A_974 = tpu.vector_load_idx %arg9[%get3A_971] : memref<10112xi32, #tpu.memory_space<vmem>>[vector<16xi32>], vector<16xi32>,
        %gather3A_975 = tpu.vector_load_idx %arg10[%get3A_971] : memref<10240xf32, #tpu.memory_space<vmem>>[vector<16xi32>], vector<16xf32>,
        %gather3A_976 = tpu.vector_load_idx %arg10[%get3A_973] : memref<10240xf32, #tpu.memory_space<vmem>>[vector<16xi32>], vector<16xf32>,
        %mul3A_977 = arith.constant 10240 : i32
        %mul3A_978 = vector.broadcast %mul3A_977 : i32 to vector<16xi32>
        %mul3A_979 = arith.muli %gather3A_974, %mul3A_978 : vector<16xi32>
        %add3A_980 = arith.addi %mul3A_979, %get3A_973 : vector<16xi32>
        %swap3A_981 = arith.constant 32 : index
        %swap3A_982 = tpu.vector_load %arg17[%swap3A_981] {strides = array<i32>} : memref<128xi32, #tpu.memory_space<vmem>>, vector<16xi32>,
        tpu.vector_store %arg17[%swap3A_981], %add3A_980 {strides = array<i32>} : memref<128xi32, #tpu.memory_space<vmem>>, vector<16xi32>,
        %mul3A_983 = arith.mulf %gather3A_975, %gather3A_976 : vector<16xf32>
        %swap3A_984 = arith.constant 32 : index
        %swap3A_985 = tpu.vector_load %arg25[%swap3A_984] {strides = array<i32>} : memref<128xf32, #tpu.memory_space<vmem>>, vector<16xf32>,
        tpu.vector_store %arg25[%swap3A_984], %mul3A_983 {strides = array<i32>} : memref<128xf32, #tpu.memory_space<vmem>>, vector<16xf32>,
        %mul3A_986 = arith.constant 128 : i32
        %mul3A_987 = arith.muli %add3A_879, %mul3A_986 : i32
        %add3A_988 = arith.constant 48 : i32
        %add3A_989 = arith.addi %mul3A_987, %add3A_988 : i32
        %get3A_990 = arith.index_cast %add3A_989 : i32 to index
        %get3A_991 = tpu.vector_load %arg8[%get3A_990] {strides = array<i32>} : memref<10112xi32, #tpu.memory_space<vmem>>, vector<16xi32>,
        %get3A_992 = arith.index_cast %add3A_989 : i32 to index
        %get3A_993 = tpu.vector_load %arg7[%get3A_992] {strides = array<i32>} : memref<10112xi32, #tpu.memory_space<vmem>>, vector<16xi32>,
        %gather3A_994 = tpu.vector_load_idx %arg9[%get3A_991] : memref<10112xi32, #tpu.memory_space<vmem>>[vector<16xi32>], vector<16xi32>,
        %gather3A_995 = tpu.vector_load_idx %arg10[%get3A_991] : memref<10240xf32, #tpu.memory_space<vmem>>[vector<16xi32>], vector<16xf32>,
        %gather3A_996 = tpu.vector_load_idx %arg10[%get3A_993] : memref<10240xf32, #tpu.memory_space<vmem>>[vector<16xi32>], vector<16xf32>,
        %mul3A_997 = arith.constant 10240 : i32
        %mul3A_998 = vector.broadcast %mul3A_997 : i32 to vector<16xi32>
        %mul3A_999 = arith.muli %gather3A_994, %mul3A_998 : vector<16xi32>
        %add3A_1000 = arith.addi %mul3A_999, %get3A_993 : vector<16xi32>
        %swap3A_1001 = arith.constant 48 : index
        %swap3A_1002 = tpu.vector_load %arg17[%swap3A_1001] {strides = array<i32>} : memref<128xi32, #tpu.memory_space<vmem>>, vector<16xi32>,
        tpu.vector_store %arg17[%swap3A_1001], %add3A_1000 {strides = array<i32>} : memref<128xi32, #tpu.memory_space<vmem>>, vector<16xi32>,
        %mul3A_1003 = arith.mulf %gather3A_995, %gather3A_996 : vector<16xf32>
        %swap3A_1004 = arith.constant 48 : index
        %swap3A_1005 = tpu.vector_load %arg25[%swap3A_1004] {strides = array<i32>} : memref<128xf32, #tpu.memory_space<vmem>>, vector<16xf32>,
        tpu.vector_store %arg25[%swap3A_1004], %mul3A_1003 {strides = array<i32>} : memref<128xf32, #tpu.memory_space<vmem>>, vector<16xf32>,
        %mul3A_1006 = arith.constant 128 : i32
        %mul3A_1007 = arith.muli %add3A_879, %mul3A_1006 : i32
        %add3A_1008 = arith.constant 64 : i32
        %add3A_1009 = arith.addi %mul3A_1007, %add3A_1008 : i32
        %get3A_1010 = arith.index_cast %add3A_1009 : i32 to index
        %get3A_1011 = tpu.vector_load %arg8[%get3A_1010] {strides = array<i32>} : memref<10112xi32, #tpu.memory_space<vmem>>, vector<16xi32>,
        %get3A_1012 = arith.index_cast %add3A_1009 : i32 to index
        %get3A_1013 = tpu.vector_load %arg7[%get3A_1012] {strides = array<i32>} : memref<10112xi32, #tpu.memory_space<vmem>>, vector<16xi32>,
        %gather3A_1014 = tpu.vector_load_idx %arg9[%get3A_1011] : memref<10112xi32, #tpu.memory_space<vmem>>[vector<16xi32>], vector<16xi32>,
        %gather3A_1015 = tpu.vector_load_idx %arg10[%get3A_1011] : memref<10240xf32, #tpu.memory_space<vmem>>[vector<16xi32>], vector<16xf32>,
        %gather3A_1016 = tpu.vector_load_idx %arg10[%get3A_1013] : memref<10240xf32, #tpu.memory_space<vmem>>[vector<16xi32>], vector<16xf32>,
        %mul3A_1017 = arith.constant 10240 : i32
        %mul3A_1018 = vector.broadcast %mul3A_1017 : i32 to vector<16xi32>
        %mul3A_1019 = arith.muli %gather3A_1014, %mul3A_1018 : vector<16xi32>
        %add3A_1020 = arith.addi %mul3A_1019, %get3A_1013 : vector<16xi32>
        %swap3A_1021 = arith.constant 64 : index
        %swap3A_1022 = tpu.vector_load %arg17[%swap3A_1021] {strides = array<i32>} : memref<128xi32, #tpu.memory_space<vmem>>, vector<16xi32>,
        tpu.vector_store %arg17[%swap3A_1021], %add3A_1020 {strides = array<i32>} : memref<128xi32, #tpu.memory_space<vmem>>, vector<16xi32>,
        %mul3A_1023 = arith.mulf %gather3A_1015, %gather3A_1016 : vector<16xf32>
        %swap3A_1024 = arith.constant 64 : index
        %swap3A_1025 = tpu.vector_load %arg25[%swap3A_1024] {strides = array<i32>} : memref<128xf32, #tpu.memory_space<vmem>>, vector<16xf32>,
        tpu.vector_store %arg25[%swap3A_1024], %mul3A_1023 {strides = array<i32>} : memref<128xf32, #tpu.memory_space<vmem>>, vector<16xf32>,
        %mul3A_1026 = arith.constant 128 : i32
        %mul3A_1027 = arith.muli %add3A_879, %mul3A_1026 : i32
        %add3A_1028 = arith.constant 80 : i32
        %add3A_1029 = arith.addi %mul3A_1027, %add3A_1028 : i32
        %get3A_1030 = arith.index_cast %add3A_1029 : i32 to index
        %get3A_1031 = tpu.vector_load %arg8[%get3A_1030] {strides = array<i32>} : memref<10112xi32, #tpu.memory_space<vmem>>, vector<16xi32>,
        %get3A_1032 = arith.index_cast %add3A_1029 : i32 to index
        %get3A_1033 = tpu.vector_load %arg7[%get3A_1032] {strides = array<i32>} : memref<10112xi32, #tpu.memory_space<vmem>>, vector<16xi32>,
        %gather3A_1034 = tpu.vector_load_idx %arg9[%get3A_1031] : memref<10112xi32, #tpu.memory_space<vmem>>[vector<16xi32>], vector<16xi32>,
        %gather3A_1035 = tpu.vector_load_idx %arg10[%get3A_1031] : memref<10240xf32, #tpu.memory_space<vmem>>[vector<16xi32>], vector<16xf32>,
        %gather3A_1036 = tpu.vector_load_idx %arg10[%get3A_1033] : memref<10240xf32, #tpu.memory_space<vmem>>[vector<16xi32>], vector<16xf32>,
        %mul3A_1037 = arith.constant 10240 : i32
        %mul3A_1038 = vector.broadcast %mul3A_1037 : i32 to vector<16xi32>
        %mul3A_1039 = arith.muli %gather3A_1034, %mul3A_1038 : vector<16xi32>
        %add3A_1040 = arith.addi %mul3A_1039, %get3A_1033 : vector<16xi32>
        %swap3A_1041 = arith.constant 80 : index
        %swap3A_1042 = tpu.vector_load %arg17[%swap3A_1041] {strides = array<i32>} : memref<128xi32, #tpu.memory_space<vmem>>, vector<16xi32>,
        tpu.vector_store %arg17[%swap3A_1041], %add3A_1040 {strides = array<i32>} : memref<128xi32, #tpu.memory_space<vmem>>, vector<16xi32>,
        %mul3A_1043 = arith.mulf %gather3A_1035, %gather3A_1036 : vector<16xf32>
        %swap3A_1044 = arith.constant 80 : index
        %swap3A_1045 = tpu.vector_load %arg25[%swap3A_1044] {strides = array<i32>} : memref<128xf32, #tpu.memory_space<vmem>>, vector<16xf32>,
        tpu.vector_store %arg25[%swap3A_1044], %mul3A_1043 {strides = array<i32>} : memref<128xf32, #tpu.memory_space<vmem>>, vector<16xf32>,
        %mul3A_1046 = arith.constant 128 : i32
        %mul3A_1047 = arith.muli %add3A_879, %mul3A_1046 : i32
        %add3A_1048 = arith.constant 96 : i32
        %add3A_1049 = arith.addi %mul3A_1047, %add3A_1048 : i32
        %get3A_1050 = arith.index_cast %add3A_1049 : i32 to index
        %get3A_1051 = tpu.vector_load %arg8[%get3A_1050] {strides = array<i32>} : memref<10112xi32, #tpu.memory_space<vmem>>, vector<16xi32>,
        %get3A_1052 = arith.index_cast %add3A_1049 : i32 to index
        %get3A_1053 = tpu.vector_load %arg7[%get3A_1052] {strides = array<i32>} : memref<10112xi32, #tpu.memory_space<vmem>>, vector<16xi32>,
        %gather3A_1054 = tpu.vector_load_idx %arg9[%get3A_1051] : memref<10112xi32, #tpu.memory_space<vmem>>[vector<16xi32>], vector<16xi32>,
        %gather3A_1055 = tpu.vector_load_idx %arg10[%get3A_1051] : memref<10240xf32, #tpu.memory_space<vmem>>[vector<16xi32>], vector<16xf32>,
        %gather3A_1056 = tpu.vector_load_idx %arg10[%get3A_1053] : memref<10240xf32, #tpu.memory_space<vmem>>[vector<16xi32>], vector<16xf32>,
        %mul3A_1057 = arith.constant 10240 : i32
        %mul3A_1058 = vector.broadcast %mul3A_1057 : i32 to vector<16xi32>
        %mul3A_1059 = arith.muli %gather3A_1054, %mul3A_1058 : vector<16xi32>
        %add3A_1060 = arith.addi %mul3A_1059, %get3A_1053 : vector<16xi32>
        %swap3A_1061 = arith.constant 96 : index
        %swap3A_1062 = tpu.vector_load %arg17[%swap3A_1061] {strides = array<i32>} : memref<128xi32, #tpu.memory_space<vmem>>, vector<16xi32>,
        tpu.vector_store %arg17[%swap3A_1061], %add3A_1060 {strides = array<i32>} : memref<128xi32, #tpu.memory_space<vmem>>, vector<16xi32>,
        %mul3A_1063 = arith.mulf %gather3A_1055, %gather3A_1056 : vector<16xf32>
        %swap3A_1064 = arith.constant 96 : index
        %swap3A_1065 = tpu.vector_load %arg25[%swap3A_1064] {strides = array<i32>} : memref<128xf32, #tpu.memory_space<vmem>>, vector<16xf32>,
        tpu.vector_store %arg25[%swap3A_1064], %mul3A_1063 {strides = array<i32>} : memref<128xf32, #tpu.memory_space<vmem>>, vector<16xf32>,
        %mul3A_1066 = arith.constant 128 : i32
        %mul3A_1067 = arith.muli %add3A_879, %mul3A_1066 : i32
        %add3A_1068 = arith.constant 112 : i32
        %add3A_1069 = arith.addi %mul3A_1067, %add3A_1068 : i32
        %get3A_1070 = arith.index_cast %add3A_1069 : i32 to index
        %get3A_1071 = tpu.vector_load %arg8[%get3A_1070] {strides = array<i32>} : memref<10112xi32, #tpu.memory_space<vmem>>, vector<16xi32>,
        %get3A_1072 = arith.index_cast %add3A_1069 : i32 to index
        %get3A_1073 = tpu.vector_load %arg7[%get3A_1072] {strides = array<i32>} : memref<10112xi32, #tpu.memory_space<vmem>>, vector<16xi32>,
        %gather3A_1074 = tpu.vector_load_idx %arg9[%get3A_1071] : memref<10112xi32, #tpu.memory_space<vmem>>[vector<16xi32>], vector<16xi32>,
        %gather3A_1075 = tpu.vector_load_idx %arg10[%get3A_1071] : memref<10240xf32, #tpu.memory_space<vmem>>[vector<16xi32>], vector<16xf32>,
        %gather3A_1076 = tpu.vector_load_idx %arg10[%get3A_1073] : memref<10240xf32, #tpu.memory_space<vmem>>[vector<16xi32>], vector<16xf32>,
        %mul3A_1077 = arith.constant 10240 : i32
        %mul3A_1078 = vector.broadcast %mul3A_1077 : i32 to vector<16xi32>
        %mul3A_1079 = arith.muli %gather3A_1074, %mul3A_1078 : vector<16xi32>
        %add3A_1080 = arith.addi %mul3A_1079, %get3A_1073 : vector<16xi32>
        %swap3A_1081 = arith.constant 112 : index
        %swap3A_1082 = tpu.vector_load %arg17[%swap3A_1081] {strides = array<i32>} : memref<128xi32, #tpu.memory_space<vmem>>, vector<16xi32>,
        tpu.vector_store %arg17[%swap3A_1081], %add3A_1080 {strides = array<i32>} : memref<128xi32, #tpu.memory_space<vmem>>, vector<16xi32>,
        %mul3A_1083 = arith.mulf %gather3A_1075, %gather3A_1076 : vector<16xf32>
        %swap3A_1084 = arith.constant 112 : index
        %swap3A_1085 = tpu.vector_load %arg25[%swap3A_1084] {strides = array<i32>} : memref<128xf32, #tpu.memory_space<vmem>>, vector<16xf32>,
        tpu.vector_store %arg25[%swap3A_1084], %mul3A_1083 {strides = array<i32>} : memref<128xf32, #tpu.memory_space<vmem>>, vector<16xf32>,
        %dma_start3A_1086 = arith.constant 0 : i32
        %dma_start3A_1087 = tpu.memref_slice %arg44[%dma_start3A_1086] : memref<655360xf32, #tpu.memory_space<vmem_shared>> -> memref<655360xf32, #tpu.memory_space<vmem_shared>>
        tpu.enqueue_indirect_dma source(%arg25 : memref<128xf32, #tpu.memory_space<vmem>>) target(%dma_start3A_1087 : memref<655360xf32, #tpu.memory_space<vmem_shared>>) offsets(%arg17 : memref<128xi32, #tpu.memory_space<vmem>>) semaphore(%arg33 : memref<!tpu.dma_semaphore, #tpu.memory_space<semaphore_mem>>) {add = true}
      } else {
      }
      %mul3A_884 = arith.constant 8 : i32
      %mul3A_885 = arith.muli %scan3A_859, %mul3A_884 : i32
      %add3A_886 = arith.constant 3 : i32
      %add3A_887 = arith.addi %mul3A_885, %add3A_886 : i32
      %lt3A_888 = arith.cmpi slt, %add3A_887, %sub3A_723 : i32
      %convert_element_type3A_889 = arith.extui %lt3A_888 : i1 to i32
      %cond3A_890 = arith.constant 0 : i32
      %cond3A_891 = arith.cmpi ne, %convert_element_type3A_889, %cond3A_890 : i32
      scf.if %cond3A_891 {
        %ge3A = arith.constant 8 : i32
        %ge3A_924 = arith.cmpi sge, %add3A_887, %ge3A : i32
        %convert_element_type3A_925 = arith.extui %ge3A_924 : i1 to i32
        %cond3A_926 = arith.constant 0 : i32
        %cond3A_927 = arith.cmpi ne, %convert_element_type3A_925, %cond3A_926 : i32
        scf.if %cond3A_927 {
          %dma_wait3A_1088 = arith.constant 0 : i32
          %dma_wait3A_1089 = tpu.memref_slice %arg44[%dma_wait3A_1088] : memref<655360xf32, #tpu.memory_space<vmem_shared>> -> memref<655360xf32, #tpu.memory_space<vmem_shared>>
          tpu.wait_indirect_dma semaphore(%arg34 : memref<!tpu.dma_semaphore, #tpu.memory_space<semaphore_mem>>) src(%arg26 : memref<128xf32, #tpu.memory_space<vmem>>) dst(%dma_wait3A_1089 : memref<655360xf32, #tpu.memory_space<vmem_shared>>)
        } else {
        }
        %mul3A_928 = arith.constant 128 : i32
        %mul3A_929 = arith.muli %add3A_887, %mul3A_928 : i32
        %add3A_930 = arith.constant 0 : i32
        %add3A_931 = arith.addi %mul3A_929, %add3A_930 : i32
        %get3A = arith.index_cast %add3A_931 : i32 to index
        %get3A_932 = tpu.vector_load %arg8[%get3A] {strides = array<i32>} : memref<10112xi32, #tpu.memory_space<vmem>>, vector<16xi32>,
        %get3A_933 = arith.index_cast %add3A_931 : i32 to index
        %get3A_934 = tpu.vector_load %arg7[%get3A_933] {strides = array<i32>} : memref<10112xi32, #tpu.memory_space<vmem>>, vector<16xi32>,
        %gather3A = tpu.vector_load_idx %arg9[%get3A_932] : memref<10112xi32, #tpu.memory_space<vmem>>[vector<16xi32>], vector<16xi32>,
        %gather3A_935 = tpu.vector_load_idx %arg10[%get3A_932] : memref<10240xf32, #tpu.memory_space<vmem>>[vector<16xi32>], vector<16xf32>,
        %gather3A_936 = tpu.vector_load_idx %arg10[%get3A_934] : memref<10240xf32, #tpu.memory_space<vmem>>[vector<16xi32>], vector<16xf32>,
        %mul3A_937 = arith.constant 10240 : i32
        %mul3A_938 = vector.broadcast %mul3A_937 : i32 to vector<16xi32>
        %mul3A_939 = arith.muli %gather3A, %mul3A_938 : vector<16xi32>
        %add3A_940 = arith.addi %mul3A_939, %get3A_934 : vector<16xi32>
        %swap3A_941 = arith.constant 0 : index
        %swap3A_942 = tpu.vector_load %arg18[%swap3A_941] {strides = array<i32>} : memref<128xi32, #tpu.memory_space<vmem>>, vector<16xi32>,
        tpu.vector_store %arg18[%swap3A_941], %add3A_940 {strides = array<i32>} : memref<128xi32, #tpu.memory_space<vmem>>, vector<16xi32>,
        %mul3A_943 = arith.mulf %gather3A_935, %gather3A_936 : vector<16xf32>
        %swap3A_944 = arith.constant 0 : index
        %swap3A_945 = tpu.vector_load %arg26[%swap3A_944] {strides = array<i32>} : memref<128xf32, #tpu.memory_space<vmem>>, vector<16xf32>,
        tpu.vector_store %arg26[%swap3A_944], %mul3A_943 {strides = array<i32>} : memref<128xf32, #tpu.memory_space<vmem>>, vector<16xf32>,
        %mul3A_946 = arith.constant 128 : i32
        %mul3A_947 = arith.muli %add3A_887, %mul3A_946 : i32
        %add3A_948 = arith.constant 16 : i32
        %add3A_949 = arith.addi %mul3A_947, %add3A_948 : i32
        %get3A_950 = arith.index_cast %add3A_949 : i32 to index
        %get3A_951 = tpu.vector_load %arg8[%get3A_950] {strides = array<i32>} : memref<10112xi32, #tpu.memory_space<vmem>>, vector<16xi32>,
        %get3A_952 = arith.index_cast %add3A_949 : i32 to index
        %get3A_953 = tpu.vector_load %arg7[%get3A_952] {strides = array<i32>} : memref<10112xi32, #tpu.memory_space<vmem>>, vector<16xi32>,
        %gather3A_954 = tpu.vector_load_idx %arg9[%get3A_951] : memref<10112xi32, #tpu.memory_space<vmem>>[vector<16xi32>], vector<16xi32>,
        %gather3A_955 = tpu.vector_load_idx %arg10[%get3A_951] : memref<10240xf32, #tpu.memory_space<vmem>>[vector<16xi32>], vector<16xf32>,
        %gather3A_956 = tpu.vector_load_idx %arg10[%get3A_953] : memref<10240xf32, #tpu.memory_space<vmem>>[vector<16xi32>], vector<16xf32>,
        %mul3A_957 = arith.constant 10240 : i32
        %mul3A_958 = vector.broadcast %mul3A_957 : i32 to vector<16xi32>
        %mul3A_959 = arith.muli %gather3A_954, %mul3A_958 : vector<16xi32>
        %add3A_960 = arith.addi %mul3A_959, %get3A_953 : vector<16xi32>
        %swap3A_961 = arith.constant 16 : index
        %swap3A_962 = tpu.vector_load %arg18[%swap3A_961] {strides = array<i32>} : memref<128xi32, #tpu.memory_space<vmem>>, vector<16xi32>,
        tpu.vector_store %arg18[%swap3A_961], %add3A_960 {strides = array<i32>} : memref<128xi32, #tpu.memory_space<vmem>>, vector<16xi32>,
        %mul3A_963 = arith.mulf %gather3A_955, %gather3A_956 : vector<16xf32>
        %swap3A_964 = arith.constant 16 : index
        %swap3A_965 = tpu.vector_load %arg26[%swap3A_964] {strides = array<i32>} : memref<128xf32, #tpu.memory_space<vmem>>, vector<16xf32>,
        tpu.vector_store %arg26[%swap3A_964], %mul3A_963 {strides = array<i32>} : memref<128xf32, #tpu.memory_space<vmem>>, vector<16xf32>,
        %mul3A_966 = arith.constant 128 : i32
        %mul3A_967 = arith.muli %add3A_887, %mul3A_966 : i32
        %add3A_968 = arith.constant 32 : i32
        %add3A_969 = arith.addi %mul3A_967, %add3A_968 : i32
        %get3A_970 = arith.index_cast %add3A_969 : i32 to index
        %get3A_971 = tpu.vector_load %arg8[%get3A_970] {strides = array<i32>} : memref<10112xi32, #tpu.memory_space<vmem>>, vector<16xi32>,
        %get3A_972 = arith.index_cast %add3A_969 : i32 to index
        %get3A_973 = tpu.vector_load %arg7[%get3A_972] {strides = array<i32>} : memref<10112xi32, #tpu.memory_space<vmem>>, vector<16xi32>,
        %gather3A_974 = tpu.vector_load_idx %arg9[%get3A_971] : memref<10112xi32, #tpu.memory_space<vmem>>[vector<16xi32>], vector<16xi32>,
        %gather3A_975 = tpu.vector_load_idx %arg10[%get3A_971] : memref<10240xf32, #tpu.memory_space<vmem>>[vector<16xi32>], vector<16xf32>,
        %gather3A_976 = tpu.vector_load_idx %arg10[%get3A_973] : memref<10240xf32, #tpu.memory_space<vmem>>[vector<16xi32>], vector<16xf32>,
        %mul3A_977 = arith.constant 10240 : i32
        %mul3A_978 = vector.broadcast %mul3A_977 : i32 to vector<16xi32>
        %mul3A_979 = arith.muli %gather3A_974, %mul3A_978 : vector<16xi32>
        %add3A_980 = arith.addi %mul3A_979, %get3A_973 : vector<16xi32>
        %swap3A_981 = arith.constant 32 : index
        %swap3A_982 = tpu.vector_load %arg18[%swap3A_981] {strides = array<i32>} : memref<128xi32, #tpu.memory_space<vmem>>, vector<16xi32>,
        tpu.vector_store %arg18[%swap3A_981], %add3A_980 {strides = array<i32>} : memref<128xi32, #tpu.memory_space<vmem>>, vector<16xi32>,
        %mul3A_983 = arith.mulf %gather3A_975, %gather3A_976 : vector<16xf32>
        %swap3A_984 = arith.constant 32 : index
        %swap3A_985 = tpu.vector_load %arg26[%swap3A_984] {strides = array<i32>} : memref<128xf32, #tpu.memory_space<vmem>>, vector<16xf32>,
        tpu.vector_store %arg26[%swap3A_984], %mul3A_983 {strides = array<i32>} : memref<128xf32, #tpu.memory_space<vmem>>, vector<16xf32>,
        %mul3A_986 = arith.constant 128 : i32
        %mul3A_987 = arith.muli %add3A_887, %mul3A_986 : i32
        %add3A_988 = arith.constant 48 : i32
        %add3A_989 = arith.addi %mul3A_987, %add3A_988 : i32
        %get3A_990 = arith.index_cast %add3A_989 : i32 to index
        %get3A_991 = tpu.vector_load %arg8[%get3A_990] {strides = array<i32>} : memref<10112xi32, #tpu.memory_space<vmem>>, vector<16xi32>,
        %get3A_992 = arith.index_cast %add3A_989 : i32 to index
        %get3A_993 = tpu.vector_load %arg7[%get3A_992] {strides = array<i32>} : memref<10112xi32, #tpu.memory_space<vmem>>, vector<16xi32>,
        %gather3A_994 = tpu.vector_load_idx %arg9[%get3A_991] : memref<10112xi32, #tpu.memory_space<vmem>>[vector<16xi32>], vector<16xi32>,
        %gather3A_995 = tpu.vector_load_idx %arg10[%get3A_991] : memref<10240xf32, #tpu.memory_space<vmem>>[vector<16xi32>], vector<16xf32>,
        %gather3A_996 = tpu.vector_load_idx %arg10[%get3A_993] : memref<10240xf32, #tpu.memory_space<vmem>>[vector<16xi32>], vector<16xf32>,
        %mul3A_997 = arith.constant 10240 : i32
        %mul3A_998 = vector.broadcast %mul3A_997 : i32 to vector<16xi32>
        %mul3A_999 = arith.muli %gather3A_994, %mul3A_998 : vector<16xi32>
        %add3A_1000 = arith.addi %mul3A_999, %get3A_993 : vector<16xi32>
        %swap3A_1001 = arith.constant 48 : index
        %swap3A_1002 = tpu.vector_load %arg18[%swap3A_1001] {strides = array<i32>} : memref<128xi32, #tpu.memory_space<vmem>>, vector<16xi32>,
        tpu.vector_store %arg18[%swap3A_1001], %add3A_1000 {strides = array<i32>} : memref<128xi32, #tpu.memory_space<vmem>>, vector<16xi32>,
        %mul3A_1003 = arith.mulf %gather3A_995, %gather3A_996 : vector<16xf32>
        %swap3A_1004 = arith.constant 48 : index
        %swap3A_1005 = tpu.vector_load %arg26[%swap3A_1004] {strides = array<i32>} : memref<128xf32, #tpu.memory_space<vmem>>, vector<16xf32>,
        tpu.vector_store %arg26[%swap3A_1004], %mul3A_1003 {strides = array<i32>} : memref<128xf32, #tpu.memory_space<vmem>>, vector<16xf32>,
        %mul3A_1006 = arith.constant 128 : i32
        %mul3A_1007 = arith.muli %add3A_887, %mul3A_1006 : i32
        %add3A_1008 = arith.constant 64 : i32
        %add3A_1009 = arith.addi %mul3A_1007, %add3A_1008 : i32
        %get3A_1010 = arith.index_cast %add3A_1009 : i32 to index
        %get3A_1011 = tpu.vector_load %arg8[%get3A_1010] {strides = array<i32>} : memref<10112xi32, #tpu.memory_space<vmem>>, vector<16xi32>,
        %get3A_1012 = arith.index_cast %add3A_1009 : i32 to index
        %get3A_1013 = tpu.vector_load %arg7[%get3A_1012] {strides = array<i32>} : memref<10112xi32, #tpu.memory_space<vmem>>, vector<16xi32>,
        %gather3A_1014 = tpu.vector_load_idx %arg9[%get3A_1011] : memref<10112xi32, #tpu.memory_space<vmem>>[vector<16xi32>], vector<16xi32>,
        %gather3A_1015 = tpu.vector_load_idx %arg10[%get3A_1011] : memref<10240xf32, #tpu.memory_space<vmem>>[vector<16xi32>], vector<16xf32>,
        %gather3A_1016 = tpu.vector_load_idx %arg10[%get3A_1013] : memref<10240xf32, #tpu.memory_space<vmem>>[vector<16xi32>], vector<16xf32>,
        %mul3A_1017 = arith.constant 10240 : i32
        %mul3A_1018 = vector.broadcast %mul3A_1017 : i32 to vector<16xi32>
        %mul3A_1019 = arith.muli %gather3A_1014, %mul3A_1018 : vector<16xi32>
        %add3A_1020 = arith.addi %mul3A_1019, %get3A_1013 : vector<16xi32>
        %swap3A_1021 = arith.constant 64 : index
        %swap3A_1022 = tpu.vector_load %arg18[%swap3A_1021] {strides = array<i32>} : memref<128xi32, #tpu.memory_space<vmem>>, vector<16xi32>,
        tpu.vector_store %arg18[%swap3A_1021], %add3A_1020 {strides = array<i32>} : memref<128xi32, #tpu.memory_space<vmem>>, vector<16xi32>,
        %mul3A_1023 = arith.mulf %gather3A_1015, %gather3A_1016 : vector<16xf32>
        %swap3A_1024 = arith.constant 64 : index
        %swap3A_1025 = tpu.vector_load %arg26[%swap3A_1024] {strides = array<i32>} : memref<128xf32, #tpu.memory_space<vmem>>, vector<16xf32>,
        tpu.vector_store %arg26[%swap3A_1024], %mul3A_1023 {strides = array<i32>} : memref<128xf32, #tpu.memory_space<vmem>>, vector<16xf32>,
        %mul3A_1026 = arith.constant 128 : i32
        %mul3A_1027 = arith.muli %add3A_887, %mul3A_1026 : i32
        %add3A_1028 = arith.constant 80 : i32
        %add3A_1029 = arith.addi %mul3A_1027, %add3A_1028 : i32
        %get3A_1030 = arith.index_cast %add3A_1029 : i32 to index
        %get3A_1031 = tpu.vector_load %arg8[%get3A_1030] {strides = array<i32>} : memref<10112xi32, #tpu.memory_space<vmem>>, vector<16xi32>,
        %get3A_1032 = arith.index_cast %add3A_1029 : i32 to index
        %get3A_1033 = tpu.vector_load %arg7[%get3A_1032] {strides = array<i32>} : memref<10112xi32, #tpu.memory_space<vmem>>, vector<16xi32>,
        %gather3A_1034 = tpu.vector_load_idx %arg9[%get3A_1031] : memref<10112xi32, #tpu.memory_space<vmem>>[vector<16xi32>], vector<16xi32>,
        %gather3A_1035 = tpu.vector_load_idx %arg10[%get3A_1031] : memref<10240xf32, #tpu.memory_space<vmem>>[vector<16xi32>], vector<16xf32>,
        %gather3A_1036 = tpu.vector_load_idx %arg10[%get3A_1033] : memref<10240xf32, #tpu.memory_space<vmem>>[vector<16xi32>], vector<16xf32>,
        %mul3A_1037 = arith.constant 10240 : i32
        %mul3A_1038 = vector.broadcast %mul3A_1037 : i32 to vector<16xi32>
        %mul3A_1039 = arith.muli %gather3A_1034, %mul3A_1038 : vector<16xi32>
        %add3A_1040 = arith.addi %mul3A_1039, %get3A_1033 : vector<16xi32>
        %swap3A_1041 = arith.constant 80 : index
        %swap3A_1042 = tpu.vector_load %arg18[%swap3A_1041] {strides = array<i32>} : memref<128xi32, #tpu.memory_space<vmem>>, vector<16xi32>,
        tpu.vector_store %arg18[%swap3A_1041], %add3A_1040 {strides = array<i32>} : memref<128xi32, #tpu.memory_space<vmem>>, vector<16xi32>,
        %mul3A_1043 = arith.mulf %gather3A_1035, %gather3A_1036 : vector<16xf32>
        %swap3A_1044 = arith.constant 80 : index
        %swap3A_1045 = tpu.vector_load %arg26[%swap3A_1044] {strides = array<i32>} : memref<128xf32, #tpu.memory_space<vmem>>, vector<16xf32>,
        tpu.vector_store %arg26[%swap3A_1044], %mul3A_1043 {strides = array<i32>} : memref<128xf32, #tpu.memory_space<vmem>>, vector<16xf32>,
        %mul3A_1046 = arith.constant 128 : i32
        %mul3A_1047 = arith.muli %add3A_887, %mul3A_1046 : i32
        %add3A_1048 = arith.constant 96 : i32
        %add3A_1049 = arith.addi %mul3A_1047, %add3A_1048 : i32
        %get3A_1050 = arith.index_cast %add3A_1049 : i32 to index
        %get3A_1051 = tpu.vector_load %arg8[%get3A_1050] {strides = array<i32>} : memref<10112xi32, #tpu.memory_space<vmem>>, vector<16xi32>,
        %get3A_1052 = arith.index_cast %add3A_1049 : i32 to index
        %get3A_1053 = tpu.vector_load %arg7[%get3A_1052] {strides = array<i32>} : memref<10112xi32, #tpu.memory_space<vmem>>, vector<16xi32>,
        %gather3A_1054 = tpu.vector_load_idx %arg9[%get3A_1051] : memref<10112xi32, #tpu.memory_space<vmem>>[vector<16xi32>], vector<16xi32>,
        %gather3A_1055 = tpu.vector_load_idx %arg10[%get3A_1051] : memref<10240xf32, #tpu.memory_space<vmem>>[vector<16xi32>], vector<16xf32>,
        %gather3A_1056 = tpu.vector_load_idx %arg10[%get3A_1053] : memref<10240xf32, #tpu.memory_space<vmem>>[vector<16xi32>], vector<16xf32>,
        %mul3A_1057 = arith.constant 10240 : i32
        %mul3A_1058 = vector.broadcast %mul3A_1057 : i32 to vector<16xi32>
        %mul3A_1059 = arith.muli %gather3A_1054, %mul3A_1058 : vector<16xi32>
        %add3A_1060 = arith.addi %mul3A_1059, %get3A_1053 : vector<16xi32>
        %swap3A_1061 = arith.constant 96 : index
        %swap3A_1062 = tpu.vector_load %arg18[%swap3A_1061] {strides = array<i32>} : memref<128xi32, #tpu.memory_space<vmem>>, vector<16xi32>,
        tpu.vector_store %arg18[%swap3A_1061], %add3A_1060 {strides = array<i32>} : memref<128xi32, #tpu.memory_space<vmem>>, vector<16xi32>,
        %mul3A_1063 = arith.mulf %gather3A_1055, %gather3A_1056 : vector<16xf32>
        %swap3A_1064 = arith.constant 96 : index
        %swap3A_1065 = tpu.vector_load %arg26[%swap3A_1064] {strides = array<i32>} : memref<128xf32, #tpu.memory_space<vmem>>, vector<16xf32>,
        tpu.vector_store %arg26[%swap3A_1064], %mul3A_1063 {strides = array<i32>} : memref<128xf32, #tpu.memory_space<vmem>>, vector<16xf32>,
        %mul3A_1066 = arith.constant 128 : i32
        %mul3A_1067 = arith.muli %add3A_887, %mul3A_1066 : i32
        %add3A_1068 = arith.constant 112 : i32
        %add3A_1069 = arith.addi %mul3A_1067, %add3A_1068 : i32
        %get3A_1070 = arith.index_cast %add3A_1069 : i32 to index
        %get3A_1071 = tpu.vector_load %arg8[%get3A_1070] {strides = array<i32>} : memref<10112xi32, #tpu.memory_space<vmem>>, vector<16xi32>,
        %get3A_1072 = arith.index_cast %add3A_1069 : i32 to index
        %get3A_1073 = tpu.vector_load %arg7[%get3A_1072] {strides = array<i32>} : memref<10112xi32, #tpu.memory_space<vmem>>, vector<16xi32>,
        %gather3A_1074 = tpu.vector_load_idx %arg9[%get3A_1071] : memref<10112xi32, #tpu.memory_space<vmem>>[vector<16xi32>], vector<16xi32>,
        %gather3A_1075 = tpu.vector_load_idx %arg10[%get3A_1071] : memref<10240xf32, #tpu.memory_space<vmem>>[vector<16xi32>], vector<16xf32>,
        %gather3A_1076 = tpu.vector_load_idx %arg10[%get3A_1073] : memref<10240xf32, #tpu.memory_space<vmem>>[vector<16xi32>], vector<16xf32>,
        %mul3A_1077 = arith.constant 10240 : i32
        %mul3A_1078 = vector.broadcast %mul3A_1077 : i32 to vector<16xi32>
        %mul3A_1079 = arith.muli %gather3A_1074, %mul3A_1078 : vector<16xi32>
        %add3A_1080 = arith.addi %mul3A_1079, %get3A_1073 : vector<16xi32>
        %swap3A_1081 = arith.constant 112 : index
        %swap3A_1082 = tpu.vector_load %arg18[%swap3A_1081] {strides = array<i32>} : memref<128xi32, #tpu.memory_space<vmem>>, vector<16xi32>,
        tpu.vector_store %arg18[%swap3A_1081], %add3A_1080 {strides = array<i32>} : memref<128xi32, #tpu.memory_space<vmem>>, vector<16xi32>,
        %mul3A_1083 = arith.mulf %gather3A_1075, %gather3A_1076 : vector<16xf32>
        %swap3A_1084 = arith.constant 112 : index
        %swap3A_1085 = tpu.vector_load %arg26[%swap3A_1084] {strides = array<i32>} : memref<128xf32, #tpu.memory_space<vmem>>, vector<16xf32>,
        tpu.vector_store %arg26[%swap3A_1084], %mul3A_1083 {strides = array<i32>} : memref<128xf32, #tpu.memory_space<vmem>>, vector<16xf32>,
        %dma_start3A_1086 = arith.constant 0 : i32
        %dma_start3A_1087 = tpu.memref_slice %arg44[%dma_start3A_1086] : memref<655360xf32, #tpu.memory_space<vmem_shared>> -> memref<655360xf32, #tpu.memory_space<vmem_shared>>
        tpu.enqueue_indirect_dma source(%arg26 : memref<128xf32, #tpu.memory_space<vmem>>) target(%dma_start3A_1087 : memref<655360xf32, #tpu.memory_space<vmem_shared>>) offsets(%arg18 : memref<128xi32, #tpu.memory_space<vmem>>) semaphore(%arg34 : memref<!tpu.dma_semaphore, #tpu.memory_space<semaphore_mem>>) {add = true}
      } else {
      }
      %mul3A_892 = arith.constant 8 : i32
      %mul3A_893 = arith.muli %scan3A_859, %mul3A_892 : i32
      %add3A_894 = arith.constant 4 : i32
      %add3A_895 = arith.addi %mul3A_893, %add3A_894 : i32
      %lt3A_896 = arith.cmpi slt, %add3A_895, %sub3A_723 : i32
      %convert_element_type3A_897 = arith.extui %lt3A_896 : i1 to i32
      %cond3A_898 = arith.constant 0 : i32
      %cond3A_899 = arith.cmpi ne, %convert_element_type3A_897, %cond3A_898 : i32
      scf.if %cond3A_899 {
        %ge3A = arith.constant 8 : i32
        %ge3A_924 = arith.cmpi sge, %add3A_895, %ge3A : i32
        %convert_element_type3A_925 = arith.extui %ge3A_924 : i1 to i32
        %cond3A_926 = arith.constant 0 : i32
        %cond3A_927 = arith.cmpi ne, %convert_element_type3A_925, %cond3A_926 : i32
        scf.if %cond3A_927 {
          %dma_wait3A_1088 = arith.constant 0 : i32
          %dma_wait3A_1089 = tpu.memref_slice %arg44[%dma_wait3A_1088] : memref<655360xf32, #tpu.memory_space<vmem_shared>> -> memref<655360xf32, #tpu.memory_space<vmem_shared>>
          tpu.wait_indirect_dma semaphore(%arg37 : memref<!tpu.dma_semaphore, #tpu.memory_space<semaphore_mem>>) src(%arg27 : memref<128xf32, #tpu.memory_space<vmem>>) dst(%dma_wait3A_1089 : memref<655360xf32, #tpu.memory_space<vmem_shared>>)
        } else {
        }
        %mul3A_928 = arith.constant 128 : i32
        %mul3A_929 = arith.muli %add3A_895, %mul3A_928 : i32
        %add3A_930 = arith.constant 0 : i32
        %add3A_931 = arith.addi %mul3A_929, %add3A_930 : i32
        %get3A = arith.index_cast %add3A_931 : i32 to index
        %get3A_932 = tpu.vector_load %arg8[%get3A] {strides = array<i32>} : memref<10112xi32, #tpu.memory_space<vmem>>, vector<16xi32>,
        %get3A_933 = arith.index_cast %add3A_931 : i32 to index
        %get3A_934 = tpu.vector_load %arg7[%get3A_933] {strides = array<i32>} : memref<10112xi32, #tpu.memory_space<vmem>>, vector<16xi32>,
        %gather3A = tpu.vector_load_idx %arg9[%get3A_932] : memref<10112xi32, #tpu.memory_space<vmem>>[vector<16xi32>], vector<16xi32>,
        %gather3A_935 = tpu.vector_load_idx %arg10[%get3A_932] : memref<10240xf32, #tpu.memory_space<vmem>>[vector<16xi32>], vector<16xf32>,
        %gather3A_936 = tpu.vector_load_idx %arg10[%get3A_934] : memref<10240xf32, #tpu.memory_space<vmem>>[vector<16xi32>], vector<16xf32>,
        %mul3A_937 = arith.constant 10240 : i32
        %mul3A_938 = vector.broadcast %mul3A_937 : i32 to vector<16xi32>
        %mul3A_939 = arith.muli %gather3A, %mul3A_938 : vector<16xi32>
        %add3A_940 = arith.addi %mul3A_939, %get3A_934 : vector<16xi32>
        %swap3A_941 = arith.constant 0 : index
        %swap3A_942 = tpu.vector_load %arg19[%swap3A_941] {strides = array<i32>} : memref<128xi32, #tpu.memory_space<vmem>>, vector<16xi32>,
        tpu.vector_store %arg19[%swap3A_941], %add3A_940 {strides = array<i32>} : memref<128xi32, #tpu.memory_space<vmem>>, vector<16xi32>,
        %mul3A_943 = arith.mulf %gather3A_935, %gather3A_936 : vector<16xf32>
        %swap3A_944 = arith.constant 0 : index
        %swap3A_945 = tpu.vector_load %arg27[%swap3A_944] {strides = array<i32>} : memref<128xf32, #tpu.memory_space<vmem>>, vector<16xf32>,
        tpu.vector_store %arg27[%swap3A_944], %mul3A_943 {strides = array<i32>} : memref<128xf32, #tpu.memory_space<vmem>>, vector<16xf32>,
        %mul3A_946 = arith.constant 128 : i32
        %mul3A_947 = arith.muli %add3A_895, %mul3A_946 : i32
        %add3A_948 = arith.constant 16 : i32
        %add3A_949 = arith.addi %mul3A_947, %add3A_948 : i32
        %get3A_950 = arith.index_cast %add3A_949 : i32 to index
        %get3A_951 = tpu.vector_load %arg8[%get3A_950] {strides = array<i32>} : memref<10112xi32, #tpu.memory_space<vmem>>, vector<16xi32>,
        %get3A_952 = arith.index_cast %add3A_949 : i32 to index
        %get3A_953 = tpu.vector_load %arg7[%get3A_952] {strides = array<i32>} : memref<10112xi32, #tpu.memory_space<vmem>>, vector<16xi32>,
        %gather3A_954 = tpu.vector_load_idx %arg9[%get3A_951] : memref<10112xi32, #tpu.memory_space<vmem>>[vector<16xi32>], vector<16xi32>,
        %gather3A_955 = tpu.vector_load_idx %arg10[%get3A_951] : memref<10240xf32, #tpu.memory_space<vmem>>[vector<16xi32>], vector<16xf32>,
        %gather3A_956 = tpu.vector_load_idx %arg10[%get3A_953] : memref<10240xf32, #tpu.memory_space<vmem>>[vector<16xi32>], vector<16xf32>,
        %mul3A_957 = arith.constant 10240 : i32
        %mul3A_958 = vector.broadcast %mul3A_957 : i32 to vector<16xi32>
        %mul3A_959 = arith.muli %gather3A_954, %mul3A_958 : vector<16xi32>
        %add3A_960 = arith.addi %mul3A_959, %get3A_953 : vector<16xi32>
        %swap3A_961 = arith.constant 16 : index
        %swap3A_962 = tpu.vector_load %arg19[%swap3A_961] {strides = array<i32>} : memref<128xi32, #tpu.memory_space<vmem>>, vector<16xi32>,
        tpu.vector_store %arg19[%swap3A_961], %add3A_960 {strides = array<i32>} : memref<128xi32, #tpu.memory_space<vmem>>, vector<16xi32>,
        %mul3A_963 = arith.mulf %gather3A_955, %gather3A_956 : vector<16xf32>
        %swap3A_964 = arith.constant 16 : index
        %swap3A_965 = tpu.vector_load %arg27[%swap3A_964] {strides = array<i32>} : memref<128xf32, #tpu.memory_space<vmem>>, vector<16xf32>,
        tpu.vector_store %arg27[%swap3A_964], %mul3A_963 {strides = array<i32>} : memref<128xf32, #tpu.memory_space<vmem>>, vector<16xf32>,
        %mul3A_966 = arith.constant 128 : i32
        %mul3A_967 = arith.muli %add3A_895, %mul3A_966 : i32
        %add3A_968 = arith.constant 32 : i32
        %add3A_969 = arith.addi %mul3A_967, %add3A_968 : i32
        %get3A_970 = arith.index_cast %add3A_969 : i32 to index
        %get3A_971 = tpu.vector_load %arg8[%get3A_970] {strides = array<i32>} : memref<10112xi32, #tpu.memory_space<vmem>>, vector<16xi32>,
        %get3A_972 = arith.index_cast %add3A_969 : i32 to index
        %get3A_973 = tpu.vector_load %arg7[%get3A_972] {strides = array<i32>} : memref<10112xi32, #tpu.memory_space<vmem>>, vector<16xi32>,
        %gather3A_974 = tpu.vector_load_idx %arg9[%get3A_971] : memref<10112xi32, #tpu.memory_space<vmem>>[vector<16xi32>], vector<16xi32>,
        %gather3A_975 = tpu.vector_load_idx %arg10[%get3A_971] : memref<10240xf32, #tpu.memory_space<vmem>>[vector<16xi32>], vector<16xf32>,
        %gather3A_976 = tpu.vector_load_idx %arg10[%get3A_973] : memref<10240xf32, #tpu.memory_space<vmem>>[vector<16xi32>], vector<16xf32>,
        %mul3A_977 = arith.constant 10240 : i32
        %mul3A_978 = vector.broadcast %mul3A_977 : i32 to vector<16xi32>
        %mul3A_979 = arith.muli %gather3A_974, %mul3A_978 : vector<16xi32>
        %add3A_980 = arith.addi %mul3A_979, %get3A_973 : vector<16xi32>
        %swap3A_981 = arith.constant 32 : index
        %swap3A_982 = tpu.vector_load %arg19[%swap3A_981] {strides = array<i32>} : memref<128xi32, #tpu.memory_space<vmem>>, vector<16xi32>,
        tpu.vector_store %arg19[%swap3A_981], %add3A_980 {strides = array<i32>} : memref<128xi32, #tpu.memory_space<vmem>>, vector<16xi32>,
        %mul3A_983 = arith.mulf %gather3A_975, %gather3A_976 : vector<16xf32>
        %swap3A_984 = arith.constant 32 : index
        %swap3A_985 = tpu.vector_load %arg27[%swap3A_984] {strides = array<i32>} : memref<128xf32, #tpu.memory_space<vmem>>, vector<16xf32>,
        tpu.vector_store %arg27[%swap3A_984], %mul3A_983 {strides = array<i32>} : memref<128xf32, #tpu.memory_space<vmem>>, vector<16xf32>,
        %mul3A_986 = arith.constant 128 : i32
        %mul3A_987 = arith.muli %add3A_895, %mul3A_986 : i32
        %add3A_988 = arith.constant 48 : i32
        %add3A_989 = arith.addi %mul3A_987, %add3A_988 : i32
        %get3A_990 = arith.index_cast %add3A_989 : i32 to index
        %get3A_991 = tpu.vector_load %arg8[%get3A_990] {strides = array<i32>} : memref<10112xi32, #tpu.memory_space<vmem>>, vector<16xi32>,
        %get3A_992 = arith.index_cast %add3A_989 : i32 to index
        %get3A_993 = tpu.vector_load %arg7[%get3A_992] {strides = array<i32>} : memref<10112xi32, #tpu.memory_space<vmem>>, vector<16xi32>,
        %gather3A_994 = tpu.vector_load_idx %arg9[%get3A_991] : memref<10112xi32, #tpu.memory_space<vmem>>[vector<16xi32>], vector<16xi32>,
        %gather3A_995 = tpu.vector_load_idx %arg10[%get3A_991] : memref<10240xf32, #tpu.memory_space<vmem>>[vector<16xi32>], vector<16xf32>,
        %gather3A_996 = tpu.vector_load_idx %arg10[%get3A_993] : memref<10240xf32, #tpu.memory_space<vmem>>[vector<16xi32>], vector<16xf32>,
        %mul3A_997 = arith.constant 10240 : i32
        %mul3A_998 = vector.broadcast %mul3A_997 : i32 to vector<16xi32>
        %mul3A_999 = arith.muli %gather3A_994, %mul3A_998 : vector<16xi32>
        %add3A_1000 = arith.addi %mul3A_999, %get3A_993 : vector<16xi32>
        %swap3A_1001 = arith.constant 48 : index
        %swap3A_1002 = tpu.vector_load %arg19[%swap3A_1001] {strides = array<i32>} : memref<128xi32, #tpu.memory_space<vmem>>, vector<16xi32>,
        tpu.vector_store %arg19[%swap3A_1001], %add3A_1000 {strides = array<i32>} : memref<128xi32, #tpu.memory_space<vmem>>, vector<16xi32>,
        %mul3A_1003 = arith.mulf %gather3A_995, %gather3A_996 : vector<16xf32>
        %swap3A_1004 = arith.constant 48 : index
        %swap3A_1005 = tpu.vector_load %arg27[%swap3A_1004] {strides = array<i32>} : memref<128xf32, #tpu.memory_space<vmem>>, vector<16xf32>,
        tpu.vector_store %arg27[%swap3A_1004], %mul3A_1003 {strides = array<i32>} : memref<128xf32, #tpu.memory_space<vmem>>, vector<16xf32>,
        %mul3A_1006 = arith.constant 128 : i32
        %mul3A_1007 = arith.muli %add3A_895, %mul3A_1006 : i32
        %add3A_1008 = arith.constant 64 : i32
        %add3A_1009 = arith.addi %mul3A_1007, %add3A_1008 : i32
        %get3A_1010 = arith.index_cast %add3A_1009 : i32 to index
        %get3A_1011 = tpu.vector_load %arg8[%get3A_1010] {strides = array<i32>} : memref<10112xi32, #tpu.memory_space<vmem>>, vector<16xi32>,
        %get3A_1012 = arith.index_cast %add3A_1009 : i32 to index
        %get3A_1013 = tpu.vector_load %arg7[%get3A_1012] {strides = array<i32>} : memref<10112xi32, #tpu.memory_space<vmem>>, vector<16xi32>,
        %gather3A_1014 = tpu.vector_load_idx %arg9[%get3A_1011] : memref<10112xi32, #tpu.memory_space<vmem>>[vector<16xi32>], vector<16xi32>,
        %gather3A_1015 = tpu.vector_load_idx %arg10[%get3A_1011] : memref<10240xf32, #tpu.memory_space<vmem>>[vector<16xi32>], vector<16xf32>,
        %gather3A_1016 = tpu.vector_load_idx %arg10[%get3A_1013] : memref<10240xf32, #tpu.memory_space<vmem>>[vector<16xi32>], vector<16xf32>,
        %mul3A_1017 = arith.constant 10240 : i32
        %mul3A_1018 = vector.broadcast %mul3A_1017 : i32 to vector<16xi32>
        %mul3A_1019 = arith.muli %gather3A_1014, %mul3A_1018 : vector<16xi32>
        %add3A_1020 = arith.addi %mul3A_1019, %get3A_1013 : vector<16xi32>
        %swap3A_1021 = arith.constant 64 : index
        %swap3A_1022 = tpu.vector_load %arg19[%swap3A_1021] {strides = array<i32>} : memref<128xi32, #tpu.memory_space<vmem>>, vector<16xi32>,
        tpu.vector_store %arg19[%swap3A_1021], %add3A_1020 {strides = array<i32>} : memref<128xi32, #tpu.memory_space<vmem>>, vector<16xi32>,
        %mul3A_1023 = arith.mulf %gather3A_1015, %gather3A_1016 : vector<16xf32>
        %swap3A_1024 = arith.constant 64 : index
        %swap3A_1025 = tpu.vector_load %arg27[%swap3A_1024] {strides = array<i32>} : memref<128xf32, #tpu.memory_space<vmem>>, vector<16xf32>,
        tpu.vector_store %arg27[%swap3A_1024], %mul3A_1023 {strides = array<i32>} : memref<128xf32, #tpu.memory_space<vmem>>, vector<16xf32>,
        %mul3A_1026 = arith.constant 128 : i32
        %mul3A_1027 = arith.muli %add3A_895, %mul3A_1026 : i32
        %add3A_1028 = arith.constant 80 : i32
        %add3A_1029 = arith.addi %mul3A_1027, %add3A_1028 : i32
        %get3A_1030 = arith.index_cast %add3A_1029 : i32 to index
        %get3A_1031 = tpu.vector_load %arg8[%get3A_1030] {strides = array<i32>} : memref<10112xi32, #tpu.memory_space<vmem>>, vector<16xi32>,
        %get3A_1032 = arith.index_cast %add3A_1029 : i32 to index
        %get3A_1033 = tpu.vector_load %arg7[%get3A_1032] {strides = array<i32>} : memref<10112xi32, #tpu.memory_space<vmem>>, vector<16xi32>,
        %gather3A_1034 = tpu.vector_load_idx %arg9[%get3A_1031] : memref<10112xi32, #tpu.memory_space<vmem>>[vector<16xi32>], vector<16xi32>,
        %gather3A_1035 = tpu.vector_load_idx %arg10[%get3A_1031] : memref<10240xf32, #tpu.memory_space<vmem>>[vector<16xi32>], vector<16xf32>,
        %gather3A_1036 = tpu.vector_load_idx %arg10[%get3A_1033] : memref<10240xf32, #tpu.memory_space<vmem>>[vector<16xi32>], vector<16xf32>,
        %mul3A_1037 = arith.constant 10240 : i32
        %mul3A_1038 = vector.broadcast %mul3A_1037 : i32 to vector<16xi32>
        %mul3A_1039 = arith.muli %gather3A_1034, %mul3A_1038 : vector<16xi32>
        %add3A_1040 = arith.addi %mul3A_1039, %get3A_1033 : vector<16xi32>
        %swap3A_1041 = arith.constant 80 : index
        %swap3A_1042 = tpu.vector_load %arg19[%swap3A_1041] {strides = array<i32>} : memref<128xi32, #tpu.memory_space<vmem>>, vector<16xi32>,
        tpu.vector_store %arg19[%swap3A_1041], %add3A_1040 {strides = array<i32>} : memref<128xi32, #tpu.memory_space<vmem>>, vector<16xi32>,
        %mul3A_1043 = arith.mulf %gather3A_1035, %gather3A_1036 : vector<16xf32>
        %swap3A_1044 = arith.constant 80 : index
        %swap3A_1045 = tpu.vector_load %arg27[%swap3A_1044] {strides = array<i32>} : memref<128xf32, #tpu.memory_space<vmem>>, vector<16xf32>,
        tpu.vector_store %arg27[%swap3A_1044], %mul3A_1043 {strides = array<i32>} : memref<128xf32, #tpu.memory_space<vmem>>, vector<16xf32>,
        %mul3A_1046 = arith.constant 128 : i32
        %mul3A_1047 = arith.muli %add3A_895, %mul3A_1046 : i32
        %add3A_1048 = arith.constant 96 : i32
        %add3A_1049 = arith.addi %mul3A_1047, %add3A_1048 : i32
        %get3A_1050 = arith.index_cast %add3A_1049 : i32 to index
        %get3A_1051 = tpu.vector_load %arg8[%get3A_1050] {strides = array<i32>} : memref<10112xi32, #tpu.memory_space<vmem>>, vector<16xi32>,
        %get3A_1052 = arith.index_cast %add3A_1049 : i32 to index
        %get3A_1053 = tpu.vector_load %arg7[%get3A_1052] {strides = array<i32>} : memref<10112xi32, #tpu.memory_space<vmem>>, vector<16xi32>,
        %gather3A_1054 = tpu.vector_load_idx %arg9[%get3A_1051] : memref<10112xi32, #tpu.memory_space<vmem>>[vector<16xi32>], vector<16xi32>,
        %gather3A_1055 = tpu.vector_load_idx %arg10[%get3A_1051] : memref<10240xf32, #tpu.memory_space<vmem>>[vector<16xi32>], vector<16xf32>,
        %gather3A_1056 = tpu.vector_load_idx %arg10[%get3A_1053] : memref<10240xf32, #tpu.memory_space<vmem>>[vector<16xi32>], vector<16xf32>,
        %mul3A_1057 = arith.constant 10240 : i32
        %mul3A_1058 = vector.broadcast %mul3A_1057 : i32 to vector<16xi32>
        %mul3A_1059 = arith.muli %gather3A_1054, %mul3A_1058 : vector<16xi32>
        %add3A_1060 = arith.addi %mul3A_1059, %get3A_1053 : vector<16xi32>
        %swap3A_1061 = arith.constant 96 : index
        %swap3A_1062 = tpu.vector_load %arg19[%swap3A_1061] {strides = array<i32>} : memref<128xi32, #tpu.memory_space<vmem>>, vector<16xi32>,
        tpu.vector_store %arg19[%swap3A_1061], %add3A_1060 {strides = array<i32>} : memref<128xi32, #tpu.memory_space<vmem>>, vector<16xi32>,
        %mul3A_1063 = arith.mulf %gather3A_1055, %gather3A_1056 : vector<16xf32>
        %swap3A_1064 = arith.constant 96 : index
        %swap3A_1065 = tpu.vector_load %arg27[%swap3A_1064] {strides = array<i32>} : memref<128xf32, #tpu.memory_space<vmem>>, vector<16xf32>,
        tpu.vector_store %arg27[%swap3A_1064], %mul3A_1063 {strides = array<i32>} : memref<128xf32, #tpu.memory_space<vmem>>, vector<16xf32>,
        %mul3A_1066 = arith.constant 128 : i32
        %mul3A_1067 = arith.muli %add3A_895, %mul3A_1066 : i32
        %add3A_1068 = arith.constant 112 : i32
        %add3A_1069 = arith.addi %mul3A_1067, %add3A_1068 : i32
        %get3A_1070 = arith.index_cast %add3A_1069 : i32 to index
        %get3A_1071 = tpu.vector_load %arg8[%get3A_1070] {strides = array<i32>} : memref<10112xi32, #tpu.memory_space<vmem>>, vector<16xi32>,
        %get3A_1072 = arith.index_cast %add3A_1069 : i32 to index
        %get3A_1073 = tpu.vector_load %arg7[%get3A_1072] {strides = array<i32>} : memref<10112xi32, #tpu.memory_space<vmem>>, vector<16xi32>,
        %gather3A_1074 = tpu.vector_load_idx %arg9[%get3A_1071] : memref<10112xi32, #tpu.memory_space<vmem>>[vector<16xi32>], vector<16xi32>,
        %gather3A_1075 = tpu.vector_load_idx %arg10[%get3A_1071] : memref<10240xf32, #tpu.memory_space<vmem>>[vector<16xi32>], vector<16xf32>,
        %gather3A_1076 = tpu.vector_load_idx %arg10[%get3A_1073] : memref<10240xf32, #tpu.memory_space<vmem>>[vector<16xi32>], vector<16xf32>,
        %mul3A_1077 = arith.constant 10240 : i32
        %mul3A_1078 = vector.broadcast %mul3A_1077 : i32 to vector<16xi32>
        %mul3A_1079 = arith.muli %gather3A_1074, %mul3A_1078 : vector<16xi32>
        %add3A_1080 = arith.addi %mul3A_1079, %get3A_1073 : vector<16xi32>
        %swap3A_1081 = arith.constant 112 : index
        %swap3A_1082 = tpu.vector_load %arg19[%swap3A_1081] {strides = array<i32>} : memref<128xi32, #tpu.memory_space<vmem>>, vector<16xi32>,
        tpu.vector_store %arg19[%swap3A_1081], %add3A_1080 {strides = array<i32>} : memref<128xi32, #tpu.memory_space<vmem>>, vector<16xi32>,
        %mul3A_1083 = arith.mulf %gather3A_1075, %gather3A_1076 : vector<16xf32>
        %swap3A_1084 = arith.constant 112 : index
        %swap3A_1085 = tpu.vector_load %arg27[%swap3A_1084] {strides = array<i32>} : memref<128xf32, #tpu.memory_space<vmem>>, vector<16xf32>,
        tpu.vector_store %arg27[%swap3A_1084], %mul3A_1083 {strides = array<i32>} : memref<128xf32, #tpu.memory_space<vmem>>, vector<16xf32>,
        %dma_start3A_1086 = arith.constant 0 : i32
        %dma_start3A_1087 = tpu.memref_slice %arg44[%dma_start3A_1086] : memref<655360xf32, #tpu.memory_space<vmem_shared>> -> memref<655360xf32, #tpu.memory_space<vmem_shared>>
        tpu.enqueue_indirect_dma source(%arg27 : memref<128xf32, #tpu.memory_space<vmem>>) target(%dma_start3A_1087 : memref<655360xf32, #tpu.memory_space<vmem_shared>>) offsets(%arg19 : memref<128xi32, #tpu.memory_space<vmem>>) semaphore(%arg37 : memref<!tpu.dma_semaphore, #tpu.memory_space<semaphore_mem>>) {add = true}
      } else {
      }
      %mul3A_900 = arith.constant 8 : i32
      %mul3A_901 = arith.muli %scan3A_859, %mul3A_900 : i32
      %add3A_902 = arith.constant 5 : i32
      %add3A_903 = arith.addi %mul3A_901, %add3A_902 : i32
      %lt3A_904 = arith.cmpi slt, %add3A_903, %sub3A_723 : i32
      %convert_element_type3A_905 = arith.extui %lt3A_904 : i1 to i32
      %cond3A_906 = arith.constant 0 : i32
      %cond3A_907 = arith.cmpi ne, %convert_element_type3A_905, %cond3A_906 : i32
      scf.if %cond3A_907 {
        %ge3A = arith.constant 8 : i32
        %ge3A_924 = arith.cmpi sge, %add3A_903, %ge3A : i32
        %convert_element_type3A_925 = arith.extui %ge3A_924 : i1 to i32
        %cond3A_926 = arith.constant 0 : i32
        %cond3A_927 = arith.cmpi ne, %convert_element_type3A_925, %cond3A_926 : i32
        scf.if %cond3A_927 {
          %dma_wait3A_1088 = arith.constant 0 : i32
          %dma_wait3A_1089 = tpu.memref_slice %arg44[%dma_wait3A_1088] : memref<655360xf32, #tpu.memory_space<vmem_shared>> -> memref<655360xf32, #tpu.memory_space<vmem_shared>>
          tpu.wait_indirect_dma semaphore(%arg38 : memref<!tpu.dma_semaphore, #tpu.memory_space<semaphore_mem>>) src(%arg28 : memref<128xf32, #tpu.memory_space<vmem>>) dst(%dma_wait3A_1089 : memref<655360xf32, #tpu.memory_space<vmem_shared>>)
        } else {
        }
        %mul3A_928 = arith.constant 128 : i32
        %mul3A_929 = arith.muli %add3A_903, %mul3A_928 : i32
        %add3A_930 = arith.constant 0 : i32
        %add3A_931 = arith.addi %mul3A_929, %add3A_930 : i32
        %get3A = arith.index_cast %add3A_931 : i32 to index
        %get3A_932 = tpu.vector_load %arg8[%get3A] {strides = array<i32>} : memref<10112xi32, #tpu.memory_space<vmem>>, vector<16xi32>,
        %get3A_933 = arith.index_cast %add3A_931 : i32 to index
        %get3A_934 = tpu.vector_load %arg7[%get3A_933] {strides = array<i32>} : memref<10112xi32, #tpu.memory_space<vmem>>, vector<16xi32>,
        %gather3A = tpu.vector_load_idx %arg9[%get3A_932] : memref<10112xi32, #tpu.memory_space<vmem>>[vector<16xi32>], vector<16xi32>,
        %gather3A_935 = tpu.vector_load_idx %arg10[%get3A_932] : memref<10240xf32, #tpu.memory_space<vmem>>[vector<16xi32>], vector<16xf32>,
        %gather3A_936 = tpu.vector_load_idx %arg10[%get3A_934] : memref<10240xf32, #tpu.memory_space<vmem>>[vector<16xi32>], vector<16xf32>,
        %mul3A_937 = arith.constant 10240 : i32
        %mul3A_938 = vector.broadcast %mul3A_937 : i32 to vector<16xi32>
        %mul3A_939 = arith.muli %gather3A, %mul3A_938 : vector<16xi32>
        %add3A_940 = arith.addi %mul3A_939, %get3A_934 : vector<16xi32>
        %swap3A_941 = arith.constant 0 : index
        %swap3A_942 = tpu.vector_load %arg20[%swap3A_941] {strides = array<i32>} : memref<128xi32, #tpu.memory_space<vmem>>, vector<16xi32>,
        tpu.vector_store %arg20[%swap3A_941], %add3A_940 {strides = array<i32>} : memref<128xi32, #tpu.memory_space<vmem>>, vector<16xi32>,
        %mul3A_943 = arith.mulf %gather3A_935, %gather3A_936 : vector<16xf32>
        %swap3A_944 = arith.constant 0 : index
        %swap3A_945 = tpu.vector_load %arg28[%swap3A_944] {strides = array<i32>} : memref<128xf32, #tpu.memory_space<vmem>>, vector<16xf32>,
        tpu.vector_store %arg28[%swap3A_944], %mul3A_943 {strides = array<i32>} : memref<128xf32, #tpu.memory_space<vmem>>, vector<16xf32>,
        %mul3A_946 = arith.constant 128 : i32
        %mul3A_947 = arith.muli %add3A_903, %mul3A_946 : i32
        %add3A_948 = arith.constant 16 : i32
        %add3A_949 = arith.addi %mul3A_947, %add3A_948 : i32
        %get3A_950 = arith.index_cast %add3A_949 : i32 to index
        %get3A_951 = tpu.vector_load %arg8[%get3A_950] {strides = array<i32>} : memref<10112xi32, #tpu.memory_space<vmem>>, vector<16xi32>,
        %get3A_952 = arith.index_cast %add3A_949 : i32 to index
        %get3A_953 = tpu.vector_load %arg7[%get3A_952] {strides = array<i32>} : memref<10112xi32, #tpu.memory_space<vmem>>, vector<16xi32>,
        %gather3A_954 = tpu.vector_load_idx %arg9[%get3A_951] : memref<10112xi32, #tpu.memory_space<vmem>>[vector<16xi32>], vector<16xi32>,
        %gather3A_955 = tpu.vector_load_idx %arg10[%get3A_951] : memref<10240xf32, #tpu.memory_space<vmem>>[vector<16xi32>], vector<16xf32>,
        %gather3A_956 = tpu.vector_load_idx %arg10[%get3A_953] : memref<10240xf32, #tpu.memory_space<vmem>>[vector<16xi32>], vector<16xf32>,
        %mul3A_957 = arith.constant 10240 : i32
        %mul3A_958 = vector.broadcast %mul3A_957 : i32 to vector<16xi32>
        %mul3A_959 = arith.muli %gather3A_954, %mul3A_958 : vector<16xi32>
        %add3A_960 = arith.addi %mul3A_959, %get3A_953 : vector<16xi32>
        %swap3A_961 = arith.constant 16 : index
        %swap3A_962 = tpu.vector_load %arg20[%swap3A_961] {strides = array<i32>} : memref<128xi32, #tpu.memory_space<vmem>>, vector<16xi32>,
        tpu.vector_store %arg20[%swap3A_961], %add3A_960 {strides = array<i32>} : memref<128xi32, #tpu.memory_space<vmem>>, vector<16xi32>,
        %mul3A_963 = arith.mulf %gather3A_955, %gather3A_956 : vector<16xf32>
        %swap3A_964 = arith.constant 16 : index
        %swap3A_965 = tpu.vector_load %arg28[%swap3A_964] {strides = array<i32>} : memref<128xf32, #tpu.memory_space<vmem>>, vector<16xf32>,
        tpu.vector_store %arg28[%swap3A_964], %mul3A_963 {strides = array<i32>} : memref<128xf32, #tpu.memory_space<vmem>>, vector<16xf32>,
        %mul3A_966 = arith.constant 128 : i32
        %mul3A_967 = arith.muli %add3A_903, %mul3A_966 : i32
        %add3A_968 = arith.constant 32 : i32
        %add3A_969 = arith.addi %mul3A_967, %add3A_968 : i32
        %get3A_970 = arith.index_cast %add3A_969 : i32 to index
        %get3A_971 = tpu.vector_load %arg8[%get3A_970] {strides = array<i32>} : memref<10112xi32, #tpu.memory_space<vmem>>, vector<16xi32>,
        %get3A_972 = arith.index_cast %add3A_969 : i32 to index
        %get3A_973 = tpu.vector_load %arg7[%get3A_972] {strides = array<i32>} : memref<10112xi32, #tpu.memory_space<vmem>>, vector<16xi32>,
        %gather3A_974 = tpu.vector_load_idx %arg9[%get3A_971] : memref<10112xi32, #tpu.memory_space<vmem>>[vector<16xi32>], vector<16xi32>,
        %gather3A_975 = tpu.vector_load_idx %arg10[%get3A_971] : memref<10240xf32, #tpu.memory_space<vmem>>[vector<16xi32>], vector<16xf32>,
        %gather3A_976 = tpu.vector_load_idx %arg10[%get3A_973] : memref<10240xf32, #tpu.memory_space<vmem>>[vector<16xi32>], vector<16xf32>,
        %mul3A_977 = arith.constant 10240 : i32
        %mul3A_978 = vector.broadcast %mul3A_977 : i32 to vector<16xi32>
        %mul3A_979 = arith.muli %gather3A_974, %mul3A_978 : vector<16xi32>
        %add3A_980 = arith.addi %mul3A_979, %get3A_973 : vector<16xi32>
        %swap3A_981 = arith.constant 32 : index
        %swap3A_982 = tpu.vector_load %arg20[%swap3A_981] {strides = array<i32>} : memref<128xi32, #tpu.memory_space<vmem>>, vector<16xi32>,
        tpu.vector_store %arg20[%swap3A_981], %add3A_980 {strides = array<i32>} : memref<128xi32, #tpu.memory_space<vmem>>, vector<16xi32>,
        %mul3A_983 = arith.mulf %gather3A_975, %gather3A_976 : vector<16xf32>
        %swap3A_984 = arith.constant 32 : index
        %swap3A_985 = tpu.vector_load %arg28[%swap3A_984] {strides = array<i32>} : memref<128xf32, #tpu.memory_space<vmem>>, vector<16xf32>,
        tpu.vector_store %arg28[%swap3A_984], %mul3A_983 {strides = array<i32>} : memref<128xf32, #tpu.memory_space<vmem>>, vector<16xf32>,
        %mul3A_986 = arith.constant 128 : i32
        %mul3A_987 = arith.muli %add3A_903, %mul3A_986 : i32
        %add3A_988 = arith.constant 48 : i32
        %add3A_989 = arith.addi %mul3A_987, %add3A_988 : i32
        %get3A_990 = arith.index_cast %add3A_989 : i32 to index
        %get3A_991 = tpu.vector_load %arg8[%get3A_990] {strides = array<i32>} : memref<10112xi32, #tpu.memory_space<vmem>>, vector<16xi32>,
        %get3A_992 = arith.index_cast %add3A_989 : i32 to index
        %get3A_993 = tpu.vector_load %arg7[%get3A_992] {strides = array<i32>} : memref<10112xi32, #tpu.memory_space<vmem>>, vector<16xi32>,
        %gather3A_994 = tpu.vector_load_idx %arg9[%get3A_991] : memref<10112xi32, #tpu.memory_space<vmem>>[vector<16xi32>], vector<16xi32>,
        %gather3A_995 = tpu.vector_load_idx %arg10[%get3A_991] : memref<10240xf32, #tpu.memory_space<vmem>>[vector<16xi32>], vector<16xf32>,
        %gather3A_996 = tpu.vector_load_idx %arg10[%get3A_993] : memref<10240xf32, #tpu.memory_space<vmem>>[vector<16xi32>], vector<16xf32>,
        %mul3A_997 = arith.constant 10240 : i32
        %mul3A_998 = vector.broadcast %mul3A_997 : i32 to vector<16xi32>
        %mul3A_999 = arith.muli %gather3A_994, %mul3A_998 : vector<16xi32>
        %add3A_1000 = arith.addi %mul3A_999, %get3A_993 : vector<16xi32>
        %swap3A_1001 = arith.constant 48 : index
        %swap3A_1002 = tpu.vector_load %arg20[%swap3A_1001] {strides = array<i32>} : memref<128xi32, #tpu.memory_space<vmem>>, vector<16xi32>,
        tpu.vector_store %arg20[%swap3A_1001], %add3A_1000 {strides = array<i32>} : memref<128xi32, #tpu.memory_space<vmem>>, vector<16xi32>,
        %mul3A_1003 = arith.mulf %gather3A_995, %gather3A_996 : vector<16xf32>
        %swap3A_1004 = arith.constant 48 : index
        %swap3A_1005 = tpu.vector_load %arg28[%swap3A_1004] {strides = array<i32>} : memref<128xf32, #tpu.memory_space<vmem>>, vector<16xf32>,
        tpu.vector_store %arg28[%swap3A_1004], %mul3A_1003 {strides = array<i32>} : memref<128xf32, #tpu.memory_space<vmem>>, vector<16xf32>,
        %mul3A_1006 = arith.constant 128 : i32
        %mul3A_1007 = arith.muli %add3A_903, %mul3A_1006 : i32
        %add3A_1008 = arith.constant 64 : i32
        %add3A_1009 = arith.addi %mul3A_1007, %add3A_1008 : i32
        %get3A_1010 = arith.index_cast %add3A_1009 : i32 to index
        %get3A_1011 = tpu.vector_load %arg8[%get3A_1010] {strides = array<i32>} : memref<10112xi32, #tpu.memory_space<vmem>>, vector<16xi32>,
        %get3A_1012 = arith.index_cast %add3A_1009 : i32 to index
        %get3A_1013 = tpu.vector_load %arg7[%get3A_1012] {strides = array<i32>} : memref<10112xi32, #tpu.memory_space<vmem>>, vector<16xi32>,
        %gather3A_1014 = tpu.vector_load_idx %arg9[%get3A_1011] : memref<10112xi32, #tpu.memory_space<vmem>>[vector<16xi32>], vector<16xi32>,
        %gather3A_1015 = tpu.vector_load_idx %arg10[%get3A_1011] : memref<10240xf32, #tpu.memory_space<vmem>>[vector<16xi32>], vector<16xf32>,
        %gather3A_1016 = tpu.vector_load_idx %arg10[%get3A_1013] : memref<10240xf32, #tpu.memory_space<vmem>>[vector<16xi32>], vector<16xf32>,
        %mul3A_1017 = arith.constant 10240 : i32
        %mul3A_1018 = vector.broadcast %mul3A_1017 : i32 to vector<16xi32>
        %mul3A_1019 = arith.muli %gather3A_1014, %mul3A_1018 : vector<16xi32>
        %add3A_1020 = arith.addi %mul3A_1019, %get3A_1013 : vector<16xi32>
        %swap3A_1021 = arith.constant 64 : index
        %swap3A_1022 = tpu.vector_load %arg20[%swap3A_1021] {strides = array<i32>} : memref<128xi32, #tpu.memory_space<vmem>>, vector<16xi32>,
        tpu.vector_store %arg20[%swap3A_1021], %add3A_1020 {strides = array<i32>} : memref<128xi32, #tpu.memory_space<vmem>>, vector<16xi32>,
        %mul3A_1023 = arith.mulf %gather3A_1015, %gather3A_1016 : vector<16xf32>
        %swap3A_1024 = arith.constant 64 : index
        %swap3A_1025 = tpu.vector_load %arg28[%swap3A_1024] {strides = array<i32>} : memref<128xf32, #tpu.memory_space<vmem>>, vector<16xf32>,
        tpu.vector_store %arg28[%swap3A_1024], %mul3A_1023 {strides = array<i32>} : memref<128xf32, #tpu.memory_space<vmem>>, vector<16xf32>,
        %mul3A_1026 = arith.constant 128 : i32
        %mul3A_1027 = arith.muli %add3A_903, %mul3A_1026 : i32
        %add3A_1028 = arith.constant 80 : i32
        %add3A_1029 = arith.addi %mul3A_1027, %add3A_1028 : i32
        %get3A_1030 = arith.index_cast %add3A_1029 : i32 to index
        %get3A_1031 = tpu.vector_load %arg8[%get3A_1030] {strides = array<i32>} : memref<10112xi32, #tpu.memory_space<vmem>>, vector<16xi32>,
        %get3A_1032 = arith.index_cast %add3A_1029 : i32 to index
        %get3A_1033 = tpu.vector_load %arg7[%get3A_1032] {strides = array<i32>} : memref<10112xi32, #tpu.memory_space<vmem>>, vector<16xi32>,
        %gather3A_1034 = tpu.vector_load_idx %arg9[%get3A_1031] : memref<10112xi32, #tpu.memory_space<vmem>>[vector<16xi32>], vector<16xi32>,
        %gather3A_1035 = tpu.vector_load_idx %arg10[%get3A_1031] : memref<10240xf32, #tpu.memory_space<vmem>>[vector<16xi32>], vector<16xf32>,
        %gather3A_1036 = tpu.vector_load_idx %arg10[%get3A_1033] : memref<10240xf32, #tpu.memory_space<vmem>>[vector<16xi32>], vector<16xf32>,
        %mul3A_1037 = arith.constant 10240 : i32
        %mul3A_1038 = vector.broadcast %mul3A_1037 : i32 to vector<16xi32>
        %mul3A_1039 = arith.muli %gather3A_1034, %mul3A_1038 : vector<16xi32>
        %add3A_1040 = arith.addi %mul3A_1039, %get3A_1033 : vector<16xi32>
        %swap3A_1041 = arith.constant 80 : index
        %swap3A_1042 = tpu.vector_load %arg20[%swap3A_1041] {strides = array<i32>} : memref<128xi32, #tpu.memory_space<vmem>>, vector<16xi32>,
        tpu.vector_store %arg20[%swap3A_1041], %add3A_1040 {strides = array<i32>} : memref<128xi32, #tpu.memory_space<vmem>>, vector<16xi32>,
        %mul3A_1043 = arith.mulf %gather3A_1035, %gather3A_1036 : vector<16xf32>
        %swap3A_1044 = arith.constant 80 : index
        %swap3A_1045 = tpu.vector_load %arg28[%swap3A_1044] {strides = array<i32>} : memref<128xf32, #tpu.memory_space<vmem>>, vector<16xf32>,
        tpu.vector_store %arg28[%swap3A_1044], %mul3A_1043 {strides = array<i32>} : memref<128xf32, #tpu.memory_space<vmem>>, vector<16xf32>,
        %mul3A_1046 = arith.constant 128 : i32
        %mul3A_1047 = arith.muli %add3A_903, %mul3A_1046 : i32
        %add3A_1048 = arith.constant 96 : i32
        %add3A_1049 = arith.addi %mul3A_1047, %add3A_1048 : i32
        %get3A_1050 = arith.index_cast %add3A_1049 : i32 to index
        %get3A_1051 = tpu.vector_load %arg8[%get3A_1050] {strides = array<i32>} : memref<10112xi32, #tpu.memory_space<vmem>>, vector<16xi32>,
        %get3A_1052 = arith.index_cast %add3A_1049 : i32 to index
        %get3A_1053 = tpu.vector_load %arg7[%get3A_1052] {strides = array<i32>} : memref<10112xi32, #tpu.memory_space<vmem>>, vector<16xi32>,
        %gather3A_1054 = tpu.vector_load_idx %arg9[%get3A_1051] : memref<10112xi32, #tpu.memory_space<vmem>>[vector<16xi32>], vector<16xi32>,
        %gather3A_1055 = tpu.vector_load_idx %arg10[%get3A_1051] : memref<10240xf32, #tpu.memory_space<vmem>>[vector<16xi32>], vector<16xf32>,
        %gather3A_1056 = tpu.vector_load_idx %arg10[%get3A_1053] : memref<10240xf32, #tpu.memory_space<vmem>>[vector<16xi32>], vector<16xf32>,
        %mul3A_1057 = arith.constant 10240 : i32
        %mul3A_1058 = vector.broadcast %mul3A_1057 : i32 to vector<16xi32>
        %mul3A_1059 = arith.muli %gather3A_1054, %mul3A_1058 : vector<16xi32>
        %add3A_1060 = arith.addi %mul3A_1059, %get3A_1053 : vector<16xi32>
        %swap3A_1061 = arith.constant 96 : index
        %swap3A_1062 = tpu.vector_load %arg20[%swap3A_1061] {strides = array<i32>} : memref<128xi32, #tpu.memory_space<vmem>>, vector<16xi32>,
        tpu.vector_store %arg20[%swap3A_1061], %add3A_1060 {strides = array<i32>} : memref<128xi32, #tpu.memory_space<vmem>>, vector<16xi32>,
        %mul3A_1063 = arith.mulf %gather3A_1055, %gather3A_1056 : vector<16xf32>
        %swap3A_1064 = arith.constant 96 : index
        %swap3A_1065 = tpu.vector_load %arg28[%swap3A_1064] {strides = array<i32>} : memref<128xf32, #tpu.memory_space<vmem>>, vector<16xf32>,
        tpu.vector_store %arg28[%swap3A_1064], %mul3A_1063 {strides = array<i32>} : memref<128xf32, #tpu.memory_space<vmem>>, vector<16xf32>,
        %mul3A_1066 = arith.constant 128 : i32
        %mul3A_1067 = arith.muli %add3A_903, %mul3A_1066 : i32
        %add3A_1068 = arith.constant 112 : i32
        %add3A_1069 = arith.addi %mul3A_1067, %add3A_1068 : i32
        %get3A_1070 = arith.index_cast %add3A_1069 : i32 to index
        %get3A_1071 = tpu.vector_load %arg8[%get3A_1070] {strides = array<i32>} : memref<10112xi32, #tpu.memory_space<vmem>>, vector<16xi32>,
        %get3A_1072 = arith.index_cast %add3A_1069 : i32 to index
        %get3A_1073 = tpu.vector_load %arg7[%get3A_1072] {strides = array<i32>} : memref<10112xi32, #tpu.memory_space<vmem>>, vector<16xi32>,
        %gather3A_1074 = tpu.vector_load_idx %arg9[%get3A_1071] : memref<10112xi32, #tpu.memory_space<vmem>>[vector<16xi32>], vector<16xi32>,
        %gather3A_1075 = tpu.vector_load_idx %arg10[%get3A_1071] : memref<10240xf32, #tpu.memory_space<vmem>>[vector<16xi32>], vector<16xf32>,
        %gather3A_1076 = tpu.vector_load_idx %arg10[%get3A_1073] : memref<10240xf32, #tpu.memory_space<vmem>>[vector<16xi32>], vector<16xf32>,
        %mul3A_1077 = arith.constant 10240 : i32
        %mul3A_1078 = vector.broadcast %mul3A_1077 : i32 to vector<16xi32>
        %mul3A_1079 = arith.muli %gather3A_1074, %mul3A_1078 : vector<16xi32>
        %add3A_1080 = arith.addi %mul3A_1079, %get3A_1073 : vector<16xi32>
        %swap3A_1081 = arith.constant 112 : index
        %swap3A_1082 = tpu.vector_load %arg20[%swap3A_1081] {strides = array<i32>} : memref<128xi32, #tpu.memory_space<vmem>>, vector<16xi32>,
        tpu.vector_store %arg20[%swap3A_1081], %add3A_1080 {strides = array<i32>} : memref<128xi32, #tpu.memory_space<vmem>>, vector<16xi32>,
        %mul3A_1083 = arith.mulf %gather3A_1075, %gather3A_1076 : vector<16xf32>
        %swap3A_1084 = arith.constant 112 : index
        %swap3A_1085 = tpu.vector_load %arg28[%swap3A_1084] {strides = array<i32>} : memref<128xf32, #tpu.memory_space<vmem>>, vector<16xf32>,
        tpu.vector_store %arg28[%swap3A_1084], %mul3A_1083 {strides = array<i32>} : memref<128xf32, #tpu.memory_space<vmem>>, vector<16xf32>,
        %dma_start3A_1086 = arith.constant 0 : i32
        %dma_start3A_1087 = tpu.memref_slice %arg44[%dma_start3A_1086] : memref<655360xf32, #tpu.memory_space<vmem_shared>> -> memref<655360xf32, #tpu.memory_space<vmem_shared>>
        tpu.enqueue_indirect_dma source(%arg28 : memref<128xf32, #tpu.memory_space<vmem>>) target(%dma_start3A_1087 : memref<655360xf32, #tpu.memory_space<vmem_shared>>) offsets(%arg20 : memref<128xi32, #tpu.memory_space<vmem>>) semaphore(%arg38 : memref<!tpu.dma_semaphore, #tpu.memory_space<semaphore_mem>>) {add = true}
      } else {
      }
      %mul3A_908 = arith.constant 8 : i32
      %mul3A_909 = arith.muli %scan3A_859, %mul3A_908 : i32
      %add3A_910 = arith.constant 6 : i32
      %add3A_911 = arith.addi %mul3A_909, %add3A_910 : i32
      %lt3A_912 = arith.cmpi slt, %add3A_911, %sub3A_723 : i32
      %convert_element_type3A_913 = arith.extui %lt3A_912 : i1 to i32
      %cond3A_914 = arith.constant 0 : i32
      %cond3A_915 = arith.cmpi ne, %convert_element_type3A_913, %cond3A_914 : i32
      scf.if %cond3A_915 {
        %ge3A = arith.constant 8 : i32
        %ge3A_924 = arith.cmpi sge, %add3A_911, %ge3A : i32
        %convert_element_type3A_925 = arith.extui %ge3A_924 : i1 to i32
        %cond3A_926 = arith.constant 0 : i32
        %cond3A_927 = arith.cmpi ne, %convert_element_type3A_925, %cond3A_926 : i32
        scf.if %cond3A_927 {
          %dma_wait3A_1088 = arith.constant 0 : i32
          %dma_wait3A_1089 = tpu.memref_slice %arg44[%dma_wait3A_1088] : memref<655360xf32, #tpu.memory_space<vmem_shared>> -> memref<655360xf32, #tpu.memory_space<vmem_shared>>
          tpu.wait_indirect_dma semaphore(%arg39 : memref<!tpu.dma_semaphore, #tpu.memory_space<semaphore_mem>>) src(%arg29 : memref<128xf32, #tpu.memory_space<vmem>>) dst(%dma_wait3A_1089 : memref<655360xf32, #tpu.memory_space<vmem_shared>>)
        } else {
        }
        %mul3A_928 = arith.constant 128 : i32
        %mul3A_929 = arith.muli %add3A_911, %mul3A_928 : i32
        %add3A_930 = arith.constant 0 : i32
        %add3A_931 = arith.addi %mul3A_929, %add3A_930 : i32
        %get3A = arith.index_cast %add3A_931 : i32 to index
        %get3A_932 = tpu.vector_load %arg8[%get3A] {strides = array<i32>} : memref<10112xi32, #tpu.memory_space<vmem>>, vector<16xi32>,
        %get3A_933 = arith.index_cast %add3A_931 : i32 to index
        %get3A_934 = tpu.vector_load %arg7[%get3A_933] {strides = array<i32>} : memref<10112xi32, #tpu.memory_space<vmem>>, vector<16xi32>,
        %gather3A = tpu.vector_load_idx %arg9[%get3A_932] : memref<10112xi32, #tpu.memory_space<vmem>>[vector<16xi32>], vector<16xi32>,
        %gather3A_935 = tpu.vector_load_idx %arg10[%get3A_932] : memref<10240xf32, #tpu.memory_space<vmem>>[vector<16xi32>], vector<16xf32>,
        %gather3A_936 = tpu.vector_load_idx %arg10[%get3A_934] : memref<10240xf32, #tpu.memory_space<vmem>>[vector<16xi32>], vector<16xf32>,
        %mul3A_937 = arith.constant 10240 : i32
        %mul3A_938 = vector.broadcast %mul3A_937 : i32 to vector<16xi32>
        %mul3A_939 = arith.muli %gather3A, %mul3A_938 : vector<16xi32>
        %add3A_940 = arith.addi %mul3A_939, %get3A_934 : vector<16xi32>
        %swap3A_941 = arith.constant 0 : index
        %swap3A_942 = tpu.vector_load %arg21[%swap3A_941] {strides = array<i32>} : memref<128xi32, #tpu.memory_space<vmem>>, vector<16xi32>,
        tpu.vector_store %arg21[%swap3A_941], %add3A_940 {strides = array<i32>} : memref<128xi32, #tpu.memory_space<vmem>>, vector<16xi32>,
        %mul3A_943 = arith.mulf %gather3A_935, %gather3A_936 : vector<16xf32>
        %swap3A_944 = arith.constant 0 : index
        %swap3A_945 = tpu.vector_load %arg29[%swap3A_944] {strides = array<i32>} : memref<128xf32, #tpu.memory_space<vmem>>, vector<16xf32>,
        tpu.vector_store %arg29[%swap3A_944], %mul3A_943 {strides = array<i32>} : memref<128xf32, #tpu.memory_space<vmem>>, vector<16xf32>,
        %mul3A_946 = arith.constant 128 : i32
        %mul3A_947 = arith.muli %add3A_911, %mul3A_946 : i32
        %add3A_948 = arith.constant 16 : i32
        %add3A_949 = arith.addi %mul3A_947, %add3A_948 : i32
        %get3A_950 = arith.index_cast %add3A_949 : i32 to index
        %get3A_951 = tpu.vector_load %arg8[%get3A_950] {strides = array<i32>} : memref<10112xi32, #tpu.memory_space<vmem>>, vector<16xi32>,
        %get3A_952 = arith.index_cast %add3A_949 : i32 to index
        %get3A_953 = tpu.vector_load %arg7[%get3A_952] {strides = array<i32>} : memref<10112xi32, #tpu.memory_space<vmem>>, vector<16xi32>,
        %gather3A_954 = tpu.vector_load_idx %arg9[%get3A_951] : memref<10112xi32, #tpu.memory_space<vmem>>[vector<16xi32>], vector<16xi32>,
        %gather3A_955 = tpu.vector_load_idx %arg10[%get3A_951] : memref<10240xf32, #tpu.memory_space<vmem>>[vector<16xi32>], vector<16xf32>,
        %gather3A_956 = tpu.vector_load_idx %arg10[%get3A_953] : memref<10240xf32, #tpu.memory_space<vmem>>[vector<16xi32>], vector<16xf32>,
        %mul3A_957 = arith.constant 10240 : i32
        %mul3A_958 = vector.broadcast %mul3A_957 : i32 to vector<16xi32>
        %mul3A_959 = arith.muli %gather3A_954, %mul3A_958 : vector<16xi32>
        %add3A_960 = arith.addi %mul3A_959, %get3A_953 : vector<16xi32>
        %swap3A_961 = arith.constant 16 : index
        %swap3A_962 = tpu.vector_load %arg21[%swap3A_961] {strides = array<i32>} : memref<128xi32, #tpu.memory_space<vmem>>, vector<16xi32>,
        tpu.vector_store %arg21[%swap3A_961], %add3A_960 {strides = array<i32>} : memref<128xi32, #tpu.memory_space<vmem>>, vector<16xi32>,
        %mul3A_963 = arith.mulf %gather3A_955, %gather3A_956 : vector<16xf32>
        %swap3A_964 = arith.constant 16 : index
        %swap3A_965 = tpu.vector_load %arg29[%swap3A_964] {strides = array<i32>} : memref<128xf32, #tpu.memory_space<vmem>>, vector<16xf32>,
        tpu.vector_store %arg29[%swap3A_964], %mul3A_963 {strides = array<i32>} : memref<128xf32, #tpu.memory_space<vmem>>, vector<16xf32>,
        %mul3A_966 = arith.constant 128 : i32
        %mul3A_967 = arith.muli %add3A_911, %mul3A_966 : i32
        %add3A_968 = arith.constant 32 : i32
        %add3A_969 = arith.addi %mul3A_967, %add3A_968 : i32
        %get3A_970 = arith.index_cast %add3A_969 : i32 to index
        %get3A_971 = tpu.vector_load %arg8[%get3A_970] {strides = array<i32>} : memref<10112xi32, #tpu.memory_space<vmem>>, vector<16xi32>,
        %get3A_972 = arith.index_cast %add3A_969 : i32 to index
        %get3A_973 = tpu.vector_load %arg7[%get3A_972] {strides = array<i32>} : memref<10112xi32, #tpu.memory_space<vmem>>, vector<16xi32>,
        %gather3A_974 = tpu.vector_load_idx %arg9[%get3A_971] : memref<10112xi32, #tpu.memory_space<vmem>>[vector<16xi32>], vector<16xi32>,
        %gather3A_975 = tpu.vector_load_idx %arg10[%get3A_971] : memref<10240xf32, #tpu.memory_space<vmem>>[vector<16xi32>], vector<16xf32>,
        %gather3A_976 = tpu.vector_load_idx %arg10[%get3A_973] : memref<10240xf32, #tpu.memory_space<vmem>>[vector<16xi32>], vector<16xf32>,
        %mul3A_977 = arith.constant 10240 : i32
        %mul3A_978 = vector.broadcast %mul3A_977 : i32 to vector<16xi32>
        %mul3A_979 = arith.muli %gather3A_974, %mul3A_978 : vector<16xi32>
        %add3A_980 = arith.addi %mul3A_979, %get3A_973 : vector<16xi32>
        %swap3A_981 = arith.constant 32 : index
        %swap3A_982 = tpu.vector_load %arg21[%swap3A_981] {strides = array<i32>} : memref<128xi32, #tpu.memory_space<vmem>>, vector<16xi32>,
        tpu.vector_store %arg21[%swap3A_981], %add3A_980 {strides = array<i32>} : memref<128xi32, #tpu.memory_space<vmem>>, vector<16xi32>,
        %mul3A_983 = arith.mulf %gather3A_975, %gather3A_976 : vector<16xf32>
        %swap3A_984 = arith.constant 32 : index
        %swap3A_985 = tpu.vector_load %arg29[%swap3A_984] {strides = array<i32>} : memref<128xf32, #tpu.memory_space<vmem>>, vector<16xf32>,
        tpu.vector_store %arg29[%swap3A_984], %mul3A_983 {strides = array<i32>} : memref<128xf32, #tpu.memory_space<vmem>>, vector<16xf32>,
        %mul3A_986 = arith.constant 128 : i32
        %mul3A_987 = arith.muli %add3A_911, %mul3A_986 : i32
        %add3A_988 = arith.constant 48 : i32
        %add3A_989 = arith.addi %mul3A_987, %add3A_988 : i32
        %get3A_990 = arith.index_cast %add3A_989 : i32 to index
        %get3A_991 = tpu.vector_load %arg8[%get3A_990] {strides = array<i32>} : memref<10112xi32, #tpu.memory_space<vmem>>, vector<16xi32>,
        %get3A_992 = arith.index_cast %add3A_989 : i32 to index
        %get3A_993 = tpu.vector_load %arg7[%get3A_992] {strides = array<i32>} : memref<10112xi32, #tpu.memory_space<vmem>>, vector<16xi32>,
        %gather3A_994 = tpu.vector_load_idx %arg9[%get3A_991] : memref<10112xi32, #tpu.memory_space<vmem>>[vector<16xi32>], vector<16xi32>,
        %gather3A_995 = tpu.vector_load_idx %arg10[%get3A_991] : memref<10240xf32, #tpu.memory_space<vmem>>[vector<16xi32>], vector<16xf32>,
        %gather3A_996 = tpu.vector_load_idx %arg10[%get3A_993] : memref<10240xf32, #tpu.memory_space<vmem>>[vector<16xi32>], vector<16xf32>,
        %mul3A_997 = arith.constant 10240 : i32
        %mul3A_998 = vector.broadcast %mul3A_997 : i32 to vector<16xi32>
        %mul3A_999 = arith.muli %gather3A_994, %mul3A_998 : vector<16xi32>
        %add3A_1000 = arith.addi %mul3A_999, %get3A_993 : vector<16xi32>
        %swap3A_1001 = arith.constant 48 : index
        %swap3A_1002 = tpu.vector_load %arg21[%swap3A_1001] {strides = array<i32>} : memref<128xi32, #tpu.memory_space<vmem>>, vector<16xi32>,
        tpu.vector_store %arg21[%swap3A_1001], %add3A_1000 {strides = array<i32>} : memref<128xi32, #tpu.memory_space<vmem>>, vector<16xi32>,
        %mul3A_1003 = arith.mulf %gather3A_995, %gather3A_996 : vector<16xf32>
        %swap3A_1004 = arith.constant 48 : index
        %swap3A_1005 = tpu.vector_load %arg29[%swap3A_1004] {strides = array<i32>} : memref<128xf32, #tpu.memory_space<vmem>>, vector<16xf32>,
        tpu.vector_store %arg29[%swap3A_1004], %mul3A_1003 {strides = array<i32>} : memref<128xf32, #tpu.memory_space<vmem>>, vector<16xf32>,
        %mul3A_1006 = arith.constant 128 : i32
        %mul3A_1007 = arith.muli %add3A_911, %mul3A_1006 : i32
        %add3A_1008 = arith.constant 64 : i32
        %add3A_1009 = arith.addi %mul3A_1007, %add3A_1008 : i32
        %get3A_1010 = arith.index_cast %add3A_1009 : i32 to index
        %get3A_1011 = tpu.vector_load %arg8[%get3A_1010] {strides = array<i32>} : memref<10112xi32, #tpu.memory_space<vmem>>, vector<16xi32>,
        %get3A_1012 = arith.index_cast %add3A_1009 : i32 to index
        %get3A_1013 = tpu.vector_load %arg7[%get3A_1012] {strides = array<i32>} : memref<10112xi32, #tpu.memory_space<vmem>>, vector<16xi32>,
        %gather3A_1014 = tpu.vector_load_idx %arg9[%get3A_1011] : memref<10112xi32, #tpu.memory_space<vmem>>[vector<16xi32>], vector<16xi32>,
        %gather3A_1015 = tpu.vector_load_idx %arg10[%get3A_1011] : memref<10240xf32, #tpu.memory_space<vmem>>[vector<16xi32>], vector<16xf32>,
        %gather3A_1016 = tpu.vector_load_idx %arg10[%get3A_1013] : memref<10240xf32, #tpu.memory_space<vmem>>[vector<16xi32>], vector<16xf32>,
        %mul3A_1017 = arith.constant 10240 : i32
        %mul3A_1018 = vector.broadcast %mul3A_1017 : i32 to vector<16xi32>
        %mul3A_1019 = arith.muli %gather3A_1014, %mul3A_1018 : vector<16xi32>
        %add3A_1020 = arith.addi %mul3A_1019, %get3A_1013 : vector<16xi32>
        %swap3A_1021 = arith.constant 64 : index
        %swap3A_1022 = tpu.vector_load %arg21[%swap3A_1021] {strides = array<i32>} : memref<128xi32, #tpu.memory_space<vmem>>, vector<16xi32>,
        tpu.vector_store %arg21[%swap3A_1021], %add3A_1020 {strides = array<i32>} : memref<128xi32, #tpu.memory_space<vmem>>, vector<16xi32>,
        %mul3A_1023 = arith.mulf %gather3A_1015, %gather3A_1016 : vector<16xf32>
        %swap3A_1024 = arith.constant 64 : index
        %swap3A_1025 = tpu.vector_load %arg29[%swap3A_1024] {strides = array<i32>} : memref<128xf32, #tpu.memory_space<vmem>>, vector<16xf32>,
        tpu.vector_store %arg29[%swap3A_1024], %mul3A_1023 {strides = array<i32>} : memref<128xf32, #tpu.memory_space<vmem>>, vector<16xf32>,
        %mul3A_1026 = arith.constant 128 : i32
        %mul3A_1027 = arith.muli %add3A_911, %mul3A_1026 : i32
        %add3A_1028 = arith.constant 80 : i32
        %add3A_1029 = arith.addi %mul3A_1027, %add3A_1028 : i32
        %get3A_1030 = arith.index_cast %add3A_1029 : i32 to index
        %get3A_1031 = tpu.vector_load %arg8[%get3A_1030] {strides = array<i32>} : memref<10112xi32, #tpu.memory_space<vmem>>, vector<16xi32>,
        %get3A_1032 = arith.index_cast %add3A_1029 : i32 to index
        %get3A_1033 = tpu.vector_load %arg7[%get3A_1032] {strides = array<i32>} : memref<10112xi32, #tpu.memory_space<vmem>>, vector<16xi32>,
        %gather3A_1034 = tpu.vector_load_idx %arg9[%get3A_1031] : memref<10112xi32, #tpu.memory_space<vmem>>[vector<16xi32>], vector<16xi32>,
        %gather3A_1035 = tpu.vector_load_idx %arg10[%get3A_1031] : memref<10240xf32, #tpu.memory_space<vmem>>[vector<16xi32>], vector<16xf32>,
        %gather3A_1036 = tpu.vector_load_idx %arg10[%get3A_1033] : memref<10240xf32, #tpu.memory_space<vmem>>[vector<16xi32>], vector<16xf32>,
        %mul3A_1037 = arith.constant 10240 : i32
        %mul3A_1038 = vector.broadcast %mul3A_1037 : i32 to vector<16xi32>
        %mul3A_1039 = arith.muli %gather3A_1034, %mul3A_1038 : vector<16xi32>
        %add3A_1040 = arith.addi %mul3A_1039, %get3A_1033 : vector<16xi32>
        %swap3A_1041 = arith.constant 80 : index
        %swap3A_1042 = tpu.vector_load %arg21[%swap3A_1041] {strides = array<i32>} : memref<128xi32, #tpu.memory_space<vmem>>, vector<16xi32>,
        tpu.vector_store %arg21[%swap3A_1041], %add3A_1040 {strides = array<i32>} : memref<128xi32, #tpu.memory_space<vmem>>, vector<16xi32>,
        %mul3A_1043 = arith.mulf %gather3A_1035, %gather3A_1036 : vector<16xf32>
        %swap3A_1044 = arith.constant 80 : index
        %swap3A_1045 = tpu.vector_load %arg29[%swap3A_1044] {strides = array<i32>} : memref<128xf32, #tpu.memory_space<vmem>>, vector<16xf32>,
        tpu.vector_store %arg29[%swap3A_1044], %mul3A_1043 {strides = array<i32>} : memref<128xf32, #tpu.memory_space<vmem>>, vector<16xf32>,
        %mul3A_1046 = arith.constant 128 : i32
        %mul3A_1047 = arith.muli %add3A_911, %mul3A_1046 : i32
        %add3A_1048 = arith.constant 96 : i32
        %add3A_1049 = arith.addi %mul3A_1047, %add3A_1048 : i32
        %get3A_1050 = arith.index_cast %add3A_1049 : i32 to index
        %get3A_1051 = tpu.vector_load %arg8[%get3A_1050] {strides = array<i32>} : memref<10112xi32, #tpu.memory_space<vmem>>, vector<16xi32>,
        %get3A_1052 = arith.index_cast %add3A_1049 : i32 to index
        %get3A_1053 = tpu.vector_load %arg7[%get3A_1052] {strides = array<i32>} : memref<10112xi32, #tpu.memory_space<vmem>>, vector<16xi32>,
        %gather3A_1054 = tpu.vector_load_idx %arg9[%get3A_1051] : memref<10112xi32, #tpu.memory_space<vmem>>[vector<16xi32>], vector<16xi32>,
        %gather3A_1055 = tpu.vector_load_idx %arg10[%get3A_1051] : memref<10240xf32, #tpu.memory_space<vmem>>[vector<16xi32>], vector<16xf32>,
        %gather3A_1056 = tpu.vector_load_idx %arg10[%get3A_1053] : memref<10240xf32, #tpu.memory_space<vmem>>[vector<16xi32>], vector<16xf32>,
        %mul3A_1057 = arith.constant 10240 : i32
        %mul3A_1058 = vector.broadcast %mul3A_1057 : i32 to vector<16xi32>
        %mul3A_1059 = arith.muli %gather3A_1054, %mul3A_1058 : vector<16xi32>
        %add3A_1060 = arith.addi %mul3A_1059, %get3A_1053 : vector<16xi32>
        %swap3A_1061 = arith.constant 96 : index
        %swap3A_1062 = tpu.vector_load %arg21[%swap3A_1061] {strides = array<i32>} : memref<128xi32, #tpu.memory_space<vmem>>, vector<16xi32>,
        tpu.vector_store %arg21[%swap3A_1061], %add3A_1060 {strides = array<i32>} : memref<128xi32, #tpu.memory_space<vmem>>, vector<16xi32>,
        %mul3A_1063 = arith.mulf %gather3A_1055, %gather3A_1056 : vector<16xf32>
        %swap3A_1064 = arith.constant 96 : index
        %swap3A_1065 = tpu.vector_load %arg29[%swap3A_1064] {strides = array<i32>} : memref<128xf32, #tpu.memory_space<vmem>>, vector<16xf32>,
        tpu.vector_store %arg29[%swap3A_1064], %mul3A_1063 {strides = array<i32>} : memref<128xf32, #tpu.memory_space<vmem>>, vector<16xf32>,
        %mul3A_1066 = arith.constant 128 : i32
        %mul3A_1067 = arith.muli %add3A_911, %mul3A_1066 : i32
        %add3A_1068 = arith.constant 112 : i32
        %add3A_1069 = arith.addi %mul3A_1067, %add3A_1068 : i32
        %get3A_1070 = arith.index_cast %add3A_1069 : i32 to index
        %get3A_1071 = tpu.vector_load %arg8[%get3A_1070] {strides = array<i32>} : memref<10112xi32, #tpu.memory_space<vmem>>, vector<16xi32>,
        %get3A_1072 = arith.index_cast %add3A_1069 : i32 to index
        %get3A_1073 = tpu.vector_load %arg7[%get3A_1072] {strides = array<i32>} : memref<10112xi32, #tpu.memory_space<vmem>>, vector<16xi32>,
        %gather3A_1074 = tpu.vector_load_idx %arg9[%get3A_1071] : memref<10112xi32, #tpu.memory_space<vmem>>[vector<16xi32>], vector<16xi32>,
        %gather3A_1075 = tpu.vector_load_idx %arg10[%get3A_1071] : memref<10240xf32, #tpu.memory_space<vmem>>[vector<16xi32>], vector<16xf32>,
        %gather3A_1076 = tpu.vector_load_idx %arg10[%get3A_1073] : memref<10240xf32, #tpu.memory_space<vmem>>[vector<16xi32>], vector<16xf32>,
        %mul3A_1077 = arith.constant 10240 : i32
        %mul3A_1078 = vector.broadcast %mul3A_1077 : i32 to vector<16xi32>
        %mul3A_1079 = arith.muli %gather3A_1074, %mul3A_1078 : vector<16xi32>
        %add3A_1080 = arith.addi %mul3A_1079, %get3A_1073 : vector<16xi32>
        %swap3A_1081 = arith.constant 112 : index
        %swap3A_1082 = tpu.vector_load %arg21[%swap3A_1081] {strides = array<i32>} : memref<128xi32, #tpu.memory_space<vmem>>, vector<16xi32>,
        tpu.vector_store %arg21[%swap3A_1081], %add3A_1080 {strides = array<i32>} : memref<128xi32, #tpu.memory_space<vmem>>, vector<16xi32>,
        %mul3A_1083 = arith.mulf %gather3A_1075, %gather3A_1076 : vector<16xf32>
        %swap3A_1084 = arith.constant 112 : index
        %swap3A_1085 = tpu.vector_load %arg29[%swap3A_1084] {strides = array<i32>} : memref<128xf32, #tpu.memory_space<vmem>>, vector<16xf32>,
        tpu.vector_store %arg29[%swap3A_1084], %mul3A_1083 {strides = array<i32>} : memref<128xf32, #tpu.memory_space<vmem>>, vector<16xf32>,
        %dma_start3A_1086 = arith.constant 0 : i32
        %dma_start3A_1087 = tpu.memref_slice %arg44[%dma_start3A_1086] : memref<655360xf32, #tpu.memory_space<vmem_shared>> -> memref<655360xf32, #tpu.memory_space<vmem_shared>>
        tpu.enqueue_indirect_dma source(%arg29 : memref<128xf32, #tpu.memory_space<vmem>>) target(%dma_start3A_1087 : memref<655360xf32, #tpu.memory_space<vmem_shared>>) offsets(%arg21 : memref<128xi32, #tpu.memory_space<vmem>>) semaphore(%arg39 : memref<!tpu.dma_semaphore, #tpu.memory_space<semaphore_mem>>) {add = true}
      } else {
      }
      %mul3A_916 = arith.constant 8 : i32
      %mul3A_917 = arith.muli %scan3A_859, %mul3A_916 : i32
      %add3A_918 = arith.constant 7 : i32
      %add3A_919 = arith.addi %mul3A_917, %add3A_918 : i32
      %lt3A_920 = arith.cmpi slt, %add3A_919, %sub3A_723 : i32
      %convert_element_type3A_921 = arith.extui %lt3A_920 : i1 to i32
      %cond3A_922 = arith.constant 0 : i32
      %cond3A_923 = arith.cmpi ne, %convert_element_type3A_921, %cond3A_922 : i32
      scf.if %cond3A_923 {
        %ge3A = arith.constant 8 : i32
        %ge3A_924 = arith.cmpi sge, %add3A_919, %ge3A : i32
        %convert_element_type3A_925 = arith.extui %ge3A_924 : i1 to i32
        %cond3A_926 = arith.constant 0 : i32
        %cond3A_927 = arith.cmpi ne, %convert_element_type3A_925, %cond3A_926 : i32
        scf.if %cond3A_927 {
          %dma_wait3A_1088 = arith.constant 0 : i32
          %dma_wait3A_1089 = tpu.memref_slice %arg44[%dma_wait3A_1088] : memref<655360xf32, #tpu.memory_space<vmem_shared>> -> memref<655360xf32, #tpu.memory_space<vmem_shared>>
          tpu.wait_indirect_dma semaphore(%arg40 : memref<!tpu.dma_semaphore, #tpu.memory_space<semaphore_mem>>) src(%arg30 : memref<128xf32, #tpu.memory_space<vmem>>) dst(%dma_wait3A_1089 : memref<655360xf32, #tpu.memory_space<vmem_shared>>)
        } else {
        }
        %mul3A_928 = arith.constant 128 : i32
        %mul3A_929 = arith.muli %add3A_919, %mul3A_928 : i32
        %add3A_930 = arith.constant 0 : i32
        %add3A_931 = arith.addi %mul3A_929, %add3A_930 : i32
        %get3A = arith.index_cast %add3A_931 : i32 to index
        %get3A_932 = tpu.vector_load %arg8[%get3A] {strides = array<i32>} : memref<10112xi32, #tpu.memory_space<vmem>>, vector<16xi32>,
        %get3A_933 = arith.index_cast %add3A_931 : i32 to index
        %get3A_934 = tpu.vector_load %arg7[%get3A_933] {strides = array<i32>} : memref<10112xi32, #tpu.memory_space<vmem>>, vector<16xi32>,
        %gather3A = tpu.vector_load_idx %arg9[%get3A_932] : memref<10112xi32, #tpu.memory_space<vmem>>[vector<16xi32>], vector<16xi32>,
        %gather3A_935 = tpu.vector_load_idx %arg10[%get3A_932] : memref<10240xf32, #tpu.memory_space<vmem>>[vector<16xi32>], vector<16xf32>,
        %gather3A_936 = tpu.vector_load_idx %arg10[%get3A_934] : memref<10240xf32, #tpu.memory_space<vmem>>[vector<16xi32>], vector<16xf32>,
        %mul3A_937 = arith.constant 10240 : i32
        %mul3A_938 = vector.broadcast %mul3A_937 : i32 to vector<16xi32>
        %mul3A_939 = arith.muli %gather3A, %mul3A_938 : vector<16xi32>
        %add3A_940 = arith.addi %mul3A_939, %get3A_934 : vector<16xi32>
        %swap3A_941 = arith.constant 0 : index
        %swap3A_942 = tpu.vector_load %arg22[%swap3A_941] {strides = array<i32>} : memref<128xi32, #tpu.memory_space<vmem>>, vector<16xi32>,
        tpu.vector_store %arg22[%swap3A_941], %add3A_940 {strides = array<i32>} : memref<128xi32, #tpu.memory_space<vmem>>, vector<16xi32>,
        %mul3A_943 = arith.mulf %gather3A_935, %gather3A_936 : vector<16xf32>
        %swap3A_944 = arith.constant 0 : index
        %swap3A_945 = tpu.vector_load %arg30[%swap3A_944] {strides = array<i32>} : memref<128xf32, #tpu.memory_space<vmem>>, vector<16xf32>,
        tpu.vector_store %arg30[%swap3A_944], %mul3A_943 {strides = array<i32>} : memref<128xf32, #tpu.memory_space<vmem>>, vector<16xf32>,
        %mul3A_946 = arith.constant 128 : i32
        %mul3A_947 = arith.muli %add3A_919, %mul3A_946 : i32
        %add3A_948 = arith.constant 16 : i32
        %add3A_949 = arith.addi %mul3A_947, %add3A_948 : i32
        %get3A_950 = arith.index_cast %add3A_949 : i32 to index
        %get3A_951 = tpu.vector_load %arg8[%get3A_950] {strides = array<i32>} : memref<10112xi32, #tpu.memory_space<vmem>>, vector<16xi32>,
        %get3A_952 = arith.index_cast %add3A_949 : i32 to index
        %get3A_953 = tpu.vector_load %arg7[%get3A_952] {strides = array<i32>} : memref<10112xi32, #tpu.memory_space<vmem>>, vector<16xi32>,
        %gather3A_954 = tpu.vector_load_idx %arg9[%get3A_951] : memref<10112xi32, #tpu.memory_space<vmem>>[vector<16xi32>], vector<16xi32>,
        %gather3A_955 = tpu.vector_load_idx %arg10[%get3A_951] : memref<10240xf32, #tpu.memory_space<vmem>>[vector<16xi32>], vector<16xf32>,
        %gather3A_956 = tpu.vector_load_idx %arg10[%get3A_953] : memref<10240xf32, #tpu.memory_space<vmem>>[vector<16xi32>], vector<16xf32>,
        %mul3A_957 = arith.constant 10240 : i32
        %mul3A_958 = vector.broadcast %mul3A_957 : i32 to vector<16xi32>
        %mul3A_959 = arith.muli %gather3A_954, %mul3A_958 : vector<16xi32>
        %add3A_960 = arith.addi %mul3A_959, %get3A_953 : vector<16xi32>
        %swap3A_961 = arith.constant 16 : index
        %swap3A_962 = tpu.vector_load %arg22[%swap3A_961] {strides = array<i32>} : memref<128xi32, #tpu.memory_space<vmem>>, vector<16xi32>,
        tpu.vector_store %arg22[%swap3A_961], %add3A_960 {strides = array<i32>} : memref<128xi32, #tpu.memory_space<vmem>>, vector<16xi32>,
        %mul3A_963 = arith.mulf %gather3A_955, %gather3A_956 : vector<16xf32>
        %swap3A_964 = arith.constant 16 : index
        %swap3A_965 = tpu.vector_load %arg30[%swap3A_964] {strides = array<i32>} : memref<128xf32, #tpu.memory_space<vmem>>, vector<16xf32>,
        tpu.vector_store %arg30[%swap3A_964], %mul3A_963 {strides = array<i32>} : memref<128xf32, #tpu.memory_space<vmem>>, vector<16xf32>,
        %mul3A_966 = arith.constant 128 : i32
        %mul3A_967 = arith.muli %add3A_919, %mul3A_966 : i32
        %add3A_968 = arith.constant 32 : i32
        %add3A_969 = arith.addi %mul3A_967, %add3A_968 : i32
        %get3A_970 = arith.index_cast %add3A_969 : i32 to index
        %get3A_971 = tpu.vector_load %arg8[%get3A_970] {strides = array<i32>} : memref<10112xi32, #tpu.memory_space<vmem>>, vector<16xi32>,
        %get3A_972 = arith.index_cast %add3A_969 : i32 to index
        %get3A_973 = tpu.vector_load %arg7[%get3A_972] {strides = array<i32>} : memref<10112xi32, #tpu.memory_space<vmem>>, vector<16xi32>,
        %gather3A_974 = tpu.vector_load_idx %arg9[%get3A_971] : memref<10112xi32, #tpu.memory_space<vmem>>[vector<16xi32>], vector<16xi32>,
        %gather3A_975 = tpu.vector_load_idx %arg10[%get3A_971] : memref<10240xf32, #tpu.memory_space<vmem>>[vector<16xi32>], vector<16xf32>,
        %gather3A_976 = tpu.vector_load_idx %arg10[%get3A_973] : memref<10240xf32, #tpu.memory_space<vmem>>[vector<16xi32>], vector<16xf32>,
        %mul3A_977 = arith.constant 10240 : i32
        %mul3A_978 = vector.broadcast %mul3A_977 : i32 to vector<16xi32>
        %mul3A_979 = arith.muli %gather3A_974, %mul3A_978 : vector<16xi32>
        %add3A_980 = arith.addi %mul3A_979, %get3A_973 : vector<16xi32>
        %swap3A_981 = arith.constant 32 : index
        %swap3A_982 = tpu.vector_load %arg22[%swap3A_981] {strides = array<i32>} : memref<128xi32, #tpu.memory_space<vmem>>, vector<16xi32>,
        tpu.vector_store %arg22[%swap3A_981], %add3A_980 {strides = array<i32>} : memref<128xi32, #tpu.memory_space<vmem>>, vector<16xi32>,
        %mul3A_983 = arith.mulf %gather3A_975, %gather3A_976 : vector<16xf32>
        %swap3A_984 = arith.constant 32 : index
        %swap3A_985 = tpu.vector_load %arg30[%swap3A_984] {strides = array<i32>} : memref<128xf32, #tpu.memory_space<vmem>>, vector<16xf32>,
        tpu.vector_store %arg30[%swap3A_984], %mul3A_983 {strides = array<i32>} : memref<128xf32, #tpu.memory_space<vmem>>, vector<16xf32>,
        %mul3A_986 = arith.constant 128 : i32
        %mul3A_987 = arith.muli %add3A_919, %mul3A_986 : i32
        %add3A_988 = arith.constant 48 : i32
        %add3A_989 = arith.addi %mul3A_987, %add3A_988 : i32
        %get3A_990 = arith.index_cast %add3A_989 : i32 to index
        %get3A_991 = tpu.vector_load %arg8[%get3A_990] {strides = array<i32>} : memref<10112xi32, #tpu.memory_space<vmem>>, vector<16xi32>,
        %get3A_992 = arith.index_cast %add3A_989 : i32 to index
        %get3A_993 = tpu.vector_load %arg7[%get3A_992] {strides = array<i32>} : memref<10112xi32, #tpu.memory_space<vmem>>, vector<16xi32>,
        %gather3A_994 = tpu.vector_load_idx %arg9[%get3A_991] : memref<10112xi32, #tpu.memory_space<vmem>>[vector<16xi32>], vector<16xi32>,
        %gather3A_995 = tpu.vector_load_idx %arg10[%get3A_991] : memref<10240xf32, #tpu.memory_space<vmem>>[vector<16xi32>], vector<16xf32>,
        %gather3A_996 = tpu.vector_load_idx %arg10[%get3A_993] : memref<10240xf32, #tpu.memory_space<vmem>>[vector<16xi32>], vector<16xf32>,
        %mul3A_997 = arith.constant 10240 : i32
        %mul3A_998 = vector.broadcast %mul3A_997 : i32 to vector<16xi32>
        %mul3A_999 = arith.muli %gather3A_994, %mul3A_998 : vector<16xi32>
        %add3A_1000 = arith.addi %mul3A_999, %get3A_993 : vector<16xi32>
        %swap3A_1001 = arith.constant 48 : index
        %swap3A_1002 = tpu.vector_load %arg22[%swap3A_1001] {strides = array<i32>} : memref<128xi32, #tpu.memory_space<vmem>>, vector<16xi32>,
        tpu.vector_store %arg22[%swap3A_1001], %add3A_1000 {strides = array<i32>} : memref<128xi32, #tpu.memory_space<vmem>>, vector<16xi32>,
        %mul3A_1003 = arith.mulf %gather3A_995, %gather3A_996 : vector<16xf32>
        %swap3A_1004 = arith.constant 48 : index
        %swap3A_1005 = tpu.vector_load %arg30[%swap3A_1004] {strides = array<i32>} : memref<128xf32, #tpu.memory_space<vmem>>, vector<16xf32>,
        tpu.vector_store %arg30[%swap3A_1004], %mul3A_1003 {strides = array<i32>} : memref<128xf32, #tpu.memory_space<vmem>>, vector<16xf32>,
        %mul3A_1006 = arith.constant 128 : i32
        %mul3A_1007 = arith.muli %add3A_919, %mul3A_1006 : i32
        %add3A_1008 = arith.constant 64 : i32
        %add3A_1009 = arith.addi %mul3A_1007, %add3A_1008 : i32
        %get3A_1010 = arith.index_cast %add3A_1009 : i32 to index
        %get3A_1011 = tpu.vector_load %arg8[%get3A_1010] {strides = array<i32>} : memref<10112xi32, #tpu.memory_space<vmem>>, vector<16xi32>,
        %get3A_1012 = arith.index_cast %add3A_1009 : i32 to index
        %get3A_1013 = tpu.vector_load %arg7[%get3A_1012] {strides = array<i32>} : memref<10112xi32, #tpu.memory_space<vmem>>, vector<16xi32>,
        %gather3A_1014 = tpu.vector_load_idx %arg9[%get3A_1011] : memref<10112xi32, #tpu.memory_space<vmem>>[vector<16xi32>], vector<16xi32>,
        %gather3A_1015 = tpu.vector_load_idx %arg10[%get3A_1011] : memref<10240xf32, #tpu.memory_space<vmem>>[vector<16xi32>], vector<16xf32>,
        %gather3A_1016 = tpu.vector_load_idx %arg10[%get3A_1013] : memref<10240xf32, #tpu.memory_space<vmem>>[vector<16xi32>], vector<16xf32>,
        %mul3A_1017 = arith.constant 10240 : i32
        %mul3A_1018 = vector.broadcast %mul3A_1017 : i32 to vector<16xi32>
        %mul3A_1019 = arith.muli %gather3A_1014, %mul3A_1018 : vector<16xi32>
        %add3A_1020 = arith.addi %mul3A_1019, %get3A_1013 : vector<16xi32>
        %swap3A_1021 = arith.constant 64 : index
        %swap3A_1022 = tpu.vector_load %arg22[%swap3A_1021] {strides = array<i32>} : memref<128xi32, #tpu.memory_space<vmem>>, vector<16xi32>,
        tpu.vector_store %arg22[%swap3A_1021], %add3A_1020 {strides = array<i32>} : memref<128xi32, #tpu.memory_space<vmem>>, vector<16xi32>,
        %mul3A_1023 = arith.mulf %gather3A_1015, %gather3A_1016 : vector<16xf32>
        %swap3A_1024 = arith.constant 64 : index
        %swap3A_1025 = tpu.vector_load %arg30[%swap3A_1024] {strides = array<i32>} : memref<128xf32, #tpu.memory_space<vmem>>, vector<16xf32>,
        tpu.vector_store %arg30[%swap3A_1024], %mul3A_1023 {strides = array<i32>} : memref<128xf32, #tpu.memory_space<vmem>>, vector<16xf32>,
        %mul3A_1026 = arith.constant 128 : i32
        %mul3A_1027 = arith.muli %add3A_919, %mul3A_1026 : i32
        %add3A_1028 = arith.constant 80 : i32
        %add3A_1029 = arith.addi %mul3A_1027, %add3A_1028 : i32
        %get3A_1030 = arith.index_cast %add3A_1029 : i32 to index
        %get3A_1031 = tpu.vector_load %arg8[%get3A_1030] {strides = array<i32>} : memref<10112xi32, #tpu.memory_space<vmem>>, vector<16xi32>,
        %get3A_1032 = arith.index_cast %add3A_1029 : i32 to index
        %get3A_1033 = tpu.vector_load %arg7[%get3A_1032] {strides = array<i32>} : memref<10112xi32, #tpu.memory_space<vmem>>, vector<16xi32>,
        %gather3A_1034 = tpu.vector_load_idx %arg9[%get3A_1031] : memref<10112xi32, #tpu.memory_space<vmem>>[vector<16xi32>], vector<16xi32>,
        %gather3A_1035 = tpu.vector_load_idx %arg10[%get3A_1031] : memref<10240xf32, #tpu.memory_space<vmem>>[vector<16xi32>], vector<16xf32>,
        %gather3A_1036 = tpu.vector_load_idx %arg10[%get3A_1033] : memref<10240xf32, #tpu.memory_space<vmem>>[vector<16xi32>], vector<16xf32>,
        %mul3A_1037 = arith.constant 10240 : i32
        %mul3A_1038 = vector.broadcast %mul3A_1037 : i32 to vector<16xi32>
        %mul3A_1039 = arith.muli %gather3A_1034, %mul3A_1038 : vector<16xi32>
        %add3A_1040 = arith.addi %mul3A_1039, %get3A_1033 : vector<16xi32>
        %swap3A_1041 = arith.constant 80 : index
        %swap3A_1042 = tpu.vector_load %arg22[%swap3A_1041] {strides = array<i32>} : memref<128xi32, #tpu.memory_space<vmem>>, vector<16xi32>,
        tpu.vector_store %arg22[%swap3A_1041], %add3A_1040 {strides = array<i32>} : memref<128xi32, #tpu.memory_space<vmem>>, vector<16xi32>,
        %mul3A_1043 = arith.mulf %gather3A_1035, %gather3A_1036 : vector<16xf32>
        %swap3A_1044 = arith.constant 80 : index
        %swap3A_1045 = tpu.vector_load %arg30[%swap3A_1044] {strides = array<i32>} : memref<128xf32, #tpu.memory_space<vmem>>, vector<16xf32>,
        tpu.vector_store %arg30[%swap3A_1044], %mul3A_1043 {strides = array<i32>} : memref<128xf32, #tpu.memory_space<vmem>>, vector<16xf32>,
        %mul3A_1046 = arith.constant 128 : i32
        %mul3A_1047 = arith.muli %add3A_919, %mul3A_1046 : i32
        %add3A_1048 = arith.constant 96 : i32
        %add3A_1049 = arith.addi %mul3A_1047, %add3A_1048 : i32
        %get3A_1050 = arith.index_cast %add3A_1049 : i32 to index
        %get3A_1051 = tpu.vector_load %arg8[%get3A_1050] {strides = array<i32>} : memref<10112xi32, #tpu.memory_space<vmem>>, vector<16xi32>,
        %get3A_1052 = arith.index_cast %add3A_1049 : i32 to index
        %get3A_1053 = tpu.vector_load %arg7[%get3A_1052] {strides = array<i32>} : memref<10112xi32, #tpu.memory_space<vmem>>, vector<16xi32>,
        %gather3A_1054 = tpu.vector_load_idx %arg9[%get3A_1051] : memref<10112xi32, #tpu.memory_space<vmem>>[vector<16xi32>], vector<16xi32>,
        %gather3A_1055 = tpu.vector_load_idx %arg10[%get3A_1051] : memref<10240xf32, #tpu.memory_space<vmem>>[vector<16xi32>], vector<16xf32>,
        %gather3A_1056 = tpu.vector_load_idx %arg10[%get3A_1053] : memref<10240xf32, #tpu.memory_space<vmem>>[vector<16xi32>], vector<16xf32>,
        %mul3A_1057 = arith.constant 10240 : i32
        %mul3A_1058 = vector.broadcast %mul3A_1057 : i32 to vector<16xi32>
        %mul3A_1059 = arith.muli %gather3A_1054, %mul3A_1058 : vector<16xi32>
        %add3A_1060 = arith.addi %mul3A_1059, %get3A_1053 : vector<16xi32>
        %swap3A_1061 = arith.constant 96 : index
        %swap3A_1062 = tpu.vector_load %arg22[%swap3A_1061] {strides = array<i32>} : memref<128xi32, #tpu.memory_space<vmem>>, vector<16xi32>,
        tpu.vector_store %arg22[%swap3A_1061], %add3A_1060 {strides = array<i32>} : memref<128xi32, #tpu.memory_space<vmem>>, vector<16xi32>,
        %mul3A_1063 = arith.mulf %gather3A_1055, %gather3A_1056 : vector<16xf32>
        %swap3A_1064 = arith.constant 96 : index
        %swap3A_1065 = tpu.vector_load %arg30[%swap3A_1064] {strides = array<i32>} : memref<128xf32, #tpu.memory_space<vmem>>, vector<16xf32>,
        tpu.vector_store %arg30[%swap3A_1064], %mul3A_1063 {strides = array<i32>} : memref<128xf32, #tpu.memory_space<vmem>>, vector<16xf32>,
        %mul3A_1066 = arith.constant 128 : i32
        %mul3A_1067 = arith.muli %add3A_919, %mul3A_1066 : i32
        %add3A_1068 = arith.constant 112 : i32
        %add3A_1069 = arith.addi %mul3A_1067, %add3A_1068 : i32
        %get3A_1070 = arith.index_cast %add3A_1069 : i32 to index
        %get3A_1071 = tpu.vector_load %arg8[%get3A_1070] {strides = array<i32>} : memref<10112xi32, #tpu.memory_space<vmem>>, vector<16xi32>,
        %get3A_1072 = arith.index_cast %add3A_1069 : i32 to index
        %get3A_1073 = tpu.vector_load %arg7[%get3A_1072] {strides = array<i32>} : memref<10112xi32, #tpu.memory_space<vmem>>, vector<16xi32>,
        %gather3A_1074 = tpu.vector_load_idx %arg9[%get3A_1071] : memref<10112xi32, #tpu.memory_space<vmem>>[vector<16xi32>], vector<16xi32>,
        %gather3A_1075 = tpu.vector_load_idx %arg10[%get3A_1071] : memref<10240xf32, #tpu.memory_space<vmem>>[vector<16xi32>], vector<16xf32>,
        %gather3A_1076 = tpu.vector_load_idx %arg10[%get3A_1073] : memref<10240xf32, #tpu.memory_space<vmem>>[vector<16xi32>], vector<16xf32>,
        %mul3A_1077 = arith.constant 10240 : i32
        %mul3A_1078 = vector.broadcast %mul3A_1077 : i32 to vector<16xi32>
        %mul3A_1079 = arith.muli %gather3A_1074, %mul3A_1078 : vector<16xi32>
        %add3A_1080 = arith.addi %mul3A_1079, %get3A_1073 : vector<16xi32>
        %swap3A_1081 = arith.constant 112 : index
        %swap3A_1082 = tpu.vector_load %arg22[%swap3A_1081] {strides = array<i32>} : memref<128xi32, #tpu.memory_space<vmem>>, vector<16xi32>,
        tpu.vector_store %arg22[%swap3A_1081], %add3A_1080 {strides = array<i32>} : memref<128xi32, #tpu.memory_space<vmem>>, vector<16xi32>,
        %mul3A_1083 = arith.mulf %gather3A_1075, %gather3A_1076 : vector<16xf32>
        %swap3A_1084 = arith.constant 112 : index
        %swap3A_1085 = tpu.vector_load %arg30[%swap3A_1084] {strides = array<i32>} : memref<128xf32, #tpu.memory_space<vmem>>, vector<16xf32>,
        tpu.vector_store %arg30[%swap3A_1084], %mul3A_1083 {strides = array<i32>} : memref<128xf32, #tpu.memory_space<vmem>>, vector<16xf32>,
        %dma_start3A_1086 = arith.constant 0 : i32
        %dma_start3A_1087 = tpu.memref_slice %arg44[%dma_start3A_1086] : memref<655360xf32, #tpu.memory_space<vmem_shared>> -> memref<655360xf32, #tpu.memory_space<vmem_shared>>
        tpu.enqueue_indirect_dma source(%arg30 : memref<128xf32, #tpu.memory_space<vmem>>) target(%dma_start3A_1087 : memref<655360xf32, #tpu.memory_space<vmem_shared>>) offsets(%arg22 : memref<128xi32, #tpu.memory_space<vmem>>) semaphore(%arg40 : memref<!tpu.dma_semaphore, #tpu.memory_space<semaphore_mem>>) {add = true}
      } else {
      }
    }
    %scan3A_729 = arith.constant 10 : i32
    %dma_wait3A_730 = arith.constant 0 : i32
    %dma_wait3A_731 = tpu.memref_slice %arg44[%dma_wait3A_730] : memref<655360xf32, #tpu.memory_space<vmem_shared>> -> memref<655360xf32, #tpu.memory_space<vmem_shared>>
    tpu.wait_indirect_dma semaphore(%arg31 : memref<!tpu.dma_semaphore, #tpu.memory_space<semaphore_mem>>) src(%arg23 : memref<128xf32, #tpu.memory_space<vmem>>) dst(%dma_wait3A_731 : memref<655360xf32, #tpu.memory_space<vmem_shared>>)
    %dma_wait3A_732 = arith.constant 0 : i32
    %dma_wait3A_733 = tpu.memref_slice %arg44[%dma_wait3A_732] : memref<655360xf32, #tpu.memory_space<vmem_shared>> -> memref<655360xf32, #tpu.memory_space<vmem_shared>>
    tpu.wait_indirect_dma semaphore(%arg32 : memref<!tpu.dma_semaphore, #tpu.memory_space<semaphore_mem>>) src(%arg24 : memref<128xf32, #tpu.memory_space<vmem>>) dst(%dma_wait3A_733 : memref<655360xf32, #tpu.memory_space<vmem_shared>>)
    %dma_wait3A_734 = arith.constant 0 : i32
    %dma_wait3A_735 = tpu.memref_slice %arg44[%dma_wait3A_734] : memref<655360xf32, #tpu.memory_space<vmem_shared>> -> memref<655360xf32, #tpu.memory_space<vmem_shared>>
    tpu.wait_indirect_dma semaphore(%arg33 : memref<!tpu.dma_semaphore, #tpu.memory_space<semaphore_mem>>) src(%arg25 : memref<128xf32, #tpu.memory_space<vmem>>) dst(%dma_wait3A_735 : memref<655360xf32, #tpu.memory_space<vmem_shared>>)
    %dma_wait3A_736 = arith.constant 0 : i32
    %dma_wait3A_737 = tpu.memref_slice %arg44[%dma_wait3A_736] : memref<655360xf32, #tpu.memory_space<vmem_shared>> -> memref<655360xf32, #tpu.memory_space<vmem_shared>>
    tpu.wait_indirect_dma semaphore(%arg34 : memref<!tpu.dma_semaphore, #tpu.memory_space<semaphore_mem>>) src(%arg26 : memref<128xf32, #tpu.memory_space<vmem>>) dst(%dma_wait3A_737 : memref<655360xf32, #tpu.memory_space<vmem_shared>>)
    %dma_wait3A_738 = arith.constant 0 : i32
    %dma_wait3A_739 = tpu.memref_slice %arg44[%dma_wait3A_738] : memref<655360xf32, #tpu.memory_space<vmem_shared>> -> memref<655360xf32, #tpu.memory_space<vmem_shared>>
    tpu.wait_indirect_dma semaphore(%arg37 : memref<!tpu.dma_semaphore, #tpu.memory_space<semaphore_mem>>) src(%arg27 : memref<128xf32, #tpu.memory_space<vmem>>) dst(%dma_wait3A_739 : memref<655360xf32, #tpu.memory_space<vmem_shared>>)
    %dma_wait3A_740 = arith.constant 0 : i32
    %dma_wait3A_741 = tpu.memref_slice %arg44[%dma_wait3A_740] : memref<655360xf32, #tpu.memory_space<vmem_shared>> -> memref<655360xf32, #tpu.memory_space<vmem_shared>>
    tpu.wait_indirect_dma semaphore(%arg38 : memref<!tpu.dma_semaphore, #tpu.memory_space<semaphore_mem>>) src(%arg28 : memref<128xf32, #tpu.memory_space<vmem>>) dst(%dma_wait3A_741 : memref<655360xf32, #tpu.memory_space<vmem_shared>>)
    %dma_wait3A_742 = arith.constant 0 : i32
    %dma_wait3A_743 = tpu.memref_slice %arg44[%dma_wait3A_742] : memref<655360xf32, #tpu.memory_space<vmem_shared>> -> memref<655360xf32, #tpu.memory_space<vmem_shared>>
    tpu.wait_indirect_dma semaphore(%arg39 : memref<!tpu.dma_semaphore, #tpu.memory_space<semaphore_mem>>) src(%arg29 : memref<128xf32, #tpu.memory_space<vmem>>) dst(%dma_wait3A_743 : memref<655360xf32, #tpu.memory_space<vmem_shared>>)
    %dma_wait3A_744 = arith.constant 0 : i32
    %dma_wait3A_745 = tpu.memref_slice %arg44[%dma_wait3A_744] : memref<655360xf32, #tpu.memory_space<vmem_shared>> -> memref<655360xf32, #tpu.memory_space<vmem_shared>>
    tpu.wait_indirect_dma semaphore(%arg40 : memref<!tpu.dma_semaphore, #tpu.memory_space<semaphore_mem>>) src(%arg30 : memref<128xf32, #tpu.memory_space<vmem>>) dst(%dma_wait3A_745 : memref<655360xf32, #tpu.memory_space<vmem_shared>>)
    %barrier3A_746 = arith.constant 0 : index
    tpu.barrier barrier_id(%barrier3A_746)
    %mul3A_747 = arith.constant 40960 : i32
    %mul3A_748 = arith.muli %arg1, %mul3A_747 : i32
    %add3A_749 = arith.constant 0 : i32
    %add3A_750 = arith.addi %mul3A_748, %add3A_749 : i32
    %mul3A_751 = arith.constant 655360 : i32
    %mul3A_752 = arith.muli %arg0, %mul3A_751 : i32
    %mul3A_753 = arith.constant 40960 : i32
    %mul3A_754 = arith.muli %arg1, %mul3A_753 : i32
    %add3A_755 = arith.addi %mul3A_752, %mul3A_754 : i32
    %add3A_756 = arith.constant 0 : i32
    %add3A_757 = arith.addi %add3A_755, %add3A_756 : i32
    %dma_start3A_758 = tpu.memref_slice %arg4[%add3A_757] : memref<1310720xf32, #tpu.memory_space<hbm>> -> memref<10240xf32, #tpu.memory_space<hbm>>
    %dma_start3A_759 = tpu.memref_slice %arg44[%add3A_750] : memref<655360xf32, #tpu.memory_space<vmem_shared>> -> memref<10240xf32, #tpu.memory_space<vmem_shared>>
    tpu.enqueue_dma source(%dma_start3A_759 : memref<10240xf32, #tpu.memory_space<vmem_shared>>) target(%dma_start3A_758 : memref<10240xf32, #tpu.memory_space<hbm>>) target_semaphore(%arg31 : memref<!tpu.dma_semaphore, #tpu.memory_space<semaphore_mem>>)
    %mul3A_760 = arith.constant 40960 : i32
    %mul3A_761 = arith.muli %arg1, %mul3A_760 : i32
    %add3A_762 = arith.constant 10240 : i32
    %add3A_763 = arith.addi %mul3A_761, %add3A_762 : i32
    %mul3A_764 = arith.constant 655360 : i32
    %mul3A_765 = arith.muli %arg0, %mul3A_764 : i32
    %mul3A_766 = arith.constant 40960 : i32
    %mul3A_767 = arith.muli %arg1, %mul3A_766 : i32
    %add3A_768 = arith.addi %mul3A_765, %mul3A_767 : i32
    %add3A_769 = arith.constant 10240 : i32
    %add3A_770 = arith.addi %add3A_768, %add3A_769 : i32
    %dma_start3A_771 = tpu.memref_slice %arg4[%add3A_770] : memref<1310720xf32, #tpu.memory_space<hbm>> -> memref<10240xf32, #tpu.memory_space<hbm>>
    %dma_start3A_772 = tpu.memref_slice %arg44[%add3A_763] : memref<655360xf32, #tpu.memory_space<vmem_shared>> -> memref<10240xf32, #tpu.memory_space<vmem_shared>>
    tpu.enqueue_dma source(%dma_start3A_772 : memref<10240xf32, #tpu.memory_space<vmem_shared>>) target(%dma_start3A_771 : memref<10240xf32, #tpu.memory_space<hbm>>) target_semaphore(%arg32 : memref<!tpu.dma_semaphore, #tpu.memory_space<semaphore_mem>>)
    %mul3A_773 = arith.constant 40960 : i32
    %mul3A_774 = arith.muli %arg1, %mul3A_773 : i32
    %add3A_775 = arith.constant 20480 : i32
    %add3A_776 = arith.addi %mul3A_774, %add3A_775 : i32
    %mul3A_777 = arith.constant 655360 : i32
    %mul3A_778 = arith.muli %arg0, %mul3A_777 : i32
    %mul3A_779 = arith.constant 40960 : i32
    %mul3A_780 = arith.muli %arg1, %mul3A_779 : i32
    %add3A_781 = arith.addi %mul3A_778, %mul3A_780 : i32
    %add3A_782 = arith.constant 20480 : i32
    %add3A_783 = arith.addi %add3A_781, %add3A_782 : i32
    %dma_start3A_784 = tpu.memref_slice %arg4[%add3A_783] : memref<1310720xf32, #tpu.memory_space<hbm>> -> memref<10240xf32, #tpu.memory_space<hbm>>
    %dma_start3A_785 = tpu.memref_slice %arg44[%add3A_776] : memref<655360xf32, #tpu.memory_space<vmem_shared>> -> memref<10240xf32, #tpu.memory_space<vmem_shared>>
    tpu.enqueue_dma source(%dma_start3A_785 : memref<10240xf32, #tpu.memory_space<vmem_shared>>) target(%dma_start3A_784 : memref<10240xf32, #tpu.memory_space<hbm>>) target_semaphore(%arg33 : memref<!tpu.dma_semaphore, #tpu.memory_space<semaphore_mem>>)
    %mul3A_786 = arith.constant 40960 : i32
    %mul3A_787 = arith.muli %arg1, %mul3A_786 : i32
    %add3A_788 = arith.constant 30720 : i32
    %add3A_789 = arith.addi %mul3A_787, %add3A_788 : i32
    %mul3A_790 = arith.constant 655360 : i32
    %mul3A_791 = arith.muli %arg0, %mul3A_790 : i32
    %mul3A_792 = arith.constant 40960 : i32
    %mul3A_793 = arith.muli %arg1, %mul3A_792 : i32
    %add3A_794 = arith.addi %mul3A_791, %mul3A_793 : i32
    %add3A_795 = arith.constant 30720 : i32
    %add3A_796 = arith.addi %add3A_794, %add3A_795 : i32
    %dma_start3A_797 = tpu.memref_slice %arg4[%add3A_796] : memref<1310720xf32, #tpu.memory_space<hbm>> -> memref<10240xf32, #tpu.memory_space<hbm>>
    %dma_start3A_798 = tpu.memref_slice %arg44[%add3A_789] : memref<655360xf32, #tpu.memory_space<vmem_shared>> -> memref<10240xf32, #tpu.memory_space<vmem_shared>>
    tpu.enqueue_dma source(%dma_start3A_798 : memref<10240xf32, #tpu.memory_space<vmem_shared>>) target(%dma_start3A_797 : memref<10240xf32, #tpu.memory_space<hbm>>) target_semaphore(%arg34 : memref<!tpu.dma_semaphore, #tpu.memory_space<semaphore_mem>>)
    %mul3A_799 = arith.constant 40960 : i32
    %mul3A_800 = arith.muli %arg1, %mul3A_799 : i32
    %add3A_801 = arith.constant 0 : i32
    %add3A_802 = arith.addi %mul3A_800, %add3A_801 : i32
    %mul3A_803 = arith.constant 655360 : i32
    %mul3A_804 = arith.muli %arg0, %mul3A_803 : i32
    %mul3A_805 = arith.constant 40960 : i32
    %mul3A_806 = arith.muli %arg1, %mul3A_805 : i32
    %add3A_807 = arith.addi %mul3A_804, %mul3A_806 : i32
    %add3A_808 = arith.constant 0 : i32
    %add3A_809 = arith.addi %add3A_807, %add3A_808 : i32
    %dma_wait3A_810 = tpu.memref_slice %arg4[%add3A_809] : memref<1310720xf32, #tpu.memory_space<hbm>> -> memref<10240xf32, #tpu.memory_space<hbm>>
    %dma_wait3A_811 = tpu.memref_slice %arg44[%add3A_802] : memref<655360xf32, #tpu.memory_space<vmem_shared>> -> memref<10240xf32, #tpu.memory_space<vmem_shared>>
    tpu.wait_dma2 semaphore(%arg31 : memref<!tpu.dma_semaphore, #tpu.memory_space<semaphore_mem>>) src(%dma_wait3A_811 : memref<10240xf32, #tpu.memory_space<vmem_shared>>) dst(%dma_wait3A_810 : memref<10240xf32, #tpu.memory_space<hbm>>)
    %mul3A_812 = arith.constant 40960 : i32
    %mul3A_813 = arith.muli %arg1, %mul3A_812 : i32
    %add3A_814 = arith.constant 10240 : i32
    %add3A_815 = arith.addi %mul3A_813, %add3A_814 : i32
    %mul3A_816 = arith.constant 655360 : i32
    %mul3A_817 = arith.muli %arg0, %mul3A_816 : i32
    %mul3A_818 = arith.constant 40960 : i32
    %mul3A_819 = arith.muli %arg1, %mul3A_818 : i32
    %add3A_820 = arith.addi %mul3A_817, %mul3A_819 : i32
    %add3A_821 = arith.constant 10240 : i32
    %add3A_822 = arith.addi %add3A_820, %add3A_821 : i32
    %dma_wait3A_823 = tpu.memref_slice %arg4[%add3A_822] : memref<1310720xf32, #tpu.memory_space<hbm>> -> memref<10240xf32, #tpu.memory_space<hbm>>
    %dma_wait3A_824 = tpu.memref_slice %arg44[%add3A_815] : memref<655360xf32, #tpu.memory_space<vmem_shared>> -> memref<10240xf32, #tpu.memory_space<vmem_shared>>
    tpu.wait_dma2 semaphore(%arg32 : memref<!tpu.dma_semaphore, #tpu.memory_space<semaphore_mem>>) src(%dma_wait3A_824 : memref<10240xf32, #tpu.memory_space<vmem_shared>>) dst(%dma_wait3A_823 : memref<10240xf32, #tpu.memory_space<hbm>>)
    %mul3A_825 = arith.constant 40960 : i32
    %mul3A_826 = arith.muli %arg1, %mul3A_825 : i32
    %add3A_827 = arith.constant 20480 : i32
    %add3A_828 = arith.addi %mul3A_826, %add3A_827 : i32
    %mul3A_829 = arith.constant 655360 : i32
    %mul3A_830 = arith.muli %arg0, %mul3A_829 : i32
    %mul3A_831 = arith.constant 40960 : i32
    %mul3A_832 = arith.muli %arg1, %mul3A_831 : i32
    %add3A_833 = arith.addi %mul3A_830, %mul3A_832 : i32
    %add3A_834 = arith.constant 20480 : i32
    %add3A_835 = arith.addi %add3A_833, %add3A_834 : i32
    %dma_wait3A_836 = tpu.memref_slice %arg4[%add3A_835] : memref<1310720xf32, #tpu.memory_space<hbm>> -> memref<10240xf32, #tpu.memory_space<hbm>>
    %dma_wait3A_837 = tpu.memref_slice %arg44[%add3A_828] : memref<655360xf32, #tpu.memory_space<vmem_shared>> -> memref<10240xf32, #tpu.memory_space<vmem_shared>>
    tpu.wait_dma2 semaphore(%arg33 : memref<!tpu.dma_semaphore, #tpu.memory_space<semaphore_mem>>) src(%dma_wait3A_837 : memref<10240xf32, #tpu.memory_space<vmem_shared>>) dst(%dma_wait3A_836 : memref<10240xf32, #tpu.memory_space<hbm>>)
    %mul3A_838 = arith.constant 40960 : i32
    %mul3A_839 = arith.muli %arg1, %mul3A_838 : i32
    %add3A_840 = arith.constant 30720 : i32
    %add3A_841 = arith.addi %mul3A_839, %add3A_840 : i32
    %mul3A_842 = arith.constant 655360 : i32
    %mul3A_843 = arith.muli %arg0, %mul3A_842 : i32
    %mul3A_844 = arith.constant 40960 : i32
    %mul3A_845 = arith.muli %arg1, %mul3A_844 : i32
    %add3A_846 = arith.addi %mul3A_843, %mul3A_845 : i32
    %add3A_847 = arith.constant 30720 : i32
    %add3A_848 = arith.addi %add3A_846, %add3A_847 : i32
    %dma_wait3A_849 = tpu.memref_slice %arg4[%add3A_848] : memref<1310720xf32, #tpu.memory_space<hbm>> -> memref<10240xf32, #tpu.memory_space<hbm>>
    %dma_wait3A_850 = tpu.memref_slice %arg44[%add3A_841] : memref<655360xf32, #tpu.memory_space<vmem_shared>> -> memref<10240xf32, #tpu.memory_space<vmem_shared>>
    tpu.wait_dma2 semaphore(%arg34 : memref<!tpu.dma_semaphore, #tpu.memory_space<semaphore_mem>>) src(%dma_wait3A_850 : memref<10240xf32, #tpu.memory_space<vmem_shared>>) dst(%dma_wait3A_849 : memref<10240xf32, #tpu.memory_space<hbm>>)
    %eq3A_851 = arith.constant 0 : i32
    %eq3A_852 = arith.cmpi eq, %arg0, %eq3A_851 : i32
    %eq3A_853 = arith.constant 0 : i32
    %eq3A_854 = arith.cmpi eq, %arg1, %eq3A_853 : i32
    %and3A_855 = arith.andi %eq3A_852, %eq3A_854 : i1
    %convert_element_type3A_856 = arith.extui %and3A_855 : i1 to i32
    %cond3A_857 = arith.constant 0 : i32
    %cond3A_858 = arith.cmpi ne, %convert_element_type3A_856, %cond3A_857 : i32
    scf.if %cond3A_858 {
      "tpu.region"() ({
        %run_scoped3A = tpu.sem_alloc : memref<!tpu.dma_semaphore, #tpu.memory_space<semaphore_mem>>
        tpu.enqueue_dma source(%arg43 : memref<64xf32, #tpu.memory_space<vmem_shared>>) target(%arg5 : memref<64xf32, #tpu.memory_space<hbm>>) target_semaphore(%run_scoped3A : memref<!tpu.dma_semaphore, #tpu.memory_space<semaphore_mem>>)
        tpu.wait_dma2 semaphore(%run_scoped3A : memref<!tpu.dma_semaphore, #tpu.memory_space<semaphore_mem>>) src(%arg43 : memref<64xf32, #tpu.memory_space<vmem_shared>>) dst(%arg5 : memref<64xf32, #tpu.memory_space<hbm>>)
        tpu.yield
      }) : () -> ()
    } else {
    }
    return
  }
}

module attributes {stable_mosaic.version = 14 : i64} {
  func.func @body(%arg0: i32, %arg1: memref<2x64x2048xf32, #tpu.memory_space<vmem>>, %arg2: memref<2048x128xf32, #tpu.memory_space<vmem>>, %arg3: memref<64x1xf32, #tpu.memory_space<vmem>>, %arg4: memref<128x200xf32, #tpu.memory_space<vmem>>, %arg5: memref<1x200xf32, #tpu.memory_space<vmem>>, %arg6: memref<200x400xf32, #tpu.memory_space<vmem>>, %arg7: memref<1x400xf32, #tpu.memory_space<vmem>>, %arg8: memref<400x400xf32, #tpu.memory_space<vmem>>, %arg9: memref<1x400xf32, #tpu.memory_space<vmem>>, %arg10: memref<400x2xf32, #tpu.memory_space<vmem>>, %arg11: memref<1x2xf32, #tpu.memory_space<vmem>>, %arg12: memref<64x2xf32, #tpu.memory_space<vmem>>, %arg13: memref<64x128xf32, #tpu.memory_space<vmem>>) attributes {dimension_semantics = [#tpu.dimension_semantics<arbitrary>], iteration_bounds = array<i64: 5>, scalar_prefetch = 0 : i64, scratch_operands = 1 : i64, tpu.core_type = #tpu.core_type<tc>, window_params = [{transform_indices = @transform_0, window_bounds = array<i64: 2, 64, 2048>}, {transform_indices = @transform_1, window_bounds = array<i64: 2048, 128>}, {pipeline_mode = #tpu.pipeline_mode<synchronous>, transform_indices = @transform_2, window_bounds = array<i64: 64, 1>}, {pipeline_mode = #tpu.pipeline_mode<synchronous>, transform_indices = @transform_3, window_bounds = array<i64: 128, 200>}, {pipeline_mode = #tpu.pipeline_mode<synchronous>, transform_indices = @transform_4, window_bounds = array<i64: 1, 200>}, {pipeline_mode = #tpu.pipeline_mode<synchronous>, transform_indices = @transform_5, window_bounds = array<i64: 200, 400>}, {pipeline_mode = #tpu.pipeline_mode<synchronous>, transform_indices = @transform_6, window_bounds = array<i64: 1, 400>}, {pipeline_mode = #tpu.pipeline_mode<synchronous>, transform_indices = @transform_7, window_bounds = array<i64: 400, 400>}, {pipeline_mode = #tpu.pipeline_mode<synchronous>, transform_indices = @transform_8, window_bounds = array<i64: 1, 400>}, {pipeline_mode = #tpu.pipeline_mode<synchronous>, transform_indices = @transform_9, window_bounds = array<i64: 400, 2>}, {pipeline_mode = #tpu.pipeline_mode<synchronous>, transform_indices = @transform_10, window_bounds = array<i64: 1, 2>}, {pipeline_mode = #tpu.pipeline_mode<synchronous>, transform_indices = @transform_11, window_bounds = array<i64: 64, 2>}]} {
    %eq3A = arith.constant 0 : i32
    %eq3A_0 = arith.cmpi eq, %arg0, %eq3A : i32
    %convert_element_type3A = arith.extui %eq3A_0 : i1 to i32
    %cond3A = arith.constant 0 : i32
    %cond3A_1 = arith.cmpi ne, %convert_element_type3A, %cond3A : i32
    scf.if %cond3A_1 {
      %broadcast_in_dim3A = arith.constant 0.000000e+00 : f32
      %broadcast_in_dim3A_22 = vector.broadcast %broadcast_in_dim3A : f32 to vector<64x128xf32>
      %swap3A_23 = arith.constant 0 : index
      %swap3A_24 = arith.constant 0 : index
      %swap3A_25 = vector.load %arg13[%swap3A_23, %swap3A_24] : memref<64x128xf32, #tpu.memory_space<vmem>>, vector<64x128xf32>
      tpu.vector_store %arg13[%swap3A_23, %swap3A_24], %broadcast_in_dim3A_22 {strides = array<i32>} : memref<64x128xf32, #tpu.memory_space<vmem>>, vector<64x128xf32>,
    } else {
    }
    %get3A = arith.constant 0 : index
    %get3A_2 = arith.constant 0 : index
    %get3A_3 = arith.constant 0 : index
    %get3A_4 = vector.load %arg1[%get3A, %get3A_2, %get3A_3] : memref<2x64x2048xf32, #tpu.memory_space<vmem>>, vector<2x64x2048xf32>
    %get3A_5 = arith.constant 0 : index
    %get3A_6 = arith.constant 0 : index
    %get3A_7 = vector.load %arg13[%get3A_5, %get3A_6] : memref<64x128xf32, #tpu.memory_space<vmem>>, vector<64x128xf32>
    %slice3A = vector.extract_strided_slice %get3A_4 {offsets = [0, 0, 0], sizes = [1, 64, 2048], strides = [1, 1, 1]} : vector<2x64x2048xf32> to vector<1x64x2048xf32>
    %squeeze3A = vector.shape_cast %slice3A : vector<1x64x2048xf32> to vector<64x2048xf32>
    %slice3A_8 = vector.extract_strided_slice %get3A_4 {offsets = [1, 0, 0], sizes = [1, 64, 2048], strides = [1, 1, 1]} : vector<2x64x2048xf32> to vector<1x64x2048xf32>
    %squeeze3A_9 = vector.shape_cast %slice3A_8 : vector<1x64x2048xf32> to vector<64x2048xf32>
    %add3A = arith.addf %squeeze3A, %squeeze3A_9 : vector<64x2048xf32>
    %get3A_10 = arith.constant 0 : index
    %get3A_11 = arith.constant 0 : index
    %get3A_12 = vector.load %arg2[%get3A_10, %get3A_11] : memref<2048x128xf32, #tpu.memory_space<vmem>>, vector<2048x128xf32>
    %dot_general3A = arith.constant dense<0.000000e+00> : vector<64x128xf32>
    %dot_general3A_13 = tpu.matmul %add3A, %get3A_12, %dot_general3A {dimension_numbers = #tpu.dot_dimension_numbers<[1], [0], [0], [1], [0, 0, 1, 1], [], []>, precision = #tpu.contract_precision<fp32>, transpose_lhs_hint = false} : vector<64x2048xf32>, vector<2048x128xf32>, vector<64x128xf32> -> vector<64x128xf32>
    %add3A_14 = arith.addf %get3A_7, %dot_general3A_13 : vector<64x128xf32>
    %swap3A = arith.constant 0 : index
    %swap3A_15 = arith.constant 0 : index
    %swap3A_16 = vector.load %arg13[%swap3A, %swap3A_15] : memref<64x128xf32, #tpu.memory_space<vmem>>, vector<64x128xf32>
    tpu.vector_store %arg13[%swap3A, %swap3A_15], %add3A_14 {strides = array<i32>} : memref<64x128xf32, #tpu.memory_space<vmem>>, vector<64x128xf32>,
    %eq3A_17 = arith.constant 4 : i32
    %eq3A_18 = arith.cmpi eq, %arg0, %eq3A_17 : i32
    %convert_element_type3A_19 = arith.extui %eq3A_18 : i1 to i32
    %cond3A_20 = arith.constant 0 : i32
    %cond3A_21 = arith.cmpi ne, %convert_element_type3A_19, %cond3A_20 : i32
    scf.if %cond3A_21 {
      %get3A_22 = arith.constant 0 : index
      %get3A_23 = arith.constant 0 : index
      %get3A_24 = vector.load %arg13[%get3A_22, %get3A_23] : memref<64x128xf32, #tpu.memory_space<vmem>>, vector<64x128xf32>
      %get3A_25 = arith.constant 0 : index
      %get3A_26 = arith.constant 0 : index
      %get3A_27 = vector.load %arg4[%get3A_25, %get3A_26] : memref<128x200xf32, #tpu.memory_space<vmem>>, vector<128x200xf32>
      %dot_general3A_28 = arith.constant dense<0.000000e+00> : vector<64x200xf32>
      %dot_general3A_29 = tpu.matmul %get3A_24, %get3A_27, %dot_general3A_28 {dimension_numbers = #tpu.dot_dimension_numbers<[1], [0], [0], [1], [0, 0, 1, 1], [], []>, precision = #tpu.contract_precision<fp32>, transpose_lhs_hint = false} : vector<64x128xf32>, vector<128x200xf32>, vector<64x200xf32> -> vector<64x200xf32>
      %get3A_30 = arith.constant 0 : index
      %get3A_31 = arith.constant 0 : index
      %get3A_32 = vector.load %arg3[%get3A_30, %get3A_31] : memref<64x1xf32, #tpu.memory_space<vmem>>, vector<64x1xf32>
      %get3A_33 = arith.constant 0 : index
      %get3A_34 = arith.constant 0 : index
      %get3A_35 = vector.load %arg5[%get3A_33, %get3A_34] : memref<1x200xf32, #tpu.memory_space<vmem>>, vector<1x200xf32>
      %mul3A = vector.broadcast %get3A_32 : vector<64x1xf32> to vector<64x200xf32>
      %mul3A_36 = vector.broadcast %get3A_35 : vector<1x200xf32> to vector<64x200xf32>
      %mul3A_37 = arith.mulf %mul3A, %mul3A_36 : vector<64x200xf32>
      %add3A_38 = arith.addf %dot_general3A_29, %mul3A_37 : vector<64x200xf32>
      %get3A_39 = arith.constant 0 : index
      %get3A_40 = arith.constant 0 : index
      %get3A_41 = vector.load %arg6[%get3A_39, %get3A_40] : memref<200x400xf32, #tpu.memory_space<vmem>>, vector<200x400xf32>
      %dot_general3A_42 = arith.constant dense<0.000000e+00> : vector<64x400xf32>
      %dot_general3A_43 = tpu.matmul %add3A_38, %get3A_41, %dot_general3A_42 {dimension_numbers = #tpu.dot_dimension_numbers<[1], [0], [0], [1], [0, 0, 1, 1], [], []>, precision = #tpu.contract_precision<fp32>, transpose_lhs_hint = false} : vector<64x200xf32>, vector<200x400xf32>, vector<64x400xf32> -> vector<64x400xf32>
      %get3A_44 = arith.constant 0 : index
      %get3A_45 = arith.constant 0 : index
      %get3A_46 = vector.load %arg7[%get3A_44, %get3A_45] : memref<1x400xf32, #tpu.memory_space<vmem>>, vector<1x400xf32>
      %add3A_47 = vector.broadcast %get3A_46 : vector<1x400xf32> to vector<64x400xf32>
      %add3A_48 = arith.addf %dot_general3A_43, %add3A_47 : vector<64x400xf32>
      %max3A = arith.constant 0.000000e+00 : f32
      %max3A_49 = vector.broadcast %max3A : f32 to vector<64x400xf32>
      %max3A_50 = arith.maximumf %add3A_48, %max3A_49 : vector<64x400xf32>
      %get3A_51 = arith.constant 0 : index
      %get3A_52 = arith.constant 0 : index
      %get3A_53 = vector.load %arg8[%get3A_51, %get3A_52] : memref<400x400xf32, #tpu.memory_space<vmem>>, vector<400x400xf32>
      %dot_general3A_54 = arith.constant dense<0.000000e+00> : vector<64x400xf32>
      %dot_general3A_55 = tpu.matmul %max3A_50, %get3A_53, %dot_general3A_54 {dimension_numbers = #tpu.dot_dimension_numbers<[1], [0], [0], [1], [0, 0, 1, 1], [], []>, precision = #tpu.contract_precision<fp32>, transpose_lhs_hint = false} : vector<64x400xf32>, vector<400x400xf32>, vector<64x400xf32> -> vector<64x400xf32>
      %get3A_56 = arith.constant 0 : index
      %get3A_57 = arith.constant 0 : index
      %get3A_58 = vector.load %arg9[%get3A_56, %get3A_57] : memref<1x400xf32, #tpu.memory_space<vmem>>, vector<1x400xf32>
      %add3A_59 = vector.broadcast %get3A_58 : vector<1x400xf32> to vector<64x400xf32>
      %add3A_60 = arith.addf %dot_general3A_55, %add3A_59 : vector<64x400xf32>
      %max3A_61 = arith.constant 0.000000e+00 : f32
      %max3A_62 = vector.broadcast %max3A_61 : f32 to vector<64x400xf32>
      %max3A_63 = arith.maximumf %add3A_60, %max3A_62 : vector<64x400xf32>
      %get3A_64 = arith.constant 0 : index
      %get3A_65 = arith.constant 0 : index
      %get3A_66 = vector.load %arg10[%get3A_64, %get3A_65] : memref<400x2xf32, #tpu.memory_space<vmem>>, vector<400x2xf32>
      %dot_general3A_67 = arith.constant dense<0.000000e+00> : vector<64x2xf32>
      %dot_general3A_68 = tpu.matmul %max3A_63, %get3A_66, %dot_general3A_67 {dimension_numbers = #tpu.dot_dimension_numbers<[1], [0], [0], [1], [0, 0, 1, 1], [], []>, precision = #tpu.contract_precision<fp32>, transpose_lhs_hint = false} : vector<64x400xf32>, vector<400x2xf32>, vector<64x2xf32> -> vector<64x2xf32>
      %get3A_69 = arith.constant 0 : index
      %get3A_70 = arith.constant 0 : index
      %get3A_71 = vector.load %arg11[%get3A_69, %get3A_70] : memref<1x2xf32, #tpu.memory_space<vmem>>, vector<1x2xf32>
      %add3A_72 = vector.broadcast %get3A_71 : vector<1x2xf32> to vector<64x2xf32>
      %add3A_73 = arith.addf %dot_general3A_68, %add3A_72 : vector<64x2xf32>
      %reduce_max3A = arith.constant dense<0xFF800000> : vector<64xf32>
      %reduce_max3A_74 = vector.multi_reduction <maximumf>, %add3A_73, %reduce_max3A [1] : vector<64x2xf32> to vector<64xf32>
      %broadcast_in_dim3A = vector.shape_cast %reduce_max3A_74 : vector<64xf32> to vector<64x1xf32>
      %sub3A = vector.broadcast %broadcast_in_dim3A : vector<64x1xf32> to vector<64x2xf32>
      %sub3A_75 = arith.subf %add3A_73, %sub3A : vector<64x2xf32>
      %exp3A = math.exp %sub3A_75 : vector<64x2xf32>
      %reduce_sum3A = arith.constant dense<0.000000e+00> : vector<64xf32>
      %reduce_sum3A_76 = vector.multi_reduction <add>, %exp3A, %reduce_sum3A [1] : vector<64x2xf32> to vector<64xf32>
      %broadcast_in_dim3A_77 = vector.shape_cast %reduce_sum3A_76 : vector<64xf32> to vector<64x1xf32>
      %div3A = vector.broadcast %broadcast_in_dim3A_77 : vector<64x1xf32> to vector<64x2xf32>
      %div3A_78 = arith.divf %exp3A, %div3A : vector<64x2xf32>
      %swap3A_79 = arith.constant 0 : index
      %swap3A_80 = arith.constant 0 : index
      %swap3A_81 = vector.load %arg12[%swap3A_79, %swap3A_80] : memref<64x2xf32, #tpu.memory_space<vmem>>, vector<64x2xf32>
      tpu.vector_store %arg12[%swap3A_79, %swap3A_80], %div3A_78 {strides = array<i32>} : memref<64x2xf32, #tpu.memory_space<vmem>>, vector<64x2xf32>,
    } else {
    }
    return
  }
  func.func @transform_0(%arg0: i32) -> (i32, i32, i32) {
    %c0_i32 = arith.constant 0 : i32
    %c0_i32_0 = arith.constant 0 : i32
    %c0_i32_1 = arith.constant 0 : i32
    return %c0_i32, %c0_i32_0, %arg0 : i32, i32, i32
  }
  func.func @transform_1(%arg0: i32) -> (i32, i32) {
    %c0_i32 = arith.constant 0 : i32
    %c0_i32_0 = arith.constant 0 : i32
    return %arg0, %c0_i32 : i32, i32
  }
  func.func @transform_2(%arg0: i32) -> (i32, i32) {
    %c0_i32 = arith.constant 0 : i32
    %c0_i32_0 = arith.constant 0 : i32
    %c0_i32_1 = arith.constant 0 : i32
    return %c0_i32, %c0_i32_0 : i32, i32
  }
  func.func @transform_3(%arg0: i32) -> (i32, i32) {
    %c0_i32 = arith.constant 0 : i32
    %c0_i32_0 = arith.constant 0 : i32
    %c0_i32_1 = arith.constant 0 : i32
    return %c0_i32, %c0_i32_0 : i32, i32
  }
  func.func @transform_4(%arg0: i32) -> (i32, i32) {
    %c0_i32 = arith.constant 0 : i32
    %c0_i32_0 = arith.constant 0 : i32
    %c0_i32_1 = arith.constant 0 : i32
    return %c0_i32, %c0_i32_0 : i32, i32
  }
  func.func @transform_5(%arg0: i32) -> (i32, i32) {
    %c0_i32 = arith.constant 0 : i32
    %c0_i32_0 = arith.constant 0 : i32
    %c0_i32_1 = arith.constant 0 : i32
    return %c0_i32, %c0_i32_0 : i32, i32
  }
  func.func @transform_6(%arg0: i32) -> (i32, i32) {
    %c0_i32 = arith.constant 0 : i32
    %c0_i32_0 = arith.constant 0 : i32
    %c0_i32_1 = arith.constant 0 : i32
    return %c0_i32, %c0_i32_0 : i32, i32
  }
  func.func @transform_7(%arg0: i32) -> (i32, i32) {
    %c0_i32 = arith.constant 0 : i32
    %c0_i32_0 = arith.constant 0 : i32
    %c0_i32_1 = arith.constant 0 : i32
    return %c0_i32, %c0_i32_0 : i32, i32
  }
  func.func @transform_8(%arg0: i32) -> (i32, i32) {
    %c0_i32 = arith.constant 0 : i32
    %c0_i32_0 = arith.constant 0 : i32
    %c0_i32_1 = arith.constant 0 : i32
    return %c0_i32, %c0_i32_0 : i32, i32
  }
  func.func @transform_9(%arg0: i32) -> (i32, i32) {
    %c0_i32 = arith.constant 0 : i32
    %c0_i32_0 = arith.constant 0 : i32
    %c0_i32_1 = arith.constant 0 : i32
    return %c0_i32, %c0_i32_0 : i32, i32
  }
  func.func @transform_10(%arg0: i32) -> (i32, i32) {
    %c0_i32 = arith.constant 0 : i32
    %c0_i32_0 = arith.constant 0 : i32
    %c0_i32_1 = arith.constant 0 : i32
    return %c0_i32, %c0_i32_0 : i32, i32
  }
  func.func @transform_11(%arg0: i32) -> (i32, i32) {
    %c0_i32 = arith.constant 0 : i32
    %c0_i32_0 = arith.constant 0 : i32
    %c0_i32_1 = arith.constant 0 : i32
    return %c0_i32, %c0_i32_0 : i32, i32
  }
}

</mosaic_0001>

<sc_bundles>
// kernel: kernel.4.cloned.1.call-start
scs
__scs_entry_jumppad:
0x0: {  	(pc) =	sbr.rel $0x88, $3  }
0x1: {  	(tag) =	ssettag $0x0;
	lr =	simm.s32 $0x1  }
0x2: {  	[smem:$0x3F96] =	sst lr;
	_ =	strace $0xD0000000  }
0x3: {  	_ = 	snop  }
0x4: {  	_ = 	snop  }
0x5: {  	_ = 	snop  }
0x6: {  	_ = 	snop  }
0x7: {  	_ = 	snop  }
__scs_overlays_trampoline_lowered:
0x8: {  	[smem:$0x3FA5] =	sst s0  }
0x9: {  	[smem:$0x3FA6] =	sst s1  }
0xa: {  	[smem:$0x3FA7] =	sst s2  }
0xb: {  	[smem:$0x3FA8] =	sst s3  }
0xc: {  	[smem:$0x3FA9] =	sst s4  }
0xd: {  	[smem:$0x3FAA] =	sst s5  }
0xe: {  	[smem:$0x3FAB] =	sst s6  }
0xf: {  	[smem:$0x3FAC] =	sst s7  }
0x10: {  	[smem:$0x3FAD] =	sst s8  }
0x11: {  	[smem:$0x3FAE] =	sst s9;
	s0 =	simm.s32 @!p0 $0x0  }
0x12: {  	s1 =	sld [smem:$0x3F94];
	s0 =	simm.s32 @p0 $0x1  }
0x13: {  	[smem:$0x3FAF] =	sst s0;
	s0 =	simm.s32 @!p1 $0x0  }
0x14: {  	s2 =	sld [smem:$0x3F93];
	s0 =	simm.s32 @p1 $0x1  }
0x15: {  	[smem:$0x3FB0] =	sst s0;
	s0 =	simm.s32 @!p2 $0x0  }
0x16: {  	s3 =	sld [smem:$0x3FDB];
	s0 =	simm.s32 @p2 $0x1  }
0x17: {  	s4 =	simm.s32 $0x1BF5;
	[smem:$0x3FB2] =	sst s0  }
0x18: {  	s0 =	sld [smem:$0x3F95];
	_ =	swait.ge [sflag:s4], $0x0  }
0x19: {  	s7 =	sld [smem:$0x3F96]  }
0x1a: {  	s8 =	sadd.s32 $0xFFFFE003, lr  }
0x1b: {  	s9 =	sadd.s32 $0xFFFFFEF7, lr;
	s5 =	simm.s32 $0xFFFFFFFF;
	p2 =	slt.u32 s8, $0xFFFFF086  }
0x1c: {  	p1 =	slt.u32 s9, $0xF7A;
	s5 =	simm.s32 @!p2 $0x0  }
0x1d: {  	s5 =	simm.s32 @p1 $0x1;
	p0 =	seq.s32 s7, s2  }
0x1e: {  	s7 =	smul.u32 @!p0 $0xF7A, s2;
	p2 =	seq.s32 @!p0 s5, $0x0  }
0x1f: {  	s9 =	smul.u32 $0xF7A, s1;
	s8 =	simm.s32 @!p0 $0x1BF5;
	p2 =	por !p2, p0  }
0x20: {  	[sflag:s8] =	ssyncset.s32 @!p0 $0xFFFFF086;
	s6 =	sadd.s32 @!p0 s3, s7;
	s7 =	simm.s32 @!p0 $0x108  }
0x21: {  	s3 =	sadd.s32 s3, s9;
	s6 =	sadd.s32 @!p0 $0x88, s6;
	s7 =	simm.s32 @p2 $0x1082  }
0x22: {  	[simem:s7], [sflag:s8] =	dma.local @!p0 [hbm:s6], $0xF7A  }
0x23: {  	s9 =	sor.u32 $0xD0000000, s2;
	s6 =	simm.s32 $0x108;
	_ =	swait.ge @!p0 [sflag:s8], $0x0  }
0x24: {  	s3 =	sadd.s32 $0x88, s3;
	s6 =	simm.s32 @!p1 $0x1082;
	[sflag:s4] =	ssyncset.s32 $0xFFFFF086  }
0x25: {  	[simem:s6], [sflag:s4] =	dma.local [hbm:s3], $0xF7A  }
0x26: {  	[smem:$0x3F96] =	sst s1;
	(tag) =	ssettag s2;
	_ =	strace s9  }
0x27: {  	s1 =	sld [smem:$0x3FA6]  }
0x28: {  	s2 =	sld [smem:$0x3FA7]  }
0x29: {  	s4 =	sld [smem:$0x3FA9]  }
0x2a: {  	p0 =	seq.s32 s5, $0x0;
	s5 =	sld [smem:$0x3FAA]  }
0x2b: {  	s6 =	sld [smem:$0x3FAB]  }
0x2c: {  	s7 =	sld [smem:$0x3FAC]  }
0x2d: {  	s3 =	simm.s32 $0x108;
	s8 =	sld [smem:$0x3FAD]  }
0x2e: {  	s3 =	simm.s32 @!p0 $0x1082;
	s9 =	sld [smem:$0x3FAE]  }
0x2f: {  	lr =	sadd.s32 s0, s3;
	s0 =	sld [smem:$0x3FA5]  }
0x30: {  	s3 =	sld [smem:$0x3FA8]  }
0x31: {  	[smem:$0x3FB1] =	sst s10  }
0x32: {  	s10 =	sld [smem:$0x3FAF];
	_ =	sdelay $0x3  }
0x33: {  	p0 =	seq.s32 s10, $0x1;
	s10 =	sld [smem:$0x3FB1];
	_ =	sdelay $0x3  }
0x34: {  	[smem:$0x3FB1] =	sst s10  }
0x35: {  	s10 =	sld [smem:$0x3FB0];
	_ =	sdelay $0x3  }
0x36: {  	p1 =	seq.s32 s10, $0x1;
	s10 =	sld [smem:$0x3FB1];
	_ =	sdelay $0x3  }
0x37: {  	[smem:$0x3FB1] =	sst s10  }
0x38: {  	s10 =	sld [smem:$0x3FB2]  }
0x39: {  	_ = 	snop;
	(pc) =	sbr.ind lr, $3  }
0x3a: {  	_ = 	snop  }
0x3b: {  	_ = 	snop  }
0x3c: {  	p2 =	seq.s32 s10, $0x1;
	s10 =	sld [smem:$0x3FB1]  }
0x3d: {  	_ =	shalt  }
0x3e: {  	_ =	shalt  }
0x3f: {  	_ =	shalt  }
0x40: {  	_ =	shalt  }
0x41: {  	_ =	shalt  }
0x42: {  	_ =	shalt  }
0x43: {  	_ =	shalt  }
0x44: {  	_ =	shalt  }
0x45: {  	_ =	shalt  }
0x46: {  	_ =	shalt  }
0x47: {  	_ =	shalt  }
0x48: {  	_ =	shalt  }
0x49: {  	_ =	shalt  }
0x4a: {  	_ =	shalt  }
0x4b: {  	_ =	shalt  }
0x4c: {  	_ =	shalt  }
0x4d: {  	_ =	shalt  }
0x4e: {  	_ =	shalt  }
0x4f: {  	_ =	shalt  }
0x50: {  	_ =	shalt  }
0x51: {  	_ =	shalt  }
0x52: {  	_ =	shalt  }
0x53: {  	_ =	shalt  }
0x54: {  	_ =	shalt  }
0x55: {  	_ =	shalt  }
0x56: {  	_ =	shalt  }
0x57: {  	_ =	shalt  }
0x58: {  	_ =	shalt  }
0x59: {  	_ =	shalt  }
0x5a: {  	_ =	shalt  }
0x5b: {  	_ =	shalt  }
0x5c: {  	_ =	shalt  }
0x5d: {  	_ =	shalt  }
0x5e: {  	_ =	shalt  }
0x5f: {  	_ =	shalt  }
0x60: {  	_ =	shalt  }
0x61: {  	_ =	shalt  }
0x62: {  	_ =	shalt  }
0x63: {  	_ =	shalt  }
0x64: {  	_ =	shalt  }
0x65: {  	_ =	shalt  }
0x66: {  	_ =	shalt  }
0x67: {  	_ =	shalt  }
0x68: {  	_ =	shalt  }
0x69: {  	_ =	shalt  }
0x6a: {  	_ =	shalt  }
0x6b: {  	_ =	shalt  }
0x6c: {  	_ =	shalt  }
0x6d: {  	_ =	shalt  }
0x6e: {  	_ =	shalt  }
0x6f: {  	_ =	shalt  }
0x70: {  	_ =	shalt  }
0x71: {  	_ =	shalt  }
0x72: {  	_ =	shalt  }
0x73: {  	_ =	shalt  }
0x74: {  	_ =	shalt  }
0x75: {  	_ =	shalt  }
0x76: {  	_ =	shalt  }
0x77: {  	_ =	shalt  }
0x78: {  	_ =	shalt  }
0x79: {  	_ =	shalt  }
0x7a: {  	_ =	shalt  }
0x7b: {  	_ =	shalt  }
0x7c: {  	_ =	shalt  }
0x7d: {  	_ =	shalt  }
0x7e: {  	_ =	shalt  }
0x7f: {  	_ =	shalt  }
0x80: {  	_ =	shalt  }
0x81: {  	_ =	shalt  }
0x82: {  	_ =	shalt  }
0x83: {  	_ =	shalt  }
0x84: {  	_ =	shalt  }
0x85: {  	_ =	shalt  }
0x86: {  	_ =	shalt  }
0x87: {  	_ =	shalt  }
.Lfunc_end0:
.L_simem_size_0:
called_computation_lowered:
.L_overlay_start_0:
0x88: {  	s2 =	sld [smem:$0x3FD9]  }
0x89: {  	s3 =	sld [smem:$0x3FFE];
	_ =	sdelay $0x1  }
0x8a: {  	s1 =	srdreg.scid  }
0x8b: {  	s0 =	sand.u32 $0x1, s1  }
0x8c: {  	s17 =	sshll.u32 s0, $0xA;
	s2 =	sadd.s32 s3, s2  }
0x8d: {  	s2 =	sadd.s32 s2, s17  }
0x8e: {  	[smem:$0x3FBD] =	sst s2  }
0x8f: {  	_ = 	snop  }
0x90: {  	s2 =	sld [smem:$0x3FC8]  }
0x91: {  	s18 =	sld [smem:$0x3FC7]  }
0x92: {  	s4 =	sld [smem:$0x3FD0];
	(tm) =	ssettm $0x1  }
0x93: {  	s5 =	sld [smem:$0x3FFB];
	_ =	sdelay $0x3  }
0x94: {  	_ =	strace s5  }
0x95: {  	s5 =	sld [smem:$0x3FFC];
	_ =	sdelay $0x3  }
0x96: {  	_ =	strace s5  }
0x97: {  	s5 =	sld [smem:$0x3FFD];
	_ =	sdelay $0x3  }
0x98: {  	_ =	strace s5  }
0x99: {  	_ =	strace $0x8FFFFFFF  }
0x9a: {  	s19 =	sld [smem:$0x3FDB];
	_ =	sdelay $0x1  }
0x9b: {  	s6 =	simm.s32 $_scs_section_size  }
0x9c: {  	s7 =	simm.s32 $_size__tile_overlayer_lowered;
	s8 =	simm.s32 $_tile_overlayer_lowered  }
0x9d: {  	s22 =	simm.s32 $0x1BFF;
	s21 =	sshll.u32 s8, $0x1;
	s5 =	sadd.s32 s6, s19  }
0x9e: {  	s9 =	simm.s32 $0x0;
	s20 =	sshll.u32 s7, $0x1;
	s7 =	sadd.s32 s21, s5  }
0x9f: {  	[timem:s9], [sflag:s22] =	dma.local [hbm:s7], s20  }
0xa0: {  	_ =	swait.ge [sflag:s22], s20  }
0xa1: {  	s6 =	ssub.s32 $0x0, s20;
	[sflag:s22] =	ssyncset.done $0x0  }
0xa2: {  	[sflag:s22] =	ssyncadd.s32 s6;
	_ =	sdelay $0x1  }
0xa3: {  	s23 =	simm.s32 $0x1B8B  }
0xa4: {  	_ =	swait.ge [sflag:s23], $0x1  }
0xa5: {  	[sflag:s23] =	ssyncset.done $0x0  }
0xa6: {  	s25 =	simm.s32 $0x1B8E;
	s24 =	sld [smem:$0x3FFE];
	[sflag:s23] =	ssyncadd.s32 $0xFFFFFFFF  }
0xa7: {  	s26 =	simm.s32 $execute0_lowered;
	[smem:$0x3FD2] =	sst s25  }
0xa8: {  	s7 =	sshll.u32 s26, $0x1;
	_ =	strace $0x80000046;
	[dreg:$0x1] =	wrdreg $0xFFFFFFFF  }
0xa9: {  	s28 =	simm.s32 $_size_execute0_lowered;
	s5 =	sadd.s32 s5, s7;
	[dreg:$0x0] =	wrdreg $0x0  }
0xaa: {  	s7 =	sshll.u32 s28, $0x1;
	[dreg:$0x2] =	wrdreg s5  }
0xab: {  	[dreg:$0x3] =	wrdreg s7  }
0xac: {  	[dreg:$0x4] =	wrdreg $0xC0  }
0xad: {  	_ =	task [dreg:s9], $0x5FFFF  }
0xae: {  	[dreg:$0x1] =	wrdreg $0xFFFFFFFF  }
0xaf: {  	[dreg:$0x0] =	wrdreg $0x60  }
0xb0: {  	[dreg:$0x2] =	wrdreg s2  }
0xb1: {  	[dreg:$0x3] =	wrdreg s18  }
0xb2: {  	[dreg:$0x4] =	wrdreg s24  }
0xb3: {  	[dreg:$0x5] =	wrdreg s4  }
0xb4: {  	[dreg:$0x6] =	wrdreg $0x152880  }
0xb5: {  	[dreg:$0x7] =	wrdreg $0x152800  }
0xb6: {  	[dreg:$0x8] =	wrdreg $0x12A800  }
0xb7: {  	[dreg:$0x9] =	wrdreg $0x128000  }
0xb8: {  	[dreg:$0xa] =	wrdreg $0x9  }
0xb9: {  	_ =	task.clear_ibuf [dreg:s9], $0xBFFFF;
	_ =	strace $0x90000046  }
0xba: {  	s29 =	simm.s32 $0x9;
	_ =	strace $0x80000048  }
0xbb: {  	_ =	swait.ge [sflag:s29], $0x1  }
0xbc: {  	[sflag:s29] =	ssyncadd.s32 $0xFFFFFFFF  }
0xbd: {  	_ =	strace $0x90000048  }
0xbe: {  	_ =	sfence  }
0xbf: {  	s30 =	sld [smem:$0x0];
	_ =	sdelay $0x2  }
0xc0: {  	s31 =	sshll.u32 s1, $0xD;
	s1 =	sshrl.u32 s1, $0x2  }
0xc1: {  	s3 =	sand.u32 $0x4000, s31;
	s1 =	sadd.s32 s1, s30  }
0xc2: {  	s0 =	sor.u32 s3, s0;
	s1 =	sshll.u32 s1, $0x11  }
0xc3: {  	s0 =	sor.u32 s1, s0  }
0xc4: {  	s0 =	sadd.s32 $0x8F2B, s0  }
0xc5: {  	[sflag:s0] =	ssyncadd.remote.s32 $0x1  }
0xc6: {  	_ =	sfence.sel $0xFFFF  }
0xc7: {  	[dreg:$0x0] =	wrdreg $0xFFFFFFFF;
	(pc) =	sbr.abs _section_cstart, $3  }
0xc8: {  	[dreg:$0x1] =	wrdreg $0xFFFFFFFF  }
0xc9: {  	_ =	task.clear_ibuf [dreg:s9], $0x2FFFF;
	_ =	strace $0x9FFFFFFF  }
0xca: {  	(tm) =	ssettm $0x7FFFFFFF  }
0xcb: {  	_ =	shalt  }
tec
execute0_lowered:
.L_overlay_start_1:
0x0: {  	(tag) =	ssettag $0x1  }
0x1: {  	s1 =	rddreg [dreg:$0x0]  }
0x2: {  	s3 =	rddreg [dreg:$0x2]  }
0x3: {  	s2 =	rddreg [dreg:$0x4];
	s0 =	srdreg.scid  }
0x4: {  	s15 =	stileid.u32;
	s4 =	rddreg [dreg:$0x6]  }
0x5: {  	s16 =	rddreg [dreg:$0x7];
	s7 =	simm.s32 $0x0;
	s0 =	sand.u32 $0x1, s0  }
0x6: {  	s5 =	smul.u32 $0xA000, s15;
	[smem:$0x7FF] =	sst s7;
	s18 =	sshll.u32 s15, $0x1  }
0x7: {  	s9 =	smul.u32 $0x9C4, s15;
	s14 =	sadd.s32 $0x10, s1;
	s21 =	sshrl.u32 s15, $0x3  }
0x8: {  	s25 =	smul.u32 $0x5000, s15;
	p2 =	sne.s32 s15, $0x0;
	p4 =	seq.s32 s15, $0xF  }
0x9: {  	s6 =	smul.u32 $0xA0000, s0;
	_ =	strace $0x80000047;
	s8 =	ssub.s32 $0x2, s0  }
0xa: {  	s7 =	sor.u32 s0, s18;
	s22 =	smul.u32 $0x50000, s21;
	s0 =	sor.u32 s15, s0  }
0xb: {  	s19 =	sshrl.u32 s8, $0x1;
	s10 =	smul.u32 $0x9C4, s7;
	s20 =	sshrl.u32 s9, $0x4  }
0xc: {  	s9 =	sadd.s32 $0x9C4, s9;
	s17 =	sadd.s32 s5, s2;
	s6 =	sadd.s32 s5, s6  }
0xd: {  	s9 =	sshrl.u32 s9, $0x4;
	s13 =	sshll.u32 s20, $0x5;
	s24 =	sadd.s32 $0x2800, s17  }
0xe: {  	s5 =	sshrl.u32 s25, $0x2;
	[dreg:$0xb] =	wrdreg s17;
	s6 =	sshrl.u32 s6, $0x3  }
0xf: {  	s11 =	sshrl.u32 s10, $0x5;
	s12 =	sadd.s32 $0x9C4, s10;
	s13 =	sadd.s32 s13, s14  }
0x10: {  	s10 =	sand.u32 $0x1FFE0, s10;
	[dreg:$0xd] =	wrdreg s24;
	s3 =	sadd.s32 s6, s3  }
0x11: {  	s6 =	ssub.s32 s8, s19;
	[dreg:$0x9] =	wrdreg s13;
	s1 =	sadd.s32 s1, s10  }
0x12: {  	s23 =	sadd.s32 s10, s14;
	s8 =	ssub.s32 s9, s20;
	[dreg:$0xa] =	wrdreg s1  }
0x13: {  	s13 =	sshll.u32 s15, $0x7;
	s9 =	sadd.s32 s5, s4;
	[dreg:$0xc] =	wrdreg s23  }
0x14: {  	s10 =	smul.u32 $0xA00, s15;
	s24 =	sadd.s32 $0x1C00, s3;
	[dreg:$0xf] =	wrdreg s9  }
0x15: {  	s1 =	sshrl.u32 s22, $0x2;
	s25 =	sadd.s32 $0x2100, s3;
	[dreg:$0x12] =	wrdreg s24  }
0x16: {  	s21 =	sor.u32 $0x2060, s13;
	s6 =	smax.u32 s6, $0x1;
	[dreg:$0x14] =	wrdreg s25  }
0x17: {  	s22 =	sor.u32 $0x2070, s13;
	s23 =	sor.u32 $0x2000, s13;
	[dreg:$0x17] =	wrdreg s6  }
0x18: {  	s15 =	sadd.s32 $0x280, s9;
	s1 =	sadd.s32 s1, s4;
	[dreg:$0x13] =	wrdreg s23  }
0x19: {  	s4 =	sshrl.u32 s10, $0x2;
	s10 =	sadd.s32 $0x80, s9;
	[dreg:$0x1f] =	wrdreg s15  }
0x1a: {  	p1 =	slt.u32 s21, $0x2710;
	s21 =	sadd.s32 $0x14080, s9;
	[dreg:$0x1b] =	wrdreg s10  }
0x1b: {  	p5 =	slt.u32 s22, $0x2710;
	s22 =	sadd.s32 $0x14100, s9;
	[smem:$0x7DA] =	sst s21  }
0x1c: {  	s24 =	sadd.s32 $0x14200, s9;
	[smem:$0x7DB] =	sst s22  }
0x1d: {  	s26 =	sand.u32 $0x380, s13;
	s25 =	sadd.s32 $0x14280, s9;
	[smem:$0x7DD] =	sst s24  }
0x1e: {  	s1 =	sadd.s32 s26, s1;
	[smem:$0x7DE] =	sst s25  }
0x1f: {  	s4 =	sadd.s32 s4, s16;
	[dreg:$0xe] =	wrdreg s1  }
0x20: {  	s26 =	sadd.s32 $0x2600, s3;
	[dreg:$0x10] =	wrdreg s4  }
0x21: {  	s12 =	sshrl.u32 s12, $0x5;
	s16 =	sadd.s32 $0x300, s9;
	[dreg:$0x15] =	wrdreg s26  }
0x22: {  	s5 =	sor.u32 $0x2010, s13;
	s4 =	sadd.s32 $0x2B00, s3;
	[smem:$0x7D7] =	sst s16  }
0x23: {  	p0 =	slt.u32 s5, $0x2710;
	s26 =	sadd.s32 $0x14300, s9;
	[dreg:$0x16] =	wrdreg s4  }
0x24: {  	s1 =	simm.s32 @!p0 $0x0;
	s3 =	sadd.s32 $0x14380, s9;
	[smem:$0x7DF] =	sst s26  }
0x25: {  	s14 =	sor.u32 $0x2020, s13;
	s1 =	simm.s32 @p0 $0x1;
	[smem:$0x7E0] =	sst s3  }
0x26: {  	p0 =	slt.u32 s14, $0x2710;
	s14 =	sadd.s32 $0x200, s9;
	[smem:$0x7E1] =	sst s1  }
0x27: {  	s18 =	sor.u32 $0x2030, s13;
	s1 =	simm.s32 @!p0 $0x0;
	[dreg:$0x1e] =	wrdreg s14  }
0x28: {  	s1 =	simm.s32 @p0 $0x1;
	p0 =	slt.u32 s18, $0x2710;
	s21 =	sld [smem:$0x7E1]  }
0x29: {  	s18 =	ssub.s32 s12, s11;
	s11 =	sadd.s32 $0x100, s9;
	[smem:$0x7E2] =	sst s1  }
0x2a: {  	s12 =	sadd.s32 $0x180, s9;
	[dreg:$0x1c] =	wrdreg s11  }
0x2b: {  	s19 =	sor.u32 $0x2040, s13;
	s1 =	simm.s32 @!p0 $0x0;
	[dreg:$0x1d] =	wrdreg s12  }
0x2c: {  	s1 =	simm.s32 @p0 $0x1;
	p0 =	slt.u32 s19, $0x2710;
	s22 =	sld [smem:$0x7E2]  }
0x2d: {  	s19 =	sadd.s32 $0x7800, s17;
	[smem:$0x7E3] =	sst s1;
	s1 =	simm.s32 @!p0 $0x0  }
0x2e: {  	s20 =	sor.u32 $0x2050, s13;
	[dreg:$0x1a] =	wrdreg s19;
	s1 =	simm.s32 @p0 $0x1  }
0x2f: {  	p0 =	slt.u32 s20, $0x2710;
	s20 =	sadd.s32 $0x14000, s9;
	[smem:$0x7E4] =	sst s1  }
0x30: {  	s1 =	simm.s32 @!p0 $0x0;
	[smem:$0x7D9] =	sst s20  }
0x31: {  	s5 =	sshll.u32 s8, $0x3;
	s1 =	simm.s32 @p0 $0x1;
	s24 =	sld [smem:$0x7E4]  }
0x32: {  	p0 =	sgt.s32 s5, $0x1;
	[smem:$0x7E5] =	sst s1  }
0x33: {  	s5 =	simm.s32 @!p0 $0x1;
	p0 =	slt.u32 s23, $0x2710;
	s23 =	sadd.s32 $0x14180, s9  }
0x34: {  	[smem:$0x7DC] =	sst s23  }
0x35: {  	s1 =	simm.s32 @!p1 $0x0;
	s23 =	sld [smem:$0x7E3]  }
0x36: {  	s1 =	simm.s32 @p1 $0x1;
	s25 =	sld [smem:$0x7E5]  }
0x37: {  	p1 =	slt.s32 s8, $0x1;
	s8 =	sadd.s32 $0x5000, s17;
	[smem:$0x7E6] =	sst s1  }
0x38: {  	p6 =	sgt.u32 s7, $0xE;
	s17 =	sadd.s32 $0x380, s9;
	[dreg:$0x19] =	wrdreg s8  }
0x39: {  	s1 =	sshll.u32 s7, $0x7;
	s7 =	ssub.s32 $0x0, s5;
	[smem:$0x7D8] =	sst s17  }
0x3a: {  	[dreg:$0x18] =	wrdreg s7  }
0x3b: {  	s26 =	sld [smem:$0x7E6]  }
0x3c: {  	s4 =	sor.u32 $0x10, s1;
	[dreg:$0x11] =	wrdreg s1  }
0x3d: {  	s5 =	sor.u32 $0x20, s1;
	[smem:$0x7E7] =	sst s4  }
0x3e: {  	s6 =	sor.u32 $0x30, s1;
	[smem:$0x7E8] =	sst s5  }
0x3f: {  	s14 =	sor.u32 $0x40, s1;
	[smem:$0x7E9] =	sst s6  }
0x40: {  	s30 =	simm.s32 $0x12100;
	s20 =	sor.u32 $0x50, s1;
	[smem:$0x7EA] =	sst s14  }
0x41: {  	s31 =	simm.s32 $0x12500;
	s7 =	sor.u32 $0x60, s1;
	[smem:$0x7EB] =	sst s20  }
0x42: {  	p3 =	sne.s32 s0, $0x0;
	s8 =	sor.u32 $0x70, s1;
	[smem:$0x7EC] =	sst s7  }
0x43: {  	s0 =	simm.s32 $0x11F00;
	s9 =	sor.u32 $0x1000, s1;
	[smem:$0x7ED] =	sst s8  }
0x44: {  	v0 =	vimm.f32 $1.000000000e+00;
	s3 =	simm.s32 $0xED00;
	s15 =	sor.u32 $0x1010, s1;
	[smem:$0x7EE] =	sst s9  }
0x45: {  	v9 =	vlaneseq.u32;
	v34 =	vimm.f32 $0.0e+00;
	v1 =	vpsel !p0, $0x0, v0;
	p0 =	seq.s32 s21, $0x1;
	s16 =	sor.u32 $0x1020, s1;
	[smem:$0x7EF] =	sst s15  }
0x46: {  	v35 =	vimm.s32 $0x0;
	v36 =	vor.u32 $0x10, v9;
	v2 =	vpsel !p0, $0x0, v0;
	p0 =	seq.s32 s22, $0x1;
	s29 =	sor.u32 $0x1030, s1;
	[smem:$0x7F0] =	sst s16  }
0x47: {  	v37 =	vor.u32 $0x20, v9;
	v38 =	vor.u32 $0x30, v9;
	v8 =	vpsel !p5, $0x0, v0;
	s17 =	sor.u32 $0x1040, s1;
	s21 =	sor.u32 $0x1050, s1;
	[smem:$0x7F1] =	sst s29  }
0x48: {  	v3 =	vpsel !p0, $0x0, v0;
	s22 =	sor.u32 $0x1060, s1;
	s28 =	sor.u32 $0x2030, s1;
	v10 =	vor.u32 s1, v9;
	v11 =	vor.u32 s4, v9;
	[smem:$0x7F2] =	sst s17  }
0x49: {  	s10 =	sor.u32 $0x2040, s1;
	s11 =	sor.u32 $0x2050, s1;
	v12 =	vor.u32 s5, v9;
	v13 =	vor.u32 s6, v9;
	v14 =	vor.u32 s14, v9;
	[smem:$0x7F3] =	sst s21  }
0x4a: {  	s12 =	sor.u32 $0x2060, s1;
	p0 =	seq.s32 s23, $0x1;
	v15 =	vor.u32 s20, v9;
	v16 =	vor.u32 s7, v9;
	v17 =	vor.u32 s8, v9;
	[smem:$0x7F4] =	sst s22  }
0x4b: {  	s23 =	sor.u32 $0x1070, s1;
	s20 =	simm.s32 $0x80;
	v18 =	vor.u32 s9, v9;
	v19 =	vor.u32 s15, v9;
	v20 =	vor.u32 s16, v9;
	[smem:$0x7F9] =	sst s28  }
0x4c: {  	s14 =	simm.s32 $0x9D80;
	s4 =	simm.s32 $0xC500;
	v21 =	vor.u32 s29, v9;
	v22 =	vor.u32 s17, v9;
	v23 =	vor.u32 s21, v9;
	[smem:$0x7FA] =	sst s10  }
0x4d: {  	s16 =	simm.s32 $0x5;
	s15 =	simm.s32 $0x400;
	v24 =	vor.u32 s22, v9;
	v42 =	vmov s28;
	v29 =	vor.u32 s28, v9;
	[smem:$0x7FB] =	sst s11  }
0x4e: {  	s22 =	simm.s32 $0x12000;
	s29 =	simm.s32 $0x12480;
	v43 =	vmov s10;
	v30 =	vor.u32 s10, v9;
	v44 =	vmov s11;
	[smem:$0x7FC] =	sst s12  }
0x4f: {  	v31 =	vor.u32 s11, v9;
	v45 =	vmov s12;
	v32 =	vor.u32 s12, v9;
	s8 =	simm.s32 $0x12600;
	s12 =	simm.s32 $0x12280;
	s9 =	simm.s32 $0x12300  }
0x50: {  	s28 =	simm.s32 $0x12700;
	s17 =	simm.s32 $0x12380;
	s6 =	simm.s32 $0x0;
	v4 =	vpsel !p0, $0x0, v0;
	v25 =	vor.u32 s23, v9;
	vm1 =	vlt.u32 v45, $0x2710  }
0x51: {  	p0 =	seq.s32 s24, $0x1;
	s24 =	sor.u32 $0x2000, s1;
	[smem:$0x7F5] =	sst s23;
	vm2 =	vlt.u32 v44, $0x2710;
	vm3 =	vlt.u32 v43, $0x2710;
	vm4 =	vlt.u32 v42, $0x2710  }
.Ltmp0:
0x52: {  	v5 =	vpsel !p0, $0x0, v0;
	p0 =	seq.s32 s25, $0x1;
	s25 =	sor.u32 $0x2010, s1;
	v39 =	vmov s24;
	v26 =	vor.u32 s24, v9;
	(pc) =	sbr.rel .LBB2_1-.Ltmp0, $4  }
0x53: {  	[smem:$0x7F6] =	sst s24;
	v6 =	vpsel !p0, $0x0, v0;
	p0 =	seq.s32 s26, $0x1;
	s26 =	sor.u32 $0x2020, s1;
	v40 =	vmov s25;
	v27 =	vor.u32 s25, v9  }
0x54: {  	s23 =	simm.s32 $0x12400;
	s1 =	sor.u32 $0x2070, s1;
	[smem:$0x7F7] =	sst s25;
	vm7 =	vlt.u32 v39, $0x2710;
	v7 =	vpsel !p0, $0x0, v0;
	v41 =	vmov s26  }
0x55: {  	s24 =	simm.s32 $0x12080;
	s25 =	simm.s32 $0x12180;
	[smem:$0x7F8] =	sst s26;
	v28 =	vor.u32 s26, v9;
	v46 =	vmov s1;
	v33 =	vor.u32 s1, v9  }
0x56: {  	[smem:$0x7FD] =	sst s1;
	s26 =	simm.s32 $0x12680;
	s1 =	simm.s32 $0x12780;
	vm6 =	vlt.u32 v40, $0x2710;
	vm0 =	vlt.u32 v46, $0x2710;
	vm5 =	vlt.u32 v41, $0x2710  }
.LBB2_37:
0x57: {  	s7 =	simm.s32 $0x1  }
0x58: {  	_ =	swait.ge [sflag:s7], $0x80  }
0x59: {  	[sflag:s7] =	ssyncset.done $0x0  }
0x5a: {  	s8 =	simm.s32 $0x2;
	[sflag:s7] =	ssyncadd.s32 $0xFFFFFF80  }
0x5b: {  	_ =	swait.ge [sflag:s8], $0x80  }
0x5c: {  	[sflag:s8] =	ssyncset.done $0x0  }
0x5d: {  	s6 =	simm.s32 $0x3;
	[sflag:s8] =	ssyncadd.s32 $0xFFFFFF80  }
0x5e: {  	_ =	swait.ge [sflag:s6], $0x80  }
0x5f: {  	[sflag:s6] =	ssyncset.done $0x0  }
0x60: {  	s25 =	simm.s32 $0x4;
	[sflag:s6] =	ssyncadd.s32 $0xFFFFFF80  }
0x61: {  	_ =	swait.ge [sflag:s25], $0x80  }
0x62: {  	[sflag:s25] =	ssyncset.done $0x0  }
0x63: {  	s5 =	simm.s32 $0x7;
	[sflag:s25] =	ssyncadd.s32 $0xFFFFFF80  }
0x64: {  	_ =	swait.ge [sflag:s5], $0x80  }
0x65: {  	[sflag:s5] =	ssyncset.done $0x0  }
0x66: {  	s19 =	simm.s32 $0x8;
	[sflag:s5] =	ssyncadd.s32 $0xFFFFFF80  }
0x67: {  	_ =	swait.ge [sflag:s19], $0x80  }
0x68: {  	[sflag:s19] =	ssyncset.done $0x0  }
0x69: {  	s21 =	simm.s32 $0x9;
	[sflag:s19] =	ssyncadd.s32 $0xFFFFFF80  }
0x6a: {  	_ =	swait.ge [sflag:s21], $0x80  }
0x6b: {  	[sflag:s21] =	ssyncset.done $0x0  }
0x6c: {  	s10 =	simm.s32 $0xA;
	[sflag:s21] =	ssyncadd.s32 $0xFFFFFF80  }
0x6d: {  	_ =	swait.ge [sflag:s10], $0x80  }
0x6e: {  	[sflag:s10] =	ssyncset.done $0x0  }
0x6f: {  	[sflag:s10] =	ssyncadd.s32 $0xFFFFFF80  }
0x70: {  	s21 =	stileid.u32;
	[bflag:$0x0] =	sbarrier.arrive $0xFFFF  }
0x71: {  	s5 =	sshll.u32 s21, $0x6;
	s11 =	rddreg [dreg:$0xb]  }
0x72: {  	s10 =	sor.u32 $0x1C01, s5;
	s19 =	rddreg [dreg:$0x12];
	s11 =	sshrl.u32 s11, $0x3  }
0x73: {  	[hbm:s19], [sflag:s10] =	dma.local [spmem:s11], $0x500  }
0x74: {  	s11 =	rddreg [dreg:$0xd]  }
0x75: {  	s10 =	sor.u32 $0x1C02, s5;
	s19 =	rddreg [dreg:$0x14];
	s11 =	sshrl.u32 s11, $0x3  }
0x76: {  	[hbm:s19], [sflag:s10] =	dma.local [spmem:s11], $0x500  }
0x77: {  	s11 =	rddreg [dreg:$0x19]  }
0x78: {  	s10 =	sor.u32 $0x1C03, s5;
	s19 =	rddreg [dreg:$0x15];
	s11 =	sshrl.u32 s11, $0x3  }
0x79: {  	[hbm:s19], [sflag:s10] =	dma.local [spmem:s11], $0x500  }
0x7a: {  	s19 =	rddreg [dreg:$0x1a]  }
0x7b: {  	s5 =	sor.u32 $0x1C04, s5;
	s11 =	rddreg [dreg:$0x16];
	s10 =	sshrl.u32 s19, $0x3  }
0x7c: {  	[hbm:s11], [sflag:s5] =	dma.local [spmem:s10], $0x500  }
0x7d: {  	_ =	swait.ge [sflag:s7], $0x500  }
0x7e: {  	[sflag:s7] =	ssyncset.done $0x0  }
0x7f: {  	[sflag:s7] =	ssyncadd.s32 $0xFFFFFB00  }
0x80: {  	_ =	swait.ge [sflag:s8], $0x500  }
0x81: {  	[sflag:s8] =	ssyncset.done $0x0  }
0x82: {  	[sflag:s8] =	ssyncadd.s32 $0xFFFFFB00  }
0x83: {  	_ =	swait.ge [sflag:s6], $0x500  }
0x84: {  	[sflag:s6] =	ssyncset.done $0x0  }
0x85: {  	[sflag:s6] =	ssyncadd.s32 $0xFFFFFB00  }
0x86: {  	_ =	swait.ge [sflag:s25], $0x500  }
0x87: {  	[sflag:s25] =	ssyncset.done $0x0  }
0x88: {  	[sflag:s25] =	ssyncadd.s32 $0xFFFFFB00  }
0x89: {  	s5 =	sshll.u32 @!p3 s21, $0x6;
	s10 =	rddreg [dreg:$0x5]  }
0x8a: {  	s5 =	sor.u32 @!p3 $0x1C0B, s5;
	s11 =	rddreg [dreg:$0x3];
	s10 =	sshrl.u32 @!p3 s10, $0x3  }
0x8b: {  	[hbm:s11], [sflag:s5] =	dma.local @!p3 [spmem:s10], $0x10  }
0x8c: {  	s5 =	simm.s32 @!p3 $0xB  }
0x8d: {  	_ =	swait.ge @!p3 [sflag:s5], $0x10  }
0x8e: {  	s11 =	sld [smem:$0x7D6];
	_ =	sdelay $0x2  }
0x8f: {  	s21 =	rddreg [dreg:$0x17];
	s6 =	sadd.s32 $0x1, s11  }
0x90: {  	p0 =	sne.s32 s6, s21  }
.Ltmp1:
0x91: {  	_ = 	snop;
	(pc) =	sbr.rel @!p0 .LBB2_38-.Ltmp1, $3  }
0x92: {  	_ =	sdelay $0x1  }
0x93: {  	[sflag:s5] =	ssyncset.done @!p3 $0x0  }
0x94: {  	s8 =	simm.s32 $0x12600;
	s25 =	simm.s32 $0x12180;
	[sflag:s5] =	ssyncadd.s32 @!p3 $0xFFFFFFF0  }
.LBB2_1:
0x95: {  	s10 =	simm.s32 $0x0;
	s5 =	rddreg [dreg:$0x9];
	s11 =	simm.s32 $0x100  }
0x96: {  	[tilespmem:s10], [sflag:$0x5] =	stream.strided.gather [hbm4b:s5+s20], $0x4E80, s11, s20, $0x38;
	[tilespmem:$0x1F288] =	vst v63  }
0x97: {  	s7 =	rddreg [dreg:$0x1]  }
0x98: {  	[tilespmem:s14], [sflag:$0x5] =	stream.linear.gather [hbm4b:s7+s10], $0x2710, $0x38;
	[tilespmem:$0x1F288] =	vst v63  }
0x99: {  	s21 =	rddreg [dreg:$0xa];
	s7 =	simm.s32 $0x4E80  }
0x9a: {  	[tilespmem:s7], [sflag:$0x6] =	stream.strided.gather [hbm4b:s21+s20], $0x2780, s11, s20, $0x38;
	[tilespmem:$0x1F288] =	vst v63  }
0x9b: {  	s10 =	rddreg [dreg:$0xc];
	s21 =	simm.s32 $0x7600  }
0x9c: {  	[tilespmem:s21], [sflag:$0x6] =	stream.strided.gather [hbm4b:s10+s20], $0x2780, s11, s20, $0x38;
	[tilespmem:$0x1F288] =	vst v63  }
0x9d: {  	s5 =	simm.s32 $0x40;
	s10 =	simm.s32 $0x0  }
.LBB2_2:
0x9e: {  	p0 =	sne.s32 s5, $0x9FC0;
	[tilespmem:s10+$0xC500] =	vst v34;
	s11 =	smov.u32 s5;
	s5 =	sadd.s32 $0x40, s5  }
.Ltmp2:
0x9f: {  	[tilespmem:s10+$0xED00] =	vst v34;
	(pc) =	sbr.rel @p0 .LBB2_2-.Ltmp2, $2  }
0xa0: {  	_ =	sdelay $0x2  }
0xa1: {  	s10 =	sshra.s32 s11, $0x2  }
0xa2: {  	[tilespmem:s10+$0xC500] =	vst v34  }
0xa3: {  	[tilespmem:s10+$0xED00] =	vst v34  }
0xa4: {  	[tilespmem:$0xC490] =	vst v35  }
0xa5: {  	[tilespmem:$0xC4A0] =	vst v35  }
0xa6: {  	[tilespmem:$0xC4B0] =	vst v35  }
0xa7: {  	[tilespmem:$0xC4C0] =	vst v35  }
0xa8: {  	[tilespmem:$0xC4D0] =	vst v35  }
0xa9: {  	[tilespmem:$0xC4E0] =	vst v35  }
0xaa: {  	[tilespmem:$0xC4F0] =	vst v35  }
0xab: {  	[tilespmem:$0x11F00] =	vst v34  }
0xac: {  	[tilespmem:$0x11F80] =	vst v9  }
0xad: {  	[tilespmem:$0x11F10] =	vst v34  }
0xae: {  	[tilespmem:$0x11F90] =	vst v36  }
0xaf: {  	[tilespmem:$0x11F20] =	vst v34  }
0xb0: {  	[tilespmem:$0x11FA0] =	vst v37  }
0xb1: {  	[tilespmem:$0x11F30] =	vst v34  }
0xb2: {  	s5 =	rddreg [dreg:$0xb];
	[tilespmem:$0x11FB0] =	vst v38  }
0xb3: {  	[spmem:s5] =	stream.linear.scatter [tilespmem:s4], [sflag:$0x1], $0x2800, $0x38;
	[tilespmem:$0x1F288] =	vst v63  }
0xb4: {  	s11 =	rddreg [dreg:$0xd]  }
0xb5: {  	[spmem:s11] =	stream.linear.scatter [tilespmem:s4], [sflag:$0x2], $0x2800, $0x38;
	[tilespmem:$0x1F288] =	vst v63  }
0xb6: {  	s21 =	rddreg [dreg:$0x19]  }
0xb7: {  	[spmem:s21] =	stream.linear.scatter [tilespmem:s4], [sflag:$0x3], $0x2800, $0x38;
	[tilespmem:$0x1F288] =	vst v63  }
0xb8: {  	_ = 	snop  }
0xb9: {  	[spmem:s19] =	stream.linear.scatter [tilespmem:s4], [sflag:$0x4], $0x2800, $0x38;
	[tilespmem:$0x1F288] =	vst v63  }
0xba: {  	s10 =	rddreg [dreg:$0x5];
	s5 =	simm.s32 @!p2 $0xC500  }
0xbb: {  	[spmem:s10] =	stream.linear.scatter @!p2 [tilespmem:s5], [sflag:$0xB], $0x40, $0x38;
	[tilespmem:$0x1F288] =	vst v63  }
0xbc: {  	s5 =	simm.s32 @!p2 $0xB  }
0xbd: {  	_ =	swait.ge @!p2 [sflag:s5], $0x40  }
0xbe: {  	[sflag:s5] =	ssyncset.done @!p2 $0x0  }
0xbf: {  	[sflag:s5] =	ssyncadd.s32 @!p2 $0xFFFFFFC0  }
0xc0: {  	_ =	swait.ge [sflag:s16], $0x4E80  }
.Ltmp3:
0xc1: {  	[sflag:s16] =	ssyncset.done $0x0;
	(pc) =	sbr.rel @p1 .LBB2_7-.Ltmp3, $4  }
0xc2: {  	[sflag:s16] =	ssyncadd.s32 $0xFFFFB180  }
0xc3: {  	_ =	swait.ge [sflag:s16], $0x2710  }
0xc4: {  	[sflag:s16] =	ssyncset.done $0x0  }
0xc5: {  	s5 =	simm.s32 $0x0;
	[sflag:s16] =	ssyncadd.s32 $0xFFFFD8F0  }
0xc6: {  	s10 =	rddreg [dreg:$0x18]  }
0xc7: {  	s10 =	sadd.s32 $0x1, s10  }
0xc8: {  	p0 =	seq.s32 s10, $0x0  }
.Ltmp4:
0xc9: {  	_ = 	snop;
	(pc) =	sbr.rel @p0 .LBB2_6-.Ltmp4, $2  }
0xca: {  	_ =	sdelay $0x2  }
0xcb: {  	v39 =	vld [tilespmem:s5+$0x0]  }
.LBB2_5:
0xcc: {  	_ =	sdelay $0x1  }
0xcd: {  	s10 =	sadd.s32 $0x1, s10  }
0xce: {  	p0 =	seq.s32 s10, $0x0  }
.Ltmp5:
0xcf: {  	_ = 	snop;
	(pc) =	sbr.rel @!p0 .LBB2_5-.Ltmp5, $3  }
0xd0: {  	_ =	sdelay $0x1  }
0xd1: {  	s5 =	sadd.s32 $0x10, s5;
	[tilespmem:v39+s3+$0x0] =	vst.idx.add.f32.msk $0xffff, v0  }
0xd2: {  	v39 =	vld [tilespmem:s5+$0x0]  }
.LBB2_6:
0xd3: {  	_ =	sdelay $0x7  }
0xd4: {  	[tilespmem:v39+s3+$0x0] =	vst.idx.add.f32.msk $0xffff, v0  }
.LBB2_7:
0xd5: {  	s10 =	simm.s32 $0xED00;
	s5 =	rddreg [dreg:$0xe];
	s11 =	simm.s32 $0xB  }
0xd6: {  	[spmem:s5] =	stream.strided.scatter [tilespmem:s10], [sflag:$0xB], $0x2800, s15, s20, $0x38;
	[tilespmem:$0x1F288] =	vst v63  }
0xd7: {  	_ =	swait.ge [sflag:s11], $0x2800  }
0xd8: {  	[sflag:s11] =	ssyncset.done $0x0  }
0xd9: {  	[sflag:s11] =	ssyncadd.s32 $0xFFFFD800  }
0xda: {  	[bflag:$0x0] =	sbarrier.arrive $0xFFFF  }
0xdb: {  	s5 =	simm.s32 $0x11500;
	s11 =	rddreg [dreg:$0xf]  }
0xdc: {  	[tilespmem:s5], [sflag:$0x5] =	stream.strided.gather [spmem:s11], $0x280, s15, s20, $0x38;
	[tilespmem:$0x1F288] =	vst v63  }
0xdd: {  	s21 =	simm.s32 $0x11780;
	s19 =	rddreg [dreg:$0x1b]  }
0xde: {  	[tilespmem:s21], [sflag:$0x5] =	stream.strided.gather [spmem:s19], $0x280, s15, s20, $0x38;
	[tilespmem:$0x1F288] =	vst v63  }
0xdf: {  	s7 =	rddreg [dreg:$0x1c];
	s19 =	simm.s32 $0x11A00  }
0xe0: {  	[tilespmem:s19], [sflag:$0x5] =	stream.strided.gather [spmem:s7], $0x280, s15, s20, $0x38;
	[tilespmem:$0x1F288] =	vst v63  }
0xe1: {  	s21 =	rddreg [dreg:$0x1d];
	s7 =	simm.s32 $0x11C80  }
0xe2: {  	[tilespmem:s7], [sflag:$0x5] =	stream.strided.gather [spmem:s21], $0x280, s15, s20, $0x38;
	[tilespmem:$0x1F288] =	vst v63  }
0xe3: {  	_ =	swait.ge [sflag:s16], $0x280  }
0xe4: {  	[sflag:s16] =	ssyncset.done $0x0  }
0xe5: {  	[sflag:s16] =	ssyncadd.s32 $0xFFFFFD80  }
0xe6: {  	_ =	swait.ge [sflag:s16], $0x280  }
0xe7: {  	[sflag:s16] =	ssyncset.done $0x0  }
0xe8: {  	[sflag:s16] =	ssyncadd.s32 $0xFFFFFD80  }
0xe9: {  	_ =	swait.ge [sflag:s16], $0x280  }
0xea: {  	[sflag:s16] =	ssyncset.done $0x0  }
0xeb: {  	[sflag:s16] =	ssyncadd.s32 $0xFFFFFD80  }
0xec: {  	_ =	swait.ge [sflag:s16], $0x280  }
0xed: {  	s19 =	simm.s32 $0x0;
	[sflag:s16] =	ssyncset.done $0x0  }
0xee: {  	s11 =	sand.u32 $0x3F0, s19;
	[sflag:s16] =	ssyncadd.s32 $0xFFFFFD80  }
0xef: {  	v39 =	vld [tilespmem:s11+$0x11780]  }
0xf0: {  	v40 =	vld [tilespmem:s5+$0x0];
	_ =	sdelay $0x1  }
0xf1: {  	v41 =	vld [tilespmem:s11+$0x11A00];
	_ =	sdelay $0x1  }
0xf2: {  	v42 =	vld [tilespmem:s11+$0x11C80]  }
0xf3: {  	v39 =	vadd.f32 v39, v40;
	_ =	sdelay $0x1  }
0xf4: {  	v39 =	vadd.f32 v41, v39;
	_ =	sdelay $0x1  }
0xf5: {  	v39 =	vadd.f32 v42, v39  }
0xf6: {  	s21 =	simm.s32 $0x10  }
0xf7: {  	s5 =	sand.u32 $0x3F0, s21;
	[tilespmem:s10+$0x0] =	vst v39  }
0xf8: {  	s21 =	simm.s32 $0x20;
	s11 =	simm.s32 $0x11510;
	v39 =	vld [tilespmem:s5+$0x11780]  }
.LBB2_8:
0xf9: {  	p0 =	sne.s32 s21, $0x270;
	v40 =	vld [tilespmem:s11+$0x0];
	_ =	sdelay $0x1  }
0xfa: {  	v41 =	vld [tilespmem:s5+$0x11A00];
	_ =	sdelay $0x1  }
0xfb: {  	v42 =	vld [tilespmem:s5+$0x11C80]  }
0xfc: {  	v39 =	vadd.f32 v39, v40;
	_ =	sdelay $0x1  }
0xfd: {  	v39 =	vadd.f32 v41, v39  }
.Ltmp6:
0xfe: {  	(pc) =	sbr.rel @p0 .LBB2_8-.Ltmp6, $4  }
0xff: {  	v39 =	vadd.f32 v42, v39  }
0x100: {  	s10 =	sadd.s32 $0x10, s10  }
0x101: {  	s5 =	sand.u32 $0x3F0, s21;
	[tilespmem:s10+$0x0] =	vst v39  }
0x102: {  	s11 =	sadd.s32 $0x10, s11;
	s21 =	sadd.s32 $0x10, s21;
	v39 =	vld [tilespmem:s5+$0x11780]  }
0x103: {  	v40 =	vld [tilespmem:s11+$0x0];
	_ =	sdelay $0x1  }
0x104: {  	v41 =	vld [tilespmem:s5+$0x11A00];
	_ =	sdelay $0x1  }
0x105: {  	v42 =	vld [tilespmem:s5+$0x11C80]  }
0x106: {  	v39 =	vadd.f32 v39, v40;
	_ =	sdelay $0x1  }
0x107: {  	v39 =	vadd.f32 v41, v39;
	_ =	sdelay $0x1  }
0x108: {  	v39 =	vadd.f32 v42, v39  }
0x109: {  	s11 =	sadd.s32 $0x10, s10;
	s19 =	rddreg [dreg:$0x1e]  }
0x10a: {  	s5 =	simm.s32 $0x11500;
	s21 =	rddreg [dreg:$0x1f];
	[tilespmem:s11+$0x0] =	vst v39  }
0x10b: {  	[tilespmem:s5], [sflag:$0x5] =	stream.strided.gather [spmem:s19], $0x280, s15, s20, $0x38;
	[tilespmem:$0x1F288] =	vst v63  }
0x10c: {  	s7 =	simm.s32 $0x11780;
	s11 =	sld [smem:$0x7D7]  }
0x10d: {  	[tilespmem:s7], [sflag:$0x5] =	stream.strided.gather [spmem:s21], $0x280, s15, s20, $0x38;
	[tilespmem:$0x1F288] =	vst v63  }
0x10e: {  	s19 =	simm.s32 $0x11A00;
	s21 =	sld [smem:$0x7D8]  }
0x10f: {  	[tilespmem:s19], [sflag:$0x5] =	stream.strided.gather [spmem:s11], $0x280, s15, s20, $0x38;
	[tilespmem:$0x1F288] =	vst v63  }
0x110: {  	s7 =	simm.s32 $0x11C80  }
0x111: {  	[tilespmem:s7], [sflag:$0x5] =	stream.strided.gather [spmem:s21], $0x280, s15, s20, $0x38;
	[tilespmem:$0x1F288] =	vst v63  }
0x112: {  	_ =	swait.ge [sflag:s16], $0x280  }
0x113: {  	[sflag:s16] =	ssyncset.done $0x0  }
0x114: {  	[sflag:s16] =	ssyncadd.s32 $0xFFFFFD80  }
0x115: {  	_ =	swait.ge [sflag:s16], $0x280  }
0x116: {  	[sflag:s16] =	ssyncset.done $0x0  }
0x117: {  	[sflag:s16] =	ssyncadd.s32 $0xFFFFFD80  }
0x118: {  	_ =	swait.ge [sflag:s16], $0x280  }
0x119: {  	[sflag:s16] =	ssyncset.done $0x0  }
0x11a: {  	[sflag:s16] =	ssyncadd.s32 $0xFFFFFD80  }
0x11b: {  	_ =	swait.ge [sflag:s16], $0x280  }
0x11c: {  	s19 =	simm.s32 $0x0;
	[sflag:s16] =	ssyncset.done $0x0  }
0x11d: {  	s10 =	sand.u32 $0x3F0, s19;
	[sflag:s16] =	ssyncadd.s32 $0xFFFFFD80  }
0x11e: {  	v59 =	vld [tilespmem:s10+$0x11780]  }
0x11f: {  	v60 =	vld [tilespmem:s5+$0x0];
	_ =	sdelay $0x1  }
0x120: {  	v61 =	vld [tilespmem:s10+$0x11A00];
	_ =	sdelay $0x1  }
0x121: {  	v62 =	vld [tilespmem:s10+$0x11C80]  }
0x122: {  	s10 =	simm.s32 $0xED00;
	v39 =	vadd.f32 v59, v60  }
0x123: {  	v63 =	vld [tilespmem:s10+$0x0]  }
0x124: {  	v39 =	vadd.f32 v61, v39;
	_ =	sdelay $0x1  }
0x125: {  	v39 =	vadd.f32 v62, v39;
	_ =	sdelay $0x1  }
0x126: {  	v39 =	vadd.f32 v63, v39  }
0x127: {  	s21 =	simm.s32 $0x10  }
0x128: {  	s5 =	sand.u32 $0x3F0, s21;
	[tilespmem:s10+$0x0] =	vst v39  }
0x129: {  	s11 =	simm.s32 $0x11510;
	s21 =	simm.s32 $0x20;
	v39 =	vld [tilespmem:s5+$0x11780]  }
.LBB2_10:
0x12a: {  	p0 =	sne.s32 s21, $0x270;
	v40 =	vld [tilespmem:s11+$0x0];
	_ =	sdelay $0x1  }
0x12b: {  	v41 =	vld [tilespmem:s5+$0x11A00];
	_ =	sdelay $0x1  }
0x12c: {  	v42 =	vld [tilespmem:s5+$0x11C80]  }
0x12d: {  	s10 =	sadd.s32 $0x10, s10;
	v39 =	vadd.f32 v39, v40  }
0x12e: {  	v40 =	vld [tilespmem:s10+$0x0]  }
0x12f: {  	v39 =	vadd.f32 v41, v39;
	_ =	sdelay $0x1  }
0x130: {  	v39 =	vadd.f32 v42, v39  }
.Ltmp7:
0x131: {  	(pc) =	sbr.rel @p0 .LBB2_10-.Ltmp7, $3  }
0x132: {  	v39 =	vadd.f32 v40, v39;
	_ =	sdelay $0x1  }
0x133: {  	s5 =	sand.u32 $0x3F0, s21;
	[tilespmem:s10+$0x0] =	vst v39  }
0x134: {  	s11 =	sadd.s32 $0x10, s11;
	s21 =	sadd.s32 $0x10, s21;
	v39 =	vld [tilespmem:s5+$0x11780]  }
0x135: {  	v40 =	vld [tilespmem:s11+$0x0];
	_ =	sdelay $0x1  }
0x136: {  	v41 =	vld [tilespmem:s5+$0x11A00];
	_ =	sdelay $0x1  }
0x137: {  	v42 =	vld [tilespmem:s5+$0x11C80]  }
0x138: {  	s11 =	sadd.s32 $0x10, s10;
	v39 =	vadd.f32 v39, v40  }
0x139: {  	v58 =	vld [tilespmem:s11+$0x0]  }
0x13a: {  	v39 =	vadd.f32 v41, v39;
	_ =	sdelay $0x1  }
0x13b: {  	v39 =	vadd.f32 v42, v39;
	_ =	sdelay $0x1  }
0x13c: {  	s19 =	sld [smem:$0x7D9];
	v39 =	vadd.f32 v58, v39;
	_ =	sdelay $0x1  }
0x13d: {  	s5 =	simm.s32 $0x11500;
	s21 =	sld [smem:$0x7DA];
	[tilespmem:s11+$0x0] =	vst v39  }
0x13e: {  	[tilespmem:s5], [sflag:$0x5] =	stream.strided.gather [spmem:s19], $0x280, s15, s20, $0x38;
	[tilespmem:$0x1F288] =	vst v63  }
0x13f: {  	s7 =	simm.s32 $0x11780;
	s11 =	sld [smem:$0x7DB]  }
0x140: {  	[tilespmem:s7], [sflag:$0x5] =	stream.strided.gather [spmem:s21], $0x280, s15, s20, $0x38;
	[tilespmem:$0x1F288] =	vst v63  }
0x141: {  	s19 =	simm.s32 $0x11A00;
	s21 =	sld [smem:$0x7DC]  }
0x142: {  	[tilespmem:s19], [sflag:$0x5] =	stream.strided.gather [spmem:s11], $0x280, s15, s20, $0x38;
	[tilespmem:$0x1F288] =	vst v63  }
0x143: {  	s7 =	simm.s32 $0x11C80  }
0x144: {  	[tilespmem:s7], [sflag:$0x5] =	stream.strided.gather [spmem:s21], $0x280, s15, s20, $0x38;
	[tilespmem:$0x1F288] =	vst v63  }
0x145: {  	_ =	swait.ge [sflag:s16], $0x280  }
0x146: {  	[sflag:s16] =	ssyncset.done $0x0  }
0x147: {  	[sflag:s16] =	ssyncadd.s32 $0xFFFFFD80  }
0x148: {  	_ =	swait.ge [sflag:s16], $0x280  }
0x149: {  	[sflag:s16] =	ssyncset.done $0x0  }
0x14a: {  	[sflag:s16] =	ssyncadd.s32 $0xFFFFFD80  }
0x14b: {  	_ =	swait.ge [sflag:s16], $0x280  }
0x14c: {  	[sflag:s16] =	ssyncset.done $0x0  }
0x14d: {  	[sflag:s16] =	ssyncadd.s32 $0xFFFFFD80  }
0x14e: {  	_ =	swait.ge [sflag:s16], $0x280  }
0x14f: {  	s19 =	simm.s32 $0x0;
	[sflag:s16] =	ssyncset.done $0x0  }
0x150: {  	s10 =	sand.u32 $0x3F0, s19;
	[sflag:s16] =	ssyncadd.s32 $0xFFFFFD80  }
0x151: {  	v59 =	vld [tilespmem:s10+$0x11780]  }
0x152: {  	v60 =	vld [tilespmem:s5+$0x0];
	_ =	sdelay $0x1  }
0x153: {  	v61 =	vld [tilespmem:s10+$0x11A00];
	_ =	sdelay $0x1  }
0x154: {  	v62 =	vld [tilespmem:s10+$0x11C80]  }
0x155: {  	s10 =	simm.s32 $0xED00;
	v39 =	vadd.f32 v59, v60  }
0x156: {  	v63 =	vld [tilespmem:s10+$0x0]  }
0x157: {  	v39 =	vadd.f32 v61, v39;
	_ =	sdelay $0x1  }
0x158: {  	v39 =	vadd.f32 v62, v39;
	_ =	sdelay $0x1  }
0x159: {  	v39 =	vadd.f32 v63, v39  }
0x15a: {  	s21 =	simm.s32 $0x10  }
0x15b: {  	s5 =	sand.u32 $0x3F0, s21;
	[tilespmem:s10+$0x0] =	vst v39  }
0x15c: {  	s11 =	simm.s32 $0x11510;
	s21 =	simm.s32 $0x20;
	v39 =	vld [tilespmem:s5+$0x11780]  }
.LBB2_12:
0x15d: {  	p0 =	sne.s32 s21, $0x270;
	v40 =	vld [tilespmem:s11+$0x0];
	_ =	sdelay $0x1  }
0x15e: {  	v41 =	vld [tilespmem:s5+$0x11A00];
	_ =	sdelay $0x1  }
0x15f: {  	v42 =	vld [tilespmem:s5+$0x11C80]  }
0x160: {  	s10 =	sadd.s32 $0x10, s10;
	v39 =	vadd.f32 v39, v40  }
0x161: {  	v40 =	vld [tilespmem:s10+$0x0]  }
0x162: {  	v39 =	vadd.f32 v41, v39;
	_ =	sdelay $0x1  }
0x163: {  	v39 =	vadd.f32 v42, v39  }
.Ltmp8:
0x164: {  	(pc) =	sbr.rel @p0 .LBB2_12-.Ltmp8, $3  }
0x165: {  	v39 =	vadd.f32 v40, v39;
	_ =	sdelay $0x1  }
0x166: {  	s5 =	sand.u32 $0x3F0, s21;
	[tilespmem:s10+$0x0] =	vst v39  }
0x167: {  	s11 =	sadd.s32 $0x10, s11;
	s21 =	sadd.s32 $0x10, s21;
	v39 =	vld [tilespmem:s5+$0x11780]  }
0x168: {  	v40 =	vld [tilespmem:s11+$0x0];
	_ =	sdelay $0x1  }
0x169: {  	v41 =	vld [tilespmem:s5+$0x11A00];
	_ =	sdelay $0x1  }
0x16a: {  	v42 =	vld [tilespmem:s5+$0x11C80]  }
0x16b: {  	s11 =	sadd.s32 $0x10, s10;
	v39 =	vadd.f32 v39, v40  }
0x16c: {  	v58 =	vld [tilespmem:s11+$0x0]  }
0x16d: {  	v39 =	vadd.f32 v41, v39;
	_ =	sdelay $0x1  }
0x16e: {  	v39 =	vadd.f32 v42, v39;
	_ =	sdelay $0x1  }
0x16f: {  	s19 =	sld [smem:$0x7DD];
	v39 =	vadd.f32 v58, v39;
	_ =	sdelay $0x1  }
0x170: {  	s5 =	simm.s32 $0x11500;
	s21 =	sld [smem:$0x7DE];
	[tilespmem:s11+$0x0] =	vst v39  }
0x171: {  	[tilespmem:s5], [sflag:$0x5] =	stream.strided.gather [spmem:s19], $0x280, s15, s20, $0x38;
	[tilespmem:$0x1F288] =	vst v63  }
0x172: {  	s7 =	simm.s32 $0x11780;
	s11 =	sld [smem:$0x7DF]  }
0x173: {  	[tilespmem:s7], [sflag:$0x5] =	stream.strided.gather [spmem:s21], $0x280, s15, s20, $0x38;
	[tilespmem:$0x1F288] =	vst v63  }
0x174: {  	s19 =	simm.s32 $0x11A00;
	s21 =	sld [smem:$0x7E0]  }
0x175: {  	[tilespmem:s19], [sflag:$0x5] =	stream.strided.gather [spmem:s11], $0x280, s15, s20, $0x38;
	[tilespmem:$0x1F288] =	vst v63  }
0x176: {  	s7 =	simm.s32 $0x11C80  }
0x177: {  	[tilespmem:s7], [sflag:$0x5] =	stream.strided.gather [spmem:s21], $0x280, s15, s20, $0x38;
	[tilespmem:$0x1F288] =	vst v63  }
0x178: {  	_ =	swait.ge [sflag:s16], $0x280  }
0x179: {  	[sflag:s16] =	ssyncset.done $0x0  }
0x17a: {  	[sflag:s16] =	ssyncadd.s32 $0xFFFFFD80  }
0x17b: {  	_ =	swait.ge [sflag:s16], $0x280  }
0x17c: {  	[sflag:s16] =	ssyncset.done $0x0  }
0x17d: {  	[sflag:s16] =	ssyncadd.s32 $0xFFFFFD80  }
0x17e: {  	_ =	swait.ge [sflag:s16], $0x280  }
0x17f: {  	[sflag:s16] =	ssyncset.done $0x0  }
0x180: {  	[sflag:s16] =	ssyncadd.s32 $0xFFFFFD80  }
0x181: {  	_ =	swait.ge [sflag:s16], $0x280  }
0x182: {  	s19 =	simm.s32 $0x0;
	[sflag:s16] =	ssyncset.done $0x0  }
0x183: {  	s10 =	sand.u32 $0x3F0, s19;
	[sflag:s16] =	ssyncadd.s32 $0xFFFFFD80  }
0x184: {  	v59 =	vld [tilespmem:s10+$0x11780]  }
0x185: {  	v60 =	vld [tilespmem:s5+$0x0];
	_ =	sdelay $0x1  }
0x186: {  	v61 =	vld [tilespmem:s10+$0x11A00];
	_ =	sdelay $0x1  }
0x187: {  	v62 =	vld [tilespmem:s10+$0x11C80]  }
0x188: {  	s10 =	simm.s32 $0xED00;
	v39 =	vadd.f32 v59, v60  }
0x189: {  	v63 =	vld [tilespmem:s10+$0x0]  }
0x18a: {  	v39 =	vadd.f32 v61, v39;
	_ =	sdelay $0x1  }
0x18b: {  	v39 =	vadd.f32 v62, v39;
	_ =	sdelay $0x1  }
0x18c: {  	v39 =	vadd.f32 v63, v39  }
0x18d: {  	s21 =	simm.s32 $0x10  }
0x18e: {  	s5 =	sand.u32 $0x3F0, s21;
	[tilespmem:s10+$0x0] =	vst v39  }
0x18f: {  	s11 =	simm.s32 $0x11510;
	s21 =	simm.s32 $0x20;
	v39 =	vld [tilespmem:s5+$0x11780]  }
.LBB2_14:
0x190: {  	p0 =	sne.s32 s21, $0x270;
	v40 =	vld [tilespmem:s11+$0x0];
	_ =	sdelay $0x1  }
0x191: {  	v41 =	vld [tilespmem:s5+$0x11A00];
	_ =	sdelay $0x1  }
0x192: {  	v42 =	vld [tilespmem:s5+$0x11C80]  }
0x193: {  	s10 =	sadd.s32 $0x10, s10;
	v39 =	vadd.f32 v39, v40  }
0x194: {  	v40 =	vld [tilespmem:s10+$0x0]  }
0x195: {  	v39 =	vadd.f32 v41, v39;
	_ =	sdelay $0x1  }
0x196: {  	v39 =	vadd.f32 v42, v39  }
.Ltmp9:
0x197: {  	(pc) =	sbr.rel @p0 .LBB2_14-.Ltmp9, $3  }
0x198: {  	v39 =	vadd.f32 v40, v39;
	_ =	sdelay $0x1  }
0x199: {  	s5 =	sand.u32 $0x3F0, s21;
	[tilespmem:s10+$0x0] =	vst v39  }
0x19a: {  	s11 =	sadd.s32 $0x10, s11;
	s21 =	sadd.s32 $0x10, s21;
	v39 =	vld [tilespmem:s5+$0x11780]  }
0x19b: {  	v40 =	vld [tilespmem:s11+$0x0];
	_ =	sdelay $0x1  }
0x19c: {  	v41 =	vld [tilespmem:s5+$0x11A00];
	_ =	sdelay $0x1  }
0x19d: {  	v42 =	vld [tilespmem:s5+$0x11C80]  }
0x19e: {  	s21 =	sadd.s32 $0x10, s10;
	v39 =	vadd.f32 v39, v40  }
0x19f: {  	v63 =	vld [tilespmem:s21+$0x0]  }
0x1a0: {  	v39 =	vadd.f32 v41, v39;
	_ =	sdelay $0x1  }
0x1a1: {  	v39 =	vadd.f32 v42, v39;
	_ =	sdelay $0x1  }
0x1a2: {  	v39 =	vadd.f32 v63, v39;
	_ =	sdelay $0x1  }
0x1a3: {  	s10 =	simm.s32 $0x0;
	s11 =	simm.s32 $0x40;
	[tilespmem:s21+$0x0] =	vst v39  }
.LBB2_16:
0x1a4: {  	p0 =	sne.s32 s11, $0x9C0;
	v39 =	vld [tilespmem:s10+$0xED00];
	_ =	sdelay $0x4  }
0x1a5: {  	v39 =	vadd.f32 $1.000000000e+00, v39;
	_ =	sdelay $0x1  }
0x1a6: {  	v40 =	vshrl.u32 v39, $0x1;
	v39 =	vmul.f32 $5.000000000e-01, v39  }
0x1a7: {  	v40 =	vsub.s32 $0x5F3759DF, v40  }
0x1a8: {  	v41 =	vmul.f32 v40, v39;
	_ =	sdelay $0x1  }
0x1a9: {  	v41 =	vmul.f32 v40, v41;
	_ =	sdelay $0x1  }
0x1aa: {  	v41 =	vsub.f32 $1.500000000e+00, v41;
	_ =	sdelay $0x1  }
0x1ab: {  	v40 =	vmul.f32 v40, v41;
	_ =	sdelay $0x1  }
0x1ac: {  	v41 =	vmul.f32 v40, v39;
	_ =	sdelay $0x1  }
0x1ad: {  	v41 =	vmul.f32 v41, v40;
	_ =	sdelay $0x1  }
0x1ae: {  	v41 =	vsub.f32 $1.500000000e+00, v41;
	_ =	sdelay $0x1  }
0x1af: {  	v40 =	vmul.f32 v41, v40;
	_ =	sdelay $0x1  }
0x1b0: {  	v39 =	vmul.f32 v40, v39;
	_ =	sdelay $0x1  }
0x1b1: {  	v39 =	vmul.f32 v39, v40;
	_ =	sdelay $0x1  }
.Ltmp10:
0x1b2: {  	v39 =	vsub.f32 $1.500000000e+00, v39;
	(pc) =	sbr.rel @p0 .LBB2_16-.Ltmp10, $3  }
0x1b3: {  	_ = 	snop  }
0x1b4: {  	v39 =	vmul.f32 v39, v40;
	_ =	sdelay $0x1  }
0x1b5: {  	[tilespmem:s10+$0xED00] =	vst v39;
	s10 =	sshra.s32 s11, $0x2;
	s11 =	sadd.s32 $0x40, s11  }
0x1b6: {  	v39 =	vld [tilespmem:s10+$0xED00];
	_ =	sdelay $0x4  }
0x1b7: {  	v39 =	vadd.f32 $1.000000000e+00, v39;
	_ =	sdelay $0x1  }
0x1b8: {  	v40 =	vshrl.u32 v39, $0x1;
	v39 =	vmul.f32 $5.000000000e-01, v39  }
0x1b9: {  	v40 =	vsub.s32 $0x5F3759DF, v40  }
0x1ba: {  	v41 =	vmul.f32 v40, v39;
	_ =	sdelay $0x1  }
0x1bb: {  	v41 =	vmul.f32 v40, v41;
	_ =	sdelay $0x1  }
0x1bc: {  	v41 =	vsub.f32 $1.500000000e+00, v41;
	_ =	sdelay $0x1  }
0x1bd: {  	v40 =	vmul.f32 v40, v41;
	_ =	sdelay $0x1  }
0x1be: {  	v41 =	vmul.f32 v40, v39;
	_ =	sdelay $0x1  }
0x1bf: {  	v41 =	vmul.f32 v41, v40;
	_ =	sdelay $0x1  }
0x1c0: {  	v41 =	vsub.f32 $1.500000000e+00, v41;
	_ =	sdelay $0x1  }
0x1c1: {  	v40 =	vmul.f32 v41, v40;
	_ =	sdelay $0x1  }
0x1c2: {  	v39 =	vmul.f32 v40, v39;
	_ =	sdelay $0x1  }
0x1c3: {  	v39 =	vmul.f32 v39, v40;
	_ =	sdelay $0x1  }
0x1c4: {  	v39 =	vsub.f32 $1.500000000e+00, v39;
	_ =	sdelay $0x1  }
0x1c5: {  	v39 =	vmul.f32 v39, v40  }
0x1c6: {  	[smem:$0x7D6] =	sst s6  }
0x1c7: {  	s5 =	rddreg [dreg:$0x10];
	s21 =	simm.s32 $0xB;
	[tilespmem:s10+$0xED00] =	vst v39  }
0x1c8: {  	[spmem:s5] =	stream.linear.scatter [tilespmem:s3], [sflag:$0xB], $0x280, $0x38;
	[tilespmem:$0x1F288] =	vst v63  }
0x1c9: {  	_ =	swait.ge [sflag:s21], $0x280  }
0x1ca: {  	[sflag:s21] =	ssyncset.done $0x0  }
0x1cb: {  	s10 =	simm.s32 $0x1;
	[sflag:s21] =	ssyncadd.s32 $0xFFFFFD80  }
0x1cc: {  	_ =	swait.ge [sflag:s10], $0x2800  }
0x1cd: {  	[sflag:s10] =	ssyncset.done $0x0  }
0x1ce: {  	s11 =	simm.s32 $0x2;
	[sflag:s10] =	ssyncadd.s32 $0xFFFFD800  }
0x1cf: {  	_ =	swait.ge [sflag:s11], $0x2800  }
0x1d0: {  	[sflag:s11] =	ssyncset.done $0x0  }
0x1d1: {  	s6 =	simm.s32 $0x3;
	[sflag:s11] =	ssyncadd.s32 $0xFFFFD800  }
0x1d2: {  	_ =	swait.ge [sflag:s6], $0x2800  }
0x1d3: {  	[sflag:s6] =	ssyncset.done $0x0  }
0x1d4: {  	s7 =	simm.s32 $0x4;
	[sflag:s6] =	ssyncadd.s32 $0xFFFFD800  }
0x1d5: {  	_ =	swait.ge [sflag:s7], $0x2800  }
0x1d6: {  	[sflag:s7] =	ssyncset.done $0x0  }
0x1d7: {  	[sflag:s7] =	ssyncadd.s32 $0xFFFFD800  }
0x1d8: {  	[bflag:$0x0] =	sbarrier.arrive $0xFFFF  }
0x1d9: {  	s19 =	rddreg [dreg:$0x7]  }
0x1da: {  	[tilespmem:s4], [sflag:$0xB] =	stream.linear.gather [spmem:s19], $0x2800, $0x38;
	[tilespmem:$0x1F288] =	vst v63  }
0x1db: {  	_ =	swait.ge [sflag:s21], $0x2800  }
0x1dc: {  	[sflag:s21] =	ssyncset.done $0x0  }
0x1dd: {  	s6 =	rddreg [dreg:$0x11];
	[sflag:s21] =	ssyncadd.s32 $0xFFFFD800  }
0x1de: {  	v62 =	vld [tilespmem:s6+$0x9D80]  }
0x1df: {  	v63 =	vld [tilespmem:s6+$0xC500];
	_ =	sdelay $0x4  }
0x1e0: {  	v39 =	vmul.u32 $0x2800, v62;
	v40 =	vmul.f32 v63, v63  }
0x1e1: {  	s7 =	sld [smem:$0x7E7]  }
0x1e2: {  	v39 =	vadd.s32 v39, v10;
	[tilespmem:$0x12400] =	vst v40  }
0x1e3: {  	[tilespmem:$0x12000] =	vst v39  }
0x1e4: {  	v39 =	vld [tilespmem:s7+$0x9D80]  }
0x1e5: {  	v40 =	vld [tilespmem:s7+$0xC500];
	_ =	sdelay $0x4  }
0x1e6: {  	v39 =	vmul.u32 $0x2800, v39;
	v40 =	vmul.f32 v40, v40  }
0x1e7: {  	s19 =	sld [smem:$0x7E8]  }
0x1e8: {  	v39 =	vadd.s32 v39, v11;
	[tilespmem:$0x12410] =	vst v40  }
0x1e9: {  	[tilespmem:$0x12010] =	vst v39  }
0x1ea: {  	v39 =	vld [tilespmem:s19+$0x9D80]  }
0x1eb: {  	v40 =	vld [tilespmem:s19+$0xC500];
	_ =	sdelay $0x4  }
0x1ec: {  	v39 =	vmul.u32 $0x2800, v39;
	v40 =	vmul.f32 v40, v40  }
0x1ed: {  	s21 =	sld [smem:$0x7E9]  }
0x1ee: {  	v39 =	vadd.s32 v39, v12;
	[tilespmem:$0x12420] =	vst v40  }
0x1ef: {  	[tilespmem:$0x12020] =	vst v39  }
0x1f0: {  	v39 =	vld [tilespmem:s21+$0x9D80]  }
0x1f1: {  	v40 =	vld [tilespmem:s21+$0xC500];
	_ =	sdelay $0x4  }
0x1f2: {  	v39 =	vmul.u32 $0x2800, v39;
	v40 =	vmul.f32 v40, v40  }
0x1f3: {  	s6 =	sld [smem:$0x7EA]  }
0x1f4: {  	v39 =	vadd.s32 v39, v13;
	[tilespmem:$0x12430] =	vst v40  }
0x1f5: {  	[tilespmem:$0x12030] =	vst v39  }
0x1f6: {  	v39 =	vld [tilespmem:s6+$0x9D80]  }
0x1f7: {  	v40 =	vld [tilespmem:s6+$0xC500];
	_ =	sdelay $0x4  }
0x1f8: {  	v39 =	vmul.u32 $0x2800, v39;
	v40 =	vmul.f32 v40, v40  }
0x1f9: {  	s7 =	sld [smem:$0x7EB]  }
0x1fa: {  	v39 =	vadd.s32 v39, v14;
	[tilespmem:$0x12440] =	vst v40  }
0x1fb: {  	[tilespmem:$0x12040] =	vst v39  }
0x1fc: {  	v39 =	vld [tilespmem:s7+$0x9D80]  }
0x1fd: {  	v40 =	vld [tilespmem:s7+$0xC500];
	_ =	sdelay $0x4  }
0x1fe: {  	v39 =	vmul.u32 $0x2800, v39;
	v40 =	vmul.f32 v40, v40  }
0x1ff: {  	s19 =	sld [smem:$0x7EC]  }
0x200: {  	v39 =	vadd.s32 v39, v15;
	[tilespmem:$0x12450] =	vst v40  }
0x201: {  	[tilespmem:$0x12050] =	vst v39  }
0x202: {  	v39 =	vld [tilespmem:s19+$0x9D80]  }
0x203: {  	v40 =	vld [tilespmem:s19+$0xC500];
	_ =	sdelay $0x4  }
0x204: {  	v39 =	vmul.u32 $0x2800, v39;
	v40 =	vmul.f32 v40, v40  }
0x205: {  	s21 =	sld [smem:$0x7ED]  }
0x206: {  	v39 =	vadd.s32 v39, v16;
	[tilespmem:$0x12460] =	vst v40  }
0x207: {  	[tilespmem:$0x12060] =	vst v39  }
0x208: {  	v39 =	vld [tilespmem:s21+$0x9D80]  }
0x209: {  	v40 =	vld [tilespmem:s21+$0xC500];
	_ =	sdelay $0x4  }
0x20a: {  	v39 =	vmul.u32 $0x2800, v39;
	v40 =	vmul.f32 v40, v40;
	_ =	sdelay $0x1  }
0x20b: {  	s6 =	sld [smem:$0x7EE];
	v39 =	vadd.s32 v39, v17;
	[tilespmem:$0x12470] =	vst v40  }
0x20c: {  	[tilespmem:$0x12070] =	vst v39  }
0x20d: {  	[spmem:s2] =	stream.indirect.scatter.add.f32 [tilespmem:s23], [sflag:$0x1], $0x1, s22, s20, $0xb8;
	[tilespmem:$0x1F288] =	vst v63  }
0x20e: {  	v39 =	vld [tilespmem:s6+$0x9D80]  }
0x20f: {  	v40 =	vld [tilespmem:s6+$0xC500];
	_ =	sdelay $0x4  }
0x210: {  	v39 =	vmul.u32 $0x2800, v39;
	v40 =	vmul.f32 v40, v40  }
0x211: {  	s7 =	sld [smem:$0x7EF]  }
0x212: {  	v39 =	vadd.s32 v39, v18;
	[tilespmem:$0x12480] =	vst v40  }
0x213: {  	[tilespmem:$0x12080] =	vst v39  }
0x214: {  	v39 =	vld [tilespmem:s7+$0x9D80]  }
0x215: {  	v40 =	vld [tilespmem:s7+$0xC500];
	_ =	sdelay $0x4  }
0x216: {  	v39 =	vmul.u32 $0x2800, v39;
	v40 =	vmul.f32 v40, v40  }
0x217: {  	s19 =	sld [smem:$0x7F0]  }
0x218: {  	v39 =	vadd.s32 v39, v19;
	[tilespmem:$0x12490] =	vst v40  }
0x219: {  	[tilespmem:$0x12090] =	vst v39  }
0x21a: {  	v39 =	vld [tilespmem:s19+$0x9D80]  }
0x21b: {  	v40 =	vld [tilespmem:s19+$0xC500];
	_ =	sdelay $0x4  }
0x21c: {  	v39 =	vmul.u32 $0x2800, v39;
	v40 =	vmul.f32 v40, v40  }
0x21d: {  	s21 =	sld [smem:$0x7F1]  }
0x21e: {  	v39 =	vadd.s32 v39, v20;
	[tilespmem:$0x124A0] =	vst v40  }
0x21f: {  	[tilespmem:$0x120A0] =	vst v39  }
0x220: {  	v39 =	vld [tilespmem:s21+$0x9D80]  }
0x221: {  	v40 =	vld [tilespmem:s21+$0xC500];
	_ =	sdelay $0x4  }
0x222: {  	v39 =	vmul.u32 $0x2800, v39;
	v40 =	vmul.f32 v40, v40  }
0x223: {  	s6 =	sld [smem:$0x7F2]  }
0x224: {  	v39 =	vadd.s32 v39, v21;
	[tilespmem:$0x124B0] =	vst v40  }
0x225: {  	[tilespmem:$0x120B0] =	vst v39  }
0x226: {  	v39 =	vld [tilespmem:s6+$0x9D80]  }
0x227: {  	v40 =	vld [tilespmem:s6+$0xC500];
	_ =	sdelay $0x4  }
0x228: {  	v39 =	vmul.u32 $0x2800, v39;
	v40 =	vmul.f32 v40, v40  }
0x229: {  	s7 =	sld [smem:$0x7F3]  }
0x22a: {  	v39 =	vadd.s32 v39, v22;
	[tilespmem:$0x124C0] =	vst v40  }
0x22b: {  	[tilespmem:$0x120C0] =	vst v39  }
0x22c: {  	v39 =	vld [tilespmem:s7+$0x9D80]  }
0x22d: {  	v40 =	vld [tilespmem:s7+$0xC500];
	_ =	sdelay $0x4  }
0x22e: {  	v39 =	vmul.u32 $0x2800, v39;
	v40 =	vmul.f32 v40, v40  }
0x22f: {  	s19 =	sld [smem:$0x7F4]  }
0x230: {  	v39 =	vadd.s32 v39, v23;
	[tilespmem:$0x124D0] =	vst v40  }
0x231: {  	[tilespmem:$0x120D0] =	vst v39  }
0x232: {  	v39 =	vld [tilespmem:s19+$0x9D80]  }
0x233: {  	v40 =	vld [tilespmem:s19+$0xC500];
	_ =	sdelay $0x4  }
0x234: {  	v39 =	vmul.u32 $0x2800, v39;
	v40 =	vmul.f32 v40, v40  }
0x235: {  	s21 =	sld [smem:$0x7F5]  }
0x236: {  	v39 =	vadd.s32 v39, v24;
	[tilespmem:$0x124E0] =	vst v40  }
0x237: {  	[tilespmem:$0x120E0] =	vst v39  }
0x238: {  	v39 =	vld [tilespmem:s21+$0x9D80]  }
0x239: {  	v40 =	vld [tilespmem:s21+$0xC500];
	_ =	sdelay $0x4  }
.Ltmp11:
0x23a: {  	v39 =	vmul.u32 $0x2800, v39;
	v40 =	vmul.f32 v40, v40;
	(pc) =	sbr.rel @p6 .LBB2_19-.Ltmp11, $4  }
0x23b: {  	_ = 	snop  }
0x23c: {  	v39 =	vadd.s32 v39, v25;
	[tilespmem:$0x124F0] =	vst v40  }
0x23d: {  	[tilespmem:$0x120F0] =	vst v39  }
0x23e: {  	[spmem:s2] =	stream.indirect.scatter.add.f32 [tilespmem:s29], [sflag:$0x2], $0x1, s24, s20, $0xb8;
	[tilespmem:$0x1F288] =	vst v63  }
0x23f: {  	s5 =	sld [smem:$0x7F6];
	_ =	sdelay $0x2  }
0x240: {  	v39 =	vld [tilespmem:s5+$0x9D80]  }
0x241: {  	v40 =	vld [tilespmem:s5+$0xC500];
	_ =	sdelay $0x3  }
0x242: {  	v39 =	vmul.u32 $0x2800, v39  }
0x243: {  	v40 =	vmul.f32 v40, v40  }
0x244: {  	s19 =	sld [smem:$0x7F7];
	v39 =	vadd.s32 v39, v26  }
0x245: {  	v49 =	vnsel vm7, $0x0, v40;
	[tilespmem:$0x12100] =	vst v39  }
0x246: {  	[tilespmem:$0x12500] =	vst v49  }
0x247: {  	v39 =	vld [tilespmem:s19+$0x9D80]  }
0x248: {  	v50 =	vld [tilespmem:s19+$0xC500];
	_ =	sdelay $0x3  }
0x249: {  	v39 =	vmul.u32 $0x2800, v39  }
0x24a: {  	v40 =	vmul.f32 v50, v50  }
0x24b: {  	s21 =	sld [smem:$0x7F8];
	v39 =	vadd.s32 v39, v27  }
0x24c: {  	v51 =	vnsel vm6, $0x0, v40;
	[tilespmem:$0x12110] =	vst v39  }
0x24d: {  	[tilespmem:$0x12510] =	vst v51  }
0x24e: {  	v39 =	vld [tilespmem:s21+$0x9D80]  }
0x24f: {  	v52 =	vld [tilespmem:s21+$0xC500];
	_ =	sdelay $0x3  }
0x250: {  	v39 =	vmul.u32 $0x2800, v39  }
0x251: {  	v40 =	vmul.f32 v52, v52  }
0x252: {  	s6 =	sld [smem:$0x7F9];
	v39 =	vadd.s32 v39, v28  }
0x253: {  	v53 =	vnsel vm5, $0x0, v40;
	[tilespmem:$0x12120] =	vst v39  }
0x254: {  	[tilespmem:$0x12520] =	vst v53  }
0x255: {  	v39 =	vld [tilespmem:s6+$0x9D80]  }
0x256: {  	v54 =	vld [tilespmem:s6+$0xC500];
	_ =	sdelay $0x3  }
0x257: {  	v39 =	vmul.u32 $0x2800, v39  }
0x258: {  	v40 =	vmul.f32 v54, v54  }
0x259: {  	s7 =	sld [smem:$0x7FA];
	v39 =	vadd.s32 v39, v29  }
0x25a: {  	v55 =	vnsel vm4, $0x0, v40;
	[tilespmem:$0x12130] =	vst v39  }
0x25b: {  	[tilespmem:$0x12530] =	vst v55  }
0x25c: {  	v39 =	vld [tilespmem:s7+$0x9D80]  }
0x25d: {  	v56 =	vld [tilespmem:s7+$0xC500];
	_ =	sdelay $0x3  }
0x25e: {  	v39 =	vmul.u32 $0x2800, v39  }
0x25f: {  	v40 =	vmul.f32 v56, v56  }
0x260: {  	s10 =	sld [smem:$0x7FB];
	v39 =	vadd.s32 v39, v30  }
0x261: {  	v57 =	vnsel vm3, $0x0, v40;
	[tilespmem:$0x12140] =	vst v39  }
0x262: {  	[tilespmem:$0x12540] =	vst v57  }
0x263: {  	v39 =	vld [tilespmem:s10+$0x9D80]  }
0x264: {  	v58 =	vld [tilespmem:s10+$0xC500];
	_ =	sdelay $0x3  }
0x265: {  	v39 =	vmul.u32 $0x2800, v39  }
0x266: {  	v40 =	vmul.f32 v58, v58  }
0x267: {  	s11 =	sld [smem:$0x7FC];
	v39 =	vadd.s32 v39, v31  }
0x268: {  	v59 =	vnsel vm2, $0x0, v40;
	[tilespmem:$0x12150] =	vst v39  }
0x269: {  	[tilespmem:$0x12550] =	vst v59  }
0x26a: {  	v39 =	vld [tilespmem:s11+$0x9D80]  }
0x26b: {  	v60 =	vld [tilespmem:s11+$0xC500];
	_ =	sdelay $0x3  }
0x26c: {  	v39 =	vmul.u32 $0x2800, v39  }
0x26d: {  	v40 =	vmul.f32 v60, v60  }
0x26e: {  	s19 =	sld [smem:$0x7FD];
	v39 =	vadd.s32 v39, v32  }
0x26f: {  	v61 =	vnsel vm1, $0x0, v40;
	[tilespmem:$0x12160] =	vst v39  }
0x270: {  	[tilespmem:$0x12560] =	vst v61  }
0x271: {  	v39 =	vld [tilespmem:s19+$0x9D80]  }
0x272: {  	v62 =	vld [tilespmem:s19+$0xC500];
	_ =	sdelay $0x3  }
0x273: {  	v39 =	vmul.u32 $0x2800, v39  }
0x274: {  	v40 =	vmul.f32 v62, v62  }
0x275: {  	v39 =	vadd.s32 v39, v33  }
0x276: {  	v63 =	vnsel vm0, $0x0, v40;
	[tilespmem:$0x12170] =	vst v39  }
0x277: {  	s21 =	simm.s32 $0x1;
	[tilespmem:$0x12570] =	vst v63  }
0x278: {  	[spmem:s2] =	stream.indirect.scatter.add.f32 [tilespmem:s31], [sflag:$0x3], $0x1, s30, s20, $0xb8;
	[tilespmem:$0x1F288] =	vst v63  }
0x279: {  	_ =	swait.ge [sflag:s21], $0x80  }
0x27a: {  	[sflag:s21] =	ssyncset.done $0x0  }
0x27b: {  	s10 =	simm.s32 $0x2;
	s11 =	simm.s32 $0x3;
	[sflag:s21] =	ssyncadd.s32 $0xFFFFFF80  }
.LBB2_19:
0x27c: {  	_ =	swait.ge [sflag:s10], $0x80  }
0x27d: {  	[sflag:s10] =	ssyncset.done $0x0  }
0x27e: {  	[sflag:s10] =	ssyncadd.s32 $0xFFFFFF80  }
0x27f: {  	_ =	swait.ge [sflag:s11], $0x80  }
0x280: {  	[sflag:s11] =	ssyncset.done $0x0  }
0x281: {  	[sflag:s11] =	ssyncadd.s32 $0xFFFFFF80  }
0x282: {  	v39 =	vld [tilespmem:s13+$0x9D80];
	_ =	sdelay $0x7  }
0x283: {  	[tilespmem:v39+s0+$0x0] =	vst.idx.add.f32.msk $0xffff, v0  }
0x284: {  	v39 =	vld [tilespmem:s13+$0x9D90];
	_ =	sdelay $0x7  }
0x285: {  	[tilespmem:v39+s0+$0x0] =	vst.idx.add.f32.msk $0xffff, v0  }
0x286: {  	v39 =	vld [tilespmem:s13+$0x9DA0];
	_ =	sdelay $0x7  }
0x287: {  	[tilespmem:v39+s0+$0x0] =	vst.idx.add.f32.msk $0xffff, v0  }
0x288: {  	v39 =	vld [tilespmem:s13+$0x9DB0];
	_ =	sdelay $0x7  }
0x289: {  	[tilespmem:v39+s0+$0x0] =	vst.idx.add.f32.msk $0xffff, v0  }
0x28a: {  	v39 =	vld [tilespmem:s13+$0x9DC0];
	_ =	sdelay $0x7  }
0x28b: {  	[tilespmem:v39+s0+$0x0] =	vst.idx.add.f32.msk $0xffff, v0  }
0x28c: {  	v39 =	vld [tilespmem:s13+$0x9DD0];
	_ =	sdelay $0x7  }
0x28d: {  	[tilespmem:v39+s0+$0x0] =	vst.idx.add.f32.msk $0xffff, v0  }
0x28e: {  	v39 =	vld [tilespmem:s13+$0x9DE0];
	_ =	sdelay $0x7  }
0x28f: {  	[tilespmem:v39+s0+$0x0] =	vst.idx.add.f32.msk $0xffff, v0  }
0x290: {  	v39 =	vld [tilespmem:s13+$0x9DF0];
	_ =	sdelay $0x7  }
0x291: {  	[tilespmem:v39+s0+$0x0] =	vst.idx.add.f32.msk $0xffff, v0  }
0x292: {  	v39 =	vld [tilespmem:s13+$0xA580];
	_ =	sdelay $0x7  }
0x293: {  	[tilespmem:v39+s0+$0x0] =	vst.idx.add.f32.msk $0xffff, v0  }
0x294: {  	v39 =	vld [tilespmem:s13+$0xA590];
	_ =	sdelay $0x7  }
0x295: {  	[tilespmem:v39+s0+$0x0] =	vst.idx.add.f32.msk $0xffff, v0  }
0x296: {  	v39 =	vld [tilespmem:s13+$0xA5A0];
	_ =	sdelay $0x7  }
0x297: {  	[tilespmem:v39+s0+$0x0] =	vst.idx.add.f32.msk $0xffff, v0  }
0x298: {  	v39 =	vld [tilespmem:s13+$0xA5B0];
	_ =	sdelay $0x7  }
0x299: {  	[tilespmem:v39+s0+$0x0] =	vst.idx.add.f32.msk $0xffff, v0  }
0x29a: {  	v39 =	vld [tilespmem:s13+$0xA5C0];
	_ =	sdelay $0x7  }
0x29b: {  	[tilespmem:v39+s0+$0x0] =	vst.idx.add.f32.msk $0xffff, v0  }
0x29c: {  	v39 =	vld [tilespmem:s13+$0xA5D0];
	_ =	sdelay $0x7  }
0x29d: {  	[tilespmem:v39+s0+$0x0] =	vst.idx.add.f32.msk $0xffff, v0  }
0x29e: {  	v39 =	vld [tilespmem:s13+$0xA5E0];
	_ =	sdelay $0x7  }
0x29f: {  	[tilespmem:v39+s0+$0x0] =	vst.idx.add.f32.msk $0xffff, v0  }
0x2a0: {  	v39 =	vld [tilespmem:s13+$0xA5F0];
	_ =	sdelay $0x7  }
0x2a1: {  	[tilespmem:v39+s0+$0x0] =	vst.idx.add.f32.msk $0xffff, v0  }
0x2a2: {  	v39 =	vld [tilespmem:s13+$0xAD80];
	_ =	sdelay $0x7  }
0x2a3: {  	[tilespmem:v39+s0+$0x0] =	vst.idx.add.f32.msk $0xffff, v0  }
0x2a4: {  	v39 =	vld [tilespmem:s13+$0xAD90];
	_ =	sdelay $0x7  }
0x2a5: {  	[tilespmem:v39+s0+$0x0] =	vst.idx.add.f32.msk $0xffff, v0  }
0x2a6: {  	v39 =	vld [tilespmem:s13+$0xADA0];
	_ =	sdelay $0x7  }
0x2a7: {  	[tilespmem:v39+s0+$0x0] =	vst.idx.add.f32.msk $0xffff, v0  }
0x2a8: {  	v39 =	vld [tilespmem:s13+$0xADB0];
	_ =	sdelay $0x7  }
0x2a9: {  	[tilespmem:v39+s0+$0x0] =	vst.idx.add.f32.msk $0xffff, v0  }
0x2aa: {  	v39 =	vld [tilespmem:s13+$0xADC0];
	_ =	sdelay $0x7  }
0x2ab: {  	[tilespmem:v39+s0+$0x0] =	vst.idx.add.f32.msk $0xffff, v0  }
0x2ac: {  	v39 =	vld [tilespmem:s13+$0xADD0];
	_ =	sdelay $0x7  }
0x2ad: {  	[tilespmem:v39+s0+$0x0] =	vst.idx.add.f32.msk $0xffff, v0  }
0x2ae: {  	v39 =	vld [tilespmem:s13+$0xADE0];
	_ =	sdelay $0x7  }
0x2af: {  	[tilespmem:v39+s0+$0x0] =	vst.idx.add.f32.msk $0xffff, v0  }
0x2b0: {  	v39 =	vld [tilespmem:s13+$0xADF0];
	_ =	sdelay $0x7  }
0x2b1: {  	[tilespmem:v39+s0+$0x0] =	vst.idx.add.f32.msk $0xffff, v0  }
0x2b2: {  	v39 =	vld [tilespmem:s13+$0xB580];
	_ =	sdelay $0x7  }
0x2b3: {  	[tilespmem:v39+s0+$0x0] =	vst.idx.add.f32.msk $0xffff, v0  }
0x2b4: {  	v39 =	vld [tilespmem:s13+$0xB590];
	_ =	sdelay $0x7  }
0x2b5: {  	[tilespmem:v39+s0+$0x0] =	vst.idx.add.f32.msk $0xffff, v0  }
0x2b6: {  	v39 =	vld [tilespmem:s13+$0xB5A0];
	_ =	sdelay $0x7  }
0x2b7: {  	[tilespmem:v39+s0+$0x0] =	vst.idx.add.f32.msk $0xffff, v0  }
0x2b8: {  	v39 =	vld [tilespmem:s13+$0xB5B0];
	_ =	sdelay $0x7  }
0x2b9: {  	[tilespmem:v39+s0+$0x0] =	vst.idx.add.f32.msk $0xffff, v0  }
0x2ba: {  	v39 =	vld [tilespmem:s13+$0xB5C0];
	_ =	sdelay $0x7  }
0x2bb: {  	[tilespmem:v39+s0+$0x0] =	vst.idx.add.f32.msk $0xffff, v0  }
0x2bc: {  	v39 =	vld [tilespmem:s13+$0xB5D0];
	_ =	sdelay $0x7  }
0x2bd: {  	[tilespmem:v39+s0+$0x0] =	vst.idx.add.f32.msk $0xffff, v0  }
0x2be: {  	v39 =	vld [tilespmem:s13+$0xB5E0];
	_ =	sdelay $0x7  }
0x2bf: {  	[tilespmem:v39+s0+$0x0] =	vst.idx.add.f32.msk $0xffff, v0  }
0x2c0: {  	v39 =	vld [tilespmem:s13+$0xB5F0];
	_ =	sdelay $0x7  }
0x2c1: {  	s10 =	rddreg [dreg:$0x13];
	[tilespmem:v39+s0+$0x0] =	vst.idx.add.f32.msk $0xffff, v0  }
0x2c2: {  	v39 =	vld @!p4 [tilespmem:s10+$0x9D80];
	_ =	sdelay $0x6  }
0x2c3: {  	s5 =	simm.s32 @!p4 $0x11F00  }
0x2c4: {  	[tilespmem:v39+s5+$0x0] =	vst.idx.add.f32.msk @!p4 $0xffff, v1  }
0x2c5: {  	v39 =	vld @!p4 [tilespmem:s10+$0x9D90];
	_ =	sdelay $0x7  }
0x2c6: {  	[tilespmem:v39+s5+$0x0] =	vst.idx.add.f32.msk @!p4 $0xffff, v2  }
0x2c7: {  	v39 =	vld @!p4 [tilespmem:s10+$0x9DA0];
	_ =	sdelay $0x7  }
0x2c8: {  	[tilespmem:v39+s5+$0x0] =	vst.idx.add.f32.msk @!p4 $0xffff, v3  }
0x2c9: {  	v39 =	vld @!p4 [tilespmem:s10+$0x9DB0];
	_ =	sdelay $0x7  }
0x2ca: {  	[tilespmem:v39+s5+$0x0] =	vst.idx.add.f32.msk @!p4 $0xffff, v4  }
0x2cb: {  	v39 =	vld @!p4 [tilespmem:s10+$0x9DC0];
	_ =	sdelay $0x7  }
0x2cc: {  	[tilespmem:v39+s5+$0x0] =	vst.idx.add.f32.msk @!p4 $0xffff, v5  }
0x2cd: {  	v39 =	vld @!p4 [tilespmem:s10+$0x9DD0];
	_ =	sdelay $0x7  }
0x2ce: {  	[tilespmem:v39+s5+$0x0] =	vst.idx.add.f32.msk @!p4 $0xffff, v6  }
0x2cf: {  	v39 =	vld @!p4 [tilespmem:s10+$0x9DE0];
	_ =	sdelay $0x7  }
0x2d0: {  	[tilespmem:v39+s5+$0x0] =	vst.idx.add.f32.msk @!p4 $0xffff, v7  }
0x2d1: {  	v39 =	vld @!p4 [tilespmem:s10+$0x9DF0];
	_ =	sdelay $0x6  }
0x2d2: {  	s6 =	simm.s32 $0x40  }
0x2d3: {  	s7 =	simm.s32 $0x11F80;
	s19 =	simm.s32 $0xB;
	s11 =	rddreg [dreg:$0x5];
	[tilespmem:v39+s5+$0x0] =	vst.idx.add.f32.msk @!p4 $0xffff, v8  }
0x2d4: {  	[spmem:s11] =	stream.indirect.scatter.add.f32 [tilespmem:s0], [sflag:$0xB], $0x1, s7, s6, $0xb8;
	[tilespmem:$0x1F288] =	vst v63  }
0x2d5: {  	_ =	swait.ge [sflag:s19], $0x40  }
0x2d6: {  	[sflag:s19] =	ssyncset.done $0x0  }
0x2d7: {  	s21 =	simm.s32 $0x6;
	[sflag:s19] =	ssyncadd.s32 $0xFFFFFFC0  }
0x2d8: {  	_ =	swait.ge [sflag:s21], $0x2780  }
.Ltmp12:
0x2d9: {  	[sflag:s21] =	ssyncset.done $0x0;
	(pc) =	sbr.rel .LBB2_20-.Ltmp12, $4  }
0x2da: {  	[sflag:s21] =	ssyncadd.s32 $0xFFFFD880  }
0x2db: {  	s10 =	simm.s32 $0x7;
	_ =	swait.ge [sflag:s21], $0x2780  }
0x2dc: {  	s11 =	simm.s32 $0x7800;
	s6 =	simm.s32 $0x12580;
	[sflag:s21] =	ssyncset.done $0x0  }
0x2dd: {  	s7 =	simm.s32 $0x12200;
	[sflag:s21] =	ssyncadd.s32 $0xFFFFD880;
	s21 =	simm.s32 $0x5080  }
.LBB2_36:
0x2de: {  	s10 =	sadd.s32 $0x8, s10  }
0x2df: {  	p0 =	sne.s32 s10, $0x57  }
.Ltmp13:
0x2e0: {  	_ = 	snop;
	(pc) =	sbr.rel @!p0 .LBB2_37-.Ltmp13, $2  }
0x2e1: {  	_ =	sdelay $0x2  }
0x2e2: {  	s21 =	sadd.s32 $0x400, s21;
	s11 =	sadd.s32 $0x400, s11  }
.LBB2_20:
0x2e3: {  	s5 =	sadd.s32 $0xFFFFFFF9, s10  }
0x2e4: {  	p0 =	sge.s32 s5, s18  }
.Ltmp14:
0x2e5: {  	_ = 	snop;
	(pc) =	sbr.rel @p0 .LBB2_22-.Ltmp14, $2  }
0x2e6: {  	_ =	sdelay $0x2  }
0x2e7: {  	p5 =	seq.s32 s10, $0x7  }
0x2e8: {  	s5 =	simm.s32 @!p5 $0x1  }
0x2e9: {  	_ =	swait.ge @!p5 [sflag:s5], $0x80  }
0x2ea: {  	[sflag:s5] =	ssyncset.done @!p5 $0x0  }
0x2eb: {  	[sflag:s5] =	ssyncadd.s32 @!p5 $0xFFFFFF80  }
0x2ec: {  	v39 =	vld [tilespmem:s11+$0xFFFFFE00];
	_ =	sdelay $0x1  }
0x2ed: {  	v40 =	vld [tilespmem:s21+$0xFFFFFE00];
	_ =	sdelay $0x5  }
0x2ee: {  	v41 =	vld.idx.msk [tilespmem:v39+s14+$0x0], $0xffff  }
0x2ef: {  	v39 =	vld.idx.msk [tilespmem:v39+s4+$0x0], $0xffff  }
0x2f0: {  	v42 =	vld.idx.msk [tilespmem:v40+s4+$0x0], $0xffff;
	_ =	sdelay $0x4  }
0x2f1: {  	v41 =	vmul.u32 $0x2800, v41;
	v39 =	vmul.f32 v42, v39;
	_ =	sdelay $0x1  }
0x2f2: {  	v40 =	vadd.s32 v40, v41;
	[tilespmem:$0x12400] =	vst v39  }
0x2f3: {  	[tilespmem:$0x12000] =	vst v40  }
0x2f4: {  	v39 =	vld [tilespmem:s11+$0xFFFFFE10];
	_ =	sdelay $0x1  }
0x2f5: {  	v40 =	vld [tilespmem:s21+$0xFFFFFE10];
	_ =	sdelay $0x5  }
0x2f6: {  	v50 =	vld.idx.msk [tilespmem:v39+s14+$0x0], $0xffff  }
0x2f7: {  	v39 =	vld.idx.msk [tilespmem:v39+s4+$0x0], $0xffff  }
0x2f8: {  	v51 =	vld.idx.msk [tilespmem:v40+s4+$0x0], $0xffff;
	_ =	sdelay $0x4  }
0x2f9: {  	v41 =	vmul.u32 $0x2800, v50;
	v39 =	vmul.f32 v51, v39;
	_ =	sdelay $0x1  }
0x2fa: {  	v40 =	vadd.s32 v40, v41;
	[tilespmem:$0x12410] =	vst v39  }
0x2fb: {  	[tilespmem:$0x12010] =	vst v40  }
0x2fc: {  	v39 =	vld [tilespmem:s11+$0xFFFFFE20];
	_ =	sdelay $0x1  }
0x2fd: {  	v40 =	vld [tilespmem:s21+$0xFFFFFE20];
	_ =	sdelay $0x5  }
0x2fe: {  	v52 =	vld.idx.msk [tilespmem:v39+s14+$0x0], $0xffff  }
0x2ff: {  	v39 =	vld.idx.msk [tilespmem:v39+s4+$0x0], $0xffff  }
0x300: {  	v53 =	vld.idx.msk [tilespmem:v40+s4+$0x0], $0xffff;
	_ =	sdelay $0x4  }
0x301: {  	v41 =	vmul.u32 $0x2800, v52;
	v39 =	vmul.f32 v53, v39;
	_ =	sdelay $0x1  }
0x302: {  	v40 =	vadd.s32 v40, v41;
	[tilespmem:$0x12420] =	vst v39  }
0x303: {  	[tilespmem:$0x12020] =	vst v40  }
0x304: {  	v39 =	vld [tilespmem:s11+$0xFFFFFE30];
	_ =	sdelay $0x1  }
0x305: {  	v40 =	vld [tilespmem:s21+$0xFFFFFE30];
	_ =	sdelay $0x5  }
0x306: {  	v54 =	vld.idx.msk [tilespmem:v39+s14+$0x0], $0xffff  }
0x307: {  	v39 =	vld.idx.msk [tilespmem:v39+s4+$0x0], $0xffff  }
0x308: {  	v55 =	vld.idx.msk [tilespmem:v40+s4+$0x0], $0xffff;
	_ =	sdelay $0x4  }
0x309: {  	v41 =	vmul.u32 $0x2800, v54;
	v39 =	vmul.f32 v55, v39;
	_ =	sdelay $0x1  }
0x30a: {  	v40 =	vadd.s32 v40, v41;
	[tilespmem:$0x12430] =	vst v39  }
0x30b: {  	[tilespmem:$0x12030] =	vst v40  }
0x30c: {  	v39 =	vld [tilespmem:s11+$0xFFFFFE40];
	_ =	sdelay $0x1  }
0x30d: {  	v40 =	vld [tilespmem:s21+$0xFFFFFE40];
	_ =	sdelay $0x5  }
0x30e: {  	v56 =	vld.idx.msk [tilespmem:v39+s14+$0x0], $0xffff  }
0x30f: {  	v39 =	vld.idx.msk [tilespmem:v39+s4+$0x0], $0xffff  }
0x310: {  	v57 =	vld.idx.msk [tilespmem:v40+s4+$0x0], $0xffff;
	_ =	sdelay $0x4  }
0x311: {  	v41 =	vmul.u32 $0x2800, v56;
	v39 =	vmul.f32 v57, v39;
	_ =	sdelay $0x1  }
0x312: {  	v40 =	vadd.s32 v40, v41;
	[tilespmem:$0x12440] =	vst v39  }
0x313: {  	[tilespmem:$0x12040] =	vst v40  }
0x314: {  	v39 =	vld [tilespmem:s11+$0xFFFFFE50];
	_ =	sdelay $0x1  }
0x315: {  	v40 =	vld [tilespmem:s21+$0xFFFFFE50];
	_ =	sdelay $0x5  }
0x316: {  	v58 =	vld.idx.msk [tilespmem:v39+s14+$0x0], $0xffff  }
0x317: {  	v39 =	vld.idx.msk [tilespmem:v39+s4+$0x0], $0xffff  }
0x318: {  	v59 =	vld.idx.msk [tilespmem:v40+s4+$0x0], $0xffff;
	_ =	sdelay $0x4  }
0x319: {  	v41 =	vmul.u32 $0x2800, v58;
	v39 =	vmul.f32 v59, v39;
	_ =	sdelay $0x1  }
0x31a: {  	v40 =	vadd.s32 v40, v41;
	[tilespmem:$0x12450] =	vst v39  }
0x31b: {  	[tilespmem:$0x12050] =	vst v40  }
0x31c: {  	v39 =	vld [tilespmem:s11+$0xFFFFFE60];
	_ =	sdelay $0x1  }
0x31d: {  	v40 =	vld [tilespmem:s21+$0xFFFFFE60];
	_ =	sdelay $0x5  }
0x31e: {  	v60 =	vld.idx.msk [tilespmem:v39+s14+$0x0], $0xffff  }
0x31f: {  	v39 =	vld.idx.msk [tilespmem:v39+s4+$0x0], $0xffff  }
0x320: {  	v61 =	vld.idx.msk [tilespmem:v40+s4+$0x0], $0xffff;
	_ =	sdelay $0x4  }
0x321: {  	v41 =	vmul.u32 $0x2800, v60;
	v39 =	vmul.f32 v61, v39;
	_ =	sdelay $0x1  }
0x322: {  	v40 =	vadd.s32 v40, v41;
	[tilespmem:$0x12460] =	vst v39  }
0x323: {  	[tilespmem:$0x12060] =	vst v40  }
0x324: {  	v39 =	vld [tilespmem:s11+$0xFFFFFE70];
	_ =	sdelay $0x1  }
0x325: {  	v40 =	vld [tilespmem:s21+$0xFFFFFE70];
	_ =	sdelay $0x5  }
0x326: {  	v62 =	vld.idx.msk [tilespmem:v39+s14+$0x0], $0xffff  }
0x327: {  	v39 =	vld.idx.msk [tilespmem:v39+s4+$0x0], $0xffff  }
0x328: {  	v63 =	vld.idx.msk [tilespmem:v40+s4+$0x0], $0xffff;
	_ =	sdelay $0x4  }
0x329: {  	v41 =	vmul.u32 $0x2800, v62;
	v39 =	vmul.f32 v63, v39;
	_ =	sdelay $0x1  }
0x32a: {  	v40 =	vadd.s32 v40, v41;
	[tilespmem:$0x12470] =	vst v39  }
0x32b: {  	[tilespmem:$0x12070] =	vst v40  }
0x32c: {  	[spmem:s2] =	stream.indirect.scatter.add.f32 [tilespmem:s23], [sflag:$0x1], $0x1, s22, s20, $0xb8;
	[tilespmem:$0x1F288] =	vst v63  }
.LBB2_22:
0x32d: {  	s5 =	sadd.s32 $0xFFFFFFFA, s10  }
0x32e: {  	p0 =	sge.s32 s5, s18  }
.Ltmp15:
0x32f: {  	_ = 	snop;
	(pc) =	sbr.rel @p0 .LBB2_24-.Ltmp15, $1  }
0x330: {  	_ =	sdelay $0x3  }
0x331: {  	s5 =	simm.s32 @!p5 $0x2  }
0x332: {  	_ =	swait.ge @!p5 [sflag:s5], $0x80  }
0x333: {  	[sflag:s5] =	ssyncset.done @!p5 $0x0  }
0x334: {  	[sflag:s5] =	ssyncadd.s32 @!p5 $0xFFFFFF80  }
0x335: {  	v39 =	vld [tilespmem:s11+$0xFFFFFE80];
	_ =	sdelay $0x1  }
0x336: {  	v40 =	vld [tilespmem:s21+$0xFFFFFE80];
	_ =	sdelay $0x5  }
0x337: {  	v41 =	vld.idx.msk [tilespmem:v39+s14+$0x0], $0xffff  }
0x338: {  	v39 =	vld.idx.msk [tilespmem:v39+s4+$0x0], $0xffff  }
0x339: {  	v42 =	vld.idx.msk [tilespmem:v40+s4+$0x0], $0xffff;
	_ =	sdelay $0x4  }
0x33a: {  	v41 =	vmul.u32 $0x2800, v41;
	v39 =	vmul.f32 v42, v39;
	_ =	sdelay $0x1  }
0x33b: {  	v40 =	vadd.s32 v40, v41;
	[tilespmem:$0x12480] =	vst v39  }
0x33c: {  	[tilespmem:$0x12080] =	vst v40  }
0x33d: {  	v39 =	vld [tilespmem:s11+$0xFFFFFE90];
	_ =	sdelay $0x1  }
0x33e: {  	v40 =	vld [tilespmem:s21+$0xFFFFFE90];
	_ =	sdelay $0x5  }
0x33f: {  	v50 =	vld.idx.msk [tilespmem:v39+s14+$0x0], $0xffff  }
0x340: {  	v39 =	vld.idx.msk [tilespmem:v39+s4+$0x0], $0xffff  }
0x341: {  	v51 =	vld.idx.msk [tilespmem:v40+s4+$0x0], $0xffff;
	_ =	sdelay $0x4  }
0x342: {  	v41 =	vmul.u32 $0x2800, v50;
	v39 =	vmul.f32 v51, v39;
	_ =	sdelay $0x1  }
0x343: {  	v40 =	vadd.s32 v40, v41;
	[tilespmem:$0x12490] =	vst v39  }
0x344: {  	[tilespmem:$0x12090] =	vst v40  }
0x345: {  	v39 =	vld [tilespmem:s11+$0xFFFFFEA0];
	_ =	sdelay $0x1  }
0x346: {  	v40 =	vld [tilespmem:s21+$0xFFFFFEA0];
	_ =	sdelay $0x5  }
0x347: {  	v52 =	vld.idx.msk [tilespmem:v39+s14+$0x0], $0xffff  }
0x348: {  	v39 =	vld.idx.msk [tilespmem:v39+s4+$0x0], $0xffff  }
0x349: {  	v53 =	vld.idx.msk [tilespmem:v40+s4+$0x0], $0xffff;
	_ =	sdelay $0x4  }
0x34a: {  	v41 =	vmul.u32 $0x2800, v52;
	v39 =	vmul.f32 v53, v39;
	_ =	sdelay $0x1  }
0x34b: {  	v40 =	vadd.s32 v40, v41;
	[tilespmem:$0x124A0] =	vst v39  }
0x34c: {  	[tilespmem:$0x120A0] =	vst v40  }
0x34d: {  	v39 =	vld [tilespmem:s11+$0xFFFFFEB0];
	_ =	sdelay $0x1  }
0x34e: {  	v40 =	vld [tilespmem:s21+$0xFFFFFEB0];
	_ =	sdelay $0x5  }
0x34f: {  	v54 =	vld.idx.msk [tilespmem:v39+s14+$0x0], $0xffff  }
0x350: {  	v39 =	vld.idx.msk [tilespmem:v39+s4+$0x0], $0xffff  }
0x351: {  	v55 =	vld.idx.msk [tilespmem:v40+s4+$0x0], $0xffff;
	_ =	sdelay $0x4  }
0x352: {  	v41 =	vmul.u32 $0x2800, v54;
	v39 =	vmul.f32 v55, v39;
	_ =	sdelay $0x1  }
0x353: {  	v40 =	vadd.s32 v40, v41;
	[tilespmem:$0x124B0] =	vst v39  }
0x354: {  	[tilespmem:$0x120B0] =	vst v40  }
0x355: {  	v39 =	vld [tilespmem:s11+$0xFFFFFEC0];
	_ =	sdelay $0x1  }
0x356: {  	v40 =	vld [tilespmem:s21+$0xFFFFFEC0];
	_ =	sdelay $0x5  }
0x357: {  	v56 =	vld.idx.msk [tilespmem:v39+s14+$0x0], $0xffff  }
0x358: {  	v39 =	vld.idx.msk [tilespmem:v39+s4+$0x0], $0xffff  }
0x359: {  	v57 =	vld.idx.msk [tilespmem:v40+s4+$0x0], $0xffff;
	_ =	sdelay $0x4  }
0x35a: {  	v41 =	vmul.u32 $0x2800, v56;
	v39 =	vmul.f32 v57, v39;
	_ =	sdelay $0x1  }
0x35b: {  	v40 =	vadd.s32 v40, v41;
	[tilespmem:$0x124C0] =	vst v39  }
0x35c: {  	[tilespmem:$0x120C0] =	vst v40  }
0x35d: {  	v39 =	vld [tilespmem:s11+$0xFFFFFED0];
	_ =	sdelay $0x1  }
0x35e: {  	v40 =	vld [tilespmem:s21+$0xFFFFFED0];
	_ =	sdelay $0x5  }
0x35f: {  	v58 =	vld.idx.msk [tilespmem:v39+s14+$0x0], $0xffff  }
0x360: {  	v39 =	vld.idx.msk [tilespmem:v39+s4+$0x0], $0xffff  }
0x361: {  	v59 =	vld.idx.msk [tilespmem:v40+s4+$0x0], $0xffff;
	_ =	sdelay $0x4  }
0x362: {  	v41 =	vmul.u32 $0x2800, v58;
	v39 =	vmul.f32 v59, v39;
	_ =	sdelay $0x1  }
0x363: {  	v40 =	vadd.s32 v40, v41;
	[tilespmem:$0x124D0] =	vst v39  }
0x364: {  	[tilespmem:$0x120D0] =	vst v40  }
0x365: {  	v39 =	vld [tilespmem:s11+$0xFFFFFEE0];
	_ =	sdelay $0x1  }
0x366: {  	v40 =	vld [tilespmem:s21+$0xFFFFFEE0];
	_ =	sdelay $0x5  }
0x367: {  	v60 =	vld.idx.msk [tilespmem:v39+s14+$0x0], $0xffff  }
0x368: {  	v39 =	vld.idx.msk [tilespmem:v39+s4+$0x0], $0xffff  }
0x369: {  	v61 =	vld.idx.msk [tilespmem:v40+s4+$0x0], $0xffff;
	_ =	sdelay $0x4  }
0x36a: {  	v41 =	vmul.u32 $0x2800, v60;
	v39 =	vmul.f32 v61, v39;
	_ =	sdelay $0x1  }
0x36b: {  	v40 =	vadd.s32 v40, v41;
	[tilespmem:$0x124E0] =	vst v39  }
0x36c: {  	[tilespmem:$0x120E0] =	vst v40  }
0x36d: {  	v39 =	vld [tilespmem:s11+$0xFFFFFEF0];
	_ =	sdelay $0x1  }
0x36e: {  	v40 =	vld [tilespmem:s21+$0xFFFFFEF0];
	_ =	sdelay $0x5  }
0x36f: {  	v62 =	vld.idx.msk [tilespmem:v39+s14+$0x0], $0xffff  }
0x370: {  	v39 =	vld.idx.msk [tilespmem:v39+s4+$0x0], $0xffff  }
0x371: {  	v63 =	vld.idx.msk [tilespmem:v40+s4+$0x0], $0xffff;
	_ =	sdelay $0x4  }
0x372: {  	v41 =	vmul.u32 $0x2800, v62;
	v39 =	vmul.f32 v63, v39;
	_ =	sdelay $0x1  }
0x373: {  	v40 =	vadd.s32 v40, v41;
	[tilespmem:$0x124F0] =	vst v39  }
0x374: {  	[tilespmem:$0x120F0] =	vst v40  }
0x375: {  	[spmem:s2] =	stream.indirect.scatter.add.f32 [tilespmem:s29], [sflag:$0x2], $0x1, s24, s20, $0xb8;
	[tilespmem:$0x1F288] =	vst v63  }
.LBB2_24:
0x376: {  	s5 =	sadd.s32 $0xFFFFFFFB, s10  }
0x377: {  	p0 =	sge.s32 s5, s18  }
.Ltmp16:
0x378: {  	_ = 	snop;
	(pc) =	sbr.rel @p0 .LBB2_26-.Ltmp16, $1  }
0x379: {  	_ =	sdelay $0x3  }
0x37a: {  	s5 =	simm.s32 @!p5 $0x3  }
0x37b: {  	_ =	swait.ge @!p5 [sflag:s5], $0x80  }
0x37c: {  	[sflag:s5] =	ssyncset.done @!p5 $0x0  }
0x37d: {  	[sflag:s5] =	ssyncadd.s32 @!p5 $0xFFFFFF80  }
0x37e: {  	v39 =	vld [tilespmem:s11+$0xFFFFFF00];
	_ =	sdelay $0x1  }
0x37f: {  	v40 =	vld [tilespmem:s21+$0xFFFFFF00];
	_ =	sdelay $0x5  }
0x380: {  	v41 =	vld.idx.msk [tilespmem:v39+s14+$0x0], $0xffff  }
0x381: {  	v39 =	vld.idx.msk [tilespmem:v39+s4+$0x0], $0xffff  }
0x382: {  	v42 =	vld.idx.msk [tilespmem:v40+s4+$0x0], $0xffff;
	_ =	sdelay $0x4  }
0x383: {  	v41 =	vmul.u32 $0x2800, v41;
	v39 =	vmul.f32 v42, v39;
	_ =	sdelay $0x1  }
0x384: {  	v40 =	vadd.s32 v40, v41;
	[tilespmem:$0x12500] =	vst v39  }
0x385: {  	[tilespmem:$0x12100] =	vst v40  }
0x386: {  	v39 =	vld [tilespmem:s11+$0xFFFFFF10];
	_ =	sdelay $0x1  }
0x387: {  	v40 =	vld [tilespmem:s21+$0xFFFFFF10];
	_ =	sdelay $0x5  }
0x388: {  	v50 =	vld.idx.msk [tilespmem:v39+s14+$0x0], $0xffff  }
0x389: {  	v39 =	vld.idx.msk [tilespmem:v39+s4+$0x0], $0xffff  }
0x38a: {  	v51 =	vld.idx.msk [tilespmem:v40+s4+$0x0], $0xffff;
	_ =	sdelay $0x4  }
0x38b: {  	v41 =	vmul.u32 $0x2800, v50;
	v39 =	vmul.f32 v51, v39;
	_ =	sdelay $0x1  }
0x38c: {  	v40 =	vadd.s32 v40, v41;
	[tilespmem:$0x12510] =	vst v39  }
0x38d: {  	[tilespmem:$0x12110] =	vst v40  }
0x38e: {  	v39 =	vld [tilespmem:s11+$0xFFFFFF20];
	_ =	sdelay $0x1  }
0x38f: {  	v40 =	vld [tilespmem:s21+$0xFFFFFF20];
	_ =	sdelay $0x5  }
0x390: {  	v52 =	vld.idx.msk [tilespmem:v39+s14+$0x0], $0xffff  }
0x391: {  	v39 =	vld.idx.msk [tilespmem:v39+s4+$0x0], $0xffff  }
0x392: {  	v53 =	vld.idx.msk [tilespmem:v40+s4+$0x0], $0xffff;
	_ =	sdelay $0x4  }
0x393: {  	v41 =	vmul.u32 $0x2800, v52;
	v39 =	vmul.f32 v53, v39;
	_ =	sdelay $0x1  }
0x394: {  	v40 =	vadd.s32 v40, v41;
	[tilespmem:$0x12520] =	vst v39  }
0x395: {  	[tilespmem:$0x12120] =	vst v40  }
0x396: {  	v39 =	vld [tilespmem:s11+$0xFFFFFF30];
	_ =	sdelay $0x1  }
0x397: {  	v40 =	vld [tilespmem:s21+$0xFFFFFF30];
	_ =	sdelay $0x5  }
0x398: {  	v54 =	vld.idx.msk [tilespmem:v39+s14+$0x0], $0xffff  }
0x399: {  	v39 =	vld.idx.msk [tilespmem:v39+s4+$0x0], $0xffff  }
0x39a: {  	v55 =	vld.idx.msk [tilespmem:v40+s4+$0x0], $0xffff;
	_ =	sdelay $0x4  }
0x39b: {  	v41 =	vmul.u32 $0x2800, v54;
	v39 =	vmul.f32 v55, v39;
	_ =	sdelay $0x1  }
0x39c: {  	v40 =	vadd.s32 v40, v41;
	[tilespmem:$0x12530] =	vst v39  }
0x39d: {  	[tilespmem:$0x12130] =	vst v40  }
0x39e: {  	v39 =	vld [tilespmem:s11+$0xFFFFFF40];
	_ =	sdelay $0x1  }
0x39f: {  	v40 =	vld [tilespmem:s21+$0xFFFFFF40];
	_ =	sdelay $0x5  }
0x3a0: {  	v56 =	vld.idx.msk [tilespmem:v39+s14+$0x0], $0xffff  }
0x3a1: {  	v39 =	vld.idx.msk [tilespmem:v39+s4+$0x0], $0xffff  }
0x3a2: {  	v57 =	vld.idx.msk [tilespmem:v40+s4+$0x0], $0xffff;
	_ =	sdelay $0x4  }
0x3a3: {  	v41 =	vmul.u32 $0x2800, v56;
	v39 =	vmul.f32 v57, v39;
	_ =	sdelay $0x1  }
0x3a4: {  	v40 =	vadd.s32 v40, v41;
	[tilespmem:$0x12540] =	vst v39  }
0x3a5: {  	[tilespmem:$0x12140] =	vst v40  }
0x3a6: {  	v39 =	vld [tilespmem:s11+$0xFFFFFF50];
	_ =	sdelay $0x1  }
0x3a7: {  	v40 =	vld [tilespmem:s21+$0xFFFFFF50];
	_ =	sdelay $0x5  }
0x3a8: {  	v58 =	vld.idx.msk [tilespmem:v39+s14+$0x0], $0xffff  }
0x3a9: {  	v39 =	vld.idx.msk [tilespmem:v39+s4+$0x0], $0xffff  }
0x3aa: {  	v59 =	vld.idx.msk [tilespmem:v40+s4+$0x0], $0xffff;
	_ =	sdelay $0x4  }
0x3ab: {  	v41 =	vmul.u32 $0x2800, v58;
	v39 =	vmul.f32 v59, v39;
	_ =	sdelay $0x1  }
0x3ac: {  	v40 =	vadd.s32 v40, v41;
	[tilespmem:$0x12550] =	vst v39  }
0x3ad: {  	[tilespmem:$0x12150] =	vst v40  }
0x3ae: {  	v39 =	vld [tilespmem:s11+$0xFFFFFF60];
	_ =	sdelay $0x1  }
0x3af: {  	v40 =	vld [tilespmem:s21+$0xFFFFFF60];
	_ =	sdelay $0x5  }
0x3b0: {  	v60 =	vld.idx.msk [tilespmem:v39+s14+$0x0], $0xffff  }
0x3b1: {  	v39 =	vld.idx.msk [tilespmem:v39+s4+$0x0], $0xffff  }
0x3b2: {  	v61 =	vld.idx.msk [tilespmem:v40+s4+$0x0], $0xffff;
	_ =	sdelay $0x4  }
0x3b3: {  	v41 =	vmul.u32 $0x2800, v60;
	v39 =	vmul.f32 v61, v39;
	_ =	sdelay $0x1  }
0x3b4: {  	v40 =	vadd.s32 v40, v41;
	[tilespmem:$0x12560] =	vst v39  }
0x3b5: {  	[tilespmem:$0x12160] =	vst v40  }
0x3b6: {  	v39 =	vld [tilespmem:s11+$0xFFFFFF70];
	_ =	sdelay $0x1  }
0x3b7: {  	v40 =	vld [tilespmem:s21+$0xFFFFFF70];
	_ =	sdelay $0x5  }
0x3b8: {  	v62 =	vld.idx.msk [tilespmem:v39+s14+$0x0], $0xffff  }
0x3b9: {  	v39 =	vld.idx.msk [tilespmem:v39+s4+$0x0], $0xffff  }
0x3ba: {  	v63 =	vld.idx.msk [tilespmem:v40+s4+$0x0], $0xffff;
	_ =	sdelay $0x4  }
0x3bb: {  	v41 =	vmul.u32 $0x2800, v62;
	v39 =	vmul.f32 v63, v39;
	_ =	sdelay $0x1  }
0x3bc: {  	v40 =	vadd.s32 v40, v41;
	[tilespmem:$0x12570] =	vst v39  }
0x3bd: {  	[tilespmem:$0x12170] =	vst v40  }
0x3be: {  	[spmem:s2] =	stream.indirect.scatter.add.f32 [tilespmem:s31], [sflag:$0x3], $0x1, s30, s20, $0xb8;
	[tilespmem:$0x1F288] =	vst v63  }
.LBB2_26:
0x3bf: {  	s5 =	sadd.s32 $0xFFFFFFFC, s10  }
0x3c0: {  	p0 =	sge.s32 s5, s18  }
.Ltmp17:
0x3c1: {  	_ = 	snop;
	(pc) =	sbr.rel @p0 .LBB2_28-.Ltmp17, $1  }
0x3c2: {  	_ =	sdelay $0x3  }
0x3c3: {  	s5 =	simm.s32 @!p5 $0x4  }
0x3c4: {  	_ =	swait.ge @!p5 [sflag:s5], $0x80  }
0x3c5: {  	[sflag:s5] =	ssyncset.done @!p5 $0x0  }
0x3c6: {  	[sflag:s5] =	ssyncadd.s32 @!p5 $0xFFFFFF80  }
0x3c7: {  	v39 =	vld [tilespmem:s11+$0xFFFFFF80];
	_ =	sdelay $0x1  }
0x3c8: {  	v40 =	vld [tilespmem:s21+$0xFFFFFF80];
	_ =	sdelay $0x5  }
0x3c9: {  	v41 =	vld.idx.msk [tilespmem:v39+s14+$0x0], $0xffff  }
0x3ca: {  	v39 =	vld.idx.msk [tilespmem:v39+s4+$0x0], $0xffff  }
0x3cb: {  	v42 =	vld.idx.msk [tilespmem:v40+s4+$0x0], $0xffff;
	_ =	sdelay $0x4  }
0x3cc: {  	v41 =	vmul.u32 $0x2800, v41;
	v39 =	vmul.f32 v42, v39;
	_ =	sdelay $0x1  }
0x3cd: {  	v40 =	vadd.s32 v40, v41;
	[tilespmem:$0x12580] =	vst v39  }
0x3ce: {  	[tilespmem:$0x12180] =	vst v40  }
0x3cf: {  	v39 =	vld [tilespmem:s11+$0xFFFFFF90];
	_ =	sdelay $0x1  }
0x3d0: {  	v40 =	vld [tilespmem:s21+$0xFFFFFF90];
	_ =	sdelay $0x5  }
0x3d1: {  	v50 =	vld.idx.msk [tilespmem:v39+s14+$0x0], $0xffff  }
0x3d2: {  	v39 =	vld.idx.msk [tilespmem:v39+s4+$0x0], $0xffff  }
0x3d3: {  	v51 =	vld.idx.msk [tilespmem:v40+s4+$0x0], $0xffff;
	_ =	sdelay $0x4  }
0x3d4: {  	v41 =	vmul.u32 $0x2800, v50;
	v39 =	vmul.f32 v51, v39;
	_ =	sdelay $0x1  }
0x3d5: {  	v40 =	vadd.s32 v40, v41;
	[tilespmem:$0x12590] =	vst v39  }
0x3d6: {  	[tilespmem:$0x12190] =	vst v40  }
0x3d7: {  	v39 =	vld [tilespmem:s11+$0xFFFFFFA0];
	_ =	sdelay $0x1  }
0x3d8: {  	v40 =	vld [tilespmem:s21+$0xFFFFFFA0];
	_ =	sdelay $0x5  }
0x3d9: {  	v52 =	vld.idx.msk [tilespmem:v39+s14+$0x0], $0xffff  }
0x3da: {  	v39 =	vld.idx.msk [tilespmem:v39+s4+$0x0], $0xffff  }
0x3db: {  	v53 =	vld.idx.msk [tilespmem:v40+s4+$0x0], $0xffff;
	_ =	sdelay $0x4  }
0x3dc: {  	v41 =	vmul.u32 $0x2800, v52;
	v39 =	vmul.f32 v53, v39;
	_ =	sdelay $0x1  }
0x3dd: {  	v40 =	vadd.s32 v40, v41;
	[tilespmem:$0x125A0] =	vst v39  }
0x3de: {  	[tilespmem:$0x121A0] =	vst v40  }
0x3df: {  	v39 =	vld [tilespmem:s11+$0xFFFFFFB0];
	_ =	sdelay $0x1  }
0x3e0: {  	v40 =	vld [tilespmem:s21+$0xFFFFFFB0];
	_ =	sdelay $0x5  }
0x3e1: {  	v54 =	vld.idx.msk [tilespmem:v39+s14+$0x0], $0xffff  }
0x3e2: {  	v39 =	vld.idx.msk [tilespmem:v39+s4+$0x0], $0xffff  }
0x3e3: {  	v55 =	vld.idx.msk [tilespmem:v40+s4+$0x0], $0xffff;
	_ =	sdelay $0x4  }
0x3e4: {  	v41 =	vmul.u32 $0x2800, v54;
	v39 =	vmul.f32 v55, v39;
	_ =	sdelay $0x1  }
0x3e5: {  	v40 =	vadd.s32 v40, v41;
	[tilespmem:$0x125B0] =	vst v39  }
0x3e6: {  	[tilespmem:$0x121B0] =	vst v40  }
0x3e7: {  	v39 =	vld [tilespmem:s11+$0xFFFFFFC0];
	_ =	sdelay $0x1  }
0x3e8: {  	v40 =	vld [tilespmem:s21+$0xFFFFFFC0];
	_ =	sdelay $0x5  }
0x3e9: {  	v56 =	vld.idx.msk [tilespmem:v39+s14+$0x0], $0xffff  }
0x3ea: {  	v39 =	vld.idx.msk [tilespmem:v39+s4+$0x0], $0xffff  }
0x3eb: {  	v57 =	vld.idx.msk [tilespmem:v40+s4+$0x0], $0xffff;
	_ =	sdelay $0x4  }
0x3ec: {  	v41 =	vmul.u32 $0x2800, v56;
	v39 =	vmul.f32 v57, v39;
	_ =	sdelay $0x1  }
0x3ed: {  	v40 =	vadd.s32 v40, v41;
	[tilespmem:$0x125C0] =	vst v39  }
0x3ee: {  	[tilespmem:$0x121C0] =	vst v40  }
0x3ef: {  	v39 =	vld [tilespmem:s11+$0xFFFFFFD0];
	_ =	sdelay $0x1  }
0x3f0: {  	v40 =	vld [tilespmem:s21+$0xFFFFFFD0];
	_ =	sdelay $0x5  }
0x3f1: {  	v58 =	vld.idx.msk [tilespmem:v39+s14+$0x0], $0xffff  }
0x3f2: {  	v39 =	vld.idx.msk [tilespmem:v39+s4+$0x0], $0xffff  }
0x3f3: {  	v59 =	vld.idx.msk [tilespmem:v40+s4+$0x0], $0xffff;
	_ =	sdelay $0x4  }
0x3f4: {  	v41 =	vmul.u32 $0x2800, v58;
	v39 =	vmul.f32 v59, v39;
	_ =	sdelay $0x1  }
0x3f5: {  	v40 =	vadd.s32 v40, v41;
	[tilespmem:$0x125D0] =	vst v39  }
0x3f6: {  	[tilespmem:$0x121D0] =	vst v40  }
0x3f7: {  	v39 =	vld [tilespmem:s11+$0xFFFFFFE0];
	_ =	sdelay $0x1  }
0x3f8: {  	v40 =	vld [tilespmem:s21+$0xFFFFFFE0];
	_ =	sdelay $0x5  }
0x3f9: {  	v60 =	vld.idx.msk [tilespmem:v39+s14+$0x0], $0xffff  }
0x3fa: {  	v39 =	vld.idx.msk [tilespmem:v39+s4+$0x0], $0xffff  }
0x3fb: {  	v61 =	vld.idx.msk [tilespmem:v40+s4+$0x0], $0xffff;
	_ =	sdelay $0x4  }
0x3fc: {  	v41 =	vmul.u32 $0x2800, v60;
	v39 =	vmul.f32 v61, v39;
	_ =	sdelay $0x1  }
0x3fd: {  	v40 =	vadd.s32 v40, v41;
	[tilespmem:$0x125E0] =	vst v39  }
0x3fe: {  	[tilespmem:$0x121E0] =	vst v40  }
0x3ff: {  	v39 =	vld [tilespmem:s11+$0xFFFFFFF0];
	_ =	sdelay $0x1  }
0x400: {  	v40 =	vld [tilespmem:s21+$0xFFFFFFF0];
	_ =	sdelay $0x5  }
0x401: {  	v62 =	vld.idx.msk [tilespmem:v39+s14+$0x0], $0xffff  }
0x402: {  	v39 =	vld.idx.msk [tilespmem:v39+s4+$0x0], $0xffff  }
0x403: {  	v63 =	vld.idx.msk [tilespmem:v40+s4+$0x0], $0xffff;
	_ =	sdelay $0x4  }
0x404: {  	v41 =	vmul.u32 $0x2800, v62;
	v39 =	vmul.f32 v63, v39;
	_ =	sdelay $0x1  }
0x405: {  	v40 =	vadd.s32 v40, v41;
	[tilespmem:$0x125F0] =	vst v39  }
0x406: {  	[tilespmem:$0x121F0] =	vst v40  }
0x407: {  	[spmem:s2] =	stream.indirect.scatter.add.f32 [tilespmem:s6], [sflag:$0x4], $0x1, s25, s20, $0xb8;
	[tilespmem:$0x1F288] =	vst v63  }
.LBB2_28:
0x408: {  	s5 =	sadd.s32 $0xFFFFFFFD, s10  }
0x409: {  	p0 =	sge.s32 s5, s18  }
.Ltmp18:
0x40a: {  	_ = 	snop;
	(pc) =	sbr.rel @p0 .LBB2_30-.Ltmp18, $1  }
0x40b: {  	_ =	sdelay $0x3  }
0x40c: {  	s5 =	simm.s32 @!p5 $0x7  }
0x40d: {  	_ =	swait.ge @!p5 [sflag:s5], $0x80  }
0x40e: {  	[sflag:s5] =	ssyncset.done @!p5 $0x0  }
0x40f: {  	[sflag:s5] =	ssyncadd.s32 @!p5 $0xFFFFFF80  }
0x410: {  	v39 =	vld [tilespmem:s11+$0x0];
	_ =	sdelay $0x1  }
0x411: {  	v40 =	vld [tilespmem:s21+$0x0];
	_ =	sdelay $0x5  }
0x412: {  	v41 =	vld.idx.msk [tilespmem:v39+s14+$0x0], $0xffff  }
0x413: {  	v39 =	vld.idx.msk [tilespmem:v39+s4+$0x0], $0xffff  }
0x414: {  	v42 =	vld.idx.msk [tilespmem:v40+s4+$0x0], $0xffff;
	_ =	sdelay $0x4  }
0x415: {  	v41 =	vmul.u32 $0x2800, v41;
	v39 =	vmul.f32 v42, v39;
	_ =	sdelay $0x1  }
0x416: {  	v40 =	vadd.s32 v40, v41;
	[tilespmem:$0x12600] =	vst v39  }
0x417: {  	[tilespmem:$0x12200] =	vst v40  }
0x418: {  	v39 =	vld [tilespmem:s11+$0x10];
	_ =	sdelay $0x1  }
0x419: {  	v40 =	vld [tilespmem:s21+$0x10];
	_ =	sdelay $0x5  }
0x41a: {  	v50 =	vld.idx.msk [tilespmem:v39+s14+$0x0], $0xffff  }
0x41b: {  	v39 =	vld.idx.msk [tilespmem:v39+s4+$0x0], $0xffff  }
0x41c: {  	v51 =	vld.idx.msk [tilespmem:v40+s4+$0x0], $0xffff;
	_ =	sdelay $0x4  }
0x41d: {  	v41 =	vmul.u32 $0x2800, v50;
	v39 =	vmul.f32 v51, v39;
	_ =	sdelay $0x1  }
0x41e: {  	v40 =	vadd.s32 v40, v41;
	[tilespmem:$0x12610] =	vst v39  }
0x41f: {  	[tilespmem:$0x12210] =	vst v40  }
0x420: {  	v39 =	vld [tilespmem:s11+$0x20];
	_ =	sdelay $0x1  }
0x421: {  	v40 =	vld [tilespmem:s21+$0x20];
	_ =	sdelay $0x5  }
0x422: {  	v52 =	vld.idx.msk [tilespmem:v39+s14+$0x0], $0xffff  }
0x423: {  	v39 =	vld.idx.msk [tilespmem:v39+s4+$0x0], $0xffff  }
0x424: {  	v53 =	vld.idx.msk [tilespmem:v40+s4+$0x0], $0xffff;
	_ =	sdelay $0x4  }
0x425: {  	v41 =	vmul.u32 $0x2800, v52;
	v39 =	vmul.f32 v53, v39;
	_ =	sdelay $0x1  }
0x426: {  	v40 =	vadd.s32 v40, v41;
	[tilespmem:$0x12620] =	vst v39  }
0x427: {  	[tilespmem:$0x12220] =	vst v40  }
0x428: {  	v39 =	vld [tilespmem:s11+$0x30];
	_ =	sdelay $0x1  }
0x429: {  	v40 =	vld [tilespmem:s21+$0x30];
	_ =	sdelay $0x5  }
0x42a: {  	v54 =	vld.idx.msk [tilespmem:v39+s14+$0x0], $0xffff  }
0x42b: {  	v39 =	vld.idx.msk [tilespmem:v39+s4+$0x0], $0xffff  }
0x42c: {  	v55 =	vld.idx.msk [tilespmem:v40+s4+$0x0], $0xffff;
	_ =	sdelay $0x4  }
0x42d: {  	v41 =	vmul.u32 $0x2800, v54;
	v39 =	vmul.f32 v55, v39;
	_ =	sdelay $0x1  }
0x42e: {  	v40 =	vadd.s32 v40, v41;
	[tilespmem:$0x12630] =	vst v39  }
0x42f: {  	[tilespmem:$0x12230] =	vst v40  }
0x430: {  	v39 =	vld [tilespmem:s11+$0x40];
	_ =	sdelay $0x1  }
0x431: {  	v40 =	vld [tilespmem:s21+$0x40];
	_ =	sdelay $0x5  }
0x432: {  	v56 =	vld.idx.msk [tilespmem:v39+s14+$0x0], $0xffff  }
0x433: {  	v39 =	vld.idx.msk [tilespmem:v39+s4+$0x0], $0xffff  }
0x434: {  	v57 =	vld.idx.msk [tilespmem:v40+s4+$0x0], $0xffff;
	_ =	sdelay $0x4  }
0x435: {  	v41 =	vmul.u32 $0x2800, v56;
	v39 =	vmul.f32 v57, v39;
	_ =	sdelay $0x1  }
0x436: {  	v40 =	vadd.s32 v40, v41;
	[tilespmem:$0x12640] =	vst v39  }
0x437: {  	[tilespmem:$0x12240] =	vst v40  }
0x438: {  	v39 =	vld [tilespmem:s11+$0x50];
	_ =	sdelay $0x1  }
0x439: {  	v40 =	vld [tilespmem:s21+$0x50];
	_ =	sdelay $0x5  }
0x43a: {  	v58 =	vld.idx.msk [tilespmem:v39+s14+$0x0], $0xffff  }
0x43b: {  	v39 =	vld.idx.msk [tilespmem:v39+s4+$0x0], $0xffff  }
0x43c: {  	v59 =	vld.idx.msk [tilespmem:v40+s4+$0x0], $0xffff;
	_ =	sdelay $0x4  }
0x43d: {  	v41 =	vmul.u32 $0x2800, v58;
	v39 =	vmul.f32 v59, v39;
	_ =	sdelay $0x1  }
0x43e: {  	v40 =	vadd.s32 v40, v41;
	[tilespmem:$0x12650] =	vst v39  }
0x43f: {  	[tilespmem:$0x12250] =	vst v40  }
0x440: {  	v39 =	vld [tilespmem:s11+$0x60];
	_ =	sdelay $0x1  }
0x441: {  	v40 =	vld [tilespmem:s21+$0x60];
	_ =	sdelay $0x5  }
0x442: {  	v60 =	vld.idx.msk [tilespmem:v39+s14+$0x0], $0xffff  }
0x443: {  	v39 =	vld.idx.msk [tilespmem:v39+s4+$0x0], $0xffff  }
0x444: {  	v61 =	vld.idx.msk [tilespmem:v40+s4+$0x0], $0xffff;
	_ =	sdelay $0x4  }
0x445: {  	v41 =	vmul.u32 $0x2800, v60;
	v39 =	vmul.f32 v61, v39;
	_ =	sdelay $0x1  }
0x446: {  	v40 =	vadd.s32 v40, v41;
	[tilespmem:$0x12660] =	vst v39  }
0x447: {  	[tilespmem:$0x12260] =	vst v40  }
0x448: {  	v39 =	vld [tilespmem:s11+$0x70];
	_ =	sdelay $0x1  }
0x449: {  	v40 =	vld [tilespmem:s21+$0x70];
	_ =	sdelay $0x5  }
0x44a: {  	v62 =	vld.idx.msk [tilespmem:v39+s14+$0x0], $0xffff  }
0x44b: {  	v39 =	vld.idx.msk [tilespmem:v39+s4+$0x0], $0xffff  }
0x44c: {  	v63 =	vld.idx.msk [tilespmem:v40+s4+$0x0], $0xffff;
	_ =	sdelay $0x4  }
0x44d: {  	v41 =	vmul.u32 $0x2800, v62;
	v39 =	vmul.f32 v63, v39;
	_ =	sdelay $0x1  }
0x44e: {  	v40 =	vadd.s32 v40, v41;
	[tilespmem:$0x12670] =	vst v39  }
0x44f: {  	[tilespmem:$0x12270] =	vst v40  }
0x450: {  	[spmem:s2] =	stream.indirect.scatter.add.f32 [tilespmem:s8], [sflag:$0x7], $0x1, s7, s20, $0xb8;
	[tilespmem:$0x1F288] =	vst v63  }
.LBB2_30:
0x451: {  	s5 =	sadd.s32 $0xFFFFFFFE, s10  }
0x452: {  	p0 =	sge.s32 s5, s18  }
.Ltmp19:
0x453: {  	_ = 	snop;
	(pc) =	sbr.rel @p0 .LBB2_32-.Ltmp19, $1  }
0x454: {  	_ =	sdelay $0x3  }
0x455: {  	s5 =	simm.s32 @!p5 $0x8  }
0x456: {  	_ =	swait.ge @!p5 [sflag:s5], $0x80  }
0x457: {  	[sflag:s5] =	ssyncset.done @!p5 $0x0  }
0x458: {  	[sflag:s5] =	ssyncadd.s32 @!p5 $0xFFFFFF80  }
0x459: {  	v39 =	vld [tilespmem:s11+$0x80];
	_ =	sdelay $0x1  }
0x45a: {  	v40 =	vld [tilespmem:s21+$0x80];
	_ =	sdelay $0x5  }
0x45b: {  	v41 =	vld.idx.msk [tilespmem:v39+s14+$0x0], $0xffff  }
0x45c: {  	v39 =	vld.idx.msk [tilespmem:v39+s4+$0x0], $0xffff  }
0x45d: {  	v42 =	vld.idx.msk [tilespmem:v40+s4+$0x0], $0xffff;
	_ =	sdelay $0x4  }
0x45e: {  	v41 =	vmul.u32 $0x2800, v41;
	v39 =	vmul.f32 v42, v39;
	_ =	sdelay $0x1  }
0x45f: {  	v40 =	vadd.s32 v40, v41;
	[tilespmem:$0x12680] =	vst v39  }
0x460: {  	[tilespmem:$0x12280] =	vst v40  }
0x461: {  	v39 =	vld [tilespmem:s11+$0x90];
	_ =	sdelay $0x1  }
0x462: {  	v40 =	vld [tilespmem:s21+$0x90];
	_ =	sdelay $0x5  }
0x463: {  	v50 =	vld.idx.msk [tilespmem:v39+s14+$0x0], $0xffff  }
0x464: {  	v39 =	vld.idx.msk [tilespmem:v39+s4+$0x0], $0xffff  }
0x465: {  	v51 =	vld.idx.msk [tilespmem:v40+s4+$0x0], $0xffff;
	_ =	sdelay $0x4  }
0x466: {  	v41 =	vmul.u32 $0x2800, v50;
	v39 =	vmul.f32 v51, v39;
	_ =	sdelay $0x1  }
0x467: {  	v40 =	vadd.s32 v40, v41;
	[tilespmem:$0x12690] =	vst v39  }
0x468: {  	[tilespmem:$0x12290] =	vst v40  }
0x469: {  	v39 =	vld [tilespmem:s11+$0xA0];
	_ =	sdelay $0x1  }
0x46a: {  	v40 =	vld [tilespmem:s21+$0xA0];
	_ =	sdelay $0x5  }
0x46b: {  	v52 =	vld.idx.msk [tilespmem:v39+s14+$0x0], $0xffff  }
0x46c: {  	v39 =	vld.idx.msk [tilespmem:v39+s4+$0x0], $0xffff  }
0x46d: {  	v53 =	vld.idx.msk [tilespmem:v40+s4+$0x0], $0xffff;
	_ =	sdelay $0x4  }
0x46e: {  	v41 =	vmul.u32 $0x2800, v52;
	v39 =	vmul.f32 v53, v39;
	_ =	sdelay $0x1  }
0x46f: {  	v40 =	vadd.s32 v40, v41;
	[tilespmem:$0x126A0] =	vst v39  }
0x470: {  	[tilespmem:$0x122A0] =	vst v40  }
0x471: {  	v39 =	vld [tilespmem:s11+$0xB0];
	_ =	sdelay $0x1  }
0x472: {  	v40 =	vld [tilespmem:s21+$0xB0];
	_ =	sdelay $0x5  }
0x473: {  	v54 =	vld.idx.msk [tilespmem:v39+s14+$0x0], $0xffff  }
0x474: {  	v39 =	vld.idx.msk [tilespmem:v39+s4+$0x0], $0xffff  }
0x475: {  	v55 =	vld.idx.msk [tilespmem:v40+s4+$0x0], $0xffff;
	_ =	sdelay $0x4  }
0x476: {  	v41 =	vmul.u32 $0x2800, v54;
	v39 =	vmul.f32 v55, v39;
	_ =	sdelay $0x1  }
0x477: {  	v40 =	vadd.s32 v40, v41;
	[tilespmem:$0x126B0] =	vst v39  }
0x478: {  	[tilespmem:$0x122B0] =	vst v40  }
0x479: {  	v39 =	vld [tilespmem:s11+$0xC0];
	_ =	sdelay $0x1  }
0x47a: {  	v40 =	vld [tilespmem:s21+$0xC0];
	_ =	sdelay $0x5  }
0x47b: {  	v56 =	vld.idx.msk [tilespmem:v39+s14+$0x0], $0xffff  }
0x47c: {  	v39 =	vld.idx.msk [tilespmem:v39+s4+$0x0], $0xffff  }
0x47d: {  	v57 =	vld.idx.msk [tilespmem:v40+s4+$0x0], $0xffff;
	_ =	sdelay $0x4  }
0x47e: {  	v41 =	vmul.u32 $0x2800, v56;
	v39 =	vmul.f32 v57, v39;
	_ =	sdelay $0x1  }
0x47f: {  	v40 =	vadd.s32 v40, v41;
	[tilespmem:$0x126C0] =	vst v39  }
0x480: {  	[tilespmem:$0x122C0] =	vst v40  }
0x481: {  	v39 =	vld [tilespmem:s11+$0xD0];
	_ =	sdelay $0x1  }
0x482: {  	v40 =	vld [tilespmem:s21+$0xD0];
	_ =	sdelay $0x5  }
0x483: {  	v58 =	vld.idx.msk [tilespmem:v39+s14+$0x0], $0xffff  }
0x484: {  	v39 =	vld.idx.msk [tilespmem:v39+s4+$0x0], $0xffff  }
0x485: {  	v59 =	vld.idx.msk [tilespmem:v40+s4+$0x0], $0xffff;
	_ =	sdelay $0x4  }
0x486: {  	v41 =	vmul.u32 $0x2800, v58;
	v39 =	vmul.f32 v59, v39;
	_ =	sdelay $0x1  }
0x487: {  	v40 =	vadd.s32 v40, v41;
	[tilespmem:$0x126D0] =	vst v39  }
0x488: {  	[tilespmem:$0x122D0] =	vst v40  }
0x489: {  	v39 =	vld [tilespmem:s11+$0xE0];
	_ =	sdelay $0x1  }
0x48a: {  	v40 =	vld [tilespmem:s21+$0xE0];
	_ =	sdelay $0x5  }
0x48b: {  	v60 =	vld.idx.msk [tilespmem:v39+s14+$0x0], $0xffff  }
0x48c: {  	v39 =	vld.idx.msk [tilespmem:v39+s4+$0x0], $0xffff  }
0x48d: {  	v61 =	vld.idx.msk [tilespmem:v40+s4+$0x0], $0xffff;
	_ =	sdelay $0x4  }
0x48e: {  	v41 =	vmul.u32 $0x2800, v60;
	v39 =	vmul.f32 v61, v39;
	_ =	sdelay $0x1  }
0x48f: {  	v40 =	vadd.s32 v40, v41;
	[tilespmem:$0x126E0] =	vst v39  }
0x490: {  	[tilespmem:$0x122E0] =	vst v40  }
0x491: {  	v39 =	vld [tilespmem:s11+$0xF0];
	_ =	sdelay $0x1  }
0x492: {  	v40 =	vld [tilespmem:s21+$0xF0];
	_ =	sdelay $0x5  }
0x493: {  	v62 =	vld.idx.msk [tilespmem:v39+s14+$0x0], $0xffff  }
0x494: {  	v39 =	vld.idx.msk [tilespmem:v39+s4+$0x0], $0xffff  }
0x495: {  	v63 =	vld.idx.msk [tilespmem:v40+s4+$0x0], $0xffff;
	_ =	sdelay $0x4  }
0x496: {  	v41 =	vmul.u32 $0x2800, v62;
	v39 =	vmul.f32 v63, v39;
	_ =	sdelay $0x1  }
0x497: {  	v40 =	vadd.s32 v40, v41;
	[tilespmem:$0x126F0] =	vst v39  }
0x498: {  	[tilespmem:$0x122F0] =	vst v40  }
0x499: {  	[spmem:s2] =	stream.indirect.scatter.add.f32 [tilespmem:s26], [sflag:$0x8], $0x1, s12, s20, $0xb8;
	[tilespmem:$0x1F288] =	vst v63  }
.LBB2_32:
0x49a: {  	s5 =	sadd.s32 $0xFFFFFFFF, s10  }
0x49b: {  	p0 =	sge.s32 s5, s18  }
.Ltmp20:
0x49c: {  	_ = 	snop;
	(pc) =	sbr.rel @p0 .LBB2_34-.Ltmp20, $1  }
0x49d: {  	_ =	sdelay $0x3  }
0x49e: {  	s5 =	simm.s32 @!p5 $0x9  }
0x49f: {  	_ =	swait.ge @!p5 [sflag:s5], $0x80  }
0x4a0: {  	[sflag:s5] =	ssyncset.done @!p5 $0x0  }
0x4a1: {  	[sflag:s5] =	ssyncadd.s32 @!p5 $0xFFFFFF80  }
0x4a2: {  	v39 =	vld [tilespmem:s11+$0x100];
	_ =	sdelay $0x1  }
0x4a3: {  	v40 =	vld [tilespmem:s21+$0x100];
	_ =	sdelay $0x5  }
0x4a4: {  	v41 =	vld.idx.msk [tilespmem:v39+s14+$0x0], $0xffff  }
0x4a5: {  	v39 =	vld.idx.msk [tilespmem:v39+s4+$0x0], $0xffff  }
0x4a6: {  	v42 =	vld.idx.msk [tilespmem:v40+s4+$0x0], $0xffff;
	_ =	sdelay $0x4  }
0x4a7: {  	v41 =	vmul.u32 $0x2800, v41;
	v39 =	vmul.f32 v42, v39;
	_ =	sdelay $0x1  }
0x4a8: {  	v40 =	vadd.s32 v40, v41;
	[tilespmem:$0x12700] =	vst v39  }
0x4a9: {  	[tilespmem:$0x12300] =	vst v40  }
0x4aa: {  	v39 =	vld [tilespmem:s11+$0x110];
	_ =	sdelay $0x1  }
0x4ab: {  	v40 =	vld [tilespmem:s21+$0x110];
	_ =	sdelay $0x5  }
0x4ac: {  	v50 =	vld.idx.msk [tilespmem:v39+s14+$0x0], $0xffff  }
0x4ad: {  	v39 =	vld.idx.msk [tilespmem:v39+s4+$0x0], $0xffff  }
0x4ae: {  	v51 =	vld.idx.msk [tilespmem:v40+s4+$0x0], $0xffff;
	_ =	sdelay $0x4  }
0x4af: {  	v41 =	vmul.u32 $0x2800, v50;
	v39 =	vmul.f32 v51, v39;
	_ =	sdelay $0x1  }
0x4b0: {  	v40 =	vadd.s32 v40, v41;
	[tilespmem:$0x12710] =	vst v39  }
0x4b1: {  	[tilespmem:$0x12310] =	vst v40  }
0x4b2: {  	v39 =	vld [tilespmem:s11+$0x120];
	_ =	sdelay $0x1  }
0x4b3: {  	v40 =	vld [tilespmem:s21+$0x120];
	_ =	sdelay $0x5  }
0x4b4: {  	v52 =	vld.idx.msk [tilespmem:v39+s14+$0x0], $0xffff  }
0x4b5: {  	v39 =	vld.idx.msk [tilespmem:v39+s4+$0x0], $0xffff  }
0x4b6: {  	v53 =	vld.idx.msk [tilespmem:v40+s4+$0x0], $0xffff;
	_ =	sdelay $0x4  }
0x4b7: {  	v41 =	vmul.u32 $0x2800, v52;
	v39 =	vmul.f32 v53, v39;
	_ =	sdelay $0x1  }
0x4b8: {  	v40 =	vadd.s32 v40, v41;
	[tilespmem:$0x12720] =	vst v39  }
0x4b9: {  	[tilespmem:$0x12320] =	vst v40  }
0x4ba: {  	v39 =	vld [tilespmem:s11+$0x130];
	_ =	sdelay $0x1  }
0x4bb: {  	v40 =	vld [tilespmem:s21+$0x130];
	_ =	sdelay $0x5  }
0x4bc: {  	v54 =	vld.idx.msk [tilespmem:v39+s14+$0x0], $0xffff  }
0x4bd: {  	v39 =	vld.idx.msk [tilespmem:v39+s4+$0x0], $0xffff  }
0x4be: {  	v55 =	vld.idx.msk [tilespmem:v40+s4+$0x0], $0xffff;
	_ =	sdelay $0x4  }
0x4bf: {  	v41 =	vmul.u32 $0x2800, v54;
	v39 =	vmul.f32 v55, v39;
	_ =	sdelay $0x1  }
0x4c0: {  	v40 =	vadd.s32 v40, v41;
	[tilespmem:$0x12730] =	vst v39  }
0x4c1: {  	[tilespmem:$0x12330] =	vst v40  }
0x4c2: {  	v39 =	vld [tilespmem:s11+$0x140];
	_ =	sdelay $0x1  }
0x4c3: {  	v40 =	vld [tilespmem:s21+$0x140];
	_ =	sdelay $0x5  }
0x4c4: {  	v56 =	vld.idx.msk [tilespmem:v39+s14+$0x0], $0xffff  }
0x4c5: {  	v39 =	vld.idx.msk [tilespmem:v39+s4+$0x0], $0xffff  }
0x4c6: {  	v57 =	vld.idx.msk [tilespmem:v40+s4+$0x0], $0xffff;
	_ =	sdelay $0x4  }
0x4c7: {  	v41 =	vmul.u32 $0x2800, v56;
	v39 =	vmul.f32 v57, v39;
	_ =	sdelay $0x1  }
0x4c8: {  	v40 =	vadd.s32 v40, v41;
	[tilespmem:$0x12740] =	vst v39  }
0x4c9: {  	[tilespmem:$0x12340] =	vst v40  }
0x4ca: {  	v39 =	vld [tilespmem:s11+$0x150];
	_ =	sdelay $0x1  }
0x4cb: {  	v40 =	vld [tilespmem:s21+$0x150];
	_ =	sdelay $0x5  }
0x4cc: {  	v58 =	vld.idx.msk [tilespmem:v39+s14+$0x0], $0xffff  }
0x4cd: {  	v39 =	vld.idx.msk [tilespmem:v39+s4+$0x0], $0xffff  }
0x4ce: {  	v59 =	vld.idx.msk [tilespmem:v40+s4+$0x0], $0xffff;
	_ =	sdelay $0x4  }
0x4cf: {  	v41 =	vmul.u32 $0x2800, v58;
	v39 =	vmul.f32 v59, v39;
	_ =	sdelay $0x1  }
0x4d0: {  	v40 =	vadd.s32 v40, v41;
	[tilespmem:$0x12750] =	vst v39  }
0x4d1: {  	[tilespmem:$0x12350] =	vst v40  }
0x4d2: {  	v39 =	vld [tilespmem:s11+$0x160];
	_ =	sdelay $0x1  }
0x4d3: {  	v40 =	vld [tilespmem:s21+$0x160];
	_ =	sdelay $0x5  }
0x4d4: {  	v60 =	vld.idx.msk [tilespmem:v39+s14+$0x0], $0xffff  }
0x4d5: {  	v39 =	vld.idx.msk [tilespmem:v39+s4+$0x0], $0xffff  }
0x4d6: {  	v61 =	vld.idx.msk [tilespmem:v40+s4+$0x0], $0xffff;
	_ =	sdelay $0x4  }
0x4d7: {  	v41 =	vmul.u32 $0x2800, v60;
	v39 =	vmul.f32 v61, v39;
	_ =	sdelay $0x1  }
0x4d8: {  	v40 =	vadd.s32 v40, v41;
	[tilespmem:$0x12760] =	vst v39  }
0x4d9: {  	[tilespmem:$0x12360] =	vst v40  }
0x4da: {  	v39 =	vld [tilespmem:s11+$0x170];
	_ =	sdelay $0x1  }
0x4db: {  	v40 =	vld [tilespmem:s21+$0x170];
	_ =	sdelay $0x5  }
0x4dc: {  	v62 =	vld.idx.msk [tilespmem:v39+s14+$0x0], $0xffff  }
0x4dd: {  	v39 =	vld.idx.msk [tilespmem:v39+s4+$0x0], $0xffff  }
0x4de: {  	v63 =	vld.idx.msk [tilespmem:v40+s4+$0x0], $0xffff;
	_ =	sdelay $0x4  }
0x4df: {  	v41 =	vmul.u32 $0x2800, v62;
	v39 =	vmul.f32 v63, v39;
	_ =	sdelay $0x1  }
0x4e0: {  	v40 =	vadd.s32 v40, v41;
	[tilespmem:$0x12770] =	vst v39  }
0x4e1: {  	[tilespmem:$0x12370] =	vst v40  }
0x4e2: {  	[spmem:s2] =	stream.indirect.scatter.add.f32 [tilespmem:s28], [sflag:$0x9], $0x1, s9, s20, $0xb8;
	[tilespmem:$0x1F288] =	vst v63  }
.LBB2_34:
0x4e3: {  	p0 =	sge.s32 s10, s18  }
.Ltmp21:
0x4e4: {  	_ = 	snop;
	(pc) =	sbr.rel @p0 .LBB2_36-.Ltmp21, $1  }
0x4e5: {  	_ =	sdelay $0x3  }
0x4e6: {  	s5 =	simm.s32 @!p5 $0xA  }
0x4e7: {  	_ =	swait.ge @!p5 [sflag:s5], $0x80  }
0x4e8: {  	[sflag:s5] =	ssyncset.done @!p5 $0x0  }
0x4e9: {  	[sflag:s5] =	ssyncadd.s32 @!p5 $0xFFFFFF80  }
0x4ea: {  	v39 =	vld [tilespmem:s11+$0x180];
	_ =	sdelay $0x1  }
0x4eb: {  	v40 =	vld [tilespmem:s21+$0x180];
	_ =	sdelay $0x5  }
0x4ec: {  	v41 =	vld.idx.msk [tilespmem:v39+s14+$0x0], $0xffff  }
0x4ed: {  	v39 =	vld.idx.msk [tilespmem:v39+s4+$0x0], $0xffff  }
0x4ee: {  	v42 =	vld.idx.msk [tilespmem:v40+s4+$0x0], $0xffff;
	_ =	sdelay $0x4  }
0x4ef: {  	v41 =	vmul.u32 $0x2800, v41;
	v39 =	vmul.f32 v42, v39;
	_ =	sdelay $0x1  }
0x4f0: {  	v40 =	vadd.s32 v40, v41;
	[tilespmem:$0x12780] =	vst v39  }
0x4f1: {  	[tilespmem:$0x12380] =	vst v40  }
0x4f2: {  	v39 =	vld [tilespmem:s11+$0x190];
	_ =	sdelay $0x1  }
0x4f3: {  	v40 =	vld [tilespmem:s21+$0x190];
	_ =	sdelay $0x5  }
0x4f4: {  	v50 =	vld.idx.msk [tilespmem:v39+s14+$0x0], $0xffff  }
0x4f5: {  	v39 =	vld.idx.msk [tilespmem:v39+s4+$0x0], $0xffff  }
0x4f6: {  	v51 =	vld.idx.msk [tilespmem:v40+s4+$0x0], $0xffff;
	_ =	sdelay $0x4  }
0x4f7: {  	v41 =	vmul.u32 $0x2800, v50;
	v39 =	vmul.f32 v51, v39;
	_ =	sdelay $0x1  }
0x4f8: {  	v40 =	vadd.s32 v40, v41;
	[tilespmem:$0x12790] =	vst v39  }
0x4f9: {  	[tilespmem:$0x12390] =	vst v40  }
0x4fa: {  	v39 =	vld [tilespmem:s11+$0x1A0];
	_ =	sdelay $0x1  }
0x4fb: {  	v40 =	vld [tilespmem:s21+$0x1A0];
	_ =	sdelay $0x5  }
0x4fc: {  	v52 =	vld.idx.msk [tilespmem:v39+s14+$0x0], $0xffff  }
0x4fd: {  	v39 =	vld.idx.msk [tilespmem:v39+s4+$0x0], $0xffff  }
0x4fe: {  	v53 =	vld.idx.msk [tilespmem:v40+s4+$0x0], $0xffff;
	_ =	sdelay $0x4  }
0x4ff: {  	v41 =	vmul.u32 $0x2800, v52;
	v39 =	vmul.f32 v53, v39;
	_ =	sdelay $0x1  }
0x500: {  	v40 =	vadd.s32 v40, v41;
	[tilespmem:$0x127A0] =	vst v39  }
0x501: {  	[tilespmem:$0x123A0] =	vst v40  }
0x502: {  	v39 =	vld [tilespmem:s11+$0x1B0];
	_ =	sdelay $0x1  }
0x503: {  	v40 =	vld [tilespmem:s21+$0x1B0];
	_ =	sdelay $0x5  }
0x504: {  	v54 =	vld.idx.msk [tilespmem:v39+s14+$0x0], $0xffff  }
0x505: {  	v39 =	vld.idx.msk [tilespmem:v39+s4+$0x0], $0xffff  }
0x506: {  	v55 =	vld.idx.msk [tilespmem:v40+s4+$0x0], $0xffff;
	_ =	sdelay $0x4  }
0x507: {  	v41 =	vmul.u32 $0x2800, v54;
	v39 =	vmul.f32 v55, v39;
	_ =	sdelay $0x1  }
0x508: {  	v40 =	vadd.s32 v40, v41;
	[tilespmem:$0x127B0] =	vst v39  }
0x509: {  	[tilespmem:$0x123B0] =	vst v40  }
0x50a: {  	v39 =	vld [tilespmem:s11+$0x1C0];
	_ =	sdelay $0x1  }
0x50b: {  	v40 =	vld [tilespmem:s21+$0x1C0];
	_ =	sdelay $0x5  }
0x50c: {  	v56 =	vld.idx.msk [tilespmem:v39+s14+$0x0], $0xffff  }
0x50d: {  	v39 =	vld.idx.msk [tilespmem:v39+s4+$0x0], $0xffff  }
0x50e: {  	v57 =	vld.idx.msk [tilespmem:v40+s4+$0x0], $0xffff;
	_ =	sdelay $0x4  }
0x50f: {  	v41 =	vmul.u32 $0x2800, v56;
	v39 =	vmul.f32 v57, v39;
	_ =	sdelay $0x1  }
0x510: {  	v40 =	vadd.s32 v40, v41;
	[tilespmem:$0x127C0] =	vst v39  }
0x511: {  	[tilespmem:$0x123C0] =	vst v40  }
0x512: {  	v39 =	vld [tilespmem:s11+$0x1D0];
	_ =	sdelay $0x1  }
0x513: {  	v40 =	vld [tilespmem:s21+$0x1D0];
	_ =	sdelay $0x5  }
0x514: {  	v58 =	vld.idx.msk [tilespmem:v39+s14+$0x0], $0xffff  }
0x515: {  	v39 =	vld.idx.msk [tilespmem:v39+s4+$0x0], $0xffff  }
0x516: {  	v59 =	vld.idx.msk [tilespmem:v40+s4+$0x0], $0xffff;
	_ =	sdelay $0x4  }
0x517: {  	v41 =	vmul.u32 $0x2800, v58;
	v39 =	vmul.f32 v59, v39;
	_ =	sdelay $0x1  }
0x518: {  	v40 =	vadd.s32 v40, v41;
	[tilespmem:$0x127D0] =	vst v39  }
0x519: {  	[tilespmem:$0x123D0] =	vst v40  }
0x51a: {  	v39 =	vld [tilespmem:s11+$0x1E0];
	_ =	sdelay $0x1  }
0x51b: {  	v40 =	vld [tilespmem:s21+$0x1E0];
	_ =	sdelay $0x5  }
0x51c: {  	v60 =	vld.idx.msk [tilespmem:v39+s14+$0x0], $0xffff  }
0x51d: {  	v39 =	vld.idx.msk [tilespmem:v39+s4+$0x0], $0xffff  }
0x51e: {  	v61 =	vld.idx.msk [tilespmem:v40+s4+$0x0], $0xffff;
	_ =	sdelay $0x4  }
0x51f: {  	v41 =	vmul.u32 $0x2800, v60;
	v39 =	vmul.f32 v61, v39;
	_ =	sdelay $0x1  }
0x520: {  	v40 =	vadd.s32 v40, v41;
	[tilespmem:$0x127E0] =	vst v39  }
0x521: {  	[tilespmem:$0x123E0] =	vst v40  }
0x522: {  	v39 =	vld [tilespmem:s11+$0x1F0];
	_ =	sdelay $0x1  }
0x523: {  	v40 =	vld [tilespmem:s21+$0x1F0];
	_ =	sdelay $0x5  }
0x524: {  	v62 =	vld.idx.msk [tilespmem:v39+s14+$0x0], $0xffff  }
0x525: {  	v39 =	vld.idx.msk [tilespmem:v39+s4+$0x0], $0xffff  }
0x526: {  	v63 =	vld.idx.msk [tilespmem:v40+s4+$0x0], $0xffff;
	_ =	sdelay $0x4  }
.Ltmp22:
0x527: {  	v41 =	vmul.u32 $0x2800, v62;
	v39 =	vmul.f32 v63, v39;
	(pc) =	sbr.rel .LBB2_36-.Ltmp22, $4  }
0x528: {  	_ = 	snop  }
0x529: {  	v40 =	vadd.s32 v40, v41;
	[tilespmem:$0x127F0] =	vst v39  }
0x52a: {  	[tilespmem:$0x123F0] =	vst v40  }
0x52b: {  	[spmem:s2] =	stream.indirect.scatter.add.f32 [tilespmem:s1], [sflag:$0xA], $0x1, s17, s20, $0xb8;
	[tilespmem:$0x1F288] =	vst v63  }
.LBB2_38:
0x52c: {  	_ =	sfence.sel $0x180000  }
0x52d: {  	[bflag:$0x0] =	sbarrier.arrive $0xFFFF  }
0x52e: {  	_ =	strace $0x90000047  }
0x52f: {  	[bflag:$0x2] =	sbarrier.arrive $0xFFFF  }
0x530: {  	s0 =	rddreg [dreg:$0x8]  }
0x531: {  	s0 =	sadd.s32 @!p2 $0x100000, s0  }
0x532: {  	[sflag:s0] =	ssyncadd.tile.s32 @!p2 $0x1;
	_ =	shalt  }
.Lfunc_end2:
_tile_overlayer_lowered:
.L_overlay_start_2:
0x533: {  	(tag) =	ssettag $0x2  }
0x534: {  	s0 =	rddreg [dreg:$0x0];
	s2 =	stileid.u32  }
0x535: {  	s1 =	rddreg [dreg:$0x1];
	p0 =	sne.s32 s2, $0x0  }
0x536: {  	s3 =	rddreg [dreg:$0x2];
	[bflag:$0x3] =	sbarrier.arrive $0xFFFF;
	s2 =	simm.s32 @!p0 $0x1C0B  }
0x537: {  	[timem:s3], [sflag:s2] =	dma.local @!p0 [hbm:s0], s1  }
0x538: {  	s0 =	simm.s32 @!p0 $0xB  }
0x539: {  	_ =	swait.ge @!p0 [sflag:s0], s1  }
0x53a: {  	s1 =	ssub.s32 @!p0 $0x0, s1;
	[sflag:s0] =	ssyncset.done @!p0 $0x0  }
0x53b: {  	[sflag:s0] =	ssyncadd.s32 @!p0 s1  }
0x53c: {  	[bflag:$0x3] =	sbarrier.arrive $0xFFFF  }
0x53d: {  	_ =	shalt  }

</sc_bundles>
